<compile_context>
chip_gen: v7x
topology: tpu7x:2x2x1
jax: 0.10.2.dev20260603
libtpu: 0.0.44.dev20260713+nightly
codegen_flags: <defaults>
</compile_context>

<pallas_src>
import dataclasses

import jax
import jax.numpy as jnp
from jax import lax
from jax.experimental import pallas as pl
from jax.experimental.pallas import tpu as pltpu
from jax.experimental.pallas import tpu_sc as plsc

_N = 1_000_000
_NPAD = 1 << 20
_PAD = _NPAD - _N
_NC = 2
_NS = 16
_L = 16
_NW = _NC * _NS
_NHALF = _NPAD // 2
_CH1 = 4096
_G1 = _NHALF // _CH1
_CH2 = 2048
_G2 = _NHALF // (2 * _CH2)
_UNROLL = 4

_POS_BETA = 0.05
_MARGIN_TAU = 0.1
_NORMALIZER = 10

_SENTINEL = 0xFFFFFFFF


def _compiler_params():
    cp = pltpu.CompilerParams()
    if "needs_layout_passes" in pltpu.CompilerParams.__dataclass_fields__:
        cp = dataclasses.replace(cp, needs_layout_passes=False)
    return cp


def _monotone_key(f):
    ui = plsc.bitcast(f, jnp.int32)
    m = lax.shift_right_arithmetic(ui, jnp.int32(31))
    flip = plsc.bitcast(m | jnp.int32(-0x80000000), jnp.uint32)
    return plsc.bitcast(ui, jnp.uint32) ^ flip


def _sc_pass1():
    nb = 2048
    mesh = plsc.VectorSubcoreMesh(core_axis_name="c", subcore_axis_name="s")

    def body(lp_hbm, mk_hbm, out_hbm, ka_hbm, kb_hbm, *hists):
        wid = lax.axis_index("s") * _NC + lax.axis_index("c")

        @pl.loop(0, nb, step=_L)
        def _zero(i):
            for h in hists:
                h[pl.ds(i, _L)] = jnp.zeros((_L,), jnp.int32)

        ones = jnp.ones((_L,), jnp.int32)

        def block(lpa_v, lpb_v, mka_v, mkb_v, koa_v, kob_v):
            halves = ((lpa_v, mka_v, koa_v), (lpb_v, mkb_v, kob_v))

            @pl.loop(0, _CH1, step=_UNROLL * _L)
            def _(i):
                fs = [lp_v[pl.ds(i + uu * _L, _L)]
                      for lp_v, _m, _k in halves for uu in range(_UNROLL)]
                ms = [mk_v[pl.ds(i + uu * _L, _L)]
                      for _l, mk_v, _k in halves for uu in range(_UNROLL)]
                bs_ = []
                vals = []
                kss = []
                for uu in range(2 * _UNROLL):
                    key = _monotone_key(fs[uu])
                    valid = ms[uu] == 0
                    bs_.append(lax.shift_right_logical(key,
                                                       jnp.uint32(21)))
                    vals.append(valid)
                    kss.append(jnp.where(valid, key,
                                         jnp.uint32(_SENTINEL)))
                for hh, (_l, _m, ko_v) in enumerate(halves):
                    for uu in range(_UNROLL):
                        cc = hh * _UNROLL + uu
                        plsc.addupdate_scatter(
                            hists[uu], [plsc.bitcast(bs_[cc], jnp.int32)],
                            ones, mask=vals[cc])
                        ko_v[pl.ds(i + uu * _L, _L)] = plsc.bitcast(
                            kss[cc], jnp.int32)

        pltpu.emit_pipeline(
            block,
            grid=(_G1,),
            in_specs=[pl.BlockSpec((_CH1,), lambda i: (i,)),
                      pl.BlockSpec((_CH1,), lambda i: (i + _G1,)),
                      pl.BlockSpec((_CH1,), lambda i: (i,)),
                      pl.BlockSpec((_CH1,), lambda i: (i + _G1,)),
                      ],
            out_specs=[pl.BlockSpec((_CH1,), lambda i: (i,)),
                       pl.BlockSpec((_CH1,), lambda i: (i,))],
            core_axis_name=("c", "s"),
            dimension_semantics=(pltpu.PARALLEL,),
        )(lp_hbm, lp_hbm, mk_hbm, mk_hbm, ka_hbm, kb_hbm)

        @pl.loop(0, nb, step=_L)
        def _sum(i):
            s = pl.ds(i, _L)
            hists[0][s] = ((hists[0][s] + hists[1][s])
                           + (hists[2][s] + hists[3][s]))

        pltpu.sync_copy(hists[0], out_hbm.at[wid])

    return pl.kernel(
        body, mesh=mesh,
        out_type=[jax.ShapeDtypeStruct((_NW, nb), jnp.int32),
                  jax.ShapeDtypeStruct((_NHALF,), jnp.int32),
                  jax.ShapeDtypeStruct((_NHALF,), jnp.int32)],
        scratch_types=[pltpu.VMEM((nb,), jnp.int32)] * _UNROLL,
        compiler_params=_compiler_params(),
    )


def _sc_pass23(nbits, shift):
    nb = 1 << nbits
    mesh = plsc.VectorSubcoreMesh(core_axis_name="c", subcore_axis_name="s")

    def body(ka_hbm, kb_hbm, pfx_hbm, out_hbm, pfx_v, *hists):
        pltpu.sync_copy(pfx_hbm, pfx_v)
        wid = lax.axis_index("s") * _NC + lax.axis_index("c")

        @pl.loop(0, nb, step=_L)
        def _zero(i):
            for h in hists:
                h[pl.ds(i, _L)] = jnp.zeros((_L,), jnp.int32)

        ones = jnp.ones((_L,), jnp.int32)

        def block(ka0_v, ka1_v, kb0_v, kb1_v):
            pshift = lax.shift_left(pfx_v[...], jnp.int32(nbits))
            krefs = (ka0_v, ka1_v, kb0_v, kb1_v)

            @pl.loop(0, _CH2, step=2 * _L)
            def _(i):
                keys = [plsc.bitcast(k_v[pl.ds(i + uu * _L, _L)],
                                     jnp.uint32)
                        for k_v in krefs for uu in range(2)]
                ds_ = []
                vs_ = []
                for uu in range(8):
                    r = lax.shift_right_logical(keys[uu],
                                                jnp.uint32(shift))
                    d = plsc.bitcast(r, jnp.int32) - pshift
                    ds_.append(d)
                    vs_.append(plsc.bitcast(d, jnp.uint32)
                               < jnp.uint32(nb))
                for uu in range(8):
                    plsc.addupdate_scatter(hists[uu % _UNROLL], [ds_[uu]],
                                           ones, mask=vs_[uu])

        pltpu.emit_pipeline(
            block,
            grid=(_G2,),
            in_specs=[pl.BlockSpec((_CH2,), lambda i: (i,)),
                      pl.BlockSpec((_CH2,), lambda i: (i + _G2,)),
                      pl.BlockSpec((_CH2,), lambda i: (i,)),
                      pl.BlockSpec((_CH2,), lambda i: (i + _G2,))],
            out_specs=[],
            core_axis_name=("c", "s"),
            dimension_semantics=(pltpu.PARALLEL,),
        )(ka_hbm, ka_hbm, kb_hbm, kb_hbm)

        @pl.loop(0, nb, step=_L)
        def _sum(i):
            s = pl.ds(i, _L)
            hists[0][s] = ((hists[0][s] + hists[1][s])
                           + (hists[2][s] + hists[3][s]))

        pltpu.sync_copy(hists[0], out_hbm.at[wid])

    return pl.kernel(
        body, mesh=mesh,
        out_type=jax.ShapeDtypeStruct((_NW, nb), jnp.int32),
        scratch_types=[pltpu.VMEM((_L,), jnp.int32)]
                      + [pltpu.VMEM((nb,), jnp.int32)] * _UNROLL,
        compiler_params=_compiler_params(),
    )


def _find_bucket(h2, kf):
    r = h2.shape[0]
    i0 = lax.broadcasted_iota(jnp.int32, (128, 128), 0)
    i1 = lax.broadcasted_iota(jnp.int32, (128, 128), 1)
    tri = (i0 <= i1).astype(jnp.float32)
    c_row = jnp.dot(h2, tri, preferred_element_type=jnp.float32)
    r0 = lax.broadcasted_iota(jnp.int32, (r, r), 0)
    r1 = lax.broadcasted_iota(jnp.int32, (r, r), 1)
    strict = (r1 < r0).astype(jnp.float32)
    above = jnp.dot(strict, h2, preferred_element_type=jnp.float32)
    offs = jnp.sum(above, axis=1, keepdims=True)
    cum = c_row + offs
    bt = jnp.sum((cum < kf).astype(jnp.int32))
    j0 = lax.broadcasted_iota(jnp.int32, (r, 128), 0)
    j1 = lax.broadcasted_iota(jnp.int32, (r, 128), 1)
    lin = j0 * 128 + j1
    before = jnp.sum(jnp.where(lin < bt, h2, 0.0))
    return bt, before.astype(jnp.int32)


def _merge(ph_ref):
    nb = ph_ref.shape[1]
    h = ph_ref[...].astype(jnp.float32)
    h3 = h.reshape(_NW, nb // 128, 128)
    return jnp.sum(h3, axis=0)


def _pack_meta(k_rem, nv):
    li = lax.broadcasted_iota(jnp.int32, (1, _L), 1)
    return jnp.where(li == 0, k_rem, jnp.where(li == 1, nv, 0))


def _tc_sel1_body(ph_ref, pfx_ref, meta_ref):
    h2 = _merge(ph_ref)
    nvf = jnp.sum(h2)
    k = (nvf * jnp.float32(_POS_BETA)).astype(jnp.int32)
    bt, before = _find_bucket(h2, k.astype(jnp.float32) + 1.0)
    pfx_ref[...] = jnp.full((1, _L), bt, jnp.int32)
    meta_ref[...] = _pack_meta(k - before, nvf.astype(jnp.int32))


def _tc_sel2_body(ph_ref, pfx_in_ref, meta_in_ref, pfx_ref, meta_ref):
    h2 = _merge(ph_ref)
    k1 = meta_in_ref[0, 0]
    nv = meta_in_ref[0, 1]
    b0 = pfx_in_ref[0, 0]
    bt, before = _find_bucket(h2, k1.astype(jnp.float32) + 1.0)
    pfx2 = lax.shift_left(b0, 11) | bt
    pfx_ref[...] = jnp.full((1, _L), pfx2, jnp.int32)
    meta_ref[...] = _pack_meta(k1 - before, nv)


def _tc_final_body(ph_ref, pfx_in_ref, meta_in_ref, bn_ref, ba_ref):
    h2 = _merge(ph_ref)
    k2 = meta_in_ref[0, 0]
    nv = meta_in_ref[0, 1]
    p01 = pfx_in_ref[0, 0]
    bt, _ = _find_bucket(h2, k2.astype(jnp.float32) + 1.0)
    key = lax.shift_left(p01, 10) | bt
    key11 = jnp.full((1, 1), key, jnp.int32)
    ku = lax.bitcast_convert_type(key11, jnp.uint32)
    u = jnp.where(ku >= jnp.uint32(0x80000000),
                  ku ^ jnp.uint32(0x80000000), ~ku)
    val = lax.bitcast_convert_type(u, jnp.float32)
    bn = val / jnp.float32(_NORMALIZER)
    bn = jnp.where(jnp.full((1, 1), nv, jnp.int32) == 0,
                   jnp.float32(jnp.inf), bn)
    bn_ref[...] = bn
    ba_ref[...] = bn - jnp.float32(_MARGIN_TAU)


_sc_cache = {}


def _sc_kernel(tag):
    if tag not in _sc_cache:
        if tag == 1:
            _sc_cache[tag] = _sc_pass1()
        elif tag == 2:
            _sc_cache[tag] = _sc_pass23(11, 10)
        else:
            _sc_cache[tag] = _sc_pass23(10, 0)
    return _sc_cache[tag]


_tc_sel1 = pl.pallas_call(
    _tc_sel1_body,
    out_shape=[jax.ShapeDtypeStruct((1, _L), jnp.int32),
               jax.ShapeDtypeStruct((1, _L), jnp.int32)],
)
_tc_sel2 = pl.pallas_call(
    _tc_sel2_body,
    out_shape=[jax.ShapeDtypeStruct((1, _L), jnp.int32),
               jax.ShapeDtypeStruct((1, _L), jnp.int32)],
)
_tc_final = pl.pallas_call(
    _tc_final_body,
    out_shape=[jax.ShapeDtypeStruct((1, 1), jnp.float32),
               jax.ShapeDtypeStruct((1, 1), jnp.float32)],
)


def kernel(logps, mask):
    lp = jnp.concatenate([logps, jnp.zeros((_PAD,), jnp.float32)])
    mk = jnp.concatenate([mask, jnp.ones((_PAD,), jnp.int32)])
    ph1, ka, kb = _sc_kernel(1)(lp, mk)
    pfx1, meta1 = _tc_sel1(ph1)
    ph2 = _sc_kernel(2)(ka, kb, pfx1.reshape(_L))
    pfx2, meta2 = _tc_sel2(ph2, pfx1, meta1)
    ph3 = _sc_kernel(3)(ka, kb, pfx2.reshape(_L))
    bn, ba = _tc_final(ph3, pfx2, meta2)
    return bn.reshape(()), ba.reshape(())

# --- scband reference (transcript-rebuilt; emitter-appended) ---
"""Pipeline reference for scband-boundary-69552700391772 (READ-ONLY COPY).

The authoritative reference and input builder live on the scoring server;
editing this copy changes nothing except your own understanding.
"""

import jax, jax.numpy as jnp
import numpy as np

POS_BETA = 0.05
MARGIN_TAU = 0.1
NORMALIZER = 10


def setup_inputs(seed: int = 0) -> dict:
    key = jax.random.key(seed)
    k1, k2 = jax.random.split(key)
    N = 1000000
    logps = jax.random.normal(k1, (N,), dtype=jnp.float32)
    mask = jax.random.randint(k2, (N,), 0, 2, dtype=jnp.int32)
    return {"logps": logps, "mask": mask}


def reference(logps, mask):
    valid = mask == 0
    masked_logps = jnp.where(valid, logps, jnp.inf)
    n_idx = (valid.sum() * POS_BETA).astype(jnp.int32)
    sorted_vals = jnp.sort(masked_logps)
    b_n = jax.lax.stop_gradient(sorted_vals[n_idx])
    b_n = b_n / NORMALIZER
    b_a = b_n - MARGIN_TAU
    return (b_n, b_a)

if __name__ == "__main__":
    import jax
    _d = setup_inputs()
    print(jax.jit(kernel)(*tuple(_d.values())))

</pallas_src>

<mosaic_0001>
#map = affine_map<(d0, d1) -> (0)>
#map1 = affine_map<(d0, d1) -> (0, 0)>
module attributes {stable_mosaic.version = 14 : i64} {
  func.func @body(%arg0: i32, %arg1: i32, %arg2: memref<524288xi32, #tpu.memory_space<hbm>>, %arg3: memref<524288xi32, #tpu.memory_space<hbm>>, %arg4: memref<16xi32, #tpu.memory_space<hbm>>, %arg5: memref<32x1024xi32, #tpu.memory_space<hbm>>, %arg6: memref<16xi32, #tpu.memory_space<vmem>>, %arg7: memref<1024xi32, #tpu.memory_space<vmem>>, %arg8: memref<1024xi32, #tpu.memory_space<vmem>>, %arg9: memref<1024xi32, #tpu.memory_space<vmem>>, %arg10: memref<1024xi32, #tpu.memory_space<vmem>>) attributes {dimension_semantics = [#tpu.dimension_semantics<core_parallel>, #tpu.dimension_semantics<subcore_parallel>], iteration_bounds = array<i64: 2, 16>, scalar_prefetch = 0 : i64, scratch_operands = 5 : i64, tpu.core_type = #tpu.core_type<sc_vector_subcore>, window_params = [{transform_indices = #map}, {transform_indices = #map}, {transform_indices = #map}, {transform_indices = #map1}]} {
    "tpu.region"() ({
      %run_scoped3A = tpu.sem_alloc : memref<!tpu.dma_semaphore, #tpu.memory_space<semaphore_mem>>
      tpu.enqueue_dma source(%arg4 : memref<16xi32, #tpu.memory_space<hbm>>) target(%arg6 : memref<16xi32, #tpu.memory_space<vmem>>) target_semaphore(%run_scoped3A : memref<!tpu.dma_semaphore, #tpu.memory_space<semaphore_mem>>)
      tpu.wait_dma2 semaphore(%run_scoped3A : memref<!tpu.dma_semaphore, #tpu.memory_space<semaphore_mem>>) src(%arg4 : memref<16xi32, #tpu.memory_space<hbm>>) dst(%arg6 : memref<16xi32, #tpu.memory_space<vmem>>)
      tpu.yield
    }) : () -> ()
    %mul3A = arith.constant 2 : i32
    %mul3A_0 = arith.muli %arg1, %mul3A : i32
    %add3A = arith.addi %mul3A_0, %arg0 : i32
    %scan3A = arith.constant 0 : i32
    %scan3A_1 = arith.constant 64 : i32
    %scan3A_2 = arith.addi %scan3A, %scan3A_1 : i32
    %scan3A_3 = arith.constant 1 : i32
    scf.for %scan3A_20 = %scan3A to %scan3A_2 step %scan3A_3  : i32 {
      %mul3A_21 = arith.constant 16 : i32
      %mul3A_22 = arith.muli %scan3A_20, %mul3A_21 : i32
      %add3A_23 = arith.constant 0 : i32
      %add3A_24 = arith.addi %add3A_23, %mul3A_22 : i32
      %broadcast_in_dim3A_25 = arith.constant 0 : i32
      %broadcast_in_dim3A_26 = vector.broadcast %broadcast_in_dim3A_25 : i32 to vector<16xi32>
      %swap3A = arith.index_cast %add3A_24 : i32 to index
      %swap3A_27 = tpu.vector_load %arg7[%swap3A] {strides = array<i32>} : memref<1024xi32, #tpu.memory_space<vmem>>, vector<16xi32>,
      tpu.vector_store %arg7[%swap3A], %broadcast_in_dim3A_26 {strides = array<i32>} : memref<1024xi32, #tpu.memory_space<vmem>>, vector<16xi32>,
      %broadcast_in_dim3A_28 = arith.constant 0 : i32
      %broadcast_in_dim3A_29 = vector.broadcast %broadcast_in_dim3A_28 : i32 to vector<16xi32>
      %swap3A_30 = arith.index_cast %add3A_24 : i32 to index
      %swap3A_31 = tpu.vector_load %arg8[%swap3A_30] {strides = array<i32>} : memref<1024xi32, #tpu.memory_space<vmem>>, vector<16xi32>,
      tpu.vector_store %arg8[%swap3A_30], %broadcast_in_dim3A_29 {strides = array<i32>} : memref<1024xi32, #tpu.memory_space<vmem>>, vector<16xi32>,
      %broadcast_in_dim3A_32 = arith.constant 0 : i32
      %broadcast_in_dim3A_33 = vector.broadcast %broadcast_in_dim3A_32 : i32 to vector<16xi32>
      %swap3A_34 = arith.index_cast %add3A_24 : i32 to index
      %swap3A_35 = tpu.vector_load %arg9[%swap3A_34] {strides = array<i32>} : memref<1024xi32, #tpu.memory_space<vmem>>, vector<16xi32>,
      tpu.vector_store %arg9[%swap3A_34], %broadcast_in_dim3A_33 {strides = array<i32>} : memref<1024xi32, #tpu.memory_space<vmem>>, vector<16xi32>,
      %broadcast_in_dim3A_36 = arith.constant 0 : i32
      %broadcast_in_dim3A_37 = vector.broadcast %broadcast_in_dim3A_36 : i32 to vector<16xi32>
      %swap3A_38 = arith.index_cast %add3A_24 : i32 to index
      %swap3A_39 = tpu.vector_load %arg10[%swap3A_38] {strides = array<i32>} : memref<1024xi32, #tpu.memory_space<vmem>>, vector<16xi32>,
      tpu.vector_store %arg10[%swap3A_38], %broadcast_in_dim3A_37 {strides = array<i32>} : memref<1024xi32, #tpu.memory_space<vmem>>, vector<16xi32>,
    }
    %scan3A_4 = arith.constant 64 : i32
    %broadcast_in_dim3A = arith.constant 1 : i32
    %broadcast_in_dim3A_5 = vector.broadcast %broadcast_in_dim3A : i32 to vector<16xi32>
    %mul3A_6 = arith.constant 1 : i32
    %mul3A_7 = arith.muli %arg1, %mul3A_6 : i32
    %add3A_8 = arith.constant 0 : i32
    %add3A_9 = arith.addi %add3A_8, %mul3A_7 : i32
    %mul3A_10 = arith.constant 16 : i32
    %mul3A_11 = arith.muli %arg0, %mul3A_10 : i32
    %add3A_12 = arith.addi %add3A_9, %mul3A_11 : i32
    %mul3A_13 = arith.constant 4 : i32
    %mul3A_14 = arith.muli %add3A_12, %mul3A_13 : i32
    "tpu.region"() ({
      %run_scoped3A = memref.alloca() : memref<4096xi32, #tpu.memory_space<vmem>>
      %run_scoped3A_20 = tpu.sem_alloc : memref<2x!tpu.dma_semaphore, #tpu.memory_space<semaphore_mem>>
      %run_scoped3A_21 = memref.alloca() : memref<4096xi32, #tpu.memory_space<vmem>>
      %run_scoped3A_22 = tpu.sem_alloc : memref<2x!tpu.dma_semaphore, #tpu.memory_space<semaphore_mem>>
      %run_scoped3A_23 = memref.alloca() : memref<4096xi32, #tpu.memory_space<vmem>>
      %run_scoped3A_24 = tpu.sem_alloc : memref<2x!tpu.dma_semaphore, #tpu.memory_space<semaphore_mem>>
      %run_scoped3A_25 = memref.alloca() : memref<4096xi32, #tpu.memory_space<vmem>>
      %run_scoped3A_26 = tpu.sem_alloc : memref<2x!tpu.dma_semaphore, #tpu.memory_space<semaphore_mem>>
      %add3A_27 = arith.constant 0 : i32
      %add3A_28 = arith.addi %add3A_27, %mul3A_14 : i32
      %select_n3A = arith.constant true
      %select_n3A_29 = arith.constant 0 : i32
      %select_n3A_30 = arith.constant -1 : i32
      %select_n3A_31 = arith.select %select_n3A, %select_n3A_30, %select_n3A_29 : i32
      %eq3A = arith.constant -1 : i32
      %eq3A_32 = arith.cmpi eq, %select_n3A_31, %eq3A : i32
      %select_n3A_33 = arith.constant 3 : i32
      %select_n3A_34 = arith.select %eq3A_32, %select_n3A_33, %select_n3A_31 : i32
      %add3A_35 = arith.addi %select_n3A_34, %mul3A_14 : i32
      %select_n3A_36 = arith.constant true
      %select_n3A_37 = arith.constant 0 : i32
      %select_n3A_38 = arith.constant 1 : i32
      %select_n3A_39 = arith.select %select_n3A_36, %select_n3A_38, %select_n3A_37 : i32
      %eq3A_40 = arith.constant 4 : i32
      %eq3A_41 = arith.cmpi eq, %select_n3A_39, %eq3A_40 : i32
      %select_n3A_42 = arith.constant 0 : i32
      %select_n3A_43 = arith.select %eq3A_41, %select_n3A_42, %select_n3A_39 : i32
      %add3A_44 = arith.addi %select_n3A_43, %mul3A_14 : i32
      %add3A_45 = arith.constant 1 : i32
      %add3A_46 = arith.addi %select_n3A_43, %add3A_45 : i32
      %select_n3A_47 = arith.constant true
      %select_n3A_48 = arith.select %select_n3A_47, %add3A_46, %select_n3A_43 : i32
      %eq3A_49 = arith.constant 4 : i32
      %eq3A_50 = arith.cmpi eq, %select_n3A_48, %eq3A_49 : i32
      %select_n3A_51 = arith.constant 0 : i32
      %select_n3A_52 = arith.select %eq3A_50, %select_n3A_51, %select_n3A_48 : i32
      %add3A_53 = arith.addi %select_n3A_52, %mul3A_14 : i32
      "tpu.trace_start"() <{level = 10 : i32, message = "ep_initialize_0"}> : () -> ()
      %rem3A = arith.constant 0 : i32
      %rem3A_54 = arith.constant 2 : i32
      %rem3A_55 = arith.remui %rem3A, %rem3A_54 : i32
      %mul3A_56 = arith.constant 2048 : i32
      %mul3A_57 = arith.muli %mul3A_56, %add3A_28 : i32
      %mul3A_58 = arith.constant 2048 : i32
      %mul3A_59 = arith.muli %rem3A_55, %mul3A_58 : i32
      %add3A_60 = arith.constant 0 : i32
      %add3A_61 = arith.addi %mul3A_59, %add3A_60 : i32
      %dma_start3A = tpu.memref_slice %run_scoped3A[%add3A_61] : memref<4096xi32, #tpu.memory_space<vmem>> -> memref<2048xi32, #tpu.memory_space<vmem>>
      %dma_start3A_62 = tpu.memref_slice %arg2[%mul3A_57] : memref<524288xi32, #tpu.memory_space<hbm>> -> memref<2048xi32, #tpu.memory_space<hbm>>
      %dma_start3A_63 = tpu.memref_slice %run_scoped3A_20[%rem3A_55] : memref<2x!tpu.dma_semaphore, #tpu.memory_space<semaphore_mem>> -> memref<1x!tpu.dma_semaphore, #tpu.memory_space<semaphore_mem>>
      %dma_start3A_64 = tpu.memref_squeeze %dma_start3A_63 : memref<1x!tpu.dma_semaphore, #tpu.memory_space<semaphore_mem>> -> memref<!tpu.dma_semaphore, #tpu.memory_space<semaphore_mem>>
      %dma_start3A_65 = tpu.memref_slice %run_scoped3A[%add3A_61] : memref<4096xi32, #tpu.memory_space<vmem>> -> memref<2048xi32, #tpu.memory_space<vmem>>
      %dma_start3A_66 = tpu.memref_slice %arg2[%mul3A_57] : memref<524288xi32, #tpu.memory_space<hbm>> -> memref<2048xi32, #tpu.memory_space<hbm>>
      tpu.enqueue_dma source(%dma_start3A_66 : memref<2048xi32, #tpu.memory_space<hbm>>) target(%dma_start3A_65 : memref<2048xi32, #tpu.memory_space<vmem>>) target_semaphore(%dma_start3A_64 : memref<!tpu.dma_semaphore, #tpu.memory_space<semaphore_mem>>)
      %add3A_67 = arith.constant 0 : i32
      %add3A_68 = arith.constant 1 : i32
      %add3A_69 = arith.addi %add3A_67, %add3A_68 : i32
      %select_n3A_70 = arith.constant true
      %select_n3A_71 = arith.constant 0 : i32
      %select_n3A_72 = arith.select %select_n3A_70, %add3A_69, %select_n3A_71 : i32
      %rem3A_73 = arith.constant 0 : i32
      %rem3A_74 = arith.constant 2 : i32
      %rem3A_75 = arith.remui %rem3A_73, %rem3A_74 : i32
      %add3A_76 = arith.constant 128 : i32
      %add3A_77 = arith.addi %add3A_28, %add3A_76 : i32
      %mul3A_78 = arith.constant 2048 : i32
      %mul3A_79 = arith.muli %mul3A_78, %add3A_77 : i32
      %mul3A_80 = arith.constant 2048 : i32
      %mul3A_81 = arith.muli %rem3A_75, %mul3A_80 : i32
      %add3A_82 = arith.constant 0 : i32
      %add3A_83 = arith.addi %mul3A_81, %add3A_82 : i32
      %dma_start3A_84 = tpu.memref_slice %run_scoped3A_21[%add3A_83] : memref<4096xi32, #tpu.memory_space<vmem>> -> memref<2048xi32, #tpu.memory_space<vmem>>
      %dma_start3A_85 = tpu.memref_slice %arg2[%mul3A_79] : memref<524288xi32, #tpu.memory_space<hbm>> -> memref<2048xi32, #tpu.memory_space<hbm>>
      %dma_start3A_86 = tpu.memref_slice %run_scoped3A_22[%rem3A_75] : memref<2x!tpu.dma_semaphore, #tpu.memory_space<semaphore_mem>> -> memref<1x!tpu.dma_semaphore, #tpu.memory_space<semaphore_mem>>
      %dma_start3A_87 = tpu.memref_squeeze %dma_start3A_86 : memref<1x!tpu.dma_semaphore, #tpu.memory_space<semaphore_mem>> -> memref<!tpu.dma_semaphore, #tpu.memory_space<semaphore_mem>>
      %dma_start3A_88 = tpu.memref_slice %run_scoped3A_21[%add3A_83] : memref<4096xi32, #tpu.memory_space<vmem>> -> memref<2048xi32, #tpu.memory_space<vmem>>
      %dma_start3A_89 = tpu.memref_slice %arg2[%mul3A_79] : memref<524288xi32, #tpu.memory_space<hbm>> -> memref<2048xi32, #tpu.memory_space<hbm>>
      tpu.enqueue_dma source(%dma_start3A_89 : memref<2048xi32, #tpu.memory_space<hbm>>) target(%dma_start3A_88 : memref<2048xi32, #tpu.memory_space<vmem>>) target_semaphore(%dma_start3A_87 : memref<!tpu.dma_semaphore, #tpu.memory_space<semaphore_mem>>)
      %add3A_90 = arith.constant 0 : i32
      %add3A_91 = arith.constant 1 : i32
      %add3A_92 = arith.addi %add3A_90, %add3A_91 : i32
      %select_n3A_93 = arith.constant true
      %select_n3A_94 = arith.constant 0 : i32
      %select_n3A_95 = arith.select %select_n3A_93, %add3A_92, %select_n3A_94 : i32
      %rem3A_96 = arith.constant 0 : i32
      %rem3A_97 = arith.constant 2 : i32
      %rem3A_98 = arith.remui %rem3A_96, %rem3A_97 : i32
      %mul3A_99 = arith.constant 2048 : i32
      %mul3A_100 = arith.muli %mul3A_99, %add3A_28 : i32
      %mul3A_101 = arith.constant 2048 : i32
      %mul3A_102 = arith.muli %rem3A_98, %mul3A_101 : i32
      %add3A_103 = arith.constant 0 : i32
      %add3A_104 = arith.addi %mul3A_102, %add3A_103 : i32
      %dma_start3A_105 = tpu.memref_slice %run_scoped3A_23[%add3A_104] : memref<4096xi32, #tpu.memory_space<vmem>> -> memref<2048xi32, #tpu.memory_space<vmem>>
      %dma_start3A_106 = tpu.memref_slice %arg3[%mul3A_100] : memref<524288xi32, #tpu.memory_space<hbm>> -> memref<2048xi32, #tpu.memory_space<hbm>>
      %dma_start3A_107 = tpu.memref_slice %run_scoped3A_24[%rem3A_98] : memref<2x!tpu.dma_semaphore, #tpu.memory_space<semaphore_mem>> -> memref<1x!tpu.dma_semaphore, #tpu.memory_space<semaphore_mem>>
      %dma_start3A_108 = tpu.memref_squeeze %dma_start3A_107 : memref<1x!tpu.dma_semaphore, #tpu.memory_space<semaphore_mem>> -> memref<!tpu.dma_semaphore, #tpu.memory_space<semaphore_mem>>
      %dma_start3A_109 = tpu.memref_slice %run_scoped3A_23[%add3A_104] : memref<4096xi32, #tpu.memory_space<vmem>> -> memref<2048xi32, #tpu.memory_space<vmem>>
      %dma_start3A_110 = tpu.memref_slice %arg3[%mul3A_100] : memref<524288xi32, #tpu.memory_space<hbm>> -> memref<2048xi32, #tpu.memory_space<hbm>>
      tpu.enqueue_dma source(%dma_start3A_110 : memref<2048xi32, #tpu.memory_space<hbm>>) target(%dma_start3A_109 : memref<2048xi32, #tpu.memory_space<vmem>>) target_semaphore(%dma_start3A_108 : memref<!tpu.dma_semaphore, #tpu.memory_space<semaphore_mem>>)
      %add3A_111 = arith.constant 0 : i32
      %add3A_112 = arith.constant 1 : i32
      %add3A_113 = arith.addi %add3A_111, %add3A_112 : i32
      %select_n3A_114 = arith.constant true
      %select_n3A_115 = arith.constant 0 : i32
      %select_n3A_116 = arith.select %select_n3A_114, %add3A_113, %select_n3A_115 : i32
      %rem3A_117 = arith.constant 0 : i32
      %rem3A_118 = arith.constant 2 : i32
      %rem3A_119 = arith.remui %rem3A_117, %rem3A_118 : i32
      %add3A_120 = arith.constant 128 : i32
      %add3A_121 = arith.addi %add3A_28, %add3A_120 : i32
      %mul3A_122 = arith.constant 2048 : i32
      %mul3A_123 = arith.muli %mul3A_122, %add3A_121 : i32
      %mul3A_124 = arith.constant 2048 : i32
      %mul3A_125 = arith.muli %rem3A_119, %mul3A_124 : i32
      %add3A_126 = arith.constant 0 : i32
      %add3A_127 = arith.addi %mul3A_125, %add3A_126 : i32
      %dma_start3A_128 = tpu.memref_slice %run_scoped3A_25[%add3A_127] : memref<4096xi32, #tpu.memory_space<vmem>> -> memref<2048xi32, #tpu.memory_space<vmem>>
      %dma_start3A_129 = tpu.memref_slice %arg3[%mul3A_123] : memref<524288xi32, #tpu.memory_space<hbm>> -> memref<2048xi32, #tpu.memory_space<hbm>>
      %dma_start3A_130 = tpu.memref_slice %run_scoped3A_26[%rem3A_119] : memref<2x!tpu.dma_semaphore, #tpu.memory_space<semaphore_mem>> -> memref<1x!tpu.dma_semaphore, #tpu.memory_space<semaphore_mem>>
      %dma_start3A_131 = tpu.memref_squeeze %dma_start3A_130 : memref<1x!tpu.dma_semaphore, #tpu.memory_space<semaphore_mem>> -> memref<!tpu.dma_semaphore, #tpu.memory_space<semaphore_mem>>
      %dma_start3A_132 = tpu.memref_slice %run_scoped3A_25[%add3A_127] : memref<4096xi32, #tpu.memory_space<vmem>> -> memref<2048xi32, #tpu.memory_space<vmem>>
      %dma_start3A_133 = tpu.memref_slice %arg3[%mul3A_123] : memref<524288xi32, #tpu.memory_space<hbm>> -> memref<2048xi32, #tpu.memory_space<hbm>>
      tpu.enqueue_dma source(%dma_start3A_133 : memref<2048xi32, #tpu.memory_space<hbm>>) target(%dma_start3A_132 : memref<2048xi32, #tpu.memory_space<vmem>>) target_semaphore(%dma_start3A_131 : memref<!tpu.dma_semaphore, #tpu.memory_space<semaphore_mem>>)
      %add3A_134 = arith.constant 0 : i32
      %add3A_135 = arith.constant 1 : i32
      %add3A_136 = arith.addi %add3A_134, %add3A_135 : i32
      %select_n3A_137 = arith.constant true
      %select_n3A_138 = arith.constant 0 : i32
      %select_n3A_139 = arith.select %select_n3A_137, %add3A_136, %select_n3A_138 : i32
      "tpu.trace_stop"() : () -> ()
      %scan3A_140 = arith.constant 0 : i32
      %scan3A_141 = arith.constant 0 : i32
      %scan3A_142 = arith.constant 0 : i32
      %scan3A_143 = arith.constant 0 : i32
      %scan3A_144 = arith.constant 0 : i32
      %scan3A_145 = arith.constant 0 : i32
      %scan3A_146 = arith.constant 4 : i32
      %scan3A_147 = arith.addi %scan3A_145, %scan3A_146 : i32
      %scan3A_148 = arith.constant 1 : i32
      %scan3A_149:9 = scf.for %scan3A_186 = %scan3A_145 to %scan3A_147 step %scan3A_148 iter_args(%scan3A_187 = %select_n3A_72, %scan3A_188 = %scan3A_140, %scan3A_189 = %select_n3A_95, %scan3A_190 = %scan3A_141, %scan3A_191 = %select_n3A_116, %scan3A_192 = %scan3A_142, %scan3A_193 = %select_n3A_139, %scan3A_194 = %scan3A_143, %scan3A_195 = %scan3A_144) -> (i32, i32, i32, i32, i32, i32, i32, i32, i32)  : i32 {
        %eq3A_196 = arith.constant 0 : i32
        %eq3A_197 = arith.cmpi eq, %scan3A_186, %eq3A_196 : i32
        %eq3A_198 = arith.constant 3 : i32
        %eq3A_199 = arith.cmpi eq, %scan3A_186, %eq3A_198 : i32
        %add3A_200 = arith.addi %scan3A_195, %mul3A_14 : i32
        %sub3A_201 = arith.constant 1 : i32
        %sub3A_202 = arith.subi %scan3A_195, %sub3A_201 : i32
        %select_n3A_203 = arith.constant true
        %select_n3A_204 = arith.select %select_n3A_203, %sub3A_202, %scan3A_195 : i32
        %eq3A_205 = arith.constant -1 : i32
        %eq3A_206 = arith.cmpi eq, %select_n3A_204, %eq3A_205 : i32
        %select_n3A_207 = arith.constant 3 : i32
        %select_n3A_208 = arith.select %eq3A_206, %select_n3A_207, %select_n3A_204 : i32
        %add3A_209 = arith.addi %select_n3A_208, %mul3A_14 : i32
        %add3A_210 = arith.constant 1 : i32
        %add3A_211 = arith.addi %scan3A_195, %add3A_210 : i32
        %select_n3A_212 = arith.constant true
        %select_n3A_213 = arith.select %select_n3A_212, %add3A_211, %scan3A_195 : i32
        %eq3A_214 = arith.constant 4 : i32
        %eq3A_215 = arith.cmpi eq, %select_n3A_213, %eq3A_214 : i32
        %select_n3A_216 = arith.constant 0 : i32
        %select_n3A_217 = arith.select %eq3A_215, %select_n3A_216, %select_n3A_213 : i32
        %add3A_218 = arith.addi %select_n3A_217, %mul3A_14 : i32
        %add3A_219 = arith.constant 1 : i32
        %add3A_220 = arith.addi %select_n3A_217, %add3A_219 : i32
        %select_n3A_221 = arith.constant true
        %select_n3A_222 = arith.select %select_n3A_221, %add3A_220, %select_n3A_217 : i32
        %eq3A_223 = arith.constant 4 : i32
        %eq3A_224 = arith.cmpi eq, %select_n3A_222, %eq3A_223 : i32
        %select_n3A_225 = arith.constant 0 : i32
        %select_n3A_226 = arith.select %eq3A_224, %select_n3A_225, %select_n3A_222 : i32
        %add3A_227 = arith.addi %select_n3A_226, %mul3A_14 : i32
        %ne3A = arith.cmpi ne, %add3A_200, %add3A_218 : i32
        %or3A = arith.constant false
        %or3A_228 = arith.ori %or3A, %ne3A : i1
        %ge3A = arith.constant 3 : i32
        %ge3A_229 = arith.cmpi sge, %scan3A_186, %ge3A : i32
        %not3A = arith.constant true
        %not3A_230 = arith.xori %ge3A_229, %not3A : i1
        %and3A = arith.andi %or3A_228, %not3A_230 : i1
        %convert_element_type3A = arith.extui %and3A : i1 to i32
        %cond3A = arith.constant 0 : i32
        %cond3A_231 = arith.cmpi ne, %convert_element_type3A, %cond3A : i32
        scf.if %cond3A_231 {
          "tpu.trace_start"() <{level = 10 : i32, message = "ep_copy_in"}> : () -> ()
          %rem3A_493 = arith.constant 2 : i32
          %rem3A_494 = arith.remui %scan3A_187, %rem3A_493 : i32
          %mul3A_495 = arith.constant 2048 : i32
          %mul3A_496 = arith.muli %mul3A_495, %add3A_218 : i32
          %mul3A_497 = arith.constant 2048 : i32
          %mul3A_498 = arith.muli %rem3A_494, %mul3A_497 : i32
          %add3A_499 = arith.constant 0 : i32
          %add3A_500 = arith.addi %mul3A_498, %add3A_499 : i32
          %dma_start3A_501 = tpu.memref_slice %run_scoped3A[%add3A_500] : memref<4096xi32, #tpu.memory_space<vmem>> -> memref<2048xi32, #tpu.memory_space<vmem>>
          %dma_start3A_502 = tpu.memref_slice %arg2[%mul3A_496] : memref<524288xi32, #tpu.memory_space<hbm>> -> memref<2048xi32, #tpu.memory_space<hbm>>
          %dma_start3A_503 = tpu.memref_slice %run_scoped3A_20[%rem3A_494] : memref<2x!tpu.dma_semaphore, #tpu.memory_space<semaphore_mem>> -> memref<1x!tpu.dma_semaphore, #tpu.memory_space<semaphore_mem>>
          %dma_start3A_504 = tpu.memref_squeeze %dma_start3A_503 : memref<1x!tpu.dma_semaphore, #tpu.memory_space<semaphore_mem>> -> memref<!tpu.dma_semaphore, #tpu.memory_space<semaphore_mem>>
          %dma_start3A_505 = tpu.memref_slice %run_scoped3A[%add3A_500] : memref<4096xi32, #tpu.memory_space<vmem>> -> memref<2048xi32, #tpu.memory_space<vmem>>
          %dma_start3A_506 = tpu.memref_slice %arg2[%mul3A_496] : memref<524288xi32, #tpu.memory_space<hbm>> -> memref<2048xi32, #tpu.memory_space<hbm>>
          tpu.enqueue_dma source(%dma_start3A_506 : memref<2048xi32, #tpu.memory_space<hbm>>) target(%dma_start3A_505 : memref<2048xi32, #tpu.memory_space<vmem>>) target_semaphore(%dma_start3A_504 : memref<!tpu.dma_semaphore, #tpu.memory_space<semaphore_mem>>)
          "tpu.trace_stop"() : () -> ()
        } else {
        }
        %and3A_232 = arith.constant true
        %and3A_233 = arith.andi %and3A, %and3A_232 : i1
        %add3A_234 = arith.constant 1 : i32
        %add3A_235 = arith.addi %scan3A_187, %add3A_234 : i32
        %select_n3A_236 = arith.select %and3A_233, %add3A_235, %scan3A_187 : i32
        %add3A_237 = arith.constant 128 : i32
        %add3A_238 = arith.addi %add3A_200, %add3A_237 : i32
        %add3A_239 = arith.constant 128 : i32
        %add3A_240 = arith.addi %add3A_218, %add3A_239 : i32
        %ne3A_241 = arith.cmpi ne, %add3A_238, %add3A_240 : i32
        %or3A_242 = arith.constant false
        %or3A_243 = arith.ori %or3A_242, %ne3A_241 : i1
        %ge3A_244 = arith.constant 3 : i32
        %ge3A_245 = arith.cmpi sge, %scan3A_186, %ge3A_244 : i32
        %not3A_246 = arith.constant true
        %not3A_247 = arith.xori %ge3A_245, %not3A_246 : i1
        %and3A_248 = arith.andi %or3A_243, %not3A_247 : i1
        %convert_element_type3A_249 = arith.extui %and3A_248 : i1 to i32
        %cond3A_250 = arith.constant 0 : i32
        %cond3A_251 = arith.cmpi ne, %convert_element_type3A_249, %cond3A_250 : i32
        scf.if %cond3A_251 {
          "tpu.trace_start"() <{level = 10 : i32, message = "ep_copy_in"}> : () -> ()
          %rem3A_493 = arith.constant 2 : i32
          %rem3A_494 = arith.remui %scan3A_189, %rem3A_493 : i32
          %add3A_495 = arith.constant 128 : i32
          %add3A_496 = arith.addi %add3A_218, %add3A_495 : i32
          %mul3A_497 = arith.constant 2048 : i32
          %mul3A_498 = arith.muli %mul3A_497, %add3A_496 : i32
          %mul3A_499 = arith.constant 2048 : i32
          %mul3A_500 = arith.muli %rem3A_494, %mul3A_499 : i32
          %add3A_501 = arith.constant 0 : i32
          %add3A_502 = arith.addi %mul3A_500, %add3A_501 : i32
          %dma_start3A_503 = tpu.memref_slice %run_scoped3A_21[%add3A_502] : memref<4096xi32, #tpu.memory_space<vmem>> -> memref<2048xi32, #tpu.memory_space<vmem>>
          %dma_start3A_504 = tpu.memref_slice %arg2[%mul3A_498] : memref<524288xi32, #tpu.memory_space<hbm>> -> memref<2048xi32, #tpu.memory_space<hbm>>
          %dma_start3A_505 = tpu.memref_slice %run_scoped3A_22[%rem3A_494] : memref<2x!tpu.dma_semaphore, #tpu.memory_space<semaphore_mem>> -> memref<1x!tpu.dma_semaphore, #tpu.memory_space<semaphore_mem>>
          %dma_start3A_506 = tpu.memref_squeeze %dma_start3A_505 : memref<1x!tpu.dma_semaphore, #tpu.memory_space<semaphore_mem>> -> memref<!tpu.dma_semaphore, #tpu.memory_space<semaphore_mem>>
          %dma_start3A_507 = tpu.memref_slice %run_scoped3A_21[%add3A_502] : memref<4096xi32, #tpu.memory_space<vmem>> -> memref<2048xi32, #tpu.memory_space<vmem>>
          %dma_start3A_508 = tpu.memref_slice %arg2[%mul3A_498] : memref<524288xi32, #tpu.memory_space<hbm>> -> memref<2048xi32, #tpu.memory_space<hbm>>
          tpu.enqueue_dma source(%dma_start3A_508 : memref<2048xi32, #tpu.memory_space<hbm>>) target(%dma_start3A_507 : memref<2048xi32, #tpu.memory_space<vmem>>) target_semaphore(%dma_start3A_506 : memref<!tpu.dma_semaphore, #tpu.memory_space<semaphore_mem>>)
          "tpu.trace_stop"() : () -> ()
        } else {
        }
        %and3A_252 = arith.constant true
        %and3A_253 = arith.andi %and3A_248, %and3A_252 : i1
        %add3A_254 = arith.constant 1 : i32
        %add3A_255 = arith.addi %scan3A_189, %add3A_254 : i32
        %select_n3A_256 = arith.select %and3A_253, %add3A_255, %scan3A_189 : i32
        %ne3A_257 = arith.cmpi ne, %add3A_200, %add3A_218 : i32
        %or3A_258 = arith.constant false
        %or3A_259 = arith.ori %or3A_258, %ne3A_257 : i1
        %ge3A_260 = arith.constant 3 : i32
        %ge3A_261 = arith.cmpi sge, %scan3A_186, %ge3A_260 : i32
        %not3A_262 = arith.constant true
        %not3A_263 = arith.xori %ge3A_261, %not3A_262 : i1
        %and3A_264 = arith.andi %or3A_259, %not3A_263 : i1
        %convert_element_type3A_265 = arith.extui %and3A_264 : i1 to i32
        %cond3A_266 = arith.constant 0 : i32
        %cond3A_267 = arith.cmpi ne, %convert_element_type3A_265, %cond3A_266 : i32
        scf.if %cond3A_267 {
          "tpu.trace_start"() <{level = 10 : i32, message = "ep_copy_in"}> : () -> ()
          %rem3A_493 = arith.constant 2 : i32
          %rem3A_494 = arith.remui %scan3A_191, %rem3A_493 : i32
          %mul3A_495 = arith.constant 2048 : i32
          %mul3A_496 = arith.muli %mul3A_495, %add3A_218 : i32
          %mul3A_497 = arith.constant 2048 : i32
          %mul3A_498 = arith.muli %rem3A_494, %mul3A_497 : i32
          %add3A_499 = arith.constant 0 : i32
          %add3A_500 = arith.addi %mul3A_498, %add3A_499 : i32
          %dma_start3A_501 = tpu.memref_slice %run_scoped3A_23[%add3A_500] : memref<4096xi32, #tpu.memory_space<vmem>> -> memref<2048xi32, #tpu.memory_space<vmem>>
          %dma_start3A_502 = tpu.memref_slice %arg3[%mul3A_496] : memref<524288xi32, #tpu.memory_space<hbm>> -> memref<2048xi32, #tpu.memory_space<hbm>>
          %dma_start3A_503 = tpu.memref_slice %run_scoped3A_24[%rem3A_494] : memref<2x!tpu.dma_semaphore, #tpu.memory_space<semaphore_mem>> -> memref<1x!tpu.dma_semaphore, #tpu.memory_space<semaphore_mem>>
          %dma_start3A_504 = tpu.memref_squeeze %dma_start3A_503 : memref<1x!tpu.dma_semaphore, #tpu.memory_space<semaphore_mem>> -> memref<!tpu.dma_semaphore, #tpu.memory_space<semaphore_mem>>
          %dma_start3A_505 = tpu.memref_slice %run_scoped3A_23[%add3A_500] : memref<4096xi32, #tpu.memory_space<vmem>> -> memref<2048xi32, #tpu.memory_space<vmem>>
          %dma_start3A_506 = tpu.memref_slice %arg3[%mul3A_496] : memref<524288xi32, #tpu.memory_space<hbm>> -> memref<2048xi32, #tpu.memory_space<hbm>>
          tpu.enqueue_dma source(%dma_start3A_506 : memref<2048xi32, #tpu.memory_space<hbm>>) target(%dma_start3A_505 : memref<2048xi32, #tpu.memory_space<vmem>>) target_semaphore(%dma_start3A_504 : memref<!tpu.dma_semaphore, #tpu.memory_space<semaphore_mem>>)
          "tpu.trace_stop"() : () -> ()
        } else {
        }
        %and3A_268 = arith.constant true
        %and3A_269 = arith.andi %and3A_264, %and3A_268 : i1
        %add3A_270 = arith.constant 1 : i32
        %add3A_271 = arith.addi %scan3A_191, %add3A_270 : i32
        %select_n3A_272 = arith.select %and3A_269, %add3A_271, %scan3A_191 : i32
        %add3A_273 = arith.constant 128 : i32
        %add3A_274 = arith.addi %add3A_200, %add3A_273 : i32
        %add3A_275 = arith.constant 128 : i32
        %add3A_276 = arith.addi %add3A_218, %add3A_275 : i32
        %ne3A_277 = arith.cmpi ne, %add3A_274, %add3A_276 : i32
        %or3A_278 = arith.constant false
        %or3A_279 = arith.ori %or3A_278, %ne3A_277 : i1
        %ge3A_280 = arith.constant 3 : i32
        %ge3A_281 = arith.cmpi sge, %scan3A_186, %ge3A_280 : i32
        %not3A_282 = arith.constant true
        %not3A_283 = arith.xori %ge3A_281, %not3A_282 : i1
        %and3A_284 = arith.andi %or3A_279, %not3A_283 : i1
        %convert_element_type3A_285 = arith.extui %and3A_284 : i1 to i32
        %cond3A_286 = arith.constant 0 : i32
        %cond3A_287 = arith.cmpi ne, %convert_element_type3A_285, %cond3A_286 : i32
        scf.if %cond3A_287 {
          "tpu.trace_start"() <{level = 10 : i32, message = "ep_copy_in"}> : () -> ()
          %rem3A_493 = arith.constant 2 : i32
          %rem3A_494 = arith.remui %scan3A_193, %rem3A_493 : i32
          %add3A_495 = arith.constant 128 : i32
          %add3A_496 = arith.addi %add3A_218, %add3A_495 : i32
          %mul3A_497 = arith.constant 2048 : i32
          %mul3A_498 = arith.muli %mul3A_497, %add3A_496 : i32
          %mul3A_499 = arith.constant 2048 : i32
          %mul3A_500 = arith.muli %rem3A_494, %mul3A_499 : i32
          %add3A_501 = arith.constant 0 : i32
          %add3A_502 = arith.addi %mul3A_500, %add3A_501 : i32
          %dma_start3A_503 = tpu.memref_slice %run_scoped3A_25[%add3A_502] : memref<4096xi32, #tpu.memory_space<vmem>> -> memref<2048xi32, #tpu.memory_space<vmem>>
          %dma_start3A_504 = tpu.memref_slice %arg3[%mul3A_498] : memref<524288xi32, #tpu.memory_space<hbm>> -> memref<2048xi32, #tpu.memory_space<hbm>>
          %dma_start3A_505 = tpu.memref_slice %run_scoped3A_26[%rem3A_494] : memref<2x!tpu.dma_semaphore, #tpu.memory_space<semaphore_mem>> -> memref<1x!tpu.dma_semaphore, #tpu.memory_space<semaphore_mem>>
          %dma_start3A_506 = tpu.memref_squeeze %dma_start3A_505 : memref<1x!tpu.dma_semaphore, #tpu.memory_space<semaphore_mem>> -> memref<!tpu.dma_semaphore, #tpu.memory_space<semaphore_mem>>
          %dma_start3A_507 = tpu.memref_slice %run_scoped3A_25[%add3A_502] : memref<4096xi32, #tpu.memory_space<vmem>> -> memref<2048xi32, #tpu.memory_space<vmem>>
          %dma_start3A_508 = tpu.memref_slice %arg3[%mul3A_498] : memref<524288xi32, #tpu.memory_space<hbm>> -> memref<2048xi32, #tpu.memory_space<hbm>>
          tpu.enqueue_dma source(%dma_start3A_508 : memref<2048xi32, #tpu.memory_space<hbm>>) target(%dma_start3A_507 : memref<2048xi32, #tpu.memory_space<vmem>>) target_semaphore(%dma_start3A_506 : memref<!tpu.dma_semaphore, #tpu.memory_space<semaphore_mem>>)
          "tpu.trace_stop"() : () -> ()
        } else {
        }
        %and3A_288 = arith.constant true
        %and3A_289 = arith.andi %and3A_284, %and3A_288 : i1
        %add3A_290 = arith.constant 1 : i32
        %add3A_291 = arith.addi %scan3A_193, %add3A_290 : i32
        %select_n3A_292 = arith.select %and3A_289, %add3A_291, %scan3A_193 : i32
        %ne3A_293 = arith.cmpi ne, %add3A_200, %add3A_209 : i32
        %or3A_294 = arith.constant false
        %or3A_295 = arith.ori %or3A_294, %ne3A_293 : i1
        %or3A_296 = arith.ori %or3A_295, %eq3A_197 : i1
        %convert_element_type3A_297 = arith.extui %or3A_296 : i1 to i32
        %cond3A_298 = arith.constant 0 : i32
        %cond3A_299 = arith.cmpi ne, %convert_element_type3A_297, %cond3A_298 : i32
        scf.if %cond3A_299 {
          "tpu.trace_start"() <{level = 10 : i32, message = "ep_wait_in"}> : () -> ()
          %mul3A_493 = arith.constant 2048 : i32
          %mul3A_494 = arith.muli %mul3A_493, %add3A_200 : i32
          %rem3A_495 = arith.constant 2 : i32
          %rem3A_496 = arith.remui %scan3A_188, %rem3A_495 : i32
          %mul3A_497 = arith.constant 2048 : i32
          %mul3A_498 = arith.muli %rem3A_496, %mul3A_497 : i32
          %add3A_499 = arith.constant 0 : i32
          %add3A_500 = arith.addi %mul3A_498, %add3A_499 : i32
          %dma_wait3A = tpu.memref_slice %run_scoped3A[%add3A_500] : memref<4096xi32, #tpu.memory_space<vmem>> -> memref<2048xi32, #tpu.memory_space<vmem>>
          %dma_wait3A_501 = tpu.memref_slice %arg2[%mul3A_494] : memref<524288xi32, #tpu.memory_space<hbm>> -> memref<2048xi32, #tpu.memory_space<hbm>>
          %dma_wait3A_502 = tpu.memref_slice %run_scoped3A_20[%rem3A_496] : memref<2x!tpu.dma_semaphore, #tpu.memory_space<semaphore_mem>> -> memref<1x!tpu.dma_semaphore, #tpu.memory_space<semaphore_mem>>
          %dma_wait3A_503 = tpu.memref_squeeze %dma_wait3A_502 : memref<1x!tpu.dma_semaphore, #tpu.memory_space<semaphore_mem>> -> memref<!tpu.dma_semaphore, #tpu.memory_space<semaphore_mem>>
          %dma_wait3A_504 = tpu.memref_slice %run_scoped3A[%add3A_500] : memref<4096xi32, #tpu.memory_space<vmem>> -> memref<2048xi32, #tpu.memory_space<vmem>>
          %dma_wait3A_505 = tpu.memref_slice %arg2[%mul3A_494] : memref<524288xi32, #tpu.memory_space<hbm>> -> memref<2048xi32, #tpu.memory_space<hbm>>
          tpu.wait_dma2 semaphore(%dma_wait3A_503 : memref<!tpu.dma_semaphore, #tpu.memory_space<semaphore_mem>>) src(%dma_wait3A_505 : memref<2048xi32, #tpu.memory_space<hbm>>) dst(%dma_wait3A_504 : memref<2048xi32, #tpu.memory_space<vmem>>)
          "tpu.trace_stop"() : () -> ()
        } else {
        }
        %add3A_300 = arith.constant 128 : i32
        %add3A_301 = arith.addi %add3A_200, %add3A_300 : i32
        %add3A_302 = arith.constant 128 : i32
        %add3A_303 = arith.addi %add3A_209, %add3A_302 : i32
        %ne3A_304 = arith.cmpi ne, %add3A_301, %add3A_303 : i32
        %or3A_305 = arith.constant false
        %or3A_306 = arith.ori %or3A_305, %ne3A_304 : i1
        %or3A_307 = arith.ori %or3A_306, %eq3A_197 : i1
        %convert_element_type3A_308 = arith.extui %or3A_307 : i1 to i32
        %cond3A_309 = arith.constant 0 : i32
        %cond3A_310 = arith.cmpi ne, %convert_element_type3A_308, %cond3A_309 : i32
        scf.if %cond3A_310 {
          "tpu.trace_start"() <{level = 10 : i32, message = "ep_wait_in"}> : () -> ()
          %add3A_493 = arith.constant 128 : i32
          %add3A_494 = arith.addi %add3A_200, %add3A_493 : i32
          %mul3A_495 = arith.constant 2048 : i32
          %mul3A_496 = arith.muli %mul3A_495, %add3A_494 : i32
          %rem3A_497 = arith.constant 2 : i32
          %rem3A_498 = arith.remui %scan3A_190, %rem3A_497 : i32
          %mul3A_499 = arith.constant 2048 : i32
          %mul3A_500 = arith.muli %rem3A_498, %mul3A_499 : i32
          %add3A_501 = arith.constant 0 : i32
          %add3A_502 = arith.addi %mul3A_500, %add3A_501 : i32
          %dma_wait3A = tpu.memref_slice %run_scoped3A_21[%add3A_502] : memref<4096xi32, #tpu.memory_space<vmem>> -> memref<2048xi32, #tpu.memory_space<vmem>>
          %dma_wait3A_503 = tpu.memref_slice %arg2[%mul3A_496] : memref<524288xi32, #tpu.memory_space<hbm>> -> memref<2048xi32, #tpu.memory_space<hbm>>
          %dma_wait3A_504 = tpu.memref_slice %run_scoped3A_22[%rem3A_498] : memref<2x!tpu.dma_semaphore, #tpu.memory_space<semaphore_mem>> -> memref<1x!tpu.dma_semaphore, #tpu.memory_space<semaphore_mem>>
          %dma_wait3A_505 = tpu.memref_squeeze %dma_wait3A_504 : memref<1x!tpu.dma_semaphore, #tpu.memory_space<semaphore_mem>> -> memref<!tpu.dma_semaphore, #tpu.memory_space<semaphore_mem>>
          %dma_wait3A_506 = tpu.memref_slice %run_scoped3A_21[%add3A_502] : memref<4096xi32, #tpu.memory_space<vmem>> -> memref<2048xi32, #tpu.memory_space<vmem>>
          %dma_wait3A_507 = tpu.memref_slice %arg2[%mul3A_496] : memref<524288xi32, #tpu.memory_space<hbm>> -> memref<2048xi32, #tpu.memory_space<hbm>>
          tpu.wait_dma2 semaphore(%dma_wait3A_505 : memref<!tpu.dma_semaphore, #tpu.memory_space<semaphore_mem>>) src(%dma_wait3A_507 : memref<2048xi32, #tpu.memory_space<hbm>>) dst(%dma_wait3A_506 : memref<2048xi32, #tpu.memory_space<vmem>>)
          "tpu.trace_stop"() : () -> ()
        } else {
        }
        %ne3A_311 = arith.cmpi ne, %add3A_200, %add3A_209 : i32
        %or3A_312 = arith.constant false
        %or3A_313 = arith.ori %or3A_312, %ne3A_311 : i1
        %or3A_314 = arith.ori %or3A_313, %eq3A_197 : i1
        %convert_element_type3A_315 = arith.extui %or3A_314 : i1 to i32
        %cond3A_316 = arith.constant 0 : i32
        %cond3A_317 = arith.cmpi ne, %convert_element_type3A_315, %cond3A_316 : i32
        scf.if %cond3A_317 {
          "tpu.trace_start"() <{level = 10 : i32, message = "ep_wait_in"}> : () -> ()
          %mul3A_493 = arith.constant 2048 : i32
          %mul3A_494 = arith.muli %mul3A_493, %add3A_200 : i32
          %rem3A_495 = arith.constant 2 : i32
          %rem3A_496 = arith.remui %scan3A_192, %rem3A_495 : i32
          %mul3A_497 = arith.constant 2048 : i32
          %mul3A_498 = arith.muli %rem3A_496, %mul3A_497 : i32
          %add3A_499 = arith.constant 0 : i32
          %add3A_500 = arith.addi %mul3A_498, %add3A_499 : i32
          %dma_wait3A = tpu.memref_slice %run_scoped3A_23[%add3A_500] : memref<4096xi32, #tpu.memory_space<vmem>> -> memref<2048xi32, #tpu.memory_space<vmem>>
          %dma_wait3A_501 = tpu.memref_slice %arg3[%mul3A_494] : memref<524288xi32, #tpu.memory_space<hbm>> -> memref<2048xi32, #tpu.memory_space<hbm>>
          %dma_wait3A_502 = tpu.memref_slice %run_scoped3A_24[%rem3A_496] : memref<2x!tpu.dma_semaphore, #tpu.memory_space<semaphore_mem>> -> memref<1x!tpu.dma_semaphore, #tpu.memory_space<semaphore_mem>>
          %dma_wait3A_503 = tpu.memref_squeeze %dma_wait3A_502 : memref<1x!tpu.dma_semaphore, #tpu.memory_space<semaphore_mem>> -> memref<!tpu.dma_semaphore, #tpu.memory_space<semaphore_mem>>
          %dma_wait3A_504 = tpu.memref_slice %run_scoped3A_23[%add3A_500] : memref<4096xi32, #tpu.memory_space<vmem>> -> memref<2048xi32, #tpu.memory_space<vmem>>
          %dma_wait3A_505 = tpu.memref_slice %arg3[%mul3A_494] : memref<524288xi32, #tpu.memory_space<hbm>> -> memref<2048xi32, #tpu.memory_space<hbm>>
          tpu.wait_dma2 semaphore(%dma_wait3A_503 : memref<!tpu.dma_semaphore, #tpu.memory_space<semaphore_mem>>) src(%dma_wait3A_505 : memref<2048xi32, #tpu.memory_space<hbm>>) dst(%dma_wait3A_504 : memref<2048xi32, #tpu.memory_space<vmem>>)
          "tpu.trace_stop"() : () -> ()
        } else {
        }
        %add3A_318 = arith.constant 128 : i32
        %add3A_319 = arith.addi %add3A_200, %add3A_318 : i32
        %add3A_320 = arith.constant 128 : i32
        %add3A_321 = arith.addi %add3A_209, %add3A_320 : i32
        %ne3A_322 = arith.cmpi ne, %add3A_319, %add3A_321 : i32
        %or3A_323 = arith.constant false
        %or3A_324 = arith.ori %or3A_323, %ne3A_322 : i1
        %or3A_325 = arith.ori %or3A_324, %eq3A_197 : i1
        %convert_element_type3A_326 = arith.extui %or3A_325 : i1 to i32
        %cond3A_327 = arith.constant 0 : i32
        %cond3A_328 = arith.cmpi ne, %convert_element_type3A_326, %cond3A_327 : i32
        scf.if %cond3A_328 {
          "tpu.trace_start"() <{level = 10 : i32, message = "ep_wait_in"}> : () -> ()
          %add3A_493 = arith.constant 128 : i32
          %add3A_494 = arith.addi %add3A_200, %add3A_493 : i32
          %mul3A_495 = arith.constant 2048 : i32
          %mul3A_496 = arith.muli %mul3A_495, %add3A_494 : i32
          %rem3A_497 = arith.constant 2 : i32
          %rem3A_498 = arith.remui %scan3A_194, %rem3A_497 : i32
          %mul3A_499 = arith.constant 2048 : i32
          %mul3A_500 = arith.muli %rem3A_498, %mul3A_499 : i32
          %add3A_501 = arith.constant 0 : i32
          %add3A_502 = arith.addi %mul3A_500, %add3A_501 : i32
          %dma_wait3A = tpu.memref_slice %run_scoped3A_25[%add3A_502] : memref<4096xi32, #tpu.memory_space<vmem>> -> memref<2048xi32, #tpu.memory_space<vmem>>
          %dma_wait3A_503 = tpu.memref_slice %arg3[%mul3A_496] : memref<524288xi32, #tpu.memory_space<hbm>> -> memref<2048xi32, #tpu.memory_space<hbm>>
          %dma_wait3A_504 = tpu.memref_slice %run_scoped3A_26[%rem3A_498] : memref<2x!tpu.dma_semaphore, #tpu.memory_space<semaphore_mem>> -> memref<1x!tpu.dma_semaphore, #tpu.memory_space<semaphore_mem>>
          %dma_wait3A_505 = tpu.memref_squeeze %dma_wait3A_504 : memref<1x!tpu.dma_semaphore, #tpu.memory_space<semaphore_mem>> -> memref<!tpu.dma_semaphore, #tpu.memory_space<semaphore_mem>>
          %dma_wait3A_506 = tpu.memref_slice %run_scoped3A_25[%add3A_502] : memref<4096xi32, #tpu.memory_space<vmem>> -> memref<2048xi32, #tpu.memory_space<vmem>>
          %dma_wait3A_507 = tpu.memref_slice %arg3[%mul3A_496] : memref<524288xi32, #tpu.memory_space<hbm>> -> memref<2048xi32, #tpu.memory_space<hbm>>
          tpu.wait_dma2 semaphore(%dma_wait3A_505 : memref<!tpu.dma_semaphore, #tpu.memory_space<semaphore_mem>>) src(%dma_wait3A_507 : memref<2048xi32, #tpu.memory_space<hbm>>) dst(%dma_wait3A_506 : memref<2048xi32, #tpu.memory_space<vmem>>)
          "tpu.trace_stop"() : () -> ()
        } else {
        }
        %rem3A_329 = arith.constant 2 : i32
        %rem3A_330 = arith.remui %scan3A_188, %rem3A_329 : i32
        %mul3A_331 = arith.constant 2048 : i32
        %mul3A_332 = arith.muli %rem3A_330, %mul3A_331 : i32
        %rem3A_333 = arith.constant 2 : i32
        %rem3A_334 = arith.remui %scan3A_190, %rem3A_333 : i32
        %mul3A_335 = arith.constant 2048 : i32
        %mul3A_336 = arith.muli %rem3A_334, %mul3A_335 : i32
        %rem3A_337 = arith.constant 2 : i32
        %rem3A_338 = arith.remui %scan3A_192, %rem3A_337 : i32
        %mul3A_339 = arith.constant 2048 : i32
        %mul3A_340 = arith.muli %rem3A_338, %mul3A_339 : i32
        %rem3A_341 = arith.constant 2 : i32
        %rem3A_342 = arith.remui %scan3A_194, %rem3A_341 : i32
        %mul3A_343 = arith.constant 2048 : i32
        %mul3A_344 = arith.muli %rem3A_342, %mul3A_343 : i32
        "tpu.trace_start"() <{level = 10 : i32, message = "ep_run_kernel"}> : () -> ()
        %get3A = arith.constant 0 : index
        %get3A_345 = tpu.vector_load %arg6[%get3A] {strides = array<i32>} : memref<16xi32, #tpu.memory_space<vmem>>, vector<16xi32>,
        %shift_left3A = arith.constant 10 : i32
        %shift_left3A_346 = vector.broadcast %shift_left3A : i32 to vector<16xi32>
        %shift_left3A_347 = arith.shli %get3A_345, %shift_left3A_346 : vector<16xi32>
        %scan3A_348 = arith.constant 0 : i32
        %scan3A_349 = arith.constant 64 : i32
        %scan3A_350 = arith.addi %scan3A_348, %scan3A_349 : i32
        %scan3A_351 = arith.constant 1 : i32
        scf.for %scan3A_493 = %scan3A_348 to %scan3A_350 step %scan3A_351  : i32 {
          %mul3A_494 = arith.constant 32 : i32
          %mul3A_495 = arith.muli %scan3A_493, %mul3A_494 : i32
          %add3A_496 = arith.constant 0 : i32
          %add3A_497 = arith.addi %add3A_496, %mul3A_495 : i32
          %add3A_498 = arith.constant 0 : i32
          %add3A_499 = arith.addi %add3A_497, %add3A_498 : i32
          %get3A_500 = tpu.memref_slice %run_scoped3A[%mul3A_332] : memref<4096xi32, #tpu.memory_space<vmem>> -> memref<2048xi32, #tpu.memory_space<vmem>>
          %get3A_501 = arith.index_cast %add3A_499 : i32 to index
          %get3A_502 = tpu.vector_load %get3A_500[%get3A_501] {strides = array<i32>} : memref<2048xi32, #tpu.memory_space<vmem>>, vector<16xi32>,
          %bitcast3A = vector.bitcast %get3A_502 : vector<16xi32> to vector<16xi32>
          %add3A_503 = arith.constant 16 : i32
          %add3A_504 = arith.addi %add3A_497, %add3A_503 : i32
          %get3A_505 = tpu.memref_slice %run_scoped3A[%mul3A_332] : memref<4096xi32, #tpu.memory_space<vmem>> -> memref<2048xi32, #tpu.memory_space<vmem>>
          %get3A_506 = arith.index_cast %add3A_504 : i32 to index
          %get3A_507 = tpu.vector_load %get3A_505[%get3A_506] {strides = array<i32>} : memref<2048xi32, #tpu.memory_space<vmem>>, vector<16xi32>,
          %bitcast3A_508 = vector.bitcast %get3A_507 : vector<16xi32> to vector<16xi32>
          %add3A_509 = arith.constant 0 : i32
          %add3A_510 = arith.addi %add3A_497, %add3A_509 : i32
          %get3A_511 = tpu.memref_slice %run_scoped3A_21[%mul3A_336] : memref<4096xi32, #tpu.memory_space<vmem>> -> memref<2048xi32, #tpu.memory_space<vmem>>
          %get3A_512 = arith.index_cast %add3A_510 : i32 to index
          %get3A_513 = tpu.vector_load %get3A_511[%get3A_512] {strides = array<i32>} : memref<2048xi32, #tpu.memory_space<vmem>>, vector<16xi32>,
          %bitcast3A_514 = vector.bitcast %get3A_513 : vector<16xi32> to vector<16xi32>
          %add3A_515 = arith.constant 16 : i32
          %add3A_516 = arith.addi %add3A_497, %add3A_515 : i32
          %get3A_517 = tpu.memref_slice %run_scoped3A_21[%mul3A_336] : memref<4096xi32, #tpu.memory_space<vmem>> -> memref<2048xi32, #tpu.memory_space<vmem>>
          %get3A_518 = arith.index_cast %add3A_516 : i32 to index
          %get3A_519 = tpu.vector_load %get3A_517[%get3A_518] {strides = array<i32>} : memref<2048xi32, #tpu.memory_space<vmem>>, vector<16xi32>,
          %bitcast3A_520 = vector.bitcast %get3A_519 : vector<16xi32> to vector<16xi32>
          %add3A_521 = arith.constant 0 : i32
          %add3A_522 = arith.addi %add3A_497, %add3A_521 : i32
          %get3A_523 = tpu.memref_slice %run_scoped3A_23[%mul3A_340] : memref<4096xi32, #tpu.memory_space<vmem>> -> memref<2048xi32, #tpu.memory_space<vmem>>
          %get3A_524 = arith.index_cast %add3A_522 : i32 to index
          %get3A_525 = tpu.vector_load %get3A_523[%get3A_524] {strides = array<i32>} : memref<2048xi32, #tpu.memory_space<vmem>>, vector<16xi32>,
          %bitcast3A_526 = vector.bitcast %get3A_525 : vector<16xi32> to vector<16xi32>
          %add3A_527 = arith.constant 16 : i32
          %add3A_528 = arith.addi %add3A_497, %add3A_527 : i32
          %get3A_529 = tpu.memref_slice %run_scoped3A_23[%mul3A_340] : memref<4096xi32, #tpu.memory_space<vmem>> -> memref<2048xi32, #tpu.memory_space<vmem>>
          %get3A_530 = arith.index_cast %add3A_528 : i32 to index
          %get3A_531 = tpu.vector_load %get3A_529[%get3A_530] {strides = array<i32>} : memref<2048xi32, #tpu.memory_space<vmem>>, vector<16xi32>,
          %bitcast3A_532 = vector.bitcast %get3A_531 : vector<16xi32> to vector<16xi32>
          %add3A_533 = arith.constant 0 : i32
          %add3A_534 = arith.addi %add3A_497, %add3A_533 : i32
          %get3A_535 = tpu.memref_slice %run_scoped3A_25[%mul3A_344] : memref<4096xi32, #tpu.memory_space<vmem>> -> memref<2048xi32, #tpu.memory_space<vmem>>
          %get3A_536 = arith.index_cast %add3A_534 : i32 to index
          %get3A_537 = tpu.vector_load %get3A_535[%get3A_536] {strides = array<i32>} : memref<2048xi32, #tpu.memory_space<vmem>>, vector<16xi32>,
          %bitcast3A_538 = vector.bitcast %get3A_537 : vector<16xi32> to vector<16xi32>
          %add3A_539 = arith.constant 16 : i32
          %add3A_540 = arith.addi %add3A_497, %add3A_539 : i32
          %get3A_541 = tpu.memref_slice %run_scoped3A_25[%mul3A_344] : memref<4096xi32, #tpu.memory_space<vmem>> -> memref<2048xi32, #tpu.memory_space<vmem>>
          %get3A_542 = arith.index_cast %add3A_540 : i32 to index
          %get3A_543 = tpu.vector_load %get3A_541[%get3A_542] {strides = array<i32>} : memref<2048xi32, #tpu.memory_space<vmem>>, vector<16xi32>,
          %bitcast3A_544 = vector.bitcast %get3A_543 : vector<16xi32> to vector<16xi32>
          %shift_right_logical3A = arith.constant 0 : i32
          %shift_right_logical3A_545 = vector.broadcast %shift_right_logical3A : i32 to vector<16xi32>
          %shift_right_logical3A_546 = arith.shrui %bitcast3A, %shift_right_logical3A_545 : vector<16xi32>
          %bitcast3A_547 = vector.bitcast %shift_right_logical3A_546 : vector<16xi32> to vector<16xi32>
          %sub3A_548 = arith.subi %bitcast3A_547, %shift_left3A_347 : vector<16xi32>
          %bitcast3A_549 = vector.bitcast %sub3A_548 : vector<16xi32> to vector<16xi32>
          %lt3A = arith.constant 1024 : i32
          %lt3A_550 = vector.broadcast %lt3A : i32 to vector<16xi32>
          %lt3A_551 = arith.cmpi ult, %bitcast3A_549, %lt3A_550 : vector<16xi32>
          %shift_right_logical3A_552 = arith.constant 0 : i32
          %shift_right_logical3A_553 = vector.broadcast %shift_right_logical3A_552 : i32 to vector<16xi32>
          %shift_right_logical3A_554 = arith.shrui %bitcast3A_508, %shift_right_logical3A_553 : vector<16xi32>
          %bitcast3A_555 = vector.bitcast %shift_right_logical3A_554 : vector<16xi32> to vector<16xi32>
          %sub3A_556 = arith.subi %bitcast3A_555, %shift_left3A_347 : vector<16xi32>
          %bitcast3A_557 = vector.bitcast %sub3A_556 : vector<16xi32> to vector<16xi32>
          %lt3A_558 = arith.constant 1024 : i32
          %lt3A_559 = vector.broadcast %lt3A_558 : i32 to vector<16xi32>
          %lt3A_560 = arith.cmpi ult, %bitcast3A_557, %lt3A_559 : vector<16xi32>
          %shift_right_logical3A_561 = arith.constant 0 : i32
          %shift_right_logical3A_562 = vector.broadcast %shift_right_logical3A_561 : i32 to vector<16xi32>
          %shift_right_logical3A_563 = arith.shrui %bitcast3A_514, %shift_right_logical3A_562 : vector<16xi32>
          %bitcast3A_564 = vector.bitcast %shift_right_logical3A_563 : vector<16xi32> to vector<16xi32>
          %sub3A_565 = arith.subi %bitcast3A_564, %shift_left3A_347 : vector<16xi32>
          %bitcast3A_566 = vector.bitcast %sub3A_565 : vector<16xi32> to vector<16xi32>
          %lt3A_567 = arith.constant 1024 : i32
          %lt3A_568 = vector.broadcast %lt3A_567 : i32 to vector<16xi32>
          %lt3A_569 = arith.cmpi ult, %bitcast3A_566, %lt3A_568 : vector<16xi32>
          %shift_right_logical3A_570 = arith.constant 0 : i32
          %shift_right_logical3A_571 = vector.broadcast %shift_right_logical3A_570 : i32 to vector<16xi32>
          %shift_right_logical3A_572 = arith.shrui %bitcast3A_520, %shift_right_logical3A_571 : vector<16xi32>
          %bitcast3A_573 = vector.bitcast %shift_right_logical3A_572 : vector<16xi32> to vector<16xi32>
          %sub3A_574 = arith.subi %bitcast3A_573, %shift_left3A_347 : vector<16xi32>
          %bitcast3A_575 = vector.bitcast %sub3A_574 : vector<16xi32> to vector<16xi32>
          %lt3A_576 = arith.constant 1024 : i32
          %lt3A_577 = vector.broadcast %lt3A_576 : i32 to vector<16xi32>
          %lt3A_578 = arith.cmpi ult, %bitcast3A_575, %lt3A_577 : vector<16xi32>
          %shift_right_logical3A_579 = arith.constant 0 : i32
          %shift_right_logical3A_580 = vector.broadcast %shift_right_logical3A_579 : i32 to vector<16xi32>
          %shift_right_logical3A_581 = arith.shrui %bitcast3A_526, %shift_right_logical3A_580 : vector<16xi32>
          %bitcast3A_582 = vector.bitcast %shift_right_logical3A_581 : vector<16xi32> to vector<16xi32>
          %sub3A_583 = arith.subi %bitcast3A_582, %shift_left3A_347 : vector<16xi32>
          %bitcast3A_584 = vector.bitcast %sub3A_583 : vector<16xi32> to vector<16xi32>
          %lt3A_585 = arith.constant 1024 : i32
          %lt3A_586 = vector.broadcast %lt3A_585 : i32 to vector<16xi32>
          %lt3A_587 = arith.cmpi ult, %bitcast3A_584, %lt3A_586 : vector<16xi32>
          %shift_right_logical3A_588 = arith.constant 0 : i32
          %shift_right_logical3A_589 = vector.broadcast %shift_right_logical3A_588 : i32 to vector<16xi32>
          %shift_right_logical3A_590 = arith.shrui %bitcast3A_532, %shift_right_logical3A_589 : vector<16xi32>
          %bitcast3A_591 = vector.bitcast %shift_right_logical3A_590 : vector<16xi32> to vector<16xi32>
          %sub3A_592 = arith.subi %bitcast3A_591, %shift_left3A_347 : vector<16xi32>
          %bitcast3A_593 = vector.bitcast %sub3A_592 : vector<16xi32> to vector<16xi32>
          %lt3A_594 = arith.constant 1024 : i32
          %lt3A_595 = vector.broadcast %lt3A_594 : i32 to vector<16xi32>
          %lt3A_596 = arith.cmpi ult, %bitcast3A_593, %lt3A_595 : vector<16xi32>
          %shift_right_logical3A_597 = arith.constant 0 : i32
          %shift_right_logical3A_598 = vector.broadcast %shift_right_logical3A_597 : i32 to vector<16xi32>
          %shift_right_logical3A_599 = arith.shrui %bitcast3A_538, %shift_right_logical3A_598 : vector<16xi32>
          %bitcast3A_600 = vector.bitcast %shift_right_logical3A_599 : vector<16xi32> to vector<16xi32>
          %sub3A_601 = arith.subi %bitcast3A_600, %shift_left3A_347 : vector<16xi32>
          %bitcast3A_602 = vector.bitcast %sub3A_601 : vector<16xi32> to vector<16xi32>
          %lt3A_603 = arith.constant 1024 : i32
          %lt3A_604 = vector.broadcast %lt3A_603 : i32 to vector<16xi32>
          %lt3A_605 = arith.cmpi ult, %bitcast3A_602, %lt3A_604 : vector<16xi32>
          %shift_right_logical3A_606 = arith.constant 0 : i32
          %shift_right_logical3A_607 = vector.broadcast %shift_right_logical3A_606 : i32 to vector<16xi32>
          %shift_right_logical3A_608 = arith.shrui %bitcast3A_544, %shift_right_logical3A_607 : vector<16xi32>
          %bitcast3A_609 = vector.bitcast %shift_right_logical3A_608 : vector<16xi32> to vector<16xi32>
          %sub3A_610 = arith.subi %bitcast3A_609, %shift_left3A_347 : vector<16xi32>
          %bitcast3A_611 = vector.bitcast %sub3A_610 : vector<16xi32> to vector<16xi32>
          %lt3A_612 = arith.constant 1024 : i32
          %lt3A_613 = vector.broadcast %lt3A_612 : i32 to vector<16xi32>
          %lt3A_614 = arith.cmpi ult, %bitcast3A_611, %lt3A_613 : vector<16xi32>
          tpu.vector_store_idx %arg7[%sub3A_548], %broadcast_in_dim3A_5 masked %lt3A_551 {add = true} : memref<1024xi32, #tpu.memory_space<vmem>>[vector<16xi32>], vector<16xi32>, vector<16xi1>
          tpu.vector_store_idx %arg8[%sub3A_556], %broadcast_in_dim3A_5 masked %lt3A_560 {add = true} : memref<1024xi32, #tpu.memory_space<vmem>>[vector<16xi32>], vector<16xi32>, vector<16xi1>
          tpu.vector_store_idx %arg9[%sub3A_565], %broadcast_in_dim3A_5 masked %lt3A_569 {add = true} : memref<1024xi32, #tpu.memory_space<vmem>>[vector<16xi32>], vector<16xi32>, vector<16xi1>
          tpu.vector_store_idx %arg10[%sub3A_574], %broadcast_in_dim3A_5 masked %lt3A_578 {add = true} : memref<1024xi32, #tpu.memory_space<vmem>>[vector<16xi32>], vector<16xi32>, vector<16xi1>
          tpu.vector_store_idx %arg7[%sub3A_583], %broadcast_in_dim3A_5 masked %lt3A_587 {add = true} : memref<1024xi32, #tpu.memory_space<vmem>>[vector<16xi32>], vector<16xi32>, vector<16xi1>
          tpu.vector_store_idx %arg8[%sub3A_592], %broadcast_in_dim3A_5 masked %lt3A_596 {add = true} : memref<1024xi32, #tpu.memory_space<vmem>>[vector<16xi32>], vector<16xi32>, vector<16xi1>
          tpu.vector_store_idx %arg9[%sub3A_601], %broadcast_in_dim3A_5 masked %lt3A_605 {add = true} : memref<1024xi32, #tpu.memory_space<vmem>>[vector<16xi32>], vector<16xi32>, vector<16xi1>
          tpu.vector_store_idx %arg10[%sub3A_610], %broadcast_in_dim3A_5 masked %lt3A_614 {add = true} : memref<1024xi32, #tpu.memory_space<vmem>>[vector<16xi32>], vector<16xi32>, vector<16xi1>
        }
        %scan3A_352 = arith.constant 64 : i32
        "tpu.trace_stop"() : () -> ()
        %ne3A_353 = arith.cmpi ne, %add3A_200, %add3A_218 : i32
        %or3A_354 = arith.constant false
        %or3A_355 = arith.ori %or3A_354, %ne3A_353 : i1
        %or3A_356 = arith.ori %or3A_355, %eq3A_199 : i1
        %convert_element_type3A_357 = arith.extui %or3A_356 : i1 to i32
        %cond3A_358 = arith.constant 0 : i32
        %cond3A_359 = arith.cmpi ne, %convert_element_type3A_357, %cond3A_358 : i32
        scf.if %cond3A_359 {
        } else {
        }
        %and3A_360 = arith.constant false
        %and3A_361 = arith.andi %or3A_356, %and3A_360 : i1
        %add3A_362 = arith.constant 128 : i32
        %add3A_363 = arith.addi %add3A_200, %add3A_362 : i32
        %add3A_364 = arith.constant 128 : i32
        %add3A_365 = arith.addi %add3A_218, %add3A_364 : i32
        %ne3A_366 = arith.cmpi ne, %add3A_363, %add3A_365 : i32
        %or3A_367 = arith.constant false
        %or3A_368 = arith.ori %or3A_367, %ne3A_366 : i1
        %or3A_369 = arith.ori %or3A_368, %eq3A_199 : i1
        %convert_element_type3A_370 = arith.extui %or3A_369 : i1 to i32
        %cond3A_371 = arith.constant 0 : i32
        %cond3A_372 = arith.cmpi ne, %convert_element_type3A_370, %cond3A_371 : i32
        scf.if %cond3A_372 {
        } else {
        }
        %and3A_373 = arith.constant false
        %and3A_374 = arith.andi %or3A_369, %and3A_373 : i1
        %ne3A_375 = arith.cmpi ne, %add3A_200, %add3A_218 : i32
        %or3A_376 = arith.constant false
        %or3A_377 = arith.ori %or3A_376, %ne3A_375 : i1
        %or3A_378 = arith.ori %or3A_377, %eq3A_199 : i1
        %convert_element_type3A_379 = arith.extui %or3A_378 : i1 to i32
        %cond3A_380 = arith.constant 0 : i32
        %cond3A_381 = arith.cmpi ne, %convert_element_type3A_379, %cond3A_380 : i32
        scf.if %cond3A_381 {
        } else {
        }
        %and3A_382 = arith.constant false
        %and3A_383 = arith.andi %or3A_378, %and3A_382 : i1
        %add3A_384 = arith.constant 128 : i32
        %add3A_385 = arith.addi %add3A_200, %add3A_384 : i32
        %add3A_386 = arith.constant 128 : i32
        %add3A_387 = arith.addi %add3A_218, %add3A_386 : i32
        %ne3A_388 = arith.cmpi ne, %add3A_385, %add3A_387 : i32
        %or3A_389 = arith.constant false
        %or3A_390 = arith.ori %or3A_389, %ne3A_388 : i1
        %or3A_391 = arith.ori %or3A_390, %eq3A_199 : i1
        %convert_element_type3A_392 = arith.extui %or3A_391 : i1 to i32
        %cond3A_393 = arith.constant 0 : i32
        %cond3A_394 = arith.cmpi ne, %convert_element_type3A_392, %cond3A_393 : i32
        scf.if %cond3A_394 {
        } else {
        }
        %and3A_395 = arith.constant false
        %and3A_396 = arith.andi %or3A_391, %and3A_395 : i1
        %ne3A_397 = arith.cmpi ne, %add3A_200, %add3A_209 : i32
        %or3A_398 = arith.constant false
        %or3A_399 = arith.ori %or3A_398, %ne3A_397 : i1
        %not3A_400 = arith.constant true
        %not3A_401 = arith.xori %eq3A_197, %not3A_400 : i1
        %and3A_402 = arith.andi %or3A_399, %not3A_401 : i1
        %convert_element_type3A_403 = arith.extui %and3A_402 : i1 to i32
        %cond3A_404 = arith.constant 0 : i32
        %cond3A_405 = arith.cmpi ne, %convert_element_type3A_403, %cond3A_404 : i32
        scf.if %cond3A_405 {
        } else {
        }
        %and3A_406 = arith.constant false
        %and3A_407 = arith.andi %and3A_402, %and3A_406 : i1
        %add3A_408 = arith.constant 128 : i32
        %add3A_409 = arith.addi %add3A_200, %add3A_408 : i32
        %add3A_410 = arith.constant 128 : i32
        %add3A_411 = arith.addi %add3A_209, %add3A_410 : i32
        %ne3A_412 = arith.cmpi ne, %add3A_409, %add3A_411 : i32
        %or3A_413 = arith.constant false
        %or3A_414 = arith.ori %or3A_413, %ne3A_412 : i1
        %not3A_415 = arith.constant true
        %not3A_416 = arith.xori %eq3A_197, %not3A_415 : i1
        %and3A_417 = arith.andi %or3A_414, %not3A_416 : i1
        %convert_element_type3A_418 = arith.extui %and3A_417 : i1 to i32
        %cond3A_419 = arith.constant 0 : i32
        %cond3A_420 = arith.cmpi ne, %convert_element_type3A_418, %cond3A_419 : i32
        scf.if %cond3A_420 {
        } else {
        }
        %and3A_421 = arith.constant false
        %and3A_422 = arith.andi %and3A_417, %and3A_421 : i1
        %ne3A_423 = arith.cmpi ne, %add3A_200, %add3A_209 : i32
        %or3A_424 = arith.constant false
        %or3A_425 = arith.ori %or3A_424, %ne3A_423 : i1
        %not3A_426 = arith.constant true
        %not3A_427 = arith.xori %eq3A_197, %not3A_426 : i1
        %and3A_428 = arith.andi %or3A_425, %not3A_427 : i1
        %convert_element_type3A_429 = arith.extui %and3A_428 : i1 to i32
        %cond3A_430 = arith.constant 0 : i32
        %cond3A_431 = arith.cmpi ne, %convert_element_type3A_429, %cond3A_430 : i32
        scf.if %cond3A_431 {
        } else {
        }
        %and3A_432 = arith.constant false
        %and3A_433 = arith.andi %and3A_428, %and3A_432 : i1
        %add3A_434 = arith.constant 128 : i32
        %add3A_435 = arith.addi %add3A_200, %add3A_434 : i32
        %add3A_436 = arith.constant 128 : i32
        %add3A_437 = arith.addi %add3A_209, %add3A_436 : i32
        %ne3A_438 = arith.cmpi ne, %add3A_435, %add3A_437 : i32
        %or3A_439 = arith.constant false
        %or3A_440 = arith.ori %or3A_439, %ne3A_438 : i1
        %not3A_441 = arith.constant true
        %not3A_442 = arith.xori %eq3A_197, %not3A_441 : i1
        %and3A_443 = arith.andi %or3A_440, %not3A_442 : i1
        %convert_element_type3A_444 = arith.extui %and3A_443 : i1 to i32
        %cond3A_445 = arith.constant 0 : i32
        %cond3A_446 = arith.cmpi ne, %convert_element_type3A_444, %cond3A_445 : i32
        scf.if %cond3A_446 {
        } else {
        }
        %and3A_447 = arith.constant false
        %and3A_448 = arith.andi %and3A_443, %and3A_447 : i1
        %ne3A_449 = arith.cmpi ne, %add3A_200, %add3A_218 : i32
        %or3A_450 = arith.constant false
        %or3A_451 = arith.ori %or3A_450, %ne3A_449 : i1
        %or3A_452 = arith.ori %or3A_451, %eq3A_199 : i1
        %add3A_453 = arith.constant 1 : i32
        %add3A_454 = arith.addi %scan3A_188, %add3A_453 : i32
        %select_n3A_455 = arith.select %or3A_452, %add3A_454, %scan3A_188 : i32
        %add3A_456 = arith.constant 128 : i32
        %add3A_457 = arith.addi %add3A_200, %add3A_456 : i32
        %add3A_458 = arith.constant 128 : i32
        %add3A_459 = arith.addi %add3A_218, %add3A_458 : i32
        %ne3A_460 = arith.cmpi ne, %add3A_457, %add3A_459 : i32
        %or3A_461 = arith.constant false
        %or3A_462 = arith.ori %or3A_461, %ne3A_460 : i1
        %or3A_463 = arith.ori %or3A_462, %eq3A_199 : i1
        %add3A_464 = arith.constant 1 : i32
        %add3A_465 = arith.addi %scan3A_190, %add3A_464 : i32
        %select_n3A_466 = arith.select %or3A_463, %add3A_465, %scan3A_190 : i32
        %ne3A_467 = arith.cmpi ne, %add3A_200, %add3A_218 : i32
        %or3A_468 = arith.constant false
        %or3A_469 = arith.ori %or3A_468, %ne3A_467 : i1
        %or3A_470 = arith.ori %or3A_469, %eq3A_199 : i1
        %add3A_471 = arith.constant 1 : i32
        %add3A_472 = arith.addi %scan3A_192, %add3A_471 : i32
        %select_n3A_473 = arith.select %or3A_470, %add3A_472, %scan3A_192 : i32
        %add3A_474 = arith.constant 128 : i32
        %add3A_475 = arith.addi %add3A_200, %add3A_474 : i32
        %add3A_476 = arith.constant 128 : i32
        %add3A_477 = arith.addi %add3A_218, %add3A_476 : i32
        %ne3A_478 = arith.cmpi ne, %add3A_475, %add3A_477 : i32
        %or3A_479 = arith.constant false
        %or3A_480 = arith.ori %or3A_479, %ne3A_478 : i1
        %or3A_481 = arith.ori %or3A_480, %eq3A_199 : i1
        %add3A_482 = arith.constant 1 : i32
        %add3A_483 = arith.addi %scan3A_194, %add3A_482 : i32
        %select_n3A_484 = arith.select %or3A_481, %add3A_483, %scan3A_194 : i32
        %add3A_485 = arith.constant 1 : i32
        %add3A_486 = arith.addi %scan3A_195, %add3A_485 : i32
        %select_n3A_487 = arith.constant true
        %select_n3A_488 = arith.select %select_n3A_487, %add3A_486, %scan3A_195 : i32
        %eq3A_489 = arith.constant 4 : i32
        %eq3A_490 = arith.cmpi eq, %select_n3A_488, %eq3A_489 : i32
        %select_n3A_491 = arith.constant 0 : i32
        %select_n3A_492 = arith.select %eq3A_490, %select_n3A_491, %select_n3A_488 : i32
        scf.yield %select_n3A_236, %select_n3A_455, %select_n3A_256, %select_n3A_466, %select_n3A_272, %select_n3A_473, %select_n3A_292, %select_n3A_484, %select_n3A_492 : i32, i32, i32, i32, i32, i32, i32, i32, i32
      }
      %scan3A_150 = arith.constant 4 : i32
      %sub3A = arith.constant 1 : i32
      %sub3A_151 = arith.subi %scan3A_149#8, %sub3A : i32
      %select_n3A_152 = arith.constant true
      %select_n3A_153 = arith.select %select_n3A_152, %sub3A_151, %scan3A_149#8 : i32
      %eq3A_154 = arith.constant -1 : i32
      %eq3A_155 = arith.cmpi eq, %select_n3A_153, %eq3A_154 : i32
      %select_n3A_156 = arith.constant 3 : i32
      %select_n3A_157 = arith.select %eq3A_155, %select_n3A_156, %select_n3A_153 : i32
      %add3A_158 = arith.addi %select_n3A_157, %mul3A_14 : i32
      %sub3A_159 = arith.constant 1 : i32
      %sub3A_160 = arith.subi %select_n3A_157, %sub3A_159 : i32
      %select_n3A_161 = arith.constant true
      %select_n3A_162 = arith.select %select_n3A_161, %sub3A_160, %select_n3A_157 : i32
      %eq3A_163 = arith.constant -1 : i32
      %eq3A_164 = arith.cmpi eq, %select_n3A_162, %eq3A_163 : i32
      %select_n3A_165 = arith.constant 3 : i32
      %select_n3A_166 = arith.select %eq3A_164, %select_n3A_165, %select_n3A_162 : i32
      %add3A_167 = arith.addi %select_n3A_166, %mul3A_14 : i32
      %add3A_168 = arith.constant 1 : i32
      %add3A_169 = arith.addi %select_n3A_157, %add3A_168 : i32
      %select_n3A_170 = arith.constant true
      %select_n3A_171 = arith.select %select_n3A_170, %add3A_169, %select_n3A_157 : i32
      %eq3A_172 = arith.constant 4 : i32
      %eq3A_173 = arith.cmpi eq, %select_n3A_171, %eq3A_172 : i32
      %select_n3A_174 = arith.constant 0 : i32
      %select_n3A_175 = arith.select %eq3A_173, %select_n3A_174, %select_n3A_171 : i32
      %add3A_176 = arith.addi %select_n3A_175, %mul3A_14 : i32
      %add3A_177 = arith.constant 1 : i32
      %add3A_178 = arith.addi %select_n3A_175, %add3A_177 : i32
      %select_n3A_179 = arith.constant true
      %select_n3A_180 = arith.select %select_n3A_179, %add3A_178, %select_n3A_175 : i32
      %eq3A_181 = arith.constant 4 : i32
      %eq3A_182 = arith.cmpi eq, %select_n3A_180, %eq3A_181 : i32
      %select_n3A_183 = arith.constant 0 : i32
      %select_n3A_184 = arith.select %eq3A_182, %select_n3A_183, %select_n3A_180 : i32
      %add3A_185 = arith.addi %select_n3A_184, %mul3A_14 : i32
      tpu.yield
    }) : () -> ()
    %scan3A_15 = arith.constant 0 : i32
    %scan3A_16 = arith.constant 64 : i32
    %scan3A_17 = arith.addi %scan3A_15, %scan3A_16 : i32
    %scan3A_18 = arith.constant 1 : i32
    scf.for %scan3A_20 = %scan3A_15 to %scan3A_17 step %scan3A_18  : i32 {
      %mul3A_21 = arith.constant 16 : i32
      %mul3A_22 = arith.muli %scan3A_20, %mul3A_21 : i32
      %add3A_23 = arith.constant 0 : i32
      %add3A_24 = arith.addi %add3A_23, %mul3A_22 : i32
      %get3A = arith.index_cast %add3A_24 : i32 to index
      %get3A_25 = tpu.vector_load %arg7[%get3A] {strides = array<i32>} : memref<1024xi32, #tpu.memory_space<vmem>>, vector<16xi32>,
      %get3A_26 = arith.index_cast %add3A_24 : i32 to index
      %get3A_27 = tpu.vector_load %arg8[%get3A_26] {strides = array<i32>} : memref<1024xi32, #tpu.memory_space<vmem>>, vector<16xi32>,
      %add3A_28 = arith.addi %get3A_25, %get3A_27 : vector<16xi32>
      %get3A_29 = arith.index_cast %add3A_24 : i32 to index
      %get3A_30 = tpu.vector_load %arg9[%get3A_29] {strides = array<i32>} : memref<1024xi32, #tpu.memory_space<vmem>>, vector<16xi32>,
      %get3A_31 = arith.index_cast %add3A_24 : i32 to index
      %get3A_32 = tpu.vector_load %arg10[%get3A_31] {strides = array<i32>} : memref<1024xi32, #tpu.memory_space<vmem>>, vector<16xi32>,
      %add3A_33 = arith.addi %get3A_30, %get3A_32 : vector<16xi32>
      %add3A_34 = arith.addi %add3A_28, %add3A_33 : vector<16xi32>
      %swap3A = arith.index_cast %add3A_24 : i32 to index
      %swap3A_35 = tpu.vector_load %arg7[%swap3A] {strides = array<i32>} : memref<1024xi32, #tpu.memory_space<vmem>>, vector<16xi32>,
      tpu.vector_store %arg7[%swap3A], %add3A_34 {strides = array<i32>} : memref<1024xi32, #tpu.memory_space<vmem>>, vector<16xi32>,
    }
    %scan3A_19 = arith.constant 64 : i32
    "tpu.region"() ({
      %run_scoped3A = tpu.sem_alloc : memref<!tpu.dma_semaphore, #tpu.memory_space<semaphore_mem>>
      %dma_start3A = arith.constant 0 : i32
      %dma_start3A_20 = tpu.memref_slice %arg5[%add3A, %dma_start3A] : memref<32x1024xi32, #tpu.memory_space<hbm>> -> memref<1x1024xi32, #tpu.memory_space<hbm>>
      %dma_start3A_21 = tpu.memref_squeeze %dma_start3A_20 : memref<1x1024xi32, #tpu.memory_space<hbm>> -> memref<1024xi32, #tpu.memory_space<hbm>>
      %dma_start3A_22 = arith.constant 0 : i32
      %dma_start3A_23 = tpu.memref_slice %arg5[%add3A, %dma_start3A_22] : memref<32x1024xi32, #tpu.memory_space<hbm>> -> memref<1x1024xi32, #tpu.memory_space<hbm>>
      %dma_start3A_24 = tpu.memref_squeeze %dma_start3A_23 : memref<1x1024xi32, #tpu.memory_space<hbm>> -> memref<1024xi32, #tpu.memory_space<hbm>>
      tpu.enqueue_dma source(%arg7 : memref<1024xi32, #tpu.memory_space<vmem>>) target(%dma_start3A_24 : memref<1024xi32, #tpu.memory_space<hbm>>) target_semaphore(%run_scoped3A : memref<!tpu.dma_semaphore, #tpu.memory_space<semaphore_mem>>)
      %dma_wait3A = arith.constant 0 : i32
      %dma_wait3A_25 = tpu.memref_slice %arg5[%add3A, %dma_wait3A] : memref<32x1024xi32, #tpu.memory_space<hbm>> -> memref<1x1024xi32, #tpu.memory_space<hbm>>
      %dma_wait3A_26 = tpu.memref_squeeze %dma_wait3A_25 : memref<1x1024xi32, #tpu.memory_space<hbm>> -> memref<1024xi32, #tpu.memory_space<hbm>>
      %dma_wait3A_27 = arith.constant 0 : i32
      %dma_wait3A_28 = tpu.memref_slice %arg5[%add3A, %dma_wait3A_27] : memref<32x1024xi32, #tpu.memory_space<hbm>> -> memref<1x1024xi32, #tpu.memory_space<hbm>>
      %dma_wait3A_29 = tpu.memref_squeeze %dma_wait3A_28 : memref<1x1024xi32, #tpu.memory_space<hbm>> -> memref<1024xi32, #tpu.memory_space<hbm>>
      tpu.wait_dma2 semaphore(%run_scoped3A : memref<!tpu.dma_semaphore, #tpu.memory_space<semaphore_mem>>) src(%arg7 : memref<1024xi32, #tpu.memory_space<vmem>>) dst(%dma_wait3A_29 : memref<1024xi32, #tpu.memory_space<hbm>>)
      tpu.yield
    }) : () -> ()
    return
  }
}

#map = affine_map<(d0, d1) -> (0)>
#map1 = affine_map<(d0, d1) -> (0, 0)>
module attributes {stable_mosaic.version = 14 : i64} {
  func.func @body(%arg0: i32, %arg1: i32, %arg2: memref<1048576xf32, #tpu.memory_space<hbm>>, %arg3: memref<1048576xi32, #tpu.memory_space<hbm>>, %arg4: memref<32x2048xi32, #tpu.memory_space<hbm>>, %arg5: memref<524288xi32, #tpu.memory_space<hbm>>, %arg6: memref<524288xi32, #tpu.memory_space<hbm>>, %arg7: memref<2048xi32, #tpu.memory_space<vmem>>, %arg8: memref<2048xi32, #tpu.memory_space<vmem>>, %arg9: memref<2048xi32, #tpu.memory_space<vmem>>, %arg10: memref<2048xi32, #tpu.memory_space<vmem>>) attributes {dimension_semantics = [#tpu.dimension_semantics<core_parallel>, #tpu.dimension_semantics<subcore_parallel>], iteration_bounds = array<i64: 2, 16>, scalar_prefetch = 0 : i64, scratch_operands = 4 : i64, tpu.core_type = #tpu.core_type<sc_vector_subcore>, window_params = [{transform_indices = #map}, {transform_indices = #map}, {transform_indices = #map1}, {transform_indices = #map}, {transform_indices = #map}]} {
    %mul3A = arith.constant 2 : i32
    %mul3A_0 = arith.muli %arg1, %mul3A : i32
    %add3A = arith.addi %mul3A_0, %arg0 : i32
    %scan3A = arith.constant 0 : i32
    %scan3A_1 = arith.constant 128 : i32
    %scan3A_2 = arith.addi %scan3A, %scan3A_1 : i32
    %scan3A_3 = arith.constant 1 : i32
    scf.for %scan3A_20 = %scan3A to %scan3A_2 step %scan3A_3  : i32 {
      %mul3A_21 = arith.constant 16 : i32
      %mul3A_22 = arith.muli %scan3A_20, %mul3A_21 : i32
      %add3A_23 = arith.constant 0 : i32
      %add3A_24 = arith.addi %add3A_23, %mul3A_22 : i32
      %broadcast_in_dim3A_25 = arith.constant 0 : i32
      %broadcast_in_dim3A_26 = vector.broadcast %broadcast_in_dim3A_25 : i32 to vector<16xi32>
      %swap3A = arith.index_cast %add3A_24 : i32 to index
      %swap3A_27 = tpu.vector_load %arg7[%swap3A] {strides = array<i32>} : memref<2048xi32, #tpu.memory_space<vmem>>, vector<16xi32>,
      tpu.vector_store %arg7[%swap3A], %broadcast_in_dim3A_26 {strides = array<i32>} : memref<2048xi32, #tpu.memory_space<vmem>>, vector<16xi32>,
      %broadcast_in_dim3A_28 = arith.constant 0 : i32
      %broadcast_in_dim3A_29 = vector.broadcast %broadcast_in_dim3A_28 : i32 to vector<16xi32>
      %swap3A_30 = arith.index_cast %add3A_24 : i32 to index
      %swap3A_31 = tpu.vector_load %arg8[%swap3A_30] {strides = array<i32>} : memref<2048xi32, #tpu.memory_space<vmem>>, vector<16xi32>,
      tpu.vector_store %arg8[%swap3A_30], %broadcast_in_dim3A_29 {strides = array<i32>} : memref<2048xi32, #tpu.memory_space<vmem>>, vector<16xi32>,
      %broadcast_in_dim3A_32 = arith.constant 0 : i32
      %broadcast_in_dim3A_33 = vector.broadcast %broadcast_in_dim3A_32 : i32 to vector<16xi32>
      %swap3A_34 = arith.index_cast %add3A_24 : i32 to index
      %swap3A_35 = tpu.vector_load %arg9[%swap3A_34] {strides = array<i32>} : memref<2048xi32, #tpu.memory_space<vmem>>, vector<16xi32>,
      tpu.vector_store %arg9[%swap3A_34], %broadcast_in_dim3A_33 {strides = array<i32>} : memref<2048xi32, #tpu.memory_space<vmem>>, vector<16xi32>,
      %broadcast_in_dim3A_36 = arith.constant 0 : i32
      %broadcast_in_dim3A_37 = vector.broadcast %broadcast_in_dim3A_36 : i32 to vector<16xi32>
      %swap3A_38 = arith.index_cast %add3A_24 : i32 to index
      %swap3A_39 = tpu.vector_load %arg10[%swap3A_38] {strides = array<i32>} : memref<2048xi32, #tpu.memory_space<vmem>>, vector<16xi32>,
      tpu.vector_store %arg10[%swap3A_38], %broadcast_in_dim3A_37 {strides = array<i32>} : memref<2048xi32, #tpu.memory_space<vmem>>, vector<16xi32>,
    }
    %scan3A_4 = arith.constant 128 : i32
    %broadcast_in_dim3A = arith.constant 1 : i32
    %broadcast_in_dim3A_5 = vector.broadcast %broadcast_in_dim3A : i32 to vector<16xi32>
    %mul3A_6 = arith.constant 1 : i32
    %mul3A_7 = arith.muli %arg1, %mul3A_6 : i32
    %add3A_8 = arith.constant 0 : i32
    %add3A_9 = arith.addi %add3A_8, %mul3A_7 : i32
    %mul3A_10 = arith.constant 16 : i32
    %mul3A_11 = arith.muli %arg0, %mul3A_10 : i32
    %add3A_12 = arith.addi %add3A_9, %mul3A_11 : i32
    %mul3A_13 = arith.constant 4 : i32
    %mul3A_14 = arith.muli %add3A_12, %mul3A_13 : i32
    "tpu.region"() ({
      %run_scoped3A = memref.alloca() : memref<8192xf32, #tpu.memory_space<vmem>>
      %run_scoped3A_20 = tpu.sem_alloc : memref<2x!tpu.dma_semaphore, #tpu.memory_space<semaphore_mem>>
      %run_scoped3A_21 = memref.alloca() : memref<8192xf32, #tpu.memory_space<vmem>>
      %run_scoped3A_22 = tpu.sem_alloc : memref<2x!tpu.dma_semaphore, #tpu.memory_space<semaphore_mem>>
      %run_scoped3A_23 = memref.alloca() : memref<8192xi32, #tpu.memory_space<vmem>>
      %run_scoped3A_24 = tpu.sem_alloc : memref<2x!tpu.dma_semaphore, #tpu.memory_space<semaphore_mem>>
      %run_scoped3A_25 = memref.alloca() : memref<8192xi32, #tpu.memory_space<vmem>>
      %run_scoped3A_26 = tpu.sem_alloc : memref<2x!tpu.dma_semaphore, #tpu.memory_space<semaphore_mem>>
      %run_scoped3A_27 = memref.alloca() : memref<8192xi32, #tpu.memory_space<vmem>>
      %run_scoped3A_28 = tpu.sem_alloc : memref<2x!tpu.dma_semaphore, #tpu.memory_space<semaphore_mem>>
      %run_scoped3A_29 = memref.alloca() : memref<8192xi32, #tpu.memory_space<vmem>>
      %run_scoped3A_30 = tpu.sem_alloc : memref<2x!tpu.dma_semaphore, #tpu.memory_space<semaphore_mem>>
      %add3A_31 = arith.constant 0 : i32
      %add3A_32 = arith.addi %add3A_31, %mul3A_14 : i32
      %select_n3A = arith.constant true
      %select_n3A_33 = arith.constant 0 : i32
      %select_n3A_34 = arith.constant -1 : i32
      %select_n3A_35 = arith.select %select_n3A, %select_n3A_34, %select_n3A_33 : i32
      %eq3A = arith.constant -1 : i32
      %eq3A_36 = arith.cmpi eq, %select_n3A_35, %eq3A : i32
      %select_n3A_37 = arith.constant 3 : i32
      %select_n3A_38 = arith.select %eq3A_36, %select_n3A_37, %select_n3A_35 : i32
      %add3A_39 = arith.addi %select_n3A_38, %mul3A_14 : i32
      %select_n3A_40 = arith.constant true
      %select_n3A_41 = arith.constant 0 : i32
      %select_n3A_42 = arith.constant 1 : i32
      %select_n3A_43 = arith.select %select_n3A_40, %select_n3A_42, %select_n3A_41 : i32
      %eq3A_44 = arith.constant 4 : i32
      %eq3A_45 = arith.cmpi eq, %select_n3A_43, %eq3A_44 : i32
      %select_n3A_46 = arith.constant 0 : i32
      %select_n3A_47 = arith.select %eq3A_45, %select_n3A_46, %select_n3A_43 : i32
      %add3A_48 = arith.addi %select_n3A_47, %mul3A_14 : i32
      %add3A_49 = arith.constant 1 : i32
      %add3A_50 = arith.addi %select_n3A_47, %add3A_49 : i32
      %select_n3A_51 = arith.constant true
      %select_n3A_52 = arith.select %select_n3A_51, %add3A_50, %select_n3A_47 : i32
      %eq3A_53 = arith.constant 4 : i32
      %eq3A_54 = arith.cmpi eq, %select_n3A_52, %eq3A_53 : i32
      %select_n3A_55 = arith.constant 0 : i32
      %select_n3A_56 = arith.select %eq3A_54, %select_n3A_55, %select_n3A_52 : i32
      %add3A_57 = arith.addi %select_n3A_56, %mul3A_14 : i32
      "tpu.trace_start"() <{level = 10 : i32, message = "ep_initialize_0"}> : () -> ()
      %rem3A = arith.constant 0 : i32
      %rem3A_58 = arith.constant 2 : i32
      %rem3A_59 = arith.remui %rem3A, %rem3A_58 : i32
      %mul3A_60 = arith.constant 4096 : i32
      %mul3A_61 = arith.muli %mul3A_60, %add3A_32 : i32
      %mul3A_62 = arith.constant 4096 : i32
      %mul3A_63 = arith.muli %rem3A_59, %mul3A_62 : i32
      %add3A_64 = arith.constant 0 : i32
      %add3A_65 = arith.addi %mul3A_63, %add3A_64 : i32
      %dma_start3A = tpu.memref_slice %run_scoped3A[%add3A_65] : memref<8192xf32, #tpu.memory_space<vmem>> -> memref<4096xf32, #tpu.memory_space<vmem>>
      %dma_start3A_66 = tpu.memref_slice %arg2[%mul3A_61] : memref<1048576xf32, #tpu.memory_space<hbm>> -> memref<4096xf32, #tpu.memory_space<hbm>>
      %dma_start3A_67 = tpu.memref_slice %run_scoped3A_20[%rem3A_59] : memref<2x!tpu.dma_semaphore, #tpu.memory_space<semaphore_mem>> -> memref<1x!tpu.dma_semaphore, #tpu.memory_space<semaphore_mem>>
      %dma_start3A_68 = tpu.memref_squeeze %dma_start3A_67 : memref<1x!tpu.dma_semaphore, #tpu.memory_space<semaphore_mem>> -> memref<!tpu.dma_semaphore, #tpu.memory_space<semaphore_mem>>
      %dma_start3A_69 = tpu.memref_slice %run_scoped3A[%add3A_65] : memref<8192xf32, #tpu.memory_space<vmem>> -> memref<4096xf32, #tpu.memory_space<vmem>>
      %dma_start3A_70 = tpu.memref_slice %arg2[%mul3A_61] : memref<1048576xf32, #tpu.memory_space<hbm>> -> memref<4096xf32, #tpu.memory_space<hbm>>
      tpu.enqueue_dma source(%dma_start3A_70 : memref<4096xf32, #tpu.memory_space<hbm>>) target(%dma_start3A_69 : memref<4096xf32, #tpu.memory_space<vmem>>) target_semaphore(%dma_start3A_68 : memref<!tpu.dma_semaphore, #tpu.memory_space<semaphore_mem>>)
      %add3A_71 = arith.constant 0 : i32
      %add3A_72 = arith.constant 1 : i32
      %add3A_73 = arith.addi %add3A_71, %add3A_72 : i32
      %select_n3A_74 = arith.constant true
      %select_n3A_75 = arith.constant 0 : i32
      %select_n3A_76 = arith.select %select_n3A_74, %add3A_73, %select_n3A_75 : i32
      %rem3A_77 = arith.constant 0 : i32
      %rem3A_78 = arith.constant 2 : i32
      %rem3A_79 = arith.remui %rem3A_77, %rem3A_78 : i32
      %add3A_80 = arith.constant 128 : i32
      %add3A_81 = arith.addi %add3A_32, %add3A_80 : i32
      %mul3A_82 = arith.constant 4096 : i32
      %mul3A_83 = arith.muli %mul3A_82, %add3A_81 : i32
      %mul3A_84 = arith.constant 4096 : i32
      %mul3A_85 = arith.muli %rem3A_79, %mul3A_84 : i32
      %add3A_86 = arith.constant 0 : i32
      %add3A_87 = arith.addi %mul3A_85, %add3A_86 : i32
      %dma_start3A_88 = tpu.memref_slice %run_scoped3A_21[%add3A_87] : memref<8192xf32, #tpu.memory_space<vmem>> -> memref<4096xf32, #tpu.memory_space<vmem>>
      %dma_start3A_89 = tpu.memref_slice %arg2[%mul3A_83] : memref<1048576xf32, #tpu.memory_space<hbm>> -> memref<4096xf32, #tpu.memory_space<hbm>>
      %dma_start3A_90 = tpu.memref_slice %run_scoped3A_22[%rem3A_79] : memref<2x!tpu.dma_semaphore, #tpu.memory_space<semaphore_mem>> -> memref<1x!tpu.dma_semaphore, #tpu.memory_space<semaphore_mem>>
      %dma_start3A_91 = tpu.memref_squeeze %dma_start3A_90 : memref<1x!tpu.dma_semaphore, #tpu.memory_space<semaphore_mem>> -> memref<!tpu.dma_semaphore, #tpu.memory_space<semaphore_mem>>
      %dma_start3A_92 = tpu.memref_slice %run_scoped3A_21[%add3A_87] : memref<8192xf32, #tpu.memory_space<vmem>> -> memref<4096xf32, #tpu.memory_space<vmem>>
      %dma_start3A_93 = tpu.memref_slice %arg2[%mul3A_83] : memref<1048576xf32, #tpu.memory_space<hbm>> -> memref<4096xf32, #tpu.memory_space<hbm>>
      tpu.enqueue_dma source(%dma_start3A_93 : memref<4096xf32, #tpu.memory_space<hbm>>) target(%dma_start3A_92 : memref<4096xf32, #tpu.memory_space<vmem>>) target_semaphore(%dma_start3A_91 : memref<!tpu.dma_semaphore, #tpu.memory_space<semaphore_mem>>)
      %add3A_94 = arith.constant 0 : i32
      %add3A_95 = arith.constant 1 : i32
      %add3A_96 = arith.addi %add3A_94, %add3A_95 : i32
      %select_n3A_97 = arith.constant true
      %select_n3A_98 = arith.constant 0 : i32
      %select_n3A_99 = arith.select %select_n3A_97, %add3A_96, %select_n3A_98 : i32
      %rem3A_100 = arith.constant 0 : i32
      %rem3A_101 = arith.constant 2 : i32
      %rem3A_102 = arith.remui %rem3A_100, %rem3A_101 : i32
      %mul3A_103 = arith.constant 4096 : i32
      %mul3A_104 = arith.muli %mul3A_103, %add3A_32 : i32
      %mul3A_105 = arith.constant 4096 : i32
      %mul3A_106 = arith.muli %rem3A_102, %mul3A_105 : i32
      %add3A_107 = arith.constant 0 : i32
      %add3A_108 = arith.addi %mul3A_106, %add3A_107 : i32
      %dma_start3A_109 = tpu.memref_slice %run_scoped3A_23[%add3A_108] : memref<8192xi32, #tpu.memory_space<vmem>> -> memref<4096xi32, #tpu.memory_space<vmem>>
      %dma_start3A_110 = tpu.memref_slice %arg3[%mul3A_104] : memref<1048576xi32, #tpu.memory_space<hbm>> -> memref<4096xi32, #tpu.memory_space<hbm>>
      %dma_start3A_111 = tpu.memref_slice %run_scoped3A_24[%rem3A_102] : memref<2x!tpu.dma_semaphore, #tpu.memory_space<semaphore_mem>> -> memref<1x!tpu.dma_semaphore, #tpu.memory_space<semaphore_mem>>
      %dma_start3A_112 = tpu.memref_squeeze %dma_start3A_111 : memref<1x!tpu.dma_semaphore, #tpu.memory_space<semaphore_mem>> -> memref<!tpu.dma_semaphore, #tpu.memory_space<semaphore_mem>>
      %dma_start3A_113 = tpu.memref_slice %run_scoped3A_23[%add3A_108] : memref<8192xi32, #tpu.memory_space<vmem>> -> memref<4096xi32, #tpu.memory_space<vmem>>
      %dma_start3A_114 = tpu.memref_slice %arg3[%mul3A_104] : memref<1048576xi32, #tpu.memory_space<hbm>> -> memref<4096xi32, #tpu.memory_space<hbm>>
      tpu.enqueue_dma source(%dma_start3A_114 : memref<4096xi32, #tpu.memory_space<hbm>>) target(%dma_start3A_113 : memref<4096xi32, #tpu.memory_space<vmem>>) target_semaphore(%dma_start3A_112 : memref<!tpu.dma_semaphore, #tpu.memory_space<semaphore_mem>>)
      %add3A_115 = arith.constant 0 : i32
      %add3A_116 = arith.constant 1 : i32
      %add3A_117 = arith.addi %add3A_115, %add3A_116 : i32
      %select_n3A_118 = arith.constant true
      %select_n3A_119 = arith.constant 0 : i32
      %select_n3A_120 = arith.select %select_n3A_118, %add3A_117, %select_n3A_119 : i32
      %rem3A_121 = arith.constant 0 : i32
      %rem3A_122 = arith.constant 2 : i32
      %rem3A_123 = arith.remui %rem3A_121, %rem3A_122 : i32
      %add3A_124 = arith.constant 128 : i32
      %add3A_125 = arith.addi %add3A_32, %add3A_124 : i32
      %mul3A_126 = arith.constant 4096 : i32
      %mul3A_127 = arith.muli %mul3A_126, %add3A_125 : i32
      %mul3A_128 = arith.constant 4096 : i32
      %mul3A_129 = arith.muli %rem3A_123, %mul3A_128 : i32
      %add3A_130 = arith.constant 0 : i32
      %add3A_131 = arith.addi %mul3A_129, %add3A_130 : i32
      %dma_start3A_132 = tpu.memref_slice %run_scoped3A_25[%add3A_131] : memref<8192xi32, #tpu.memory_space<vmem>> -> memref<4096xi32, #tpu.memory_space<vmem>>
      %dma_start3A_133 = tpu.memref_slice %arg3[%mul3A_127] : memref<1048576xi32, #tpu.memory_space<hbm>> -> memref<4096xi32, #tpu.memory_space<hbm>>
      %dma_start3A_134 = tpu.memref_slice %run_scoped3A_26[%rem3A_123] : memref<2x!tpu.dma_semaphore, #tpu.memory_space<semaphore_mem>> -> memref<1x!tpu.dma_semaphore, #tpu.memory_space<semaphore_mem>>
      %dma_start3A_135 = tpu.memref_squeeze %dma_start3A_134 : memref<1x!tpu.dma_semaphore, #tpu.memory_space<semaphore_mem>> -> memref<!tpu.dma_semaphore, #tpu.memory_space<semaphore_mem>>
      %dma_start3A_136 = tpu.memref_slice %run_scoped3A_25[%add3A_131] : memref<8192xi32, #tpu.memory_space<vmem>> -> memref<4096xi32, #tpu.memory_space<vmem>>
      %dma_start3A_137 = tpu.memref_slice %arg3[%mul3A_127] : memref<1048576xi32, #tpu.memory_space<hbm>> -> memref<4096xi32, #tpu.memory_space<hbm>>
      tpu.enqueue_dma source(%dma_start3A_137 : memref<4096xi32, #tpu.memory_space<hbm>>) target(%dma_start3A_136 : memref<4096xi32, #tpu.memory_space<vmem>>) target_semaphore(%dma_start3A_135 : memref<!tpu.dma_semaphore, #tpu.memory_space<semaphore_mem>>)
      %add3A_138 = arith.constant 0 : i32
      %add3A_139 = arith.constant 1 : i32
      %add3A_140 = arith.addi %add3A_138, %add3A_139 : i32
      %select_n3A_141 = arith.constant true
      %select_n3A_142 = arith.constant 0 : i32
      %select_n3A_143 = arith.select %select_n3A_141, %add3A_140, %select_n3A_142 : i32
      "tpu.trace_stop"() : () -> ()
      %scan3A_144 = arith.constant 0 : i32
      %scan3A_145 = arith.constant 0 : i32
      %scan3A_146 = arith.constant 0 : i32
      %scan3A_147 = arith.constant 0 : i32
      %scan3A_148 = arith.constant 0 : i32
      %scan3A_149 = arith.constant 0 : i32
      %scan3A_150 = arith.constant 0 : i32
      %scan3A_151 = arith.constant 0 : i32
      %scan3A_152 = arith.constant 0 : i32
      %scan3A_153 = arith.constant 0 : i32
      %scan3A_154 = arith.constant 4 : i32
      %scan3A_155 = arith.addi %scan3A_153, %scan3A_154 : i32
      %scan3A_156 = arith.constant 1 : i32
      %scan3A_157:13 = scf.for %scan3A_221 = %scan3A_153 to %scan3A_155 step %scan3A_156 iter_args(%scan3A_222 = %select_n3A_76, %scan3A_223 = %scan3A_144, %scan3A_224 = %select_n3A_99, %scan3A_225 = %scan3A_145, %scan3A_226 = %select_n3A_120, %scan3A_227 = %scan3A_146, %scan3A_228 = %select_n3A_143, %scan3A_229 = %scan3A_147, %scan3A_230 = %scan3A_148, %scan3A_231 = %scan3A_149, %scan3A_232 = %scan3A_150, %scan3A_233 = %scan3A_151, %scan3A_234 = %scan3A_152) -> (i32, i32, i32, i32, i32, i32, i32, i32, i32, i32, i32, i32, i32)  : i32 {
        %eq3A_235 = arith.constant 0 : i32
        %eq3A_236 = arith.cmpi eq, %scan3A_221, %eq3A_235 : i32
        %eq3A_237 = arith.constant 3 : i32
        %eq3A_238 = arith.cmpi eq, %scan3A_221, %eq3A_237 : i32
        %add3A_239 = arith.addi %scan3A_234, %mul3A_14 : i32
        %sub3A_240 = arith.constant 1 : i32
        %sub3A_241 = arith.subi %scan3A_234, %sub3A_240 : i32
        %select_n3A_242 = arith.constant true
        %select_n3A_243 = arith.select %select_n3A_242, %sub3A_241, %scan3A_234 : i32
        %eq3A_244 = arith.constant -1 : i32
        %eq3A_245 = arith.cmpi eq, %select_n3A_243, %eq3A_244 : i32
        %select_n3A_246 = arith.constant 3 : i32
        %select_n3A_247 = arith.select %eq3A_245, %select_n3A_246, %select_n3A_243 : i32
        %add3A_248 = arith.addi %select_n3A_247, %mul3A_14 : i32
        %add3A_249 = arith.constant 1 : i32
        %add3A_250 = arith.addi %scan3A_234, %add3A_249 : i32
        %select_n3A_251 = arith.constant true
        %select_n3A_252 = arith.select %select_n3A_251, %add3A_250, %scan3A_234 : i32
        %eq3A_253 = arith.constant 4 : i32
        %eq3A_254 = arith.cmpi eq, %select_n3A_252, %eq3A_253 : i32
        %select_n3A_255 = arith.constant 0 : i32
        %select_n3A_256 = arith.select %eq3A_254, %select_n3A_255, %select_n3A_252 : i32
        %add3A_257 = arith.addi %select_n3A_256, %mul3A_14 : i32
        %add3A_258 = arith.constant 1 : i32
        %add3A_259 = arith.addi %select_n3A_256, %add3A_258 : i32
        %select_n3A_260 = arith.constant true
        %select_n3A_261 = arith.select %select_n3A_260, %add3A_259, %select_n3A_256 : i32
        %eq3A_262 = arith.constant 4 : i32
        %eq3A_263 = arith.cmpi eq, %select_n3A_261, %eq3A_262 : i32
        %select_n3A_264 = arith.constant 0 : i32
        %select_n3A_265 = arith.select %eq3A_263, %select_n3A_264, %select_n3A_261 : i32
        %add3A_266 = arith.addi %select_n3A_265, %mul3A_14 : i32
        %ne3A = arith.cmpi ne, %add3A_239, %add3A_257 : i32
        %or3A = arith.constant false
        %or3A_267 = arith.ori %or3A, %ne3A : i1
        %ge3A = arith.constant 3 : i32
        %ge3A_268 = arith.cmpi sge, %scan3A_221, %ge3A : i32
        %not3A = arith.constant true
        %not3A_269 = arith.xori %ge3A_268, %not3A : i1
        %and3A = arith.andi %or3A_267, %not3A_269 : i1
        %convert_element_type3A = arith.extui %and3A : i1 to i32
        %cond3A = arith.constant 0 : i32
        %cond3A_270 = arith.cmpi ne, %convert_element_type3A, %cond3A : i32
        scf.if %cond3A_270 {
          "tpu.trace_start"() <{level = 10 : i32, message = "ep_copy_in"}> : () -> ()
          %rem3A_619 = arith.constant 2 : i32
          %rem3A_620 = arith.remui %scan3A_222, %rem3A_619 : i32
          %mul3A_621 = arith.constant 4096 : i32
          %mul3A_622 = arith.muli %mul3A_621, %add3A_257 : i32
          %mul3A_623 = arith.constant 4096 : i32
          %mul3A_624 = arith.muli %rem3A_620, %mul3A_623 : i32
          %add3A_625 = arith.constant 0 : i32
          %add3A_626 = arith.addi %mul3A_624, %add3A_625 : i32
          %dma_start3A_627 = tpu.memref_slice %run_scoped3A[%add3A_626] : memref<8192xf32, #tpu.memory_space<vmem>> -> memref<4096xf32, #tpu.memory_space<vmem>>
          %dma_start3A_628 = tpu.memref_slice %arg2[%mul3A_622] : memref<1048576xf32, #tpu.memory_space<hbm>> -> memref<4096xf32, #tpu.memory_space<hbm>>
          %dma_start3A_629 = tpu.memref_slice %run_scoped3A_20[%rem3A_620] : memref<2x!tpu.dma_semaphore, #tpu.memory_space<semaphore_mem>> -> memref<1x!tpu.dma_semaphore, #tpu.memory_space<semaphore_mem>>
          %dma_start3A_630 = tpu.memref_squeeze %dma_start3A_629 : memref<1x!tpu.dma_semaphore, #tpu.memory_space<semaphore_mem>> -> memref<!tpu.dma_semaphore, #tpu.memory_space<semaphore_mem>>
          %dma_start3A_631 = tpu.memref_slice %run_scoped3A[%add3A_626] : memref<8192xf32, #tpu.memory_space<vmem>> -> memref<4096xf32, #tpu.memory_space<vmem>>
          %dma_start3A_632 = tpu.memref_slice %arg2[%mul3A_622] : memref<1048576xf32, #tpu.memory_space<hbm>> -> memref<4096xf32, #tpu.memory_space<hbm>>
          tpu.enqueue_dma source(%dma_start3A_632 : memref<4096xf32, #tpu.memory_space<hbm>>) target(%dma_start3A_631 : memref<4096xf32, #tpu.memory_space<vmem>>) target_semaphore(%dma_start3A_630 : memref<!tpu.dma_semaphore, #tpu.memory_space<semaphore_mem>>)
          "tpu.trace_stop"() : () -> ()
        } else {
        }
        %and3A_271 = arith.constant true
        %and3A_272 = arith.andi %and3A, %and3A_271 : i1
        %add3A_273 = arith.constant 1 : i32
        %add3A_274 = arith.addi %scan3A_222, %add3A_273 : i32
        %select_n3A_275 = arith.select %and3A_272, %add3A_274, %scan3A_222 : i32
        %add3A_276 = arith.constant 128 : i32
        %add3A_277 = arith.addi %add3A_239, %add3A_276 : i32
        %add3A_278 = arith.constant 128 : i32
        %add3A_279 = arith.addi %add3A_257, %add3A_278 : i32
        %ne3A_280 = arith.cmpi ne, %add3A_277, %add3A_279 : i32
        %or3A_281 = arith.constant false
        %or3A_282 = arith.ori %or3A_281, %ne3A_280 : i1
        %ge3A_283 = arith.constant 3 : i32
        %ge3A_284 = arith.cmpi sge, %scan3A_221, %ge3A_283 : i32
        %not3A_285 = arith.constant true
        %not3A_286 = arith.xori %ge3A_284, %not3A_285 : i1
        %and3A_287 = arith.andi %or3A_282, %not3A_286 : i1
        %convert_element_type3A_288 = arith.extui %and3A_287 : i1 to i32
        %cond3A_289 = arith.constant 0 : i32
        %cond3A_290 = arith.cmpi ne, %convert_element_type3A_288, %cond3A_289 : i32
        scf.if %cond3A_290 {
          "tpu.trace_start"() <{level = 10 : i32, message = "ep_copy_in"}> : () -> ()
          %rem3A_619 = arith.constant 2 : i32
          %rem3A_620 = arith.remui %scan3A_224, %rem3A_619 : i32
          %add3A_621 = arith.constant 128 : i32
          %add3A_622 = arith.addi %add3A_257, %add3A_621 : i32
          %mul3A_623 = arith.constant 4096 : i32
          %mul3A_624 = arith.muli %mul3A_623, %add3A_622 : i32
          %mul3A_625 = arith.constant 4096 : i32
          %mul3A_626 = arith.muli %rem3A_620, %mul3A_625 : i32
          %add3A_627 = arith.constant 0 : i32
          %add3A_628 = arith.addi %mul3A_626, %add3A_627 : i32
          %dma_start3A_629 = tpu.memref_slice %run_scoped3A_21[%add3A_628] : memref<8192xf32, #tpu.memory_space<vmem>> -> memref<4096xf32, #tpu.memory_space<vmem>>
          %dma_start3A_630 = tpu.memref_slice %arg2[%mul3A_624] : memref<1048576xf32, #tpu.memory_space<hbm>> -> memref<4096xf32, #tpu.memory_space<hbm>>
          %dma_start3A_631 = tpu.memref_slice %run_scoped3A_22[%rem3A_620] : memref<2x!tpu.dma_semaphore, #tpu.memory_space<semaphore_mem>> -> memref<1x!tpu.dma_semaphore, #tpu.memory_space<semaphore_mem>>
          %dma_start3A_632 = tpu.memref_squeeze %dma_start3A_631 : memref<1x!tpu.dma_semaphore, #tpu.memory_space<semaphore_mem>> -> memref<!tpu.dma_semaphore, #tpu.memory_space<semaphore_mem>>
          %dma_start3A_633 = tpu.memref_slice %run_scoped3A_21[%add3A_628] : memref<8192xf32, #tpu.memory_space<vmem>> -> memref<4096xf32, #tpu.memory_space<vmem>>
          %dma_start3A_634 = tpu.memref_slice %arg2[%mul3A_624] : memref<1048576xf32, #tpu.memory_space<hbm>> -> memref<4096xf32, #tpu.memory_space<hbm>>
          tpu.enqueue_dma source(%dma_start3A_634 : memref<4096xf32, #tpu.memory_space<hbm>>) target(%dma_start3A_633 : memref<4096xf32, #tpu.memory_space<vmem>>) target_semaphore(%dma_start3A_632 : memref<!tpu.dma_semaphore, #tpu.memory_space<semaphore_mem>>)
          "tpu.trace_stop"() : () -> ()
        } else {
        }
        %and3A_291 = arith.constant true
        %and3A_292 = arith.andi %and3A_287, %and3A_291 : i1
        %add3A_293 = arith.constant 1 : i32
        %add3A_294 = arith.addi %scan3A_224, %add3A_293 : i32
        %select_n3A_295 = arith.select %and3A_292, %add3A_294, %scan3A_224 : i32
        %ne3A_296 = arith.cmpi ne, %add3A_239, %add3A_257 : i32
        %or3A_297 = arith.constant false
        %or3A_298 = arith.ori %or3A_297, %ne3A_296 : i1
        %ge3A_299 = arith.constant 3 : i32
        %ge3A_300 = arith.cmpi sge, %scan3A_221, %ge3A_299 : i32
        %not3A_301 = arith.constant true
        %not3A_302 = arith.xori %ge3A_300, %not3A_301 : i1
        %and3A_303 = arith.andi %or3A_298, %not3A_302 : i1
        %convert_element_type3A_304 = arith.extui %and3A_303 : i1 to i32
        %cond3A_305 = arith.constant 0 : i32
        %cond3A_306 = arith.cmpi ne, %convert_element_type3A_304, %cond3A_305 : i32
        scf.if %cond3A_306 {
          "tpu.trace_start"() <{level = 10 : i32, message = "ep_copy_in"}> : () -> ()
          %rem3A_619 = arith.constant 2 : i32
          %rem3A_620 = arith.remui %scan3A_226, %rem3A_619 : i32
          %mul3A_621 = arith.constant 4096 : i32
          %mul3A_622 = arith.muli %mul3A_621, %add3A_257 : i32
          %mul3A_623 = arith.constant 4096 : i32
          %mul3A_624 = arith.muli %rem3A_620, %mul3A_623 : i32
          %add3A_625 = arith.constant 0 : i32
          %add3A_626 = arith.addi %mul3A_624, %add3A_625 : i32
          %dma_start3A_627 = tpu.memref_slice %run_scoped3A_23[%add3A_626] : memref<8192xi32, #tpu.memory_space<vmem>> -> memref<4096xi32, #tpu.memory_space<vmem>>
          %dma_start3A_628 = tpu.memref_slice %arg3[%mul3A_622] : memref<1048576xi32, #tpu.memory_space<hbm>> -> memref<4096xi32, #tpu.memory_space<hbm>>
          %dma_start3A_629 = tpu.memref_slice %run_scoped3A_24[%rem3A_620] : memref<2x!tpu.dma_semaphore, #tpu.memory_space<semaphore_mem>> -> memref<1x!tpu.dma_semaphore, #tpu.memory_space<semaphore_mem>>
          %dma_start3A_630 = tpu.memref_squeeze %dma_start3A_629 : memref<1x!tpu.dma_semaphore, #tpu.memory_space<semaphore_mem>> -> memref<!tpu.dma_semaphore, #tpu.memory_space<semaphore_mem>>
          %dma_start3A_631 = tpu.memref_slice %run_scoped3A_23[%add3A_626] : memref<8192xi32, #tpu.memory_space<vmem>> -> memref<4096xi32, #tpu.memory_space<vmem>>
          %dma_start3A_632 = tpu.memref_slice %arg3[%mul3A_622] : memref<1048576xi32, #tpu.memory_space<hbm>> -> memref<4096xi32, #tpu.memory_space<hbm>>
          tpu.enqueue_dma source(%dma_start3A_632 : memref<4096xi32, #tpu.memory_space<hbm>>) target(%dma_start3A_631 : memref<4096xi32, #tpu.memory_space<vmem>>) target_semaphore(%dma_start3A_630 : memref<!tpu.dma_semaphore, #tpu.memory_space<semaphore_mem>>)
          "tpu.trace_stop"() : () -> ()
        } else {
        }
        %and3A_307 = arith.constant true
        %and3A_308 = arith.andi %and3A_303, %and3A_307 : i1
        %add3A_309 = arith.constant 1 : i32
        %add3A_310 = arith.addi %scan3A_226, %add3A_309 : i32
        %select_n3A_311 = arith.select %and3A_308, %add3A_310, %scan3A_226 : i32
        %add3A_312 = arith.constant 128 : i32
        %add3A_313 = arith.addi %add3A_239, %add3A_312 : i32
        %add3A_314 = arith.constant 128 : i32
        %add3A_315 = arith.addi %add3A_257, %add3A_314 : i32
        %ne3A_316 = arith.cmpi ne, %add3A_313, %add3A_315 : i32
        %or3A_317 = arith.constant false
        %or3A_318 = arith.ori %or3A_317, %ne3A_316 : i1
        %ge3A_319 = arith.constant 3 : i32
        %ge3A_320 = arith.cmpi sge, %scan3A_221, %ge3A_319 : i32
        %not3A_321 = arith.constant true
        %not3A_322 = arith.xori %ge3A_320, %not3A_321 : i1
        %and3A_323 = arith.andi %or3A_318, %not3A_322 : i1
        %convert_element_type3A_324 = arith.extui %and3A_323 : i1 to i32
        %cond3A_325 = arith.constant 0 : i32
        %cond3A_326 = arith.cmpi ne, %convert_element_type3A_324, %cond3A_325 : i32
        scf.if %cond3A_326 {
          "tpu.trace_start"() <{level = 10 : i32, message = "ep_copy_in"}> : () -> ()
          %rem3A_619 = arith.constant 2 : i32
          %rem3A_620 = arith.remui %scan3A_228, %rem3A_619 : i32
          %add3A_621 = arith.constant 128 : i32
          %add3A_622 = arith.addi %add3A_257, %add3A_621 : i32
          %mul3A_623 = arith.constant 4096 : i32
          %mul3A_624 = arith.muli %mul3A_623, %add3A_622 : i32
          %mul3A_625 = arith.constant 4096 : i32
          %mul3A_626 = arith.muli %rem3A_620, %mul3A_625 : i32
          %add3A_627 = arith.constant 0 : i32
          %add3A_628 = arith.addi %mul3A_626, %add3A_627 : i32
          %dma_start3A_629 = tpu.memref_slice %run_scoped3A_25[%add3A_628] : memref<8192xi32, #tpu.memory_space<vmem>> -> memref<4096xi32, #tpu.memory_space<vmem>>
          %dma_start3A_630 = tpu.memref_slice %arg3[%mul3A_624] : memref<1048576xi32, #tpu.memory_space<hbm>> -> memref<4096xi32, #tpu.memory_space<hbm>>
          %dma_start3A_631 = tpu.memref_slice %run_scoped3A_26[%rem3A_620] : memref<2x!tpu.dma_semaphore, #tpu.memory_space<semaphore_mem>> -> memref<1x!tpu.dma_semaphore, #tpu.memory_space<semaphore_mem>>
          %dma_start3A_632 = tpu.memref_squeeze %dma_start3A_631 : memref<1x!tpu.dma_semaphore, #tpu.memory_space<semaphore_mem>> -> memref<!tpu.dma_semaphore, #tpu.memory_space<semaphore_mem>>
          %dma_start3A_633 = tpu.memref_slice %run_scoped3A_25[%add3A_628] : memref<8192xi32, #tpu.memory_space<vmem>> -> memref<4096xi32, #tpu.memory_space<vmem>>
          %dma_start3A_634 = tpu.memref_slice %arg3[%mul3A_624] : memref<1048576xi32, #tpu.memory_space<hbm>> -> memref<4096xi32, #tpu.memory_space<hbm>>
          tpu.enqueue_dma source(%dma_start3A_634 : memref<4096xi32, #tpu.memory_space<hbm>>) target(%dma_start3A_633 : memref<4096xi32, #tpu.memory_space<vmem>>) target_semaphore(%dma_start3A_632 : memref<!tpu.dma_semaphore, #tpu.memory_space<semaphore_mem>>)
          "tpu.trace_stop"() : () -> ()
        } else {
        }
        %and3A_327 = arith.constant true
        %and3A_328 = arith.andi %and3A_323, %and3A_327 : i1
        %add3A_329 = arith.constant 1 : i32
        %add3A_330 = arith.addi %scan3A_228, %add3A_329 : i32
        %select_n3A_331 = arith.select %and3A_328, %add3A_330, %scan3A_228 : i32
        %ne3A_332 = arith.cmpi ne, %add3A_239, %add3A_257 : i32
        %or3A_333 = arith.constant false
        %or3A_334 = arith.ori %or3A_333, %ne3A_332 : i1
        %ge3A_335 = arith.constant 3 : i32
        %ge3A_336 = arith.cmpi sge, %scan3A_221, %ge3A_335 : i32
        %not3A_337 = arith.constant true
        %not3A_338 = arith.xori %ge3A_336, %not3A_337 : i1
        %and3A_339 = arith.andi %or3A_334, %not3A_338 : i1
        %ne3A_340 = arith.cmpi ne, %add3A_239, %add3A_257 : i32
        %or3A_341 = arith.constant false
        %or3A_342 = arith.ori %or3A_341, %ne3A_340 : i1
        %ge3A_343 = arith.constant 3 : i32
        %ge3A_344 = arith.cmpi sge, %scan3A_221, %ge3A_343 : i32
        %not3A_345 = arith.constant true
        %not3A_346 = arith.xori %ge3A_344, %not3A_345 : i1
        %and3A_347 = arith.andi %or3A_342, %not3A_346 : i1
        %ne3A_348 = arith.cmpi ne, %add3A_239, %add3A_248 : i32
        %or3A_349 = arith.constant false
        %or3A_350 = arith.ori %or3A_349, %ne3A_348 : i1
        %or3A_351 = arith.ori %or3A_350, %eq3A_236 : i1
        %convert_element_type3A_352 = arith.extui %or3A_351 : i1 to i32
        %cond3A_353 = arith.constant 0 : i32
        %cond3A_354 = arith.cmpi ne, %convert_element_type3A_352, %cond3A_353 : i32
        scf.if %cond3A_354 {
          "tpu.trace_start"() <{level = 10 : i32, message = "ep_wait_in"}> : () -> ()
          %mul3A_619 = arith.constant 4096 : i32
          %mul3A_620 = arith.muli %mul3A_619, %add3A_239 : i32
          %rem3A_621 = arith.constant 2 : i32
          %rem3A_622 = arith.remui %scan3A_223, %rem3A_621 : i32
          %mul3A_623 = arith.constant 4096 : i32
          %mul3A_624 = arith.muli %rem3A_622, %mul3A_623 : i32
          %add3A_625 = arith.constant 0 : i32
          %add3A_626 = arith.addi %mul3A_624, %add3A_625 : i32
          %dma_wait3A_627 = tpu.memref_slice %run_scoped3A[%add3A_626] : memref<8192xf32, #tpu.memory_space<vmem>> -> memref<4096xf32, #tpu.memory_space<vmem>>
          %dma_wait3A_628 = tpu.memref_slice %arg2[%mul3A_620] : memref<1048576xf32, #tpu.memory_space<hbm>> -> memref<4096xf32, #tpu.memory_space<hbm>>
          %dma_wait3A_629 = tpu.memref_slice %run_scoped3A_20[%rem3A_622] : memref<2x!tpu.dma_semaphore, #tpu.memory_space<semaphore_mem>> -> memref<1x!tpu.dma_semaphore, #tpu.memory_space<semaphore_mem>>
          %dma_wait3A_630 = tpu.memref_squeeze %dma_wait3A_629 : memref<1x!tpu.dma_semaphore, #tpu.memory_space<semaphore_mem>> -> memref<!tpu.dma_semaphore, #tpu.memory_space<semaphore_mem>>
          %dma_wait3A_631 = tpu.memref_slice %run_scoped3A[%add3A_626] : memref<8192xf32, #tpu.memory_space<vmem>> -> memref<4096xf32, #tpu.memory_space<vmem>>
          %dma_wait3A_632 = tpu.memref_slice %arg2[%mul3A_620] : memref<1048576xf32, #tpu.memory_space<hbm>> -> memref<4096xf32, #tpu.memory_space<hbm>>
          tpu.wait_dma2 semaphore(%dma_wait3A_630 : memref<!tpu.dma_semaphore, #tpu.memory_space<semaphore_mem>>) src(%dma_wait3A_632 : memref<4096xf32, #tpu.memory_space<hbm>>) dst(%dma_wait3A_631 : memref<4096xf32, #tpu.memory_space<vmem>>)
          "tpu.trace_stop"() : () -> ()
        } else {
        }
        %add3A_355 = arith.constant 128 : i32
        %add3A_356 = arith.addi %add3A_239, %add3A_355 : i32
        %add3A_357 = arith.constant 128 : i32
        %add3A_358 = arith.addi %add3A_248, %add3A_357 : i32
        %ne3A_359 = arith.cmpi ne, %add3A_356, %add3A_358 : i32
        %or3A_360 = arith.constant false
        %or3A_361 = arith.ori %or3A_360, %ne3A_359 : i1
        %or3A_362 = arith.ori %or3A_361, %eq3A_236 : i1
        %convert_element_type3A_363 = arith.extui %or3A_362 : i1 to i32
        %cond3A_364 = arith.constant 0 : i32
        %cond3A_365 = arith.cmpi ne, %convert_element_type3A_363, %cond3A_364 : i32
        scf.if %cond3A_365 {
          "tpu.trace_start"() <{level = 10 : i32, message = "ep_wait_in"}> : () -> ()
          %add3A_619 = arith.constant 128 : i32
          %add3A_620 = arith.addi %add3A_239, %add3A_619 : i32
          %mul3A_621 = arith.constant 4096 : i32
          %mul3A_622 = arith.muli %mul3A_621, %add3A_620 : i32
          %rem3A_623 = arith.constant 2 : i32
          %rem3A_624 = arith.remui %scan3A_225, %rem3A_623 : i32
          %mul3A_625 = arith.constant 4096 : i32
          %mul3A_626 = arith.muli %rem3A_624, %mul3A_625 : i32
          %add3A_627 = arith.constant 0 : i32
          %add3A_628 = arith.addi %mul3A_626, %add3A_627 : i32
          %dma_wait3A_629 = tpu.memref_slice %run_scoped3A_21[%add3A_628] : memref<8192xf32, #tpu.memory_space<vmem>> -> memref<4096xf32, #tpu.memory_space<vmem>>
          %dma_wait3A_630 = tpu.memref_slice %arg2[%mul3A_622] : memref<1048576xf32, #tpu.memory_space<hbm>> -> memref<4096xf32, #tpu.memory_space<hbm>>
          %dma_wait3A_631 = tpu.memref_slice %run_scoped3A_22[%rem3A_624] : memref<2x!tpu.dma_semaphore, #tpu.memory_space<semaphore_mem>> -> memref<1x!tpu.dma_semaphore, #tpu.memory_space<semaphore_mem>>
          %dma_wait3A_632 = tpu.memref_squeeze %dma_wait3A_631 : memref<1x!tpu.dma_semaphore, #tpu.memory_space<semaphore_mem>> -> memref<!tpu.dma_semaphore, #tpu.memory_space<semaphore_mem>>
          %dma_wait3A_633 = tpu.memref_slice %run_scoped3A_21[%add3A_628] : memref<8192xf32, #tpu.memory_space<vmem>> -> memref<4096xf32, #tpu.memory_space<vmem>>
          %dma_wait3A_634 = tpu.memref_slice %arg2[%mul3A_622] : memref<1048576xf32, #tpu.memory_space<hbm>> -> memref<4096xf32, #tpu.memory_space<hbm>>
          tpu.wait_dma2 semaphore(%dma_wait3A_632 : memref<!tpu.dma_semaphore, #tpu.memory_space<semaphore_mem>>) src(%dma_wait3A_634 : memref<4096xf32, #tpu.memory_space<hbm>>) dst(%dma_wait3A_633 : memref<4096xf32, #tpu.memory_space<vmem>>)
          "tpu.trace_stop"() : () -> ()
        } else {
        }
        %ne3A_366 = arith.cmpi ne, %add3A_239, %add3A_248 : i32
        %or3A_367 = arith.constant false
        %or3A_368 = arith.ori %or3A_367, %ne3A_366 : i1
        %or3A_369 = arith.ori %or3A_368, %eq3A_236 : i1
        %convert_element_type3A_370 = arith.extui %or3A_369 : i1 to i32
        %cond3A_371 = arith.constant 0 : i32
        %cond3A_372 = arith.cmpi ne, %convert_element_type3A_370, %cond3A_371 : i32
        scf.if %cond3A_372 {
          "tpu.trace_start"() <{level = 10 : i32, message = "ep_wait_in"}> : () -> ()
          %mul3A_619 = arith.constant 4096 : i32
          %mul3A_620 = arith.muli %mul3A_619, %add3A_239 : i32
          %rem3A_621 = arith.constant 2 : i32
          %rem3A_622 = arith.remui %scan3A_227, %rem3A_621 : i32
          %mul3A_623 = arith.constant 4096 : i32
          %mul3A_624 = arith.muli %rem3A_622, %mul3A_623 : i32
          %add3A_625 = arith.constant 0 : i32
          %add3A_626 = arith.addi %mul3A_624, %add3A_625 : i32
          %dma_wait3A_627 = tpu.memref_slice %run_scoped3A_23[%add3A_626] : memref<8192xi32, #tpu.memory_space<vmem>> -> memref<4096xi32, #tpu.memory_space<vmem>>
          %dma_wait3A_628 = tpu.memref_slice %arg3[%mul3A_620] : memref<1048576xi32, #tpu.memory_space<hbm>> -> memref<4096xi32, #tpu.memory_space<hbm>>
          %dma_wait3A_629 = tpu.memref_slice %run_scoped3A_24[%rem3A_622] : memref<2x!tpu.dma_semaphore, #tpu.memory_space<semaphore_mem>> -> memref<1x!tpu.dma_semaphore, #tpu.memory_space<semaphore_mem>>
          %dma_wait3A_630 = tpu.memref_squeeze %dma_wait3A_629 : memref<1x!tpu.dma_semaphore, #tpu.memory_space<semaphore_mem>> -> memref<!tpu.dma_semaphore, #tpu.memory_space<semaphore_mem>>
          %dma_wait3A_631 = tpu.memref_slice %run_scoped3A_23[%add3A_626] : memref<8192xi32, #tpu.memory_space<vmem>> -> memref<4096xi32, #tpu.memory_space<vmem>>
          %dma_wait3A_632 = tpu.memref_slice %arg3[%mul3A_620] : memref<1048576xi32, #tpu.memory_space<hbm>> -> memref<4096xi32, #tpu.memory_space<hbm>>
          tpu.wait_dma2 semaphore(%dma_wait3A_630 : memref<!tpu.dma_semaphore, #tpu.memory_space<semaphore_mem>>) src(%dma_wait3A_632 : memref<4096xi32, #tpu.memory_space<hbm>>) dst(%dma_wait3A_631 : memref<4096xi32, #tpu.memory_space<vmem>>)
          "tpu.trace_stop"() : () -> ()
        } else {
        }
        %add3A_373 = arith.constant 128 : i32
        %add3A_374 = arith.addi %add3A_239, %add3A_373 : i32
        %add3A_375 = arith.constant 128 : i32
        %add3A_376 = arith.addi %add3A_248, %add3A_375 : i32
        %ne3A_377 = arith.cmpi ne, %add3A_374, %add3A_376 : i32
        %or3A_378 = arith.constant false
        %or3A_379 = arith.ori %or3A_378, %ne3A_377 : i1
        %or3A_380 = arith.ori %or3A_379, %eq3A_236 : i1
        %convert_element_type3A_381 = arith.extui %or3A_380 : i1 to i32
        %cond3A_382 = arith.constant 0 : i32
        %cond3A_383 = arith.cmpi ne, %convert_element_type3A_381, %cond3A_382 : i32
        scf.if %cond3A_383 {
          "tpu.trace_start"() <{level = 10 : i32, message = "ep_wait_in"}> : () -> ()
          %add3A_619 = arith.constant 128 : i32
          %add3A_620 = arith.addi %add3A_239, %add3A_619 : i32
          %mul3A_621 = arith.constant 4096 : i32
          %mul3A_622 = arith.muli %mul3A_621, %add3A_620 : i32
          %rem3A_623 = arith.constant 2 : i32
          %rem3A_624 = arith.remui %scan3A_229, %rem3A_623 : i32
          %mul3A_625 = arith.constant 4096 : i32
          %mul3A_626 = arith.muli %rem3A_624, %mul3A_625 : i32
          %add3A_627 = arith.constant 0 : i32
          %add3A_628 = arith.addi %mul3A_626, %add3A_627 : i32
          %dma_wait3A_629 = tpu.memref_slice %run_scoped3A_25[%add3A_628] : memref<8192xi32, #tpu.memory_space<vmem>> -> memref<4096xi32, #tpu.memory_space<vmem>>
          %dma_wait3A_630 = tpu.memref_slice %arg3[%mul3A_622] : memref<1048576xi32, #tpu.memory_space<hbm>> -> memref<4096xi32, #tpu.memory_space<hbm>>
          %dma_wait3A_631 = tpu.memref_slice %run_scoped3A_26[%rem3A_624] : memref<2x!tpu.dma_semaphore, #tpu.memory_space<semaphore_mem>> -> memref<1x!tpu.dma_semaphore, #tpu.memory_space<semaphore_mem>>
          %dma_wait3A_632 = tpu.memref_squeeze %dma_wait3A_631 : memref<1x!tpu.dma_semaphore, #tpu.memory_space<semaphore_mem>> -> memref<!tpu.dma_semaphore, #tpu.memory_space<semaphore_mem>>
          %dma_wait3A_633 = tpu.memref_slice %run_scoped3A_25[%add3A_628] : memref<8192xi32, #tpu.memory_space<vmem>> -> memref<4096xi32, #tpu.memory_space<vmem>>
          %dma_wait3A_634 = tpu.memref_slice %arg3[%mul3A_622] : memref<1048576xi32, #tpu.memory_space<hbm>> -> memref<4096xi32, #tpu.memory_space<hbm>>
          tpu.wait_dma2 semaphore(%dma_wait3A_632 : memref<!tpu.dma_semaphore, #tpu.memory_space<semaphore_mem>>) src(%dma_wait3A_634 : memref<4096xi32, #tpu.memory_space<hbm>>) dst(%dma_wait3A_633 : memref<4096xi32, #tpu.memory_space<vmem>>)
          "tpu.trace_stop"() : () -> ()
        } else {
        }
        %ne3A_384 = arith.cmpi ne, %add3A_239, %add3A_248 : i32
        %or3A_385 = arith.constant false
        %or3A_386 = arith.ori %or3A_385, %ne3A_384 : i1
        %or3A_387 = arith.ori %or3A_386, %eq3A_236 : i1
        %convert_element_type3A_388 = arith.extui %or3A_387 : i1 to i32
        %cond3A_389 = arith.constant 0 : i32
        %cond3A_390 = arith.cmpi ne, %convert_element_type3A_388, %cond3A_389 : i32
        scf.if %cond3A_390 {
        } else {
        }
        %ne3A_391 = arith.cmpi ne, %add3A_239, %add3A_248 : i32
        %or3A_392 = arith.constant false
        %or3A_393 = arith.ori %or3A_392, %ne3A_391 : i1
        %or3A_394 = arith.ori %or3A_393, %eq3A_236 : i1
        %convert_element_type3A_395 = arith.extui %or3A_394 : i1 to i32
        %cond3A_396 = arith.constant 0 : i32
        %cond3A_397 = arith.cmpi ne, %convert_element_type3A_395, %cond3A_396 : i32
        scf.if %cond3A_397 {
        } else {
        }
        %rem3A_398 = arith.constant 2 : i32
        %rem3A_399 = arith.remui %scan3A_223, %rem3A_398 : i32
        %mul3A_400 = arith.constant 4096 : i32
        %mul3A_401 = arith.muli %rem3A_399, %mul3A_400 : i32
        %rem3A_402 = arith.constant 2 : i32
        %rem3A_403 = arith.remui %scan3A_225, %rem3A_402 : i32
        %mul3A_404 = arith.constant 4096 : i32
        %mul3A_405 = arith.muli %rem3A_403, %mul3A_404 : i32
        %rem3A_406 = arith.constant 2 : i32
        %rem3A_407 = arith.remui %scan3A_227, %rem3A_406 : i32
        %mul3A_408 = arith.constant 4096 : i32
        %mul3A_409 = arith.muli %rem3A_407, %mul3A_408 : i32
        %rem3A_410 = arith.constant 2 : i32
        %rem3A_411 = arith.remui %scan3A_229, %rem3A_410 : i32
        %mul3A_412 = arith.constant 4096 : i32
        %mul3A_413 = arith.muli %rem3A_411, %mul3A_412 : i32
        %rem3A_414 = arith.constant 2 : i32
        %rem3A_415 = arith.remui %scan3A_230, %rem3A_414 : i32
        %mul3A_416 = arith.constant 4096 : i32
        %mul3A_417 = arith.muli %rem3A_415, %mul3A_416 : i32
        %rem3A_418 = arith.constant 2 : i32
        %rem3A_419 = arith.remui %scan3A_232, %rem3A_418 : i32
        %mul3A_420 = arith.constant 4096 : i32
        %mul3A_421 = arith.muli %rem3A_419, %mul3A_420 : i32
        "tpu.trace_start"() <{level = 10 : i32, message = "ep_run_kernel"}> : () -> ()
        %scan3A_422 = arith.constant 0 : i32
        %scan3A_423 = arith.constant 64 : i32
        %scan3A_424 = arith.addi %scan3A_422, %scan3A_423 : i32
        %scan3A_425 = arith.constant 1 : i32
        scf.for %scan3A_619 = %scan3A_422 to %scan3A_424 step %scan3A_425  : i32 {
          %mul3A_620 = arith.constant 64 : i32
          %mul3A_621 = arith.muli %scan3A_619, %mul3A_620 : i32
          %add3A_622 = arith.constant 0 : i32
          %add3A_623 = arith.addi %add3A_622, %mul3A_621 : i32
          %add3A_624 = arith.constant 0 : i32
          %add3A_625 = arith.addi %add3A_623, %add3A_624 : i32
          %get3A = tpu.memref_slice %run_scoped3A[%mul3A_401] : memref<8192xf32, #tpu.memory_space<vmem>> -> memref<4096xf32, #tpu.memory_space<vmem>>
          %get3A_626 = arith.index_cast %add3A_625 : i32 to index
          %get3A_627 = tpu.vector_load %get3A[%get3A_626] {strides = array<i32>} : memref<4096xf32, #tpu.memory_space<vmem>>, vector<16xf32>,
          %add3A_628 = arith.constant 16 : i32
          %add3A_629 = arith.addi %add3A_623, %add3A_628 : i32
          %get3A_630 = tpu.memref_slice %run_scoped3A[%mul3A_401] : memref<8192xf32, #tpu.memory_space<vmem>> -> memref<4096xf32, #tpu.memory_space<vmem>>
          %get3A_631 = arith.index_cast %add3A_629 : i32 to index
          %get3A_632 = tpu.vector_load %get3A_630[%get3A_631] {strides = array<i32>} : memref<4096xf32, #tpu.memory_space<vmem>>, vector<16xf32>,
          %add3A_633 = arith.constant 32 : i32
          %add3A_634 = arith.addi %add3A_623, %add3A_633 : i32
          %get3A_635 = tpu.memref_slice %run_scoped3A[%mul3A_401] : memref<8192xf32, #tpu.memory_space<vmem>> -> memref<4096xf32, #tpu.memory_space<vmem>>
          %get3A_636 = arith.index_cast %add3A_634 : i32 to index
          %get3A_637 = tpu.vector_load %get3A_635[%get3A_636] {strides = array<i32>} : memref<4096xf32, #tpu.memory_space<vmem>>, vector<16xf32>,
          %add3A_638 = arith.constant 48 : i32
          %add3A_639 = arith.addi %add3A_623, %add3A_638 : i32
          %get3A_640 = tpu.memref_slice %run_scoped3A[%mul3A_401] : memref<8192xf32, #tpu.memory_space<vmem>> -> memref<4096xf32, #tpu.memory_space<vmem>>
          %get3A_641 = arith.index_cast %add3A_639 : i32 to index
          %get3A_642 = tpu.vector_load %get3A_640[%get3A_641] {strides = array<i32>} : memref<4096xf32, #tpu.memory_space<vmem>>, vector<16xf32>,
          %add3A_643 = arith.constant 0 : i32
          %add3A_644 = arith.addi %add3A_623, %add3A_643 : i32
          %get3A_645 = tpu.memref_slice %run_scoped3A_21[%mul3A_405] : memref<8192xf32, #tpu.memory_space<vmem>> -> memref<4096xf32, #tpu.memory_space<vmem>>
          %get3A_646 = arith.index_cast %add3A_644 : i32 to index
          %get3A_647 = tpu.vector_load %get3A_645[%get3A_646] {strides = array<i32>} : memref<4096xf32, #tpu.memory_space<vmem>>, vector<16xf32>,
          %add3A_648 = arith.constant 16 : i32
          %add3A_649 = arith.addi %add3A_623, %add3A_648 : i32
          %get3A_650 = tpu.memref_slice %run_scoped3A_21[%mul3A_405] : memref<8192xf32, #tpu.memory_space<vmem>> -> memref<4096xf32, #tpu.memory_space<vmem>>
          %get3A_651 = arith.index_cast %add3A_649 : i32 to index
          %get3A_652 = tpu.vector_load %get3A_650[%get3A_651] {strides = array<i32>} : memref<4096xf32, #tpu.memory_space<vmem>>, vector<16xf32>,
          %add3A_653 = arith.constant 32 : i32
          %add3A_654 = arith.addi %add3A_623, %add3A_653 : i32
          %get3A_655 = tpu.memref_slice %run_scoped3A_21[%mul3A_405] : memref<8192xf32, #tpu.memory_space<vmem>> -> memref<4096xf32, #tpu.memory_space<vmem>>
          %get3A_656 = arith.index_cast %add3A_654 : i32 to index
          %get3A_657 = tpu.vector_load %get3A_655[%get3A_656] {strides = array<i32>} : memref<4096xf32, #tpu.memory_space<vmem>>, vector<16xf32>,
          %add3A_658 = arith.constant 48 : i32
          %add3A_659 = arith.addi %add3A_623, %add3A_658 : i32
          %get3A_660 = tpu.memref_slice %run_scoped3A_21[%mul3A_405] : memref<8192xf32, #tpu.memory_space<vmem>> -> memref<4096xf32, #tpu.memory_space<vmem>>
          %get3A_661 = arith.index_cast %add3A_659 : i32 to index
          %get3A_662 = tpu.vector_load %get3A_660[%get3A_661] {strides = array<i32>} : memref<4096xf32, #tpu.memory_space<vmem>>, vector<16xf32>,
          %add3A_663 = arith.constant 0 : i32
          %add3A_664 = arith.addi %add3A_623, %add3A_663 : i32
          %get3A_665 = tpu.memref_slice %run_scoped3A_23[%mul3A_409] : memref<8192xi32, #tpu.memory_space<vmem>> -> memref<4096xi32, #tpu.memory_space<vmem>>
          %get3A_666 = arith.index_cast %add3A_664 : i32 to index
          %get3A_667 = tpu.vector_load %get3A_665[%get3A_666] {strides = array<i32>} : memref<4096xi32, #tpu.memory_space<vmem>>, vector<16xi32>,
          %add3A_668 = arith.constant 16 : i32
          %add3A_669 = arith.addi %add3A_623, %add3A_668 : i32
          %get3A_670 = tpu.memref_slice %run_scoped3A_23[%mul3A_409] : memref<8192xi32, #tpu.memory_space<vmem>> -> memref<4096xi32, #tpu.memory_space<vmem>>
          %get3A_671 = arith.index_cast %add3A_669 : i32 to index
          %get3A_672 = tpu.vector_load %get3A_670[%get3A_671] {strides = array<i32>} : memref<4096xi32, #tpu.memory_space<vmem>>, vector<16xi32>,
          %add3A_673 = arith.constant 32 : i32
          %add3A_674 = arith.addi %add3A_623, %add3A_673 : i32
          %get3A_675 = tpu.memref_slice %run_scoped3A_23[%mul3A_409] : memref<8192xi32, #tpu.memory_space<vmem>> -> memref<4096xi32, #tpu.memory_space<vmem>>
          %get3A_676 = arith.index_cast %add3A_674 : i32 to index
          %get3A_677 = tpu.vector_load %get3A_675[%get3A_676] {strides = array<i32>} : memref<4096xi32, #tpu.memory_space<vmem>>, vector<16xi32>,
          %add3A_678 = arith.constant 48 : i32
          %add3A_679 = arith.addi %add3A_623, %add3A_678 : i32
          %get3A_680 = tpu.memref_slice %run_scoped3A_23[%mul3A_409] : memref<8192xi32, #tpu.memory_space<vmem>> -> memref<4096xi32, #tpu.memory_space<vmem>>
          %get3A_681 = arith.index_cast %add3A_679 : i32 to index
          %get3A_682 = tpu.vector_load %get3A_680[%get3A_681] {strides = array<i32>} : memref<4096xi32, #tpu.memory_space<vmem>>, vector<16xi32>,
          %add3A_683 = arith.constant 0 : i32
          %add3A_684 = arith.addi %add3A_623, %add3A_683 : i32
          %get3A_685 = tpu.memref_slice %run_scoped3A_25[%mul3A_413] : memref<8192xi32, #tpu.memory_space<vmem>> -> memref<4096xi32, #tpu.memory_space<vmem>>
          %get3A_686 = arith.index_cast %add3A_684 : i32 to index
          %get3A_687 = tpu.vector_load %get3A_685[%get3A_686] {strides = array<i32>} : memref<4096xi32, #tpu.memory_space<vmem>>, vector<16xi32>,
          %add3A_688 = arith.constant 16 : i32
          %add3A_689 = arith.addi %add3A_623, %add3A_688 : i32
          %get3A_690 = tpu.memref_slice %run_scoped3A_25[%mul3A_413] : memref<8192xi32, #tpu.memory_space<vmem>> -> memref<4096xi32, #tpu.memory_space<vmem>>
          %get3A_691 = arith.index_cast %add3A_689 : i32 to index
          %get3A_692 = tpu.vector_load %get3A_690[%get3A_691] {strides = array<i32>} : memref<4096xi32, #tpu.memory_space<vmem>>, vector<16xi32>,
          %add3A_693 = arith.constant 32 : i32
          %add3A_694 = arith.addi %add3A_623, %add3A_693 : i32
          %get3A_695 = tpu.memref_slice %run_scoped3A_25[%mul3A_413] : memref<8192xi32, #tpu.memory_space<vmem>> -> memref<4096xi32, #tpu.memory_space<vmem>>
          %get3A_696 = arith.index_cast %add3A_694 : i32 to index
          %get3A_697 = tpu.vector_load %get3A_695[%get3A_696] {strides = array<i32>} : memref<4096xi32, #tpu.memory_space<vmem>>, vector<16xi32>,
          %add3A_698 = arith.constant 48 : i32
          %add3A_699 = arith.addi %add3A_623, %add3A_698 : i32
          %get3A_700 = tpu.memref_slice %run_scoped3A_25[%mul3A_413] : memref<8192xi32, #tpu.memory_space<vmem>> -> memref<4096xi32, #tpu.memory_space<vmem>>
          %get3A_701 = arith.index_cast %add3A_699 : i32 to index
          %get3A_702 = tpu.vector_load %get3A_700[%get3A_701] {strides = array<i32>} : memref<4096xi32, #tpu.memory_space<vmem>>, vector<16xi32>,
          %bitcast3A = vector.bitcast %get3A_627 : vector<16xf32> to vector<16xi32>
          %shift_right_arithmetic3A = arith.constant 31 : i32
          %shift_right_arithmetic3A_703 = vector.broadcast %shift_right_arithmetic3A : i32 to vector<16xi32>
          %shift_right_arithmetic3A_704 = arith.shrsi %bitcast3A, %shift_right_arithmetic3A_703 : vector<16xi32>
          %or3A_705 = arith.constant -2147483648 : i32
          %or3A_706 = vector.broadcast %or3A_705 : i32 to vector<16xi32>
          %or3A_707 = arith.ori %shift_right_arithmetic3A_704, %or3A_706 : vector<16xi32>
          %bitcast3A_708 = vector.bitcast %or3A_707 : vector<16xi32> to vector<16xi32>
          %bitcast3A_709 = vector.bitcast %bitcast3A : vector<16xi32> to vector<16xi32>
          %xor3A = arith.xori %bitcast3A_709, %bitcast3A_708 : vector<16xi32>
          %eq3A_710 = arith.constant 0 : i32
          %eq3A_711 = vector.broadcast %eq3A_710 : i32 to vector<16xi32>
          %eq3A_712 = arith.cmpi eq, %get3A_667, %eq3A_711 : vector<16xi32>
          %shift_right_logical3A = arith.constant 21 : i32
          %shift_right_logical3A_713 = vector.broadcast %shift_right_logical3A : i32 to vector<16xi32>
          %shift_right_logical3A_714 = arith.shrui %xor3A, %shift_right_logical3A_713 : vector<16xi32>
          %jit3A = arith.constant -1 : i32
          %broadcast_in_dim3A_715 = vector.broadcast %jit3A : i32 to vector<16xi32>
          %select_n3A_716 = arith.select %eq3A_712, %xor3A, %broadcast_in_dim3A_715 : vector<16xi1>, vector<16xi32>
          %bitcast3A_717 = vector.bitcast %get3A_632 : vector<16xf32> to vector<16xi32>
          %shift_right_arithmetic3A_718 = arith.constant 31 : i32
          %shift_right_arithmetic3A_719 = vector.broadcast %shift_right_arithmetic3A_718 : i32 to vector<16xi32>
          %shift_right_arithmetic3A_720 = arith.shrsi %bitcast3A_717, %shift_right_arithmetic3A_719 : vector<16xi32>
          %or3A_721 = arith.constant -2147483648 : i32
          %or3A_722 = vector.broadcast %or3A_721 : i32 to vector<16xi32>
          %or3A_723 = arith.ori %shift_right_arithmetic3A_720, %or3A_722 : vector<16xi32>
          %bitcast3A_724 = vector.bitcast %or3A_723 : vector<16xi32> to vector<16xi32>
          %bitcast3A_725 = vector.bitcast %bitcast3A_717 : vector<16xi32> to vector<16xi32>
          %xor3A_726 = arith.xori %bitcast3A_725, %bitcast3A_724 : vector<16xi32>
          %eq3A_727 = arith.constant 0 : i32
          %eq3A_728 = vector.broadcast %eq3A_727 : i32 to vector<16xi32>
          %eq3A_729 = arith.cmpi eq, %get3A_672, %eq3A_728 : vector<16xi32>
          %shift_right_logical3A_730 = arith.constant 21 : i32
          %shift_right_logical3A_731 = vector.broadcast %shift_right_logical3A_730 : i32 to vector<16xi32>
          %shift_right_logical3A_732 = arith.shrui %xor3A_726, %shift_right_logical3A_731 : vector<16xi32>
          %jit3A_733 = arith.constant -1 : i32
          %broadcast_in_dim3A_734 = vector.broadcast %jit3A_733 : i32 to vector<16xi32>
          %select_n3A_735 = arith.select %eq3A_729, %xor3A_726, %broadcast_in_dim3A_734 : vector<16xi1>, vector<16xi32>
          %bitcast3A_736 = vector.bitcast %get3A_637 : vector<16xf32> to vector<16xi32>
          %shift_right_arithmetic3A_737 = arith.constant 31 : i32
          %shift_right_arithmetic3A_738 = vector.broadcast %shift_right_arithmetic3A_737 : i32 to vector<16xi32>
          %shift_right_arithmetic3A_739 = arith.shrsi %bitcast3A_736, %shift_right_arithmetic3A_738 : vector<16xi32>
          %or3A_740 = arith.constant -2147483648 : i32
          %or3A_741 = vector.broadcast %or3A_740 : i32 to vector<16xi32>
          %or3A_742 = arith.ori %shift_right_arithmetic3A_739, %or3A_741 : vector<16xi32>
          %bitcast3A_743 = vector.bitcast %or3A_742 : vector<16xi32> to vector<16xi32>
          %bitcast3A_744 = vector.bitcast %bitcast3A_736 : vector<16xi32> to vector<16xi32>
          %xor3A_745 = arith.xori %bitcast3A_744, %bitcast3A_743 : vector<16xi32>
          %eq3A_746 = arith.constant 0 : i32
          %eq3A_747 = vector.broadcast %eq3A_746 : i32 to vector<16xi32>
          %eq3A_748 = arith.cmpi eq, %get3A_677, %eq3A_747 : vector<16xi32>
          %shift_right_logical3A_749 = arith.constant 21 : i32
          %shift_right_logical3A_750 = vector.broadcast %shift_right_logical3A_749 : i32 to vector<16xi32>
          %shift_right_logical3A_751 = arith.shrui %xor3A_745, %shift_right_logical3A_750 : vector<16xi32>
          %jit3A_752 = arith.constant -1 : i32
          %broadcast_in_dim3A_753 = vector.broadcast %jit3A_752 : i32 to vector<16xi32>
          %select_n3A_754 = arith.select %eq3A_748, %xor3A_745, %broadcast_in_dim3A_753 : vector<16xi1>, vector<16xi32>
          %bitcast3A_755 = vector.bitcast %get3A_642 : vector<16xf32> to vector<16xi32>
          %shift_right_arithmetic3A_756 = arith.constant 31 : i32
          %shift_right_arithmetic3A_757 = vector.broadcast %shift_right_arithmetic3A_756 : i32 to vector<16xi32>
          %shift_right_arithmetic3A_758 = arith.shrsi %bitcast3A_755, %shift_right_arithmetic3A_757 : vector<16xi32>
          %or3A_759 = arith.constant -2147483648 : i32
          %or3A_760 = vector.broadcast %or3A_759 : i32 to vector<16xi32>
          %or3A_761 = arith.ori %shift_right_arithmetic3A_758, %or3A_760 : vector<16xi32>
          %bitcast3A_762 = vector.bitcast %or3A_761 : vector<16xi32> to vector<16xi32>
          %bitcast3A_763 = vector.bitcast %bitcast3A_755 : vector<16xi32> to vector<16xi32>
          %xor3A_764 = arith.xori %bitcast3A_763, %bitcast3A_762 : vector<16xi32>
          %eq3A_765 = arith.constant 0 : i32
          %eq3A_766 = vector.broadcast %eq3A_765 : i32 to vector<16xi32>
          %eq3A_767 = arith.cmpi eq, %get3A_682, %eq3A_766 : vector<16xi32>
          %shift_right_logical3A_768 = arith.constant 21 : i32
          %shift_right_logical3A_769 = vector.broadcast %shift_right_logical3A_768 : i32 to vector<16xi32>
          %shift_right_logical3A_770 = arith.shrui %xor3A_764, %shift_right_logical3A_769 : vector<16xi32>
          %jit3A_771 = arith.constant -1 : i32
          %broadcast_in_dim3A_772 = vector.broadcast %jit3A_771 : i32 to vector<16xi32>
          %select_n3A_773 = arith.select %eq3A_767, %xor3A_764, %broadcast_in_dim3A_772 : vector<16xi1>, vector<16xi32>
          %bitcast3A_774 = vector.bitcast %get3A_647 : vector<16xf32> to vector<16xi32>
          %shift_right_arithmetic3A_775 = arith.constant 31 : i32
          %shift_right_arithmetic3A_776 = vector.broadcast %shift_right_arithmetic3A_775 : i32 to vector<16xi32>
          %shift_right_arithmetic3A_777 = arith.shrsi %bitcast3A_774, %shift_right_arithmetic3A_776 : vector<16xi32>
          %or3A_778 = arith.constant -2147483648 : i32
          %or3A_779 = vector.broadcast %or3A_778 : i32 to vector<16xi32>
          %or3A_780 = arith.ori %shift_right_arithmetic3A_777, %or3A_779 : vector<16xi32>
          %bitcast3A_781 = vector.bitcast %or3A_780 : vector<16xi32> to vector<16xi32>
          %bitcast3A_782 = vector.bitcast %bitcast3A_774 : vector<16xi32> to vector<16xi32>
          %xor3A_783 = arith.xori %bitcast3A_782, %bitcast3A_781 : vector<16xi32>
          %eq3A_784 = arith.constant 0 : i32
          %eq3A_785 = vector.broadcast %eq3A_784 : i32 to vector<16xi32>
          %eq3A_786 = arith.cmpi eq, %get3A_687, %eq3A_785 : vector<16xi32>
          %shift_right_logical3A_787 = arith.constant 21 : i32
          %shift_right_logical3A_788 = vector.broadcast %shift_right_logical3A_787 : i32 to vector<16xi32>
          %shift_right_logical3A_789 = arith.shrui %xor3A_783, %shift_right_logical3A_788 : vector<16xi32>
          %jit3A_790 = arith.constant -1 : i32
          %broadcast_in_dim3A_791 = vector.broadcast %jit3A_790 : i32 to vector<16xi32>
          %select_n3A_792 = arith.select %eq3A_786, %xor3A_783, %broadcast_in_dim3A_791 : vector<16xi1>, vector<16xi32>
          %bitcast3A_793 = vector.bitcast %get3A_652 : vector<16xf32> to vector<16xi32>
          %shift_right_arithmetic3A_794 = arith.constant 31 : i32
          %shift_right_arithmetic3A_795 = vector.broadcast %shift_right_arithmetic3A_794 : i32 to vector<16xi32>
          %shift_right_arithmetic3A_796 = arith.shrsi %bitcast3A_793, %shift_right_arithmetic3A_795 : vector<16xi32>
          %or3A_797 = arith.constant -2147483648 : i32
          %or3A_798 = vector.broadcast %or3A_797 : i32 to vector<16xi32>
          %or3A_799 = arith.ori %shift_right_arithmetic3A_796, %or3A_798 : vector<16xi32>
          %bitcast3A_800 = vector.bitcast %or3A_799 : vector<16xi32> to vector<16xi32>
          %bitcast3A_801 = vector.bitcast %bitcast3A_793 : vector<16xi32> to vector<16xi32>
          %xor3A_802 = arith.xori %bitcast3A_801, %bitcast3A_800 : vector<16xi32>
          %eq3A_803 = arith.constant 0 : i32
          %eq3A_804 = vector.broadcast %eq3A_803 : i32 to vector<16xi32>
          %eq3A_805 = arith.cmpi eq, %get3A_692, %eq3A_804 : vector<16xi32>
          %shift_right_logical3A_806 = arith.constant 21 : i32
          %shift_right_logical3A_807 = vector.broadcast %shift_right_logical3A_806 : i32 to vector<16xi32>
          %shift_right_logical3A_808 = arith.shrui %xor3A_802, %shift_right_logical3A_807 : vector<16xi32>
          %jit3A_809 = arith.constant -1 : i32
          %broadcast_in_dim3A_810 = vector.broadcast %jit3A_809 : i32 to vector<16xi32>
          %select_n3A_811 = arith.select %eq3A_805, %xor3A_802, %broadcast_in_dim3A_810 : vector<16xi1>, vector<16xi32>
          %bitcast3A_812 = vector.bitcast %get3A_657 : vector<16xf32> to vector<16xi32>
          %shift_right_arithmetic3A_813 = arith.constant 31 : i32
          %shift_right_arithmetic3A_814 = vector.broadcast %shift_right_arithmetic3A_813 : i32 to vector<16xi32>
          %shift_right_arithmetic3A_815 = arith.shrsi %bitcast3A_812, %shift_right_arithmetic3A_814 : vector<16xi32>
          %or3A_816 = arith.constant -2147483648 : i32
          %or3A_817 = vector.broadcast %or3A_816 : i32 to vector<16xi32>
          %or3A_818 = arith.ori %shift_right_arithmetic3A_815, %or3A_817 : vector<16xi32>
          %bitcast3A_819 = vector.bitcast %or3A_818 : vector<16xi32> to vector<16xi32>
          %bitcast3A_820 = vector.bitcast %bitcast3A_812 : vector<16xi32> to vector<16xi32>
          %xor3A_821 = arith.xori %bitcast3A_820, %bitcast3A_819 : vector<16xi32>
          %eq3A_822 = arith.constant 0 : i32
          %eq3A_823 = vector.broadcast %eq3A_822 : i32 to vector<16xi32>
          %eq3A_824 = arith.cmpi eq, %get3A_697, %eq3A_823 : vector<16xi32>
          %shift_right_logical3A_825 = arith.constant 21 : i32
          %shift_right_logical3A_826 = vector.broadcast %shift_right_logical3A_825 : i32 to vector<16xi32>
          %shift_right_logical3A_827 = arith.shrui %xor3A_821, %shift_right_logical3A_826 : vector<16xi32>
          %jit3A_828 = arith.constant -1 : i32
          %broadcast_in_dim3A_829 = vector.broadcast %jit3A_828 : i32 to vector<16xi32>
          %select_n3A_830 = arith.select %eq3A_824, %xor3A_821, %broadcast_in_dim3A_829 : vector<16xi1>, vector<16xi32>
          %bitcast3A_831 = vector.bitcast %get3A_662 : vector<16xf32> to vector<16xi32>
          %shift_right_arithmetic3A_832 = arith.constant 31 : i32
          %shift_right_arithmetic3A_833 = vector.broadcast %shift_right_arithmetic3A_832 : i32 to vector<16xi32>
          %shift_right_arithmetic3A_834 = arith.shrsi %bitcast3A_831, %shift_right_arithmetic3A_833 : vector<16xi32>
          %or3A_835 = arith.constant -2147483648 : i32
          %or3A_836 = vector.broadcast %or3A_835 : i32 to vector<16xi32>
          %or3A_837 = arith.ori %shift_right_arithmetic3A_834, %or3A_836 : vector<16xi32>
          %bitcast3A_838 = vector.bitcast %or3A_837 : vector<16xi32> to vector<16xi32>
          %bitcast3A_839 = vector.bitcast %bitcast3A_831 : vector<16xi32> to vector<16xi32>
          %xor3A_840 = arith.xori %bitcast3A_839, %bitcast3A_838 : vector<16xi32>
          %eq3A_841 = arith.constant 0 : i32
          %eq3A_842 = vector.broadcast %eq3A_841 : i32 to vector<16xi32>
          %eq3A_843 = arith.cmpi eq, %get3A_702, %eq3A_842 : vector<16xi32>
          %shift_right_logical3A_844 = arith.constant 21 : i32
          %shift_right_logical3A_845 = vector.broadcast %shift_right_logical3A_844 : i32 to vector<16xi32>
          %shift_right_logical3A_846 = arith.shrui %xor3A_840, %shift_right_logical3A_845 : vector<16xi32>
          %jit3A_847 = arith.constant -1 : i32
          %broadcast_in_dim3A_848 = vector.broadcast %jit3A_847 : i32 to vector<16xi32>
          %select_n3A_849 = arith.select %eq3A_843, %xor3A_840, %broadcast_in_dim3A_848 : vector<16xi1>, vector<16xi32>
          %bitcast3A_850 = vector.bitcast %shift_right_logical3A_714 : vector<16xi32> to vector<16xi32>
          tpu.vector_store_idx %arg7[%bitcast3A_850], %broadcast_in_dim3A_5 masked %eq3A_712 {add = true} : memref<2048xi32, #tpu.memory_space<vmem>>[vector<16xi32>], vector<16xi32>, vector<16xi1>
          %bitcast3A_851 = vector.bitcast %select_n3A_716 : vector<16xi32> to vector<16xi32>
          %add3A_852 = arith.constant 0 : i32
          %add3A_853 = arith.addi %add3A_623, %add3A_852 : i32
          %swap3A = tpu.memref_slice %run_scoped3A_27[%mul3A_417] : memref<8192xi32, #tpu.memory_space<vmem>> -> memref<4096xi32, #tpu.memory_space<vmem>>
          %swap3A_854 = arith.index_cast %add3A_853 : i32 to index
          %swap3A_855 = tpu.vector_load %swap3A[%swap3A_854] {strides = array<i32>} : memref<4096xi32, #tpu.memory_space<vmem>>, vector<16xi32>,
          tpu.vector_store %swap3A[%swap3A_854], %bitcast3A_851 {strides = array<i32>} : memref<4096xi32, #tpu.memory_space<vmem>>, vector<16xi32>,
          %bitcast3A_856 = vector.bitcast %shift_right_logical3A_732 : vector<16xi32> to vector<16xi32>
          tpu.vector_store_idx %arg8[%bitcast3A_856], %broadcast_in_dim3A_5 masked %eq3A_729 {add = true} : memref<2048xi32, #tpu.memory_space<vmem>>[vector<16xi32>], vector<16xi32>, vector<16xi1>
          %bitcast3A_857 = vector.bitcast %select_n3A_735 : vector<16xi32> to vector<16xi32>
          %add3A_858 = arith.constant 16 : i32
          %add3A_859 = arith.addi %add3A_623, %add3A_858 : i32
          %swap3A_860 = tpu.memref_slice %run_scoped3A_27[%mul3A_417] : memref<8192xi32, #tpu.memory_space<vmem>> -> memref<4096xi32, #tpu.memory_space<vmem>>
          %swap3A_861 = arith.index_cast %add3A_859 : i32 to index
          %swap3A_862 = tpu.vector_load %swap3A_860[%swap3A_861] {strides = array<i32>} : memref<4096xi32, #tpu.memory_space<vmem>>, vector<16xi32>,
          tpu.vector_store %swap3A_860[%swap3A_861], %bitcast3A_857 {strides = array<i32>} : memref<4096xi32, #tpu.memory_space<vmem>>, vector<16xi32>,
          %bitcast3A_863 = vector.bitcast %shift_right_logical3A_751 : vector<16xi32> to vector<16xi32>
          tpu.vector_store_idx %arg9[%bitcast3A_863], %broadcast_in_dim3A_5 masked %eq3A_748 {add = true} : memref<2048xi32, #tpu.memory_space<vmem>>[vector<16xi32>], vector<16xi32>, vector<16xi1>
          %bitcast3A_864 = vector.bitcast %select_n3A_754 : vector<16xi32> to vector<16xi32>
          %add3A_865 = arith.constant 32 : i32
          %add3A_866 = arith.addi %add3A_623, %add3A_865 : i32
          %swap3A_867 = tpu.memref_slice %run_scoped3A_27[%mul3A_417] : memref<8192xi32, #tpu.memory_space<vmem>> -> memref<4096xi32, #tpu.memory_space<vmem>>
          %swap3A_868 = arith.index_cast %add3A_866 : i32 to index
          %swap3A_869 = tpu.vector_load %swap3A_867[%swap3A_868] {strides = array<i32>} : memref<4096xi32, #tpu.memory_space<vmem>>, vector<16xi32>,
          tpu.vector_store %swap3A_867[%swap3A_868], %bitcast3A_864 {strides = array<i32>} : memref<4096xi32, #tpu.memory_space<vmem>>, vector<16xi32>,
          %bitcast3A_870 = vector.bitcast %shift_right_logical3A_770 : vector<16xi32> to vector<16xi32>
          tpu.vector_store_idx %arg10[%bitcast3A_870], %broadcast_in_dim3A_5 masked %eq3A_767 {add = true} : memref<2048xi32, #tpu.memory_space<vmem>>[vector<16xi32>], vector<16xi32>, vector<16xi1>
          %bitcast3A_871 = vector.bitcast %select_n3A_773 : vector<16xi32> to vector<16xi32>
          %add3A_872 = arith.constant 48 : i32
          %add3A_873 = arith.addi %add3A_623, %add3A_872 : i32
          %swap3A_874 = tpu.memref_slice %run_scoped3A_27[%mul3A_417] : memref<8192xi32, #tpu.memory_space<vmem>> -> memref<4096xi32, #tpu.memory_space<vmem>>
          %swap3A_875 = arith.index_cast %add3A_873 : i32 to index
          %swap3A_876 = tpu.vector_load %swap3A_874[%swap3A_875] {strides = array<i32>} : memref<4096xi32, #tpu.memory_space<vmem>>, vector<16xi32>,
          tpu.vector_store %swap3A_874[%swap3A_875], %bitcast3A_871 {strides = array<i32>} : memref<4096xi32, #tpu.memory_space<vmem>>, vector<16xi32>,
          %bitcast3A_877 = vector.bitcast %shift_right_logical3A_789 : vector<16xi32> to vector<16xi32>
          tpu.vector_store_idx %arg7[%bitcast3A_877], %broadcast_in_dim3A_5 masked %eq3A_786 {add = true} : memref<2048xi32, #tpu.memory_space<vmem>>[vector<16xi32>], vector<16xi32>, vector<16xi1>
          %bitcast3A_878 = vector.bitcast %select_n3A_792 : vector<16xi32> to vector<16xi32>
          %add3A_879 = arith.constant 0 : i32
          %add3A_880 = arith.addi %add3A_623, %add3A_879 : i32
          %swap3A_881 = tpu.memref_slice %run_scoped3A_29[%mul3A_421] : memref<8192xi32, #tpu.memory_space<vmem>> -> memref<4096xi32, #tpu.memory_space<vmem>>
          %swap3A_882 = arith.index_cast %add3A_880 : i32 to index
          %swap3A_883 = tpu.vector_load %swap3A_881[%swap3A_882] {strides = array<i32>} : memref<4096xi32, #tpu.memory_space<vmem>>, vector<16xi32>,
          tpu.vector_store %swap3A_881[%swap3A_882], %bitcast3A_878 {strides = array<i32>} : memref<4096xi32, #tpu.memory_space<vmem>>, vector<16xi32>,
          %bitcast3A_884 = vector.bitcast %shift_right_logical3A_808 : vector<16xi32> to vector<16xi32>
          tpu.vector_store_idx %arg8[%bitcast3A_884], %broadcast_in_dim3A_5 masked %eq3A_805 {add = true} : memref<2048xi32, #tpu.memory_space<vmem>>[vector<16xi32>], vector<16xi32>, vector<16xi1>
          %bitcast3A_885 = vector.bitcast %select_n3A_811 : vector<16xi32> to vector<16xi32>
          %add3A_886 = arith.constant 16 : i32
          %add3A_887 = arith.addi %add3A_623, %add3A_886 : i32
          %swap3A_888 = tpu.memref_slice %run_scoped3A_29[%mul3A_421] : memref<8192xi32, #tpu.memory_space<vmem>> -> memref<4096xi32, #tpu.memory_space<vmem>>
          %swap3A_889 = arith.index_cast %add3A_887 : i32 to index
          %swap3A_890 = tpu.vector_load %swap3A_888[%swap3A_889] {strides = array<i32>} : memref<4096xi32, #tpu.memory_space<vmem>>, vector<16xi32>,
          tpu.vector_store %swap3A_888[%swap3A_889], %bitcast3A_885 {strides = array<i32>} : memref<4096xi32, #tpu.memory_space<vmem>>, vector<16xi32>,
          %bitcast3A_891 = vector.bitcast %shift_right_logical3A_827 : vector<16xi32> to vector<16xi32>
          tpu.vector_store_idx %arg9[%bitcast3A_891], %broadcast_in_dim3A_5 masked %eq3A_824 {add = true} : memref<2048xi32, #tpu.memory_space<vmem>>[vector<16xi32>], vector<16xi32>, vector<16xi1>
          %bitcast3A_892 = vector.bitcast %select_n3A_830 : vector<16xi32> to vector<16xi32>
          %add3A_893 = arith.constant 32 : i32
          %add3A_894 = arith.addi %add3A_623, %add3A_893 : i32
          %swap3A_895 = tpu.memref_slice %run_scoped3A_29[%mul3A_421] : memref<8192xi32, #tpu.memory_space<vmem>> -> memref<4096xi32, #tpu.memory_space<vmem>>
          %swap3A_896 = arith.index_cast %add3A_894 : i32 to index
          %swap3A_897 = tpu.vector_load %swap3A_895[%swap3A_896] {strides = array<i32>} : memref<4096xi32, #tpu.memory_space<vmem>>, vector<16xi32>,
          tpu.vector_store %swap3A_895[%swap3A_896], %bitcast3A_892 {strides = array<i32>} : memref<4096xi32, #tpu.memory_space<vmem>>, vector<16xi32>,
          %bitcast3A_898 = vector.bitcast %shift_right_logical3A_846 : vector<16xi32> to vector<16xi32>
          tpu.vector_store_idx %arg10[%bitcast3A_898], %broadcast_in_dim3A_5 masked %eq3A_843 {add = true} : memref<2048xi32, #tpu.memory_space<vmem>>[vector<16xi32>], vector<16xi32>, vector<16xi1>
          %bitcast3A_899 = vector.bitcast %select_n3A_849 : vector<16xi32> to vector<16xi32>
          %add3A_900 = arith.constant 48 : i32
          %add3A_901 = arith.addi %add3A_623, %add3A_900 : i32
          %swap3A_902 = tpu.memref_slice %run_scoped3A_29[%mul3A_421] : memref<8192xi32, #tpu.memory_space<vmem>> -> memref<4096xi32, #tpu.memory_space<vmem>>
          %swap3A_903 = arith.index_cast %add3A_901 : i32 to index
          %swap3A_904 = tpu.vector_load %swap3A_902[%swap3A_903] {strides = array<i32>} : memref<4096xi32, #tpu.memory_space<vmem>>, vector<16xi32>,
          tpu.vector_store %swap3A_902[%swap3A_903], %bitcast3A_899 {strides = array<i32>} : memref<4096xi32, #tpu.memory_space<vmem>>, vector<16xi32>,
        }
        %scan3A_426 = arith.constant 64 : i32
        "tpu.trace_stop"() : () -> ()
        %ne3A_427 = arith.cmpi ne, %add3A_239, %add3A_257 : i32
        %or3A_428 = arith.constant false
        %or3A_429 = arith.ori %or3A_428, %ne3A_427 : i1
        %or3A_430 = arith.ori %or3A_429, %eq3A_238 : i1
        %convert_element_type3A_431 = arith.extui %or3A_430 : i1 to i32
        %cond3A_432 = arith.constant 0 : i32
        %cond3A_433 = arith.cmpi ne, %convert_element_type3A_431, %cond3A_432 : i32
        scf.if %cond3A_433 {
        } else {
        }
        %and3A_434 = arith.constant false
        %and3A_435 = arith.andi %or3A_430, %and3A_434 : i1
        %add3A_436 = arith.constant 128 : i32
        %add3A_437 = arith.addi %add3A_239, %add3A_436 : i32
        %add3A_438 = arith.constant 128 : i32
        %add3A_439 = arith.addi %add3A_257, %add3A_438 : i32
        %ne3A_440 = arith.cmpi ne, %add3A_437, %add3A_439 : i32
        %or3A_441 = arith.constant false
        %or3A_442 = arith.ori %or3A_441, %ne3A_440 : i1
        %or3A_443 = arith.ori %or3A_442, %eq3A_238 : i1
        %convert_element_type3A_444 = arith.extui %or3A_443 : i1 to i32
        %cond3A_445 = arith.constant 0 : i32
        %cond3A_446 = arith.cmpi ne, %convert_element_type3A_444, %cond3A_445 : i32
        scf.if %cond3A_446 {
        } else {
        }
        %and3A_447 = arith.constant false
        %and3A_448 = arith.andi %or3A_443, %and3A_447 : i1
        %ne3A_449 = arith.cmpi ne, %add3A_239, %add3A_257 : i32
        %or3A_450 = arith.constant false
        %or3A_451 = arith.ori %or3A_450, %ne3A_449 : i1
        %or3A_452 = arith.ori %or3A_451, %eq3A_238 : i1
        %convert_element_type3A_453 = arith.extui %or3A_452 : i1 to i32
        %cond3A_454 = arith.constant 0 : i32
        %cond3A_455 = arith.cmpi ne, %convert_element_type3A_453, %cond3A_454 : i32
        scf.if %cond3A_455 {
        } else {
        }
        %and3A_456 = arith.constant false
        %and3A_457 = arith.andi %or3A_452, %and3A_456 : i1
        %add3A_458 = arith.constant 128 : i32
        %add3A_459 = arith.addi %add3A_239, %add3A_458 : i32
        %add3A_460 = arith.constant 128 : i32
        %add3A_461 = arith.addi %add3A_257, %add3A_460 : i32
        %ne3A_462 = arith.cmpi ne, %add3A_459, %add3A_461 : i32
        %or3A_463 = arith.constant false
        %or3A_464 = arith.ori %or3A_463, %ne3A_462 : i1
        %or3A_465 = arith.ori %or3A_464, %eq3A_238 : i1
        %convert_element_type3A_466 = arith.extui %or3A_465 : i1 to i32
        %cond3A_467 = arith.constant 0 : i32
        %cond3A_468 = arith.cmpi ne, %convert_element_type3A_466, %cond3A_467 : i32
        scf.if %cond3A_468 {
        } else {
        }
        %and3A_469 = arith.constant false
        %and3A_470 = arith.andi %or3A_465, %and3A_469 : i1
        %ne3A_471 = arith.cmpi ne, %add3A_239, %add3A_257 : i32
        %or3A_472 = arith.constant false
        %or3A_473 = arith.ori %or3A_472, %ne3A_471 : i1
        %or3A_474 = arith.ori %or3A_473, %eq3A_238 : i1
        %convert_element_type3A_475 = arith.extui %or3A_474 : i1 to i32
        %cond3A_476 = arith.constant 0 : i32
        %cond3A_477 = arith.cmpi ne, %convert_element_type3A_475, %cond3A_476 : i32
        scf.if %cond3A_477 {
          "tpu.trace_start"() <{level = 10 : i32, message = "ep_copy_out"}> : () -> ()
          %rem3A_619 = arith.constant 2 : i32
          %rem3A_620 = arith.remui %scan3A_230, %rem3A_619 : i32
          %mul3A_621 = arith.constant 4096 : i32
          %mul3A_622 = arith.muli %mul3A_621, %add3A_239 : i32
          %mul3A_623 = arith.constant 4096 : i32
          %mul3A_624 = arith.muli %rem3A_620, %mul3A_623 : i32
          %add3A_625 = arith.constant 0 : i32
          %add3A_626 = arith.addi %mul3A_624, %add3A_625 : i32
          %dma_start3A_627 = tpu.memref_slice %run_scoped3A_27[%add3A_626] : memref<8192xi32, #tpu.memory_space<vmem>> -> memref<4096xi32, #tpu.memory_space<vmem>>
          %dma_start3A_628 = tpu.memref_slice %arg5[%mul3A_622] : memref<524288xi32, #tpu.memory_space<hbm>> -> memref<4096xi32, #tpu.memory_space<hbm>>
          %dma_start3A_629 = tpu.memref_slice %run_scoped3A_28[%rem3A_620] : memref<2x!tpu.dma_semaphore, #tpu.memory_space<semaphore_mem>> -> memref<1x!tpu.dma_semaphore, #tpu.memory_space<semaphore_mem>>
          %dma_start3A_630 = tpu.memref_squeeze %dma_start3A_629 : memref<1x!tpu.dma_semaphore, #tpu.memory_space<semaphore_mem>> -> memref<!tpu.dma_semaphore, #tpu.memory_space<semaphore_mem>>
          %dma_start3A_631 = tpu.memref_slice %arg5[%mul3A_622] : memref<524288xi32, #tpu.memory_space<hbm>> -> memref<4096xi32, #tpu.memory_space<hbm>>
          %dma_start3A_632 = tpu.memref_slice %run_scoped3A_27[%add3A_626] : memref<8192xi32, #tpu.memory_space<vmem>> -> memref<4096xi32, #tpu.memory_space<vmem>>
          tpu.enqueue_dma source(%dma_start3A_632 : memref<4096xi32, #tpu.memory_space<vmem>>) target(%dma_start3A_631 : memref<4096xi32, #tpu.memory_space<hbm>>) target_semaphore(%dma_start3A_630 : memref<!tpu.dma_semaphore, #tpu.memory_space<semaphore_mem>>)
          "tpu.trace_stop"() : () -> ()
        } else {
        }
        %and3A_478 = arith.constant true
        %and3A_479 = arith.andi %or3A_474, %and3A_478 : i1
        %add3A_480 = arith.constant 1 : i32
        %add3A_481 = arith.addi %scan3A_230, %add3A_480 : i32
        %select_n3A_482 = arith.select %and3A_479, %add3A_481, %scan3A_230 : i32
        %ne3A_483 = arith.cmpi ne, %add3A_239, %add3A_257 : i32
        %or3A_484 = arith.constant false
        %or3A_485 = arith.ori %or3A_484, %ne3A_483 : i1
        %or3A_486 = arith.ori %or3A_485, %eq3A_238 : i1
        %convert_element_type3A_487 = arith.extui %or3A_486 : i1 to i32
        %cond3A_488 = arith.constant 0 : i32
        %cond3A_489 = arith.cmpi ne, %convert_element_type3A_487, %cond3A_488 : i32
        scf.if %cond3A_489 {
          "tpu.trace_start"() <{level = 10 : i32, message = "ep_copy_out"}> : () -> ()
          %rem3A_619 = arith.constant 2 : i32
          %rem3A_620 = arith.remui %scan3A_232, %rem3A_619 : i32
          %mul3A_621 = arith.constant 4096 : i32
          %mul3A_622 = arith.muli %mul3A_621, %add3A_239 : i32
          %mul3A_623 = arith.constant 4096 : i32
          %mul3A_624 = arith.muli %rem3A_620, %mul3A_623 : i32
          %add3A_625 = arith.constant 0 : i32
          %add3A_626 = arith.addi %mul3A_624, %add3A_625 : i32
          %dma_start3A_627 = tpu.memref_slice %run_scoped3A_29[%add3A_626] : memref<8192xi32, #tpu.memory_space<vmem>> -> memref<4096xi32, #tpu.memory_space<vmem>>
          %dma_start3A_628 = tpu.memref_slice %arg6[%mul3A_622] : memref<524288xi32, #tpu.memory_space<hbm>> -> memref<4096xi32, #tpu.memory_space<hbm>>
          %dma_start3A_629 = tpu.memref_slice %run_scoped3A_30[%rem3A_620] : memref<2x!tpu.dma_semaphore, #tpu.memory_space<semaphore_mem>> -> memref<1x!tpu.dma_semaphore, #tpu.memory_space<semaphore_mem>>
          %dma_start3A_630 = tpu.memref_squeeze %dma_start3A_629 : memref<1x!tpu.dma_semaphore, #tpu.memory_space<semaphore_mem>> -> memref<!tpu.dma_semaphore, #tpu.memory_space<semaphore_mem>>
          %dma_start3A_631 = tpu.memref_slice %arg6[%mul3A_622] : memref<524288xi32, #tpu.memory_space<hbm>> -> memref<4096xi32, #tpu.memory_space<hbm>>
          %dma_start3A_632 = tpu.memref_slice %run_scoped3A_29[%add3A_626] : memref<8192xi32, #tpu.memory_space<vmem>> -> memref<4096xi32, #tpu.memory_space<vmem>>
          tpu.enqueue_dma source(%dma_start3A_632 : memref<4096xi32, #tpu.memory_space<vmem>>) target(%dma_start3A_631 : memref<4096xi32, #tpu.memory_space<hbm>>) target_semaphore(%dma_start3A_630 : memref<!tpu.dma_semaphore, #tpu.memory_space<semaphore_mem>>)
          "tpu.trace_stop"() : () -> ()
        } else {
        }
        %and3A_490 = arith.constant true
        %and3A_491 = arith.andi %or3A_486, %and3A_490 : i1
        %add3A_492 = arith.constant 1 : i32
        %add3A_493 = arith.addi %scan3A_232, %add3A_492 : i32
        %select_n3A_494 = arith.select %and3A_491, %add3A_493, %scan3A_232 : i32
        %ne3A_495 = arith.cmpi ne, %add3A_239, %add3A_248 : i32
        %or3A_496 = arith.constant false
        %or3A_497 = arith.ori %or3A_496, %ne3A_495 : i1
        %not3A_498 = arith.constant true
        %not3A_499 = arith.xori %eq3A_236, %not3A_498 : i1
        %and3A_500 = arith.andi %or3A_497, %not3A_499 : i1
        %convert_element_type3A_501 = arith.extui %and3A_500 : i1 to i32
        %cond3A_502 = arith.constant 0 : i32
        %cond3A_503 = arith.cmpi ne, %convert_element_type3A_501, %cond3A_502 : i32
        scf.if %cond3A_503 {
        } else {
        }
        %and3A_504 = arith.constant false
        %and3A_505 = arith.andi %and3A_500, %and3A_504 : i1
        %add3A_506 = arith.constant 128 : i32
        %add3A_507 = arith.addi %add3A_239, %add3A_506 : i32
        %add3A_508 = arith.constant 128 : i32
        %add3A_509 = arith.addi %add3A_248, %add3A_508 : i32
        %ne3A_510 = arith.cmpi ne, %add3A_507, %add3A_509 : i32
        %or3A_511 = arith.constant false
        %or3A_512 = arith.ori %or3A_511, %ne3A_510 : i1
        %not3A_513 = arith.constant true
        %not3A_514 = arith.xori %eq3A_236, %not3A_513 : i1
        %and3A_515 = arith.andi %or3A_512, %not3A_514 : i1
        %convert_element_type3A_516 = arith.extui %and3A_515 : i1 to i32
        %cond3A_517 = arith.constant 0 : i32
        %cond3A_518 = arith.cmpi ne, %convert_element_type3A_516, %cond3A_517 : i32
        scf.if %cond3A_518 {
        } else {
        }
        %and3A_519 = arith.constant false
        %and3A_520 = arith.andi %and3A_515, %and3A_519 : i1
        %ne3A_521 = arith.cmpi ne, %add3A_239, %add3A_248 : i32
        %or3A_522 = arith.constant false
        %or3A_523 = arith.ori %or3A_522, %ne3A_521 : i1
        %not3A_524 = arith.constant true
        %not3A_525 = arith.xori %eq3A_236, %not3A_524 : i1
        %and3A_526 = arith.andi %or3A_523, %not3A_525 : i1
        %convert_element_type3A_527 = arith.extui %and3A_526 : i1 to i32
        %cond3A_528 = arith.constant 0 : i32
        %cond3A_529 = arith.cmpi ne, %convert_element_type3A_527, %cond3A_528 : i32
        scf.if %cond3A_529 {
        } else {
        }
        %and3A_530 = arith.constant false
        %and3A_531 = arith.andi %and3A_526, %and3A_530 : i1
        %add3A_532 = arith.constant 128 : i32
        %add3A_533 = arith.addi %add3A_239, %add3A_532 : i32
        %add3A_534 = arith.constant 128 : i32
        %add3A_535 = arith.addi %add3A_248, %add3A_534 : i32
        %ne3A_536 = arith.cmpi ne, %add3A_533, %add3A_535 : i32
        %or3A_537 = arith.constant false
        %or3A_538 = arith.ori %or3A_537, %ne3A_536 : i1
        %not3A_539 = arith.constant true
        %not3A_540 = arith.xori %eq3A_236, %not3A_539 : i1
        %and3A_541 = arith.andi %or3A_538, %not3A_540 : i1
        %convert_element_type3A_542 = arith.extui %and3A_541 : i1 to i32
        %cond3A_543 = arith.constant 0 : i32
        %cond3A_544 = arith.cmpi ne, %convert_element_type3A_542, %cond3A_543 : i32
        scf.if %cond3A_544 {
        } else {
        }
        %and3A_545 = arith.constant false
        %and3A_546 = arith.andi %and3A_541, %and3A_545 : i1
        %ne3A_547 = arith.cmpi ne, %add3A_239, %add3A_248 : i32
        %or3A_548 = arith.constant false
        %or3A_549 = arith.ori %or3A_548, %ne3A_547 : i1
        %not3A_550 = arith.constant true
        %not3A_551 = arith.xori %eq3A_236, %not3A_550 : i1
        %and3A_552 = arith.andi %or3A_549, %not3A_551 : i1
        %convert_element_type3A_553 = arith.extui %and3A_552 : i1 to i32
        %cond3A_554 = arith.constant 0 : i32
        %cond3A_555 = arith.cmpi ne, %convert_element_type3A_553, %cond3A_554 : i32
        scf.if %cond3A_555 {
          "tpu.trace_start"() <{level = 10 : i32, message = "ep_wait_out"}> : () -> ()
          %rem3A_619 = arith.constant 2 : i32
          %rem3A_620 = arith.remui %scan3A_231, %rem3A_619 : i32
          %mul3A_621 = arith.constant 4096 : i32
          %mul3A_622 = arith.muli %mul3A_621, %add3A_248 : i32
          %mul3A_623 = arith.constant 4096 : i32
          %mul3A_624 = arith.muli %rem3A_620, %mul3A_623 : i32
          %add3A_625 = arith.constant 0 : i32
          %add3A_626 = arith.addi %mul3A_624, %add3A_625 : i32
          %dma_wait3A_627 = tpu.memref_slice %run_scoped3A_27[%add3A_626] : memref<8192xi32, #tpu.memory_space<vmem>> -> memref<4096xi32, #tpu.memory_space<vmem>>
          %dma_wait3A_628 = tpu.memref_slice %arg5[%mul3A_622] : memref<524288xi32, #tpu.memory_space<hbm>> -> memref<4096xi32, #tpu.memory_space<hbm>>
          %dma_wait3A_629 = tpu.memref_slice %run_scoped3A_28[%rem3A_620] : memref<2x!tpu.dma_semaphore, #tpu.memory_space<semaphore_mem>> -> memref<1x!tpu.dma_semaphore, #tpu.memory_space<semaphore_mem>>
          %dma_wait3A_630 = tpu.memref_squeeze %dma_wait3A_629 : memref<1x!tpu.dma_semaphore, #tpu.memory_space<semaphore_mem>> -> memref<!tpu.dma_semaphore, #tpu.memory_space<semaphore_mem>>
          %dma_wait3A_631 = tpu.memref_slice %arg5[%mul3A_622] : memref<524288xi32, #tpu.memory_space<hbm>> -> memref<4096xi32, #tpu.memory_space<hbm>>
          %dma_wait3A_632 = tpu.memref_slice %run_scoped3A_27[%add3A_626] : memref<8192xi32, #tpu.memory_space<vmem>> -> memref<4096xi32, #tpu.memory_space<vmem>>
          tpu.wait_dma2 semaphore(%dma_wait3A_630 : memref<!tpu.dma_semaphore, #tpu.memory_space<semaphore_mem>>) src(%dma_wait3A_632 : memref<4096xi32, #tpu.memory_space<vmem>>) dst(%dma_wait3A_631 : memref<4096xi32, #tpu.memory_space<hbm>>)
          "tpu.trace_stop"() : () -> ()
        } else {
        }
        %and3A_556 = arith.constant true
        %and3A_557 = arith.andi %and3A_552, %and3A_556 : i1
        %add3A_558 = arith.constant 1 : i32
        %add3A_559 = arith.addi %scan3A_231, %add3A_558 : i32
        %select_n3A_560 = arith.select %and3A_557, %add3A_559, %scan3A_231 : i32
        %ne3A_561 = arith.cmpi ne, %add3A_239, %add3A_248 : i32
        %or3A_562 = arith.constant false
        %or3A_563 = arith.ori %or3A_562, %ne3A_561 : i1
        %not3A_564 = arith.constant true
        %not3A_565 = arith.xori %eq3A_236, %not3A_564 : i1
        %and3A_566 = arith.andi %or3A_563, %not3A_565 : i1
        %convert_element_type3A_567 = arith.extui %and3A_566 : i1 to i32
        %cond3A_568 = arith.constant 0 : i32
        %cond3A_569 = arith.cmpi ne, %convert_element_type3A_567, %cond3A_568 : i32
        scf.if %cond3A_569 {
          "tpu.trace_start"() <{level = 10 : i32, message = "ep_wait_out"}> : () -> ()
          %rem3A_619 = arith.constant 2 : i32
          %rem3A_620 = arith.remui %scan3A_233, %rem3A_619 : i32
          %mul3A_621 = arith.constant 4096 : i32
          %mul3A_622 = arith.muli %mul3A_621, %add3A_248 : i32
          %mul3A_623 = arith.constant 4096 : i32
          %mul3A_624 = arith.muli %rem3A_620, %mul3A_623 : i32
          %add3A_625 = arith.constant 0 : i32
          %add3A_626 = arith.addi %mul3A_624, %add3A_625 : i32
          %dma_wait3A_627 = tpu.memref_slice %run_scoped3A_29[%add3A_626] : memref<8192xi32, #tpu.memory_space<vmem>> -> memref<4096xi32, #tpu.memory_space<vmem>>
          %dma_wait3A_628 = tpu.memref_slice %arg6[%mul3A_622] : memref<524288xi32, #tpu.memory_space<hbm>> -> memref<4096xi32, #tpu.memory_space<hbm>>
          %dma_wait3A_629 = tpu.memref_slice %run_scoped3A_30[%rem3A_620] : memref<2x!tpu.dma_semaphore, #tpu.memory_space<semaphore_mem>> -> memref<1x!tpu.dma_semaphore, #tpu.memory_space<semaphore_mem>>
          %dma_wait3A_630 = tpu.memref_squeeze %dma_wait3A_629 : memref<1x!tpu.dma_semaphore, #tpu.memory_space<semaphore_mem>> -> memref<!tpu.dma_semaphore, #tpu.memory_space<semaphore_mem>>
          %dma_wait3A_631 = tpu.memref_slice %arg6[%mul3A_622] : memref<524288xi32, #tpu.memory_space<hbm>> -> memref<4096xi32, #tpu.memory_space<hbm>>
          %dma_wait3A_632 = tpu.memref_slice %run_scoped3A_29[%add3A_626] : memref<8192xi32, #tpu.memory_space<vmem>> -> memref<4096xi32, #tpu.memory_space<vmem>>
          tpu.wait_dma2 semaphore(%dma_wait3A_630 : memref<!tpu.dma_semaphore, #tpu.memory_space<semaphore_mem>>) src(%dma_wait3A_632 : memref<4096xi32, #tpu.memory_space<vmem>>) dst(%dma_wait3A_631 : memref<4096xi32, #tpu.memory_space<hbm>>)
          "tpu.trace_stop"() : () -> ()
        } else {
        }
        %and3A_570 = arith.constant true
        %and3A_571 = arith.andi %and3A_566, %and3A_570 : i1
        %add3A_572 = arith.constant 1 : i32
        %add3A_573 = arith.addi %scan3A_233, %add3A_572 : i32
        %select_n3A_574 = arith.select %and3A_571, %add3A_573, %scan3A_233 : i32
        %ne3A_575 = arith.cmpi ne, %add3A_239, %add3A_257 : i32
        %or3A_576 = arith.constant false
        %or3A_577 = arith.ori %or3A_576, %ne3A_575 : i1
        %or3A_578 = arith.ori %or3A_577, %eq3A_238 : i1
        %add3A_579 = arith.constant 1 : i32
        %add3A_580 = arith.addi %scan3A_223, %add3A_579 : i32
        %select_n3A_581 = arith.select %or3A_578, %add3A_580, %scan3A_223 : i32
        %add3A_582 = arith.constant 128 : i32
        %add3A_583 = arith.addi %add3A_239, %add3A_582 : i32
        %add3A_584 = arith.constant 128 : i32
        %add3A_585 = arith.addi %add3A_257, %add3A_584 : i32
        %ne3A_586 = arith.cmpi ne, %add3A_583, %add3A_585 : i32
        %or3A_587 = arith.constant false
        %or3A_588 = arith.ori %or3A_587, %ne3A_586 : i1
        %or3A_589 = arith.ori %or3A_588, %eq3A_238 : i1
        %add3A_590 = arith.constant 1 : i32
        %add3A_591 = arith.addi %scan3A_225, %add3A_590 : i32
        %select_n3A_592 = arith.select %or3A_589, %add3A_591, %scan3A_225 : i32
        %ne3A_593 = arith.cmpi ne, %add3A_239, %add3A_257 : i32
        %or3A_594 = arith.constant false
        %or3A_595 = arith.ori %or3A_594, %ne3A_593 : i1
        %or3A_596 = arith.ori %or3A_595, %eq3A_238 : i1
        %add3A_597 = arith.constant 1 : i32
        %add3A_598 = arith.addi %scan3A_227, %add3A_597 : i32
        %select_n3A_599 = arith.select %or3A_596, %add3A_598, %scan3A_227 : i32
        %add3A_600 = arith.constant 128 : i32
        %add3A_601 = arith.addi %add3A_239, %add3A_600 : i32
        %add3A_602 = arith.constant 128 : i32
        %add3A_603 = arith.addi %add3A_257, %add3A_602 : i32
        %ne3A_604 = arith.cmpi ne, %add3A_601, %add3A_603 : i32
        %or3A_605 = arith.constant false
        %or3A_606 = arith.ori %or3A_605, %ne3A_604 : i1
        %or3A_607 = arith.ori %or3A_606, %eq3A_238 : i1
        %add3A_608 = arith.constant 1 : i32
        %add3A_609 = arith.addi %scan3A_229, %add3A_608 : i32
        %select_n3A_610 = arith.select %or3A_607, %add3A_609, %scan3A_229 : i32
        %add3A_611 = arith.constant 1 : i32
        %add3A_612 = arith.addi %scan3A_234, %add3A_611 : i32
        %select_n3A_613 = arith.constant true
        %select_n3A_614 = arith.select %select_n3A_613, %add3A_612, %scan3A_234 : i32
        %eq3A_615 = arith.constant 4 : i32
        %eq3A_616 = arith.cmpi eq, %select_n3A_614, %eq3A_615 : i32
        %select_n3A_617 = arith.constant 0 : i32
        %select_n3A_618 = arith.select %eq3A_616, %select_n3A_617, %select_n3A_614 : i32
        scf.yield %select_n3A_275, %select_n3A_581, %select_n3A_295, %select_n3A_592, %select_n3A_311, %select_n3A_599, %select_n3A_331, %select_n3A_610, %select_n3A_482, %select_n3A_560, %select_n3A_494, %select_n3A_574, %select_n3A_618 : i32, i32, i32, i32, i32, i32, i32, i32, i32, i32, i32, i32, i32
      }
      %scan3A_158 = arith.constant 4 : i32
      %sub3A = arith.constant 1 : i32
      %sub3A_159 = arith.subi %scan3A_157#12, %sub3A : i32
      %select_n3A_160 = arith.constant true
      %select_n3A_161 = arith.select %select_n3A_160, %sub3A_159, %scan3A_157#12 : i32
      %eq3A_162 = arith.constant -1 : i32
      %eq3A_163 = arith.cmpi eq, %select_n3A_161, %eq3A_162 : i32
      %select_n3A_164 = arith.constant 3 : i32
      %select_n3A_165 = arith.select %eq3A_163, %select_n3A_164, %select_n3A_161 : i32
      %add3A_166 = arith.addi %select_n3A_165, %mul3A_14 : i32
      %sub3A_167 = arith.constant 1 : i32
      %sub3A_168 = arith.subi %select_n3A_165, %sub3A_167 : i32
      %select_n3A_169 = arith.constant true
      %select_n3A_170 = arith.select %select_n3A_169, %sub3A_168, %select_n3A_165 : i32
      %eq3A_171 = arith.constant -1 : i32
      %eq3A_172 = arith.cmpi eq, %select_n3A_170, %eq3A_171 : i32
      %select_n3A_173 = arith.constant 3 : i32
      %select_n3A_174 = arith.select %eq3A_172, %select_n3A_173, %select_n3A_170 : i32
      %add3A_175 = arith.addi %select_n3A_174, %mul3A_14 : i32
      %add3A_176 = arith.constant 1 : i32
      %add3A_177 = arith.addi %select_n3A_165, %add3A_176 : i32
      %select_n3A_178 = arith.constant true
      %select_n3A_179 = arith.select %select_n3A_178, %add3A_177, %select_n3A_165 : i32
      %eq3A_180 = arith.constant 4 : i32
      %eq3A_181 = arith.cmpi eq, %select_n3A_179, %eq3A_180 : i32
      %select_n3A_182 = arith.constant 0 : i32
      %select_n3A_183 = arith.select %eq3A_181, %select_n3A_182, %select_n3A_179 : i32
      %add3A_184 = arith.addi %select_n3A_183, %mul3A_14 : i32
      %add3A_185 = arith.constant 1 : i32
      %add3A_186 = arith.addi %select_n3A_183, %add3A_185 : i32
      %select_n3A_187 = arith.constant true
      %select_n3A_188 = arith.select %select_n3A_187, %add3A_186, %select_n3A_183 : i32
      %eq3A_189 = arith.constant 4 : i32
      %eq3A_190 = arith.cmpi eq, %select_n3A_188, %eq3A_189 : i32
      %select_n3A_191 = arith.constant 0 : i32
      %select_n3A_192 = arith.select %eq3A_190, %select_n3A_191, %select_n3A_188 : i32
      %add3A_193 = arith.addi %select_n3A_192, %mul3A_14 : i32
      "tpu.trace_start"() <{level = 10 : i32, message = "ep_finalize"}> : () -> ()
      %rem3A_194 = arith.constant 2 : i32
      %rem3A_195 = arith.remui %scan3A_157#9, %rem3A_194 : i32
      %mul3A_196 = arith.constant 4096 : i32
      %mul3A_197 = arith.muli %mul3A_196, %add3A_166 : i32
      %mul3A_198 = arith.constant 4096 : i32
      %mul3A_199 = arith.muli %rem3A_195, %mul3A_198 : i32
      %add3A_200 = arith.constant 0 : i32
      %add3A_201 = arith.addi %mul3A_199, %add3A_200 : i32
      %dma_wait3A = tpu.memref_slice %run_scoped3A_27[%add3A_201] : memref<8192xi32, #tpu.memory_space<vmem>> -> memref<4096xi32, #tpu.memory_space<vmem>>
      %dma_wait3A_202 = tpu.memref_slice %arg5[%mul3A_197] : memref<524288xi32, #tpu.memory_space<hbm>> -> memref<4096xi32, #tpu.memory_space<hbm>>
      %dma_wait3A_203 = tpu.memref_slice %run_scoped3A_28[%rem3A_195] : memref<2x!tpu.dma_semaphore, #tpu.memory_space<semaphore_mem>> -> memref<1x!tpu.dma_semaphore, #tpu.memory_space<semaphore_mem>>
      %dma_wait3A_204 = tpu.memref_squeeze %dma_wait3A_203 : memref<1x!tpu.dma_semaphore, #tpu.memory_space<semaphore_mem>> -> memref<!tpu.dma_semaphore, #tpu.memory_space<semaphore_mem>>
      %dma_wait3A_205 = tpu.memref_slice %arg5[%mul3A_197] : memref<524288xi32, #tpu.memory_space<hbm>> -> memref<4096xi32, #tpu.memory_space<hbm>>
      %dma_wait3A_206 = tpu.memref_slice %run_scoped3A_27[%add3A_201] : memref<8192xi32, #tpu.memory_space<vmem>> -> memref<4096xi32, #tpu.memory_space<vmem>>
      tpu.wait_dma2 semaphore(%dma_wait3A_204 : memref<!tpu.dma_semaphore, #tpu.memory_space<semaphore_mem>>) src(%dma_wait3A_206 : memref<4096xi32, #tpu.memory_space<vmem>>) dst(%dma_wait3A_205 : memref<4096xi32, #tpu.memory_space<hbm>>)
      %rem3A_207 = arith.constant 2 : i32
      %rem3A_208 = arith.remui %scan3A_157#11, %rem3A_207 : i32
      %mul3A_209 = arith.constant 4096 : i32
      %mul3A_210 = arith.muli %mul3A_209, %add3A_166 : i32
      %mul3A_211 = arith.constant 4096 : i32
      %mul3A_212 = arith.muli %rem3A_208, %mul3A_211 : i32
      %add3A_213 = arith.constant 0 : i32
      %add3A_214 = arith.addi %mul3A_212, %add3A_213 : i32
      %dma_wait3A_215 = tpu.memref_slice %run_scoped3A_29[%add3A_214] : memref<8192xi32, #tpu.memory_space<vmem>> -> memref<4096xi32, #tpu.memory_space<vmem>>
      %dma_wait3A_216 = tpu.memref_slice %arg6[%mul3A_210] : memref<524288xi32, #tpu.memory_space<hbm>> -> memref<4096xi32, #tpu.memory_space<hbm>>
      %dma_wait3A_217 = tpu.memref_slice %run_scoped3A_30[%rem3A_208] : memref<2x!tpu.dma_semaphore, #tpu.memory_space<semaphore_mem>> -> memref<1x!tpu.dma_semaphore, #tpu.memory_space<semaphore_mem>>
      %dma_wait3A_218 = tpu.memref_squeeze %dma_wait3A_217 : memref<1x!tpu.dma_semaphore, #tpu.memory_space<semaphore_mem>> -> memref<!tpu.dma_semaphore, #tpu.memory_space<semaphore_mem>>
      %dma_wait3A_219 = tpu.memref_slice %arg6[%mul3A_210] : memref<524288xi32, #tpu.memory_space<hbm>> -> memref<4096xi32, #tpu.memory_space<hbm>>
      %dma_wait3A_220 = tpu.memref_slice %run_scoped3A_29[%add3A_214] : memref<8192xi32, #tpu.memory_space<vmem>> -> memref<4096xi32, #tpu.memory_space<vmem>>
      tpu.wait_dma2 semaphore(%dma_wait3A_218 : memref<!tpu.dma_semaphore, #tpu.memory_space<semaphore_mem>>) src(%dma_wait3A_220 : memref<4096xi32, #tpu.memory_space<vmem>>) dst(%dma_wait3A_219 : memref<4096xi32, #tpu.memory_space<hbm>>)
      "tpu.trace_stop"() : () -> ()
      tpu.yield
    }) : () -> ()
    %scan3A_15 = arith.constant 0 : i32
    %scan3A_16 = arith.constant 128 : i32
    %scan3A_17 = arith.addi %scan3A_15, %scan3A_16 : i32
    %scan3A_18 = arith.constant 1 : i32
    scf.for %scan3A_20 = %scan3A_15 to %scan3A_17 step %scan3A_18  : i32 {
      %mul3A_21 = arith.constant 16 : i32
      %mul3A_22 = arith.muli %scan3A_20, %mul3A_21 : i32
      %add3A_23 = arith.constant 0 : i32
      %add3A_24 = arith.addi %add3A_23, %mul3A_22 : i32
      %get3A = arith.index_cast %add3A_24 : i32 to index
      %get3A_25 = tpu.vector_load %arg7[%get3A] {strides = array<i32>} : memref<2048xi32, #tpu.memory_space<vmem>>, vector<16xi32>,
      %get3A_26 = arith.index_cast %add3A_24 : i32 to index
      %get3A_27 = tpu.vector_load %arg8[%get3A_26] {strides = array<i32>} : memref<2048xi32, #tpu.memory_space<vmem>>, vector<16xi32>,
      %add3A_28 = arith.addi %get3A_25, %get3A_27 : vector<16xi32>
      %get3A_29 = arith.index_cast %add3A_24 : i32 to index
      %get3A_30 = tpu.vector_load %arg9[%get3A_29] {strides = array<i32>} : memref<2048xi32, #tpu.memory_space<vmem>>, vector<16xi32>,
      %get3A_31 = arith.index_cast %add3A_24 : i32 to index
      %get3A_32 = tpu.vector_load %arg10[%get3A_31] {strides = array<i32>} : memref<2048xi32, #tpu.memory_space<vmem>>, vector<16xi32>,
      %add3A_33 = arith.addi %get3A_30, %get3A_32 : vector<16xi32>
      %add3A_34 = arith.addi %add3A_28, %add3A_33 : vector<16xi32>
      %swap3A = arith.index_cast %add3A_24 : i32 to index
      %swap3A_35 = tpu.vector_load %arg7[%swap3A] {strides = array<i32>} : memref<2048xi32, #tpu.memory_space<vmem>>, vector<16xi32>,
      tpu.vector_store %arg7[%swap3A], %add3A_34 {strides = array<i32>} : memref<2048xi32, #tpu.memory_space<vmem>>, vector<16xi32>,
    }
    %scan3A_19 = arith.constant 128 : i32
    "tpu.region"() ({
      %run_scoped3A = tpu.sem_alloc : memref<!tpu.dma_semaphore, #tpu.memory_space<semaphore_mem>>
      %dma_start3A = arith.constant 0 : i32
      %dma_start3A_20 = tpu.memref_slice %arg4[%add3A, %dma_start3A] : memref<32x2048xi32, #tpu.memory_space<hbm>> -> memref<1x2048xi32, #tpu.memory_space<hbm>>
      %dma_start3A_21 = tpu.memref_squeeze %dma_start3A_20 : memref<1x2048xi32, #tpu.memory_space<hbm>> -> memref<2048xi32, #tpu.memory_space<hbm>>
      %dma_start3A_22 = arith.constant 0 : i32
      %dma_start3A_23 = tpu.memref_slice %arg4[%add3A, %dma_start3A_22] : memref<32x2048xi32, #tpu.memory_space<hbm>> -> memref<1x2048xi32, #tpu.memory_space<hbm>>
      %dma_start3A_24 = tpu.memref_squeeze %dma_start3A_23 : memref<1x2048xi32, #tpu.memory_space<hbm>> -> memref<2048xi32, #tpu.memory_space<hbm>>
      tpu.enqueue_dma source(%arg7 : memref<2048xi32, #tpu.memory_space<vmem>>) target(%dma_start3A_24 : memref<2048xi32, #tpu.memory_space<hbm>>) target_semaphore(%run_scoped3A : memref<!tpu.dma_semaphore, #tpu.memory_space<semaphore_mem>>)
      %dma_wait3A = arith.constant 0 : i32
      %dma_wait3A_25 = tpu.memref_slice %arg4[%add3A, %dma_wait3A] : memref<32x2048xi32, #tpu.memory_space<hbm>> -> memref<1x2048xi32, #tpu.memory_space<hbm>>
      %dma_wait3A_26 = tpu.memref_squeeze %dma_wait3A_25 : memref<1x2048xi32, #tpu.memory_space<hbm>> -> memref<2048xi32, #tpu.memory_space<hbm>>
      %dma_wait3A_27 = arith.constant 0 : i32
      %dma_wait3A_28 = tpu.memref_slice %arg4[%add3A, %dma_wait3A_27] : memref<32x2048xi32, #tpu.memory_space<hbm>> -> memref<1x2048xi32, #tpu.memory_space<hbm>>
      %dma_wait3A_29 = tpu.memref_squeeze %dma_wait3A_28 : memref<1x2048xi32, #tpu.memory_space<hbm>> -> memref<2048xi32, #tpu.memory_space<hbm>>
      tpu.wait_dma2 semaphore(%run_scoped3A : memref<!tpu.dma_semaphore, #tpu.memory_space<semaphore_mem>>) src(%arg7 : memref<2048xi32, #tpu.memory_space<vmem>>) dst(%dma_wait3A_29 : memref<2048xi32, #tpu.memory_space<hbm>>)
      tpu.yield
    }) : () -> ()
    return
  }
}

#map = affine_map<(d0, d1) -> (0)>
#map1 = affine_map<(d0, d1) -> (0, 0)>
module attributes {stable_mosaic.version = 14 : i64} {
  func.func @body(%arg0: i32, %arg1: i32, %arg2: memref<524288xi32, #tpu.memory_space<hbm>>, %arg3: memref<524288xi32, #tpu.memory_space<hbm>>, %arg4: memref<16xi32, #tpu.memory_space<hbm>>, %arg5: memref<32x2048xi32, #tpu.memory_space<hbm>>, %arg6: memref<16xi32, #tpu.memory_space<vmem>>, %arg7: memref<2048xi32, #tpu.memory_space<vmem>>, %arg8: memref<2048xi32, #tpu.memory_space<vmem>>, %arg9: memref<2048xi32, #tpu.memory_space<vmem>>, %arg10: memref<2048xi32, #tpu.memory_space<vmem>>) attributes {dimension_semantics = [#tpu.dimension_semantics<core_parallel>, #tpu.dimension_semantics<subcore_parallel>], iteration_bounds = array<i64: 2, 16>, scalar_prefetch = 0 : i64, scratch_operands = 5 : i64, tpu.core_type = #tpu.core_type<sc_vector_subcore>, window_params = [{transform_indices = #map}, {transform_indices = #map}, {transform_indices = #map}, {transform_indices = #map1}]} {
    "tpu.region"() ({
      %run_scoped3A = tpu.sem_alloc : memref<!tpu.dma_semaphore, #tpu.memory_space<semaphore_mem>>
      tpu.enqueue_dma source(%arg4 : memref<16xi32, #tpu.memory_space<hbm>>) target(%arg6 : memref<16xi32, #tpu.memory_space<vmem>>) target_semaphore(%run_scoped3A : memref<!tpu.dma_semaphore, #tpu.memory_space<semaphore_mem>>)
      tpu.wait_dma2 semaphore(%run_scoped3A : memref<!tpu.dma_semaphore, #tpu.memory_space<semaphore_mem>>) src(%arg4 : memref<16xi32, #tpu.memory_space<hbm>>) dst(%arg6 : memref<16xi32, #tpu.memory_space<vmem>>)
      tpu.yield
    }) : () -> ()
    %mul3A = arith.constant 2 : i32
    %mul3A_0 = arith.muli %arg1, %mul3A : i32
    %add3A = arith.addi %mul3A_0, %arg0 : i32
    %scan3A = arith.constant 0 : i32
    %scan3A_1 = arith.constant 128 : i32
    %scan3A_2 = arith.addi %scan3A, %scan3A_1 : i32
    %scan3A_3 = arith.constant 1 : i32
    scf.for %scan3A_20 = %scan3A to %scan3A_2 step %scan3A_3  : i32 {
      %mul3A_21 = arith.constant 16 : i32
      %mul3A_22 = arith.muli %scan3A_20, %mul3A_21 : i32
      %add3A_23 = arith.constant 0 : i32
      %add3A_24 = arith.addi %add3A_23, %mul3A_22 : i32
      %broadcast_in_dim3A_25 = arith.constant 0 : i32
      %broadcast_in_dim3A_26 = vector.broadcast %broadcast_in_dim3A_25 : i32 to vector<16xi32>
      %swap3A = arith.index_cast %add3A_24 : i32 to index
      %swap3A_27 = tpu.vector_load %arg7[%swap3A] {strides = array<i32>} : memref<2048xi32, #tpu.memory_space<vmem>>, vector<16xi32>,
      tpu.vector_store %arg7[%swap3A], %broadcast_in_dim3A_26 {strides = array<i32>} : memref<2048xi32, #tpu.memory_space<vmem>>, vector<16xi32>,
      %broadcast_in_dim3A_28 = arith.constant 0 : i32
      %broadcast_in_dim3A_29 = vector.broadcast %broadcast_in_dim3A_28 : i32 to vector<16xi32>
      %swap3A_30 = arith.index_cast %add3A_24 : i32 to index
      %swap3A_31 = tpu.vector_load %arg8[%swap3A_30] {strides = array<i32>} : memref<2048xi32, #tpu.memory_space<vmem>>, vector<16xi32>,
      tpu.vector_store %arg8[%swap3A_30], %broadcast_in_dim3A_29 {strides = array<i32>} : memref<2048xi32, #tpu.memory_space<vmem>>, vector<16xi32>,
      %broadcast_in_dim3A_32 = arith.constant 0 : i32
      %broadcast_in_dim3A_33 = vector.broadcast %broadcast_in_dim3A_32 : i32 to vector<16xi32>
      %swap3A_34 = arith.index_cast %add3A_24 : i32 to index
      %swap3A_35 = tpu.vector_load %arg9[%swap3A_34] {strides = array<i32>} : memref<2048xi32, #tpu.memory_space<vmem>>, vector<16xi32>,
      tpu.vector_store %arg9[%swap3A_34], %broadcast_in_dim3A_33 {strides = array<i32>} : memref<2048xi32, #tpu.memory_space<vmem>>, vector<16xi32>,
      %broadcast_in_dim3A_36 = arith.constant 0 : i32
      %broadcast_in_dim3A_37 = vector.broadcast %broadcast_in_dim3A_36 : i32 to vector<16xi32>
      %swap3A_38 = arith.index_cast %add3A_24 : i32 to index
      %swap3A_39 = tpu.vector_load %arg10[%swap3A_38] {strides = array<i32>} : memref<2048xi32, #tpu.memory_space<vmem>>, vector<16xi32>,
      tpu.vector_store %arg10[%swap3A_38], %broadcast_in_dim3A_37 {strides = array<i32>} : memref<2048xi32, #tpu.memory_space<vmem>>, vector<16xi32>,
    }
    %scan3A_4 = arith.constant 128 : i32
    %broadcast_in_dim3A = arith.constant 1 : i32
    %broadcast_in_dim3A_5 = vector.broadcast %broadcast_in_dim3A : i32 to vector<16xi32>
    %mul3A_6 = arith.constant 1 : i32
    %mul3A_7 = arith.muli %arg1, %mul3A_6 : i32
    %add3A_8 = arith.constant 0 : i32
    %add3A_9 = arith.addi %add3A_8, %mul3A_7 : i32
    %mul3A_10 = arith.constant 16 : i32
    %mul3A_11 = arith.muli %arg0, %mul3A_10 : i32
    %add3A_12 = arith.addi %add3A_9, %mul3A_11 : i32
    %mul3A_13 = arith.constant 4 : i32
    %mul3A_14 = arith.muli %add3A_12, %mul3A_13 : i32
    "tpu.region"() ({
      %run_scoped3A = memref.alloca() : memref<4096xi32, #tpu.memory_space<vmem>>
      %run_scoped3A_20 = tpu.sem_alloc : memref<2x!tpu.dma_semaphore, #tpu.memory_space<semaphore_mem>>
      %run_scoped3A_21 = memref.alloca() : memref<4096xi32, #tpu.memory_space<vmem>>
      %run_scoped3A_22 = tpu.sem_alloc : memref<2x!tpu.dma_semaphore, #tpu.memory_space<semaphore_mem>>
      %run_scoped3A_23 = memref.alloca() : memref<4096xi32, #tpu.memory_space<vmem>>
      %run_scoped3A_24 = tpu.sem_alloc : memref<2x!tpu.dma_semaphore, #tpu.memory_space<semaphore_mem>>
      %run_scoped3A_25 = memref.alloca() : memref<4096xi32, #tpu.memory_space<vmem>>
      %run_scoped3A_26 = tpu.sem_alloc : memref<2x!tpu.dma_semaphore, #tpu.memory_space<semaphore_mem>>
      %add3A_27 = arith.constant 0 : i32
      %add3A_28 = arith.addi %add3A_27, %mul3A_14 : i32
      %select_n3A = arith.constant true
      %select_n3A_29 = arith.constant 0 : i32
      %select_n3A_30 = arith.constant -1 : i32
      %select_n3A_31 = arith.select %select_n3A, %select_n3A_30, %select_n3A_29 : i32
      %eq3A = arith.constant -1 : i32
      %eq3A_32 = arith.cmpi eq, %select_n3A_31, %eq3A : i32
      %select_n3A_33 = arith.constant 3 : i32
      %select_n3A_34 = arith.select %eq3A_32, %select_n3A_33, %select_n3A_31 : i32
      %add3A_35 = arith.addi %select_n3A_34, %mul3A_14 : i32
      %select_n3A_36 = arith.constant true
      %select_n3A_37 = arith.constant 0 : i32
      %select_n3A_38 = arith.constant 1 : i32
      %select_n3A_39 = arith.select %select_n3A_36, %select_n3A_38, %select_n3A_37 : i32
      %eq3A_40 = arith.constant 4 : i32
      %eq3A_41 = arith.cmpi eq, %select_n3A_39, %eq3A_40 : i32
      %select_n3A_42 = arith.constant 0 : i32
      %select_n3A_43 = arith.select %eq3A_41, %select_n3A_42, %select_n3A_39 : i32
      %add3A_44 = arith.addi %select_n3A_43, %mul3A_14 : i32
      %add3A_45 = arith.constant 1 : i32
      %add3A_46 = arith.addi %select_n3A_43, %add3A_45 : i32
      %select_n3A_47 = arith.constant true
      %select_n3A_48 = arith.select %select_n3A_47, %add3A_46, %select_n3A_43 : i32
      %eq3A_49 = arith.constant 4 : i32
      %eq3A_50 = arith.cmpi eq, %select_n3A_48, %eq3A_49 : i32
      %select_n3A_51 = arith.constant 0 : i32
      %select_n3A_52 = arith.select %eq3A_50, %select_n3A_51, %select_n3A_48 : i32
      %add3A_53 = arith.addi %select_n3A_52, %mul3A_14 : i32
      "tpu.trace_start"() <{level = 10 : i32, message = "ep_initialize_0"}> : () -> ()
      %rem3A = arith.constant 0 : i32
      %rem3A_54 = arith.constant 2 : i32
      %rem3A_55 = arith.remui %rem3A, %rem3A_54 : i32
      %mul3A_56 = arith.constant 2048 : i32
      %mul3A_57 = arith.muli %mul3A_56, %add3A_28 : i32
      %mul3A_58 = arith.constant 2048 : i32
      %mul3A_59 = arith.muli %rem3A_55, %mul3A_58 : i32
      %add3A_60 = arith.constant 0 : i32
      %add3A_61 = arith.addi %mul3A_59, %add3A_60 : i32
      %dma_start3A = tpu.memref_slice %run_scoped3A[%add3A_61] : memref<4096xi32, #tpu.memory_space<vmem>> -> memref<2048xi32, #tpu.memory_space<vmem>>
      %dma_start3A_62 = tpu.memref_slice %arg2[%mul3A_57] : memref<524288xi32, #tpu.memory_space<hbm>> -> memref<2048xi32, #tpu.memory_space<hbm>>
      %dma_start3A_63 = tpu.memref_slice %run_scoped3A_20[%rem3A_55] : memref<2x!tpu.dma_semaphore, #tpu.memory_space<semaphore_mem>> -> memref<1x!tpu.dma_semaphore, #tpu.memory_space<semaphore_mem>>
      %dma_start3A_64 = tpu.memref_squeeze %dma_start3A_63 : memref<1x!tpu.dma_semaphore, #tpu.memory_space<semaphore_mem>> -> memref<!tpu.dma_semaphore, #tpu.memory_space<semaphore_mem>>
      %dma_start3A_65 = tpu.memref_slice %run_scoped3A[%add3A_61] : memref<4096xi32, #tpu.memory_space<vmem>> -> memref<2048xi32, #tpu.memory_space<vmem>>
      %dma_start3A_66 = tpu.memref_slice %arg2[%mul3A_57] : memref<524288xi32, #tpu.memory_space<hbm>> -> memref<2048xi32, #tpu.memory_space<hbm>>
      tpu.enqueue_dma source(%dma_start3A_66 : memref<2048xi32, #tpu.memory_space<hbm>>) target(%dma_start3A_65 : memref<2048xi32, #tpu.memory_space<vmem>>) target_semaphore(%dma_start3A_64 : memref<!tpu.dma_semaphore, #tpu.memory_space<semaphore_mem>>)
      %add3A_67 = arith.constant 0 : i32
      %add3A_68 = arith.constant 1 : i32
      %add3A_69 = arith.addi %add3A_67, %add3A_68 : i32
      %select_n3A_70 = arith.constant true
      %select_n3A_71 = arith.constant 0 : i32
      %select_n3A_72 = arith.select %select_n3A_70, %add3A_69, %select_n3A_71 : i32
      %rem3A_73 = arith.constant 0 : i32
      %rem3A_74 = arith.constant 2 : i32
      %rem3A_75 = arith.remui %rem3A_73, %rem3A_74 : i32
      %add3A_76 = arith.constant 128 : i32
      %add3A_77 = arith.addi %add3A_28, %add3A_76 : i32
      %mul3A_78 = arith.constant 2048 : i32
      %mul3A_79 = arith.muli %mul3A_78, %add3A_77 : i32
      %mul3A_80 = arith.constant 2048 : i32
      %mul3A_81 = arith.muli %rem3A_75, %mul3A_80 : i32
      %add3A_82 = arith.constant 0 : i32
      %add3A_83 = arith.addi %mul3A_81, %add3A_82 : i32
      %dma_start3A_84 = tpu.memref_slice %run_scoped3A_21[%add3A_83] : memref<4096xi32, #tpu.memory_space<vmem>> -> memref<2048xi32, #tpu.memory_space<vmem>>
      %dma_start3A_85 = tpu.memref_slice %arg2[%mul3A_79] : memref<524288xi32, #tpu.memory_space<hbm>> -> memref<2048xi32, #tpu.memory_space<hbm>>
      %dma_start3A_86 = tpu.memref_slice %run_scoped3A_22[%rem3A_75] : memref<2x!tpu.dma_semaphore, #tpu.memory_space<semaphore_mem>> -> memref<1x!tpu.dma_semaphore, #tpu.memory_space<semaphore_mem>>
      %dma_start3A_87 = tpu.memref_squeeze %dma_start3A_86 : memref<1x!tpu.dma_semaphore, #tpu.memory_space<semaphore_mem>> -> memref<!tpu.dma_semaphore, #tpu.memory_space<semaphore_mem>>
      %dma_start3A_88 = tpu.memref_slice %run_scoped3A_21[%add3A_83] : memref<4096xi32, #tpu.memory_space<vmem>> -> memref<2048xi32, #tpu.memory_space<vmem>>
      %dma_start3A_89 = tpu.memref_slice %arg2[%mul3A_79] : memref<524288xi32, #tpu.memory_space<hbm>> -> memref<2048xi32, #tpu.memory_space<hbm>>
      tpu.enqueue_dma source(%dma_start3A_89 : memref<2048xi32, #tpu.memory_space<hbm>>) target(%dma_start3A_88 : memref<2048xi32, #tpu.memory_space<vmem>>) target_semaphore(%dma_start3A_87 : memref<!tpu.dma_semaphore, #tpu.memory_space<semaphore_mem>>)
      %add3A_90 = arith.constant 0 : i32
      %add3A_91 = arith.constant 1 : i32
      %add3A_92 = arith.addi %add3A_90, %add3A_91 : i32
      %select_n3A_93 = arith.constant true
      %select_n3A_94 = arith.constant 0 : i32
      %select_n3A_95 = arith.select %select_n3A_93, %add3A_92, %select_n3A_94 : i32
      %rem3A_96 = arith.constant 0 : i32
      %rem3A_97 = arith.constant 2 : i32
      %rem3A_98 = arith.remui %rem3A_96, %rem3A_97 : i32
      %mul3A_99 = arith.constant 2048 : i32
      %mul3A_100 = arith.muli %mul3A_99, %add3A_28 : i32
      %mul3A_101 = arith.constant 2048 : i32
      %mul3A_102 = arith.muli %rem3A_98, %mul3A_101 : i32
      %add3A_103 = arith.constant 0 : i32
      %add3A_104 = arith.addi %mul3A_102, %add3A_103 : i32
      %dma_start3A_105 = tpu.memref_slice %run_scoped3A_23[%add3A_104] : memref<4096xi32, #tpu.memory_space<vmem>> -> memref<2048xi32, #tpu.memory_space<vmem>>
      %dma_start3A_106 = tpu.memref_slice %arg3[%mul3A_100] : memref<524288xi32, #tpu.memory_space<hbm>> -> memref<2048xi32, #tpu.memory_space<hbm>>
      %dma_start3A_107 = tpu.memref_slice %run_scoped3A_24[%rem3A_98] : memref<2x!tpu.dma_semaphore, #tpu.memory_space<semaphore_mem>> -> memref<1x!tpu.dma_semaphore, #tpu.memory_space<semaphore_mem>>
      %dma_start3A_108 = tpu.memref_squeeze %dma_start3A_107 : memref<1x!tpu.dma_semaphore, #tpu.memory_space<semaphore_mem>> -> memref<!tpu.dma_semaphore, #tpu.memory_space<semaphore_mem>>
      %dma_start3A_109 = tpu.memref_slice %run_scoped3A_23[%add3A_104] : memref<4096xi32, #tpu.memory_space<vmem>> -> memref<2048xi32, #tpu.memory_space<vmem>>
      %dma_start3A_110 = tpu.memref_slice %arg3[%mul3A_100] : memref<524288xi32, #tpu.memory_space<hbm>> -> memref<2048xi32, #tpu.memory_space<hbm>>
      tpu.enqueue_dma source(%dma_start3A_110 : memref<2048xi32, #tpu.memory_space<hbm>>) target(%dma_start3A_109 : memref<2048xi32, #tpu.memory_space<vmem>>) target_semaphore(%dma_start3A_108 : memref<!tpu.dma_semaphore, #tpu.memory_space<semaphore_mem>>)
      %add3A_111 = arith.constant 0 : i32
      %add3A_112 = arith.constant 1 : i32
      %add3A_113 = arith.addi %add3A_111, %add3A_112 : i32
      %select_n3A_114 = arith.constant true
      %select_n3A_115 = arith.constant 0 : i32
      %select_n3A_116 = arith.select %select_n3A_114, %add3A_113, %select_n3A_115 : i32
      %rem3A_117 = arith.constant 0 : i32
      %rem3A_118 = arith.constant 2 : i32
      %rem3A_119 = arith.remui %rem3A_117, %rem3A_118 : i32
      %add3A_120 = arith.constant 128 : i32
      %add3A_121 = arith.addi %add3A_28, %add3A_120 : i32
      %mul3A_122 = arith.constant 2048 : i32
      %mul3A_123 = arith.muli %mul3A_122, %add3A_121 : i32
      %mul3A_124 = arith.constant 2048 : i32
      %mul3A_125 = arith.muli %rem3A_119, %mul3A_124 : i32
      %add3A_126 = arith.constant 0 : i32
      %add3A_127 = arith.addi %mul3A_125, %add3A_126 : i32
      %dma_start3A_128 = tpu.memref_slice %run_scoped3A_25[%add3A_127] : memref<4096xi32, #tpu.memory_space<vmem>> -> memref<2048xi32, #tpu.memory_space<vmem>>
      %dma_start3A_129 = tpu.memref_slice %arg3[%mul3A_123] : memref<524288xi32, #tpu.memory_space<hbm>> -> memref<2048xi32, #tpu.memory_space<hbm>>
      %dma_start3A_130 = tpu.memref_slice %run_scoped3A_26[%rem3A_119] : memref<2x!tpu.dma_semaphore, #tpu.memory_space<semaphore_mem>> -> memref<1x!tpu.dma_semaphore, #tpu.memory_space<semaphore_mem>>
      %dma_start3A_131 = tpu.memref_squeeze %dma_start3A_130 : memref<1x!tpu.dma_semaphore, #tpu.memory_space<semaphore_mem>> -> memref<!tpu.dma_semaphore, #tpu.memory_space<semaphore_mem>>
      %dma_start3A_132 = tpu.memref_slice %run_scoped3A_25[%add3A_127] : memref<4096xi32, #tpu.memory_space<vmem>> -> memref<2048xi32, #tpu.memory_space<vmem>>
      %dma_start3A_133 = tpu.memref_slice %arg3[%mul3A_123] : memref<524288xi32, #tpu.memory_space<hbm>> -> memref<2048xi32, #tpu.memory_space<hbm>>
      tpu.enqueue_dma source(%dma_start3A_133 : memref<2048xi32, #tpu.memory_space<hbm>>) target(%dma_start3A_132 : memref<2048xi32, #tpu.memory_space<vmem>>) target_semaphore(%dma_start3A_131 : memref<!tpu.dma_semaphore, #tpu.memory_space<semaphore_mem>>)
      %add3A_134 = arith.constant 0 : i32
      %add3A_135 = arith.constant 1 : i32
      %add3A_136 = arith.addi %add3A_134, %add3A_135 : i32
      %select_n3A_137 = arith.constant true
      %select_n3A_138 = arith.constant 0 : i32
      %select_n3A_139 = arith.select %select_n3A_137, %add3A_136, %select_n3A_138 : i32
      "tpu.trace_stop"() : () -> ()
      %scan3A_140 = arith.constant 0 : i32
      %scan3A_141 = arith.constant 0 : i32
      %scan3A_142 = arith.constant 0 : i32
      %scan3A_143 = arith.constant 0 : i32
      %scan3A_144 = arith.constant 0 : i32
      %scan3A_145 = arith.constant 0 : i32
      %scan3A_146 = arith.constant 4 : i32
      %scan3A_147 = arith.addi %scan3A_145, %scan3A_146 : i32
      %scan3A_148 = arith.constant 1 : i32
      %scan3A_149:9 = scf.for %scan3A_186 = %scan3A_145 to %scan3A_147 step %scan3A_148 iter_args(%scan3A_187 = %select_n3A_72, %scan3A_188 = %scan3A_140, %scan3A_189 = %select_n3A_95, %scan3A_190 = %scan3A_141, %scan3A_191 = %select_n3A_116, %scan3A_192 = %scan3A_142, %scan3A_193 = %select_n3A_139, %scan3A_194 = %scan3A_143, %scan3A_195 = %scan3A_144) -> (i32, i32, i32, i32, i32, i32, i32, i32, i32)  : i32 {
        %eq3A_196 = arith.constant 0 : i32
        %eq3A_197 = arith.cmpi eq, %scan3A_186, %eq3A_196 : i32
        %eq3A_198 = arith.constant 3 : i32
        %eq3A_199 = arith.cmpi eq, %scan3A_186, %eq3A_198 : i32
        %add3A_200 = arith.addi %scan3A_195, %mul3A_14 : i32
        %sub3A_201 = arith.constant 1 : i32
        %sub3A_202 = arith.subi %scan3A_195, %sub3A_201 : i32
        %select_n3A_203 = arith.constant true
        %select_n3A_204 = arith.select %select_n3A_203, %sub3A_202, %scan3A_195 : i32
        %eq3A_205 = arith.constant -1 : i32
        %eq3A_206 = arith.cmpi eq, %select_n3A_204, %eq3A_205 : i32
        %select_n3A_207 = arith.constant 3 : i32
        %select_n3A_208 = arith.select %eq3A_206, %select_n3A_207, %select_n3A_204 : i32
        %add3A_209 = arith.addi %select_n3A_208, %mul3A_14 : i32
        %add3A_210 = arith.constant 1 : i32
        %add3A_211 = arith.addi %scan3A_195, %add3A_210 : i32
        %select_n3A_212 = arith.constant true
        %select_n3A_213 = arith.select %select_n3A_212, %add3A_211, %scan3A_195 : i32
        %eq3A_214 = arith.constant 4 : i32
        %eq3A_215 = arith.cmpi eq, %select_n3A_213, %eq3A_214 : i32
        %select_n3A_216 = arith.constant 0 : i32
        %select_n3A_217 = arith.select %eq3A_215, %select_n3A_216, %select_n3A_213 : i32
        %add3A_218 = arith.addi %select_n3A_217, %mul3A_14 : i32
        %add3A_219 = arith.constant 1 : i32
        %add3A_220 = arith.addi %select_n3A_217, %add3A_219 : i32
        %select_n3A_221 = arith.constant true
        %select_n3A_222 = arith.select %select_n3A_221, %add3A_220, %select_n3A_217 : i32
        %eq3A_223 = arith.constant 4 : i32
        %eq3A_224 = arith.cmpi eq, %select_n3A_222, %eq3A_223 : i32
        %select_n3A_225 = arith.constant 0 : i32
        %select_n3A_226 = arith.select %eq3A_224, %select_n3A_225, %select_n3A_222 : i32
        %add3A_227 = arith.addi %select_n3A_226, %mul3A_14 : i32
        %ne3A = arith.cmpi ne, %add3A_200, %add3A_218 : i32
        %or3A = arith.constant false
        %or3A_228 = arith.ori %or3A, %ne3A : i1
        %ge3A = arith.constant 3 : i32
        %ge3A_229 = arith.cmpi sge, %scan3A_186, %ge3A : i32
        %not3A = arith.constant true
        %not3A_230 = arith.xori %ge3A_229, %not3A : i1
        %and3A = arith.andi %or3A_228, %not3A_230 : i1
        %convert_element_type3A = arith.extui %and3A : i1 to i32
        %cond3A = arith.constant 0 : i32
        %cond3A_231 = arith.cmpi ne, %convert_element_type3A, %cond3A : i32
        scf.if %cond3A_231 {
          "tpu.trace_start"() <{level = 10 : i32, message = "ep_copy_in"}> : () -> ()
          %rem3A_493 = arith.constant 2 : i32
          %rem3A_494 = arith.remui %scan3A_187, %rem3A_493 : i32
          %mul3A_495 = arith.constant 2048 : i32
          %mul3A_496 = arith.muli %mul3A_495, %add3A_218 : i32
          %mul3A_497 = arith.constant 2048 : i32
          %mul3A_498 = arith.muli %rem3A_494, %mul3A_497 : i32
          %add3A_499 = arith.constant 0 : i32
          %add3A_500 = arith.addi %mul3A_498, %add3A_499 : i32
          %dma_start3A_501 = tpu.memref_slice %run_scoped3A[%add3A_500] : memref<4096xi32, #tpu.memory_space<vmem>> -> memref<2048xi32, #tpu.memory_space<vmem>>
          %dma_start3A_502 = tpu.memref_slice %arg2[%mul3A_496] : memref<524288xi32, #tpu.memory_space<hbm>> -> memref<2048xi32, #tpu.memory_space<hbm>>
          %dma_start3A_503 = tpu.memref_slice %run_scoped3A_20[%rem3A_494] : memref<2x!tpu.dma_semaphore, #tpu.memory_space<semaphore_mem>> -> memref<1x!tpu.dma_semaphore, #tpu.memory_space<semaphore_mem>>
          %dma_start3A_504 = tpu.memref_squeeze %dma_start3A_503 : memref<1x!tpu.dma_semaphore, #tpu.memory_space<semaphore_mem>> -> memref<!tpu.dma_semaphore, #tpu.memory_space<semaphore_mem>>
          %dma_start3A_505 = tpu.memref_slice %run_scoped3A[%add3A_500] : memref<4096xi32, #tpu.memory_space<vmem>> -> memref<2048xi32, #tpu.memory_space<vmem>>
          %dma_start3A_506 = tpu.memref_slice %arg2[%mul3A_496] : memref<524288xi32, #tpu.memory_space<hbm>> -> memref<2048xi32, #tpu.memory_space<hbm>>
          tpu.enqueue_dma source(%dma_start3A_506 : memref<2048xi32, #tpu.memory_space<hbm>>) target(%dma_start3A_505 : memref<2048xi32, #tpu.memory_space<vmem>>) target_semaphore(%dma_start3A_504 : memref<!tpu.dma_semaphore, #tpu.memory_space<semaphore_mem>>)
          "tpu.trace_stop"() : () -> ()
        } else {
        }
        %and3A_232 = arith.constant true
        %and3A_233 = arith.andi %and3A, %and3A_232 : i1
        %add3A_234 = arith.constant 1 : i32
        %add3A_235 = arith.addi %scan3A_187, %add3A_234 : i32
        %select_n3A_236 = arith.select %and3A_233, %add3A_235, %scan3A_187 : i32
        %add3A_237 = arith.constant 128 : i32
        %add3A_238 = arith.addi %add3A_200, %add3A_237 : i32
        %add3A_239 = arith.constant 128 : i32
        %add3A_240 = arith.addi %add3A_218, %add3A_239 : i32
        %ne3A_241 = arith.cmpi ne, %add3A_238, %add3A_240 : i32
        %or3A_242 = arith.constant false
        %or3A_243 = arith.ori %or3A_242, %ne3A_241 : i1
        %ge3A_244 = arith.constant 3 : i32
        %ge3A_245 = arith.cmpi sge, %scan3A_186, %ge3A_244 : i32
        %not3A_246 = arith.constant true
        %not3A_247 = arith.xori %ge3A_245, %not3A_246 : i1
        %and3A_248 = arith.andi %or3A_243, %not3A_247 : i1
        %convert_element_type3A_249 = arith.extui %and3A_248 : i1 to i32
        %cond3A_250 = arith.constant 0 : i32
        %cond3A_251 = arith.cmpi ne, %convert_element_type3A_249, %cond3A_250 : i32
        scf.if %cond3A_251 {
          "tpu.trace_start"() <{level = 10 : i32, message = "ep_copy_in"}> : () -> ()
          %rem3A_493 = arith.constant 2 : i32
          %rem3A_494 = arith.remui %scan3A_189, %rem3A_493 : i32
          %add3A_495 = arith.constant 128 : i32
          %add3A_496 = arith.addi %add3A_218, %add3A_495 : i32
          %mul3A_497 = arith.constant 2048 : i32
          %mul3A_498 = arith.muli %mul3A_497, %add3A_496 : i32
          %mul3A_499 = arith.constant 2048 : i32
          %mul3A_500 = arith.muli %rem3A_494, %mul3A_499 : i32
          %add3A_501 = arith.constant 0 : i32
          %add3A_502 = arith.addi %mul3A_500, %add3A_501 : i32
          %dma_start3A_503 = tpu.memref_slice %run_scoped3A_21[%add3A_502] : memref<4096xi32, #tpu.memory_space<vmem>> -> memref<2048xi32, #tpu.memory_space<vmem>>
          %dma_start3A_504 = tpu.memref_slice %arg2[%mul3A_498] : memref<524288xi32, #tpu.memory_space<hbm>> -> memref<2048xi32, #tpu.memory_space<hbm>>
          %dma_start3A_505 = tpu.memref_slice %run_scoped3A_22[%rem3A_494] : memref<2x!tpu.dma_semaphore, #tpu.memory_space<semaphore_mem>> -> memref<1x!tpu.dma_semaphore, #tpu.memory_space<semaphore_mem>>
          %dma_start3A_506 = tpu.memref_squeeze %dma_start3A_505 : memref<1x!tpu.dma_semaphore, #tpu.memory_space<semaphore_mem>> -> memref<!tpu.dma_semaphore, #tpu.memory_space<semaphore_mem>>
          %dma_start3A_507 = tpu.memref_slice %run_scoped3A_21[%add3A_502] : memref<4096xi32, #tpu.memory_space<vmem>> -> memref<2048xi32, #tpu.memory_space<vmem>>
          %dma_start3A_508 = tpu.memref_slice %arg2[%mul3A_498] : memref<524288xi32, #tpu.memory_space<hbm>> -> memref<2048xi32, #tpu.memory_space<hbm>>
          tpu.enqueue_dma source(%dma_start3A_508 : memref<2048xi32, #tpu.memory_space<hbm>>) target(%dma_start3A_507 : memref<2048xi32, #tpu.memory_space<vmem>>) target_semaphore(%dma_start3A_506 : memref<!tpu.dma_semaphore, #tpu.memory_space<semaphore_mem>>)
          "tpu.trace_stop"() : () -> ()
        } else {
        }
        %and3A_252 = arith.constant true
        %and3A_253 = arith.andi %and3A_248, %and3A_252 : i1
        %add3A_254 = arith.constant 1 : i32
        %add3A_255 = arith.addi %scan3A_189, %add3A_254 : i32
        %select_n3A_256 = arith.select %and3A_253, %add3A_255, %scan3A_189 : i32
        %ne3A_257 = arith.cmpi ne, %add3A_200, %add3A_218 : i32
        %or3A_258 = arith.constant false
        %or3A_259 = arith.ori %or3A_258, %ne3A_257 : i1
        %ge3A_260 = arith.constant 3 : i32
        %ge3A_261 = arith.cmpi sge, %scan3A_186, %ge3A_260 : i32
        %not3A_262 = arith.constant true
        %not3A_263 = arith.xori %ge3A_261, %not3A_262 : i1
        %and3A_264 = arith.andi %or3A_259, %not3A_263 : i1
        %convert_element_type3A_265 = arith.extui %and3A_264 : i1 to i32
        %cond3A_266 = arith.constant 0 : i32
        %cond3A_267 = arith.cmpi ne, %convert_element_type3A_265, %cond3A_266 : i32
        scf.if %cond3A_267 {
          "tpu.trace_start"() <{level = 10 : i32, message = "ep_copy_in"}> : () -> ()
          %rem3A_493 = arith.constant 2 : i32
          %rem3A_494 = arith.remui %scan3A_191, %rem3A_493 : i32
          %mul3A_495 = arith.constant 2048 : i32
          %mul3A_496 = arith.muli %mul3A_495, %add3A_218 : i32
          %mul3A_497 = arith.constant 2048 : i32
          %mul3A_498 = arith.muli %rem3A_494, %mul3A_497 : i32
          %add3A_499 = arith.constant 0 : i32
          %add3A_500 = arith.addi %mul3A_498, %add3A_499 : i32
          %dma_start3A_501 = tpu.memref_slice %run_scoped3A_23[%add3A_500] : memref<4096xi32, #tpu.memory_space<vmem>> -> memref<2048xi32, #tpu.memory_space<vmem>>
          %dma_start3A_502 = tpu.memref_slice %arg3[%mul3A_496] : memref<524288xi32, #tpu.memory_space<hbm>> -> memref<2048xi32, #tpu.memory_space<hbm>>
          %dma_start3A_503 = tpu.memref_slice %run_scoped3A_24[%rem3A_494] : memref<2x!tpu.dma_semaphore, #tpu.memory_space<semaphore_mem>> -> memref<1x!tpu.dma_semaphore, #tpu.memory_space<semaphore_mem>>
          %dma_start3A_504 = tpu.memref_squeeze %dma_start3A_503 : memref<1x!tpu.dma_semaphore, #tpu.memory_space<semaphore_mem>> -> memref<!tpu.dma_semaphore, #tpu.memory_space<semaphore_mem>>
          %dma_start3A_505 = tpu.memref_slice %run_scoped3A_23[%add3A_500] : memref<4096xi32, #tpu.memory_space<vmem>> -> memref<2048xi32, #tpu.memory_space<vmem>>
          %dma_start3A_506 = tpu.memref_slice %arg3[%mul3A_496] : memref<524288xi32, #tpu.memory_space<hbm>> -> memref<2048xi32, #tpu.memory_space<hbm>>
          tpu.enqueue_dma source(%dma_start3A_506 : memref<2048xi32, #tpu.memory_space<hbm>>) target(%dma_start3A_505 : memref<2048xi32, #tpu.memory_space<vmem>>) target_semaphore(%dma_start3A_504 : memref<!tpu.dma_semaphore, #tpu.memory_space<semaphore_mem>>)
          "tpu.trace_stop"() : () -> ()
        } else {
        }
        %and3A_268 = arith.constant true
        %and3A_269 = arith.andi %and3A_264, %and3A_268 : i1
        %add3A_270 = arith.constant 1 : i32
        %add3A_271 = arith.addi %scan3A_191, %add3A_270 : i32
        %select_n3A_272 = arith.select %and3A_269, %add3A_271, %scan3A_191 : i32
        %add3A_273 = arith.constant 128 : i32
        %add3A_274 = arith.addi %add3A_200, %add3A_273 : i32
        %add3A_275 = arith.constant 128 : i32
        %add3A_276 = arith.addi %add3A_218, %add3A_275 : i32
        %ne3A_277 = arith.cmpi ne, %add3A_274, %add3A_276 : i32
        %or3A_278 = arith.constant false
        %or3A_279 = arith.ori %or3A_278, %ne3A_277 : i1
        %ge3A_280 = arith.constant 3 : i32
        %ge3A_281 = arith.cmpi sge, %scan3A_186, %ge3A_280 : i32
        %not3A_282 = arith.constant true
        %not3A_283 = arith.xori %ge3A_281, %not3A_282 : i1
        %and3A_284 = arith.andi %or3A_279, %not3A_283 : i1
        %convert_element_type3A_285 = arith.extui %and3A_284 : i1 to i32
        %cond3A_286 = arith.constant 0 : i32
        %cond3A_287 = arith.cmpi ne, %convert_element_type3A_285, %cond3A_286 : i32
        scf.if %cond3A_287 {
          "tpu.trace_start"() <{level = 10 : i32, message = "ep_copy_in"}> : () -> ()
          %rem3A_493 = arith.constant 2 : i32
          %rem3A_494 = arith.remui %scan3A_193, %rem3A_493 : i32
          %add3A_495 = arith.constant 128 : i32
          %add3A_496 = arith.addi %add3A_218, %add3A_495 : i32
          %mul3A_497 = arith.constant 2048 : i32
          %mul3A_498 = arith.muli %mul3A_497, %add3A_496 : i32
          %mul3A_499 = arith.constant 2048 : i32
          %mul3A_500 = arith.muli %rem3A_494, %mul3A_499 : i32
          %add3A_501 = arith.constant 0 : i32
          %add3A_502 = arith.addi %mul3A_500, %add3A_501 : i32
          %dma_start3A_503 = tpu.memref_slice %run_scoped3A_25[%add3A_502] : memref<4096xi32, #tpu.memory_space<vmem>> -> memref<2048xi32, #tpu.memory_space<vmem>>
          %dma_start3A_504 = tpu.memref_slice %arg3[%mul3A_498] : memref<524288xi32, #tpu.memory_space<hbm>> -> memref<2048xi32, #tpu.memory_space<hbm>>
          %dma_start3A_505 = tpu.memref_slice %run_scoped3A_26[%rem3A_494] : memref<2x!tpu.dma_semaphore, #tpu.memory_space<semaphore_mem>> -> memref<1x!tpu.dma_semaphore, #tpu.memory_space<semaphore_mem>>
          %dma_start3A_506 = tpu.memref_squeeze %dma_start3A_505 : memref<1x!tpu.dma_semaphore, #tpu.memory_space<semaphore_mem>> -> memref<!tpu.dma_semaphore, #tpu.memory_space<semaphore_mem>>
          %dma_start3A_507 = tpu.memref_slice %run_scoped3A_25[%add3A_502] : memref<4096xi32, #tpu.memory_space<vmem>> -> memref<2048xi32, #tpu.memory_space<vmem>>
          %dma_start3A_508 = tpu.memref_slice %arg3[%mul3A_498] : memref<524288xi32, #tpu.memory_space<hbm>> -> memref<2048xi32, #tpu.memory_space<hbm>>
          tpu.enqueue_dma source(%dma_start3A_508 : memref<2048xi32, #tpu.memory_space<hbm>>) target(%dma_start3A_507 : memref<2048xi32, #tpu.memory_space<vmem>>) target_semaphore(%dma_start3A_506 : memref<!tpu.dma_semaphore, #tpu.memory_space<semaphore_mem>>)
          "tpu.trace_stop"() : () -> ()
        } else {
        }
        %and3A_288 = arith.constant true
        %and3A_289 = arith.andi %and3A_284, %and3A_288 : i1
        %add3A_290 = arith.constant 1 : i32
        %add3A_291 = arith.addi %scan3A_193, %add3A_290 : i32
        %select_n3A_292 = arith.select %and3A_289, %add3A_291, %scan3A_193 : i32
        %ne3A_293 = arith.cmpi ne, %add3A_200, %add3A_209 : i32
        %or3A_294 = arith.constant false
        %or3A_295 = arith.ori %or3A_294, %ne3A_293 : i1
        %or3A_296 = arith.ori %or3A_295, %eq3A_197 : i1
        %convert_element_type3A_297 = arith.extui %or3A_296 : i1 to i32
        %cond3A_298 = arith.constant 0 : i32
        %cond3A_299 = arith.cmpi ne, %convert_element_type3A_297, %cond3A_298 : i32
        scf.if %cond3A_299 {
          "tpu.trace_start"() <{level = 10 : i32, message = "ep_wait_in"}> : () -> ()
          %mul3A_493 = arith.constant 2048 : i32
          %mul3A_494 = arith.muli %mul3A_493, %add3A_200 : i32
          %rem3A_495 = arith.constant 2 : i32
          %rem3A_496 = arith.remui %scan3A_188, %rem3A_495 : i32
          %mul3A_497 = arith.constant 2048 : i32
          %mul3A_498 = arith.muli %rem3A_496, %mul3A_497 : i32
          %add3A_499 = arith.constant 0 : i32
          %add3A_500 = arith.addi %mul3A_498, %add3A_499 : i32
          %dma_wait3A = tpu.memref_slice %run_scoped3A[%add3A_500] : memref<4096xi32, #tpu.memory_space<vmem>> -> memref<2048xi32, #tpu.memory_space<vmem>>
          %dma_wait3A_501 = tpu.memref_slice %arg2[%mul3A_494] : memref<524288xi32, #tpu.memory_space<hbm>> -> memref<2048xi32, #tpu.memory_space<hbm>>
          %dma_wait3A_502 = tpu.memref_slice %run_scoped3A_20[%rem3A_496] : memref<2x!tpu.dma_semaphore, #tpu.memory_space<semaphore_mem>> -> memref<1x!tpu.dma_semaphore, #tpu.memory_space<semaphore_mem>>
          %dma_wait3A_503 = tpu.memref_squeeze %dma_wait3A_502 : memref<1x!tpu.dma_semaphore, #tpu.memory_space<semaphore_mem>> -> memref<!tpu.dma_semaphore, #tpu.memory_space<semaphore_mem>>
          %dma_wait3A_504 = tpu.memref_slice %run_scoped3A[%add3A_500] : memref<4096xi32, #tpu.memory_space<vmem>> -> memref<2048xi32, #tpu.memory_space<vmem>>
          %dma_wait3A_505 = tpu.memref_slice %arg2[%mul3A_494] : memref<524288xi32, #tpu.memory_space<hbm>> -> memref<2048xi32, #tpu.memory_space<hbm>>
          tpu.wait_dma2 semaphore(%dma_wait3A_503 : memref<!tpu.dma_semaphore, #tpu.memory_space<semaphore_mem>>) src(%dma_wait3A_505 : memref<2048xi32, #tpu.memory_space<hbm>>) dst(%dma_wait3A_504 : memref<2048xi32, #tpu.memory_space<vmem>>)
          "tpu.trace_stop"() : () -> ()
        } else {
        }
        %add3A_300 = arith.constant 128 : i32
        %add3A_301 = arith.addi %add3A_200, %add3A_300 : i32
        %add3A_302 = arith.constant 128 : i32
        %add3A_303 = arith.addi %add3A_209, %add3A_302 : i32
        %ne3A_304 = arith.cmpi ne, %add3A_301, %add3A_303 : i32
        %or3A_305 = arith.constant false
        %or3A_306 = arith.ori %or3A_305, %ne3A_304 : i1
        %or3A_307 = arith.ori %or3A_306, %eq3A_197 : i1
        %convert_element_type3A_308 = arith.extui %or3A_307 : i1 to i32
        %cond3A_309 = arith.constant 0 : i32
        %cond3A_310 = arith.cmpi ne, %convert_element_type3A_308, %cond3A_309 : i32
        scf.if %cond3A_310 {
          "tpu.trace_start"() <{level = 10 : i32, message = "ep_wait_in"}> : () -> ()
          %add3A_493 = arith.constant 128 : i32
          %add3A_494 = arith.addi %add3A_200, %add3A_493 : i32
          %mul3A_495 = arith.constant 2048 : i32
          %mul3A_496 = arith.muli %mul3A_495, %add3A_494 : i32
          %rem3A_497 = arith.constant 2 : i32
          %rem3A_498 = arith.remui %scan3A_190, %rem3A_497 : i32
          %mul3A_499 = arith.constant 2048 : i32
          %mul3A_500 = arith.muli %rem3A_498, %mul3A_499 : i32
          %add3A_501 = arith.constant 0 : i32
          %add3A_502 = arith.addi %mul3A_500, %add3A_501 : i32
          %dma_wait3A = tpu.memref_slice %run_scoped3A_21[%add3A_502] : memref<4096xi32, #tpu.memory_space<vmem>> -> memref<2048xi32, #tpu.memory_space<vmem>>
          %dma_wait3A_503 = tpu.memref_slice %arg2[%mul3A_496] : memref<524288xi32, #tpu.memory_space<hbm>> -> memref<2048xi32, #tpu.memory_space<hbm>>
          %dma_wait3A_504 = tpu.memref_slice %run_scoped3A_22[%rem3A_498] : memref<2x!tpu.dma_semaphore, #tpu.memory_space<semaphore_mem>> -> memref<1x!tpu.dma_semaphore, #tpu.memory_space<semaphore_mem>>
          %dma_wait3A_505 = tpu.memref_squeeze %dma_wait3A_504 : memref<1x!tpu.dma_semaphore, #tpu.memory_space<semaphore_mem>> -> memref<!tpu.dma_semaphore, #tpu.memory_space<semaphore_mem>>
          %dma_wait3A_506 = tpu.memref_slice %run_scoped3A_21[%add3A_502] : memref<4096xi32, #tpu.memory_space<vmem>> -> memref<2048xi32, #tpu.memory_space<vmem>>
          %dma_wait3A_507 = tpu.memref_slice %arg2[%mul3A_496] : memref<524288xi32, #tpu.memory_space<hbm>> -> memref<2048xi32, #tpu.memory_space<hbm>>
          tpu.wait_dma2 semaphore(%dma_wait3A_505 : memref<!tpu.dma_semaphore, #tpu.memory_space<semaphore_mem>>) src(%dma_wait3A_507 : memref<2048xi32, #tpu.memory_space<hbm>>) dst(%dma_wait3A_506 : memref<2048xi32, #tpu.memory_space<vmem>>)
          "tpu.trace_stop"() : () -> ()
        } else {
        }
        %ne3A_311 = arith.cmpi ne, %add3A_200, %add3A_209 : i32
        %or3A_312 = arith.constant false
        %or3A_313 = arith.ori %or3A_312, %ne3A_311 : i1
        %or3A_314 = arith.ori %or3A_313, %eq3A_197 : i1
        %convert_element_type3A_315 = arith.extui %or3A_314 : i1 to i32
        %cond3A_316 = arith.constant 0 : i32
        %cond3A_317 = arith.cmpi ne, %convert_element_type3A_315, %cond3A_316 : i32
        scf.if %cond3A_317 {
          "tpu.trace_start"() <{level = 10 : i32, message = "ep_wait_in"}> : () -> ()
          %mul3A_493 = arith.constant 2048 : i32
          %mul3A_494 = arith.muli %mul3A_493, %add3A_200 : i32
          %rem3A_495 = arith.constant 2 : i32
          %rem3A_496 = arith.remui %scan3A_192, %rem3A_495 : i32
          %mul3A_497 = arith.constant 2048 : i32
          %mul3A_498 = arith.muli %rem3A_496, %mul3A_497 : i32
          %add3A_499 = arith.constant 0 : i32
          %add3A_500 = arith.addi %mul3A_498, %add3A_499 : i32
          %dma_wait3A = tpu.memref_slice %run_scoped3A_23[%add3A_500] : memref<4096xi32, #tpu.memory_space<vmem>> -> memref<2048xi32, #tpu.memory_space<vmem>>
          %dma_wait3A_501 = tpu.memref_slice %arg3[%mul3A_494] : memref<524288xi32, #tpu.memory_space<hbm>> -> memref<2048xi32, #tpu.memory_space<hbm>>
          %dma_wait3A_502 = tpu.memref_slice %run_scoped3A_24[%rem3A_496] : memref<2x!tpu.dma_semaphore, #tpu.memory_space<semaphore_mem>> -> memref<1x!tpu.dma_semaphore, #tpu.memory_space<semaphore_mem>>
          %dma_wait3A_503 = tpu.memref_squeeze %dma_wait3A_502 : memref<1x!tpu.dma_semaphore, #tpu.memory_space<semaphore_mem>> -> memref<!tpu.dma_semaphore, #tpu.memory_space<semaphore_mem>>
          %dma_wait3A_504 = tpu.memref_slice %run_scoped3A_23[%add3A_500] : memref<4096xi32, #tpu.memory_space<vmem>> -> memref<2048xi32, #tpu.memory_space<vmem>>
          %dma_wait3A_505 = tpu.memref_slice %arg3[%mul3A_494] : memref<524288xi32, #tpu.memory_space<hbm>> -> memref<2048xi32, #tpu.memory_space<hbm>>
          tpu.wait_dma2 semaphore(%dma_wait3A_503 : memref<!tpu.dma_semaphore, #tpu.memory_space<semaphore_mem>>) src(%dma_wait3A_505 : memref<2048xi32, #tpu.memory_space<hbm>>) dst(%dma_wait3A_504 : memref<2048xi32, #tpu.memory_space<vmem>>)
          "tpu.trace_stop"() : () -> ()
        } else {
        }
        %add3A_318 = arith.constant 128 : i32
        %add3A_319 = arith.addi %add3A_200, %add3A_318 : i32
        %add3A_320 = arith.constant 128 : i32
        %add3A_321 = arith.addi %add3A_209, %add3A_320 : i32
        %ne3A_322 = arith.cmpi ne, %add3A_319, %add3A_321 : i32
        %or3A_323 = arith.constant false
        %or3A_324 = arith.ori %or3A_323, %ne3A_322 : i1
        %or3A_325 = arith.ori %or3A_324, %eq3A_197 : i1
        %convert_element_type3A_326 = arith.extui %or3A_325 : i1 to i32
        %cond3A_327 = arith.constant 0 : i32
        %cond3A_328 = arith.cmpi ne, %convert_element_type3A_326, %cond3A_327 : i32
        scf.if %cond3A_328 {
          "tpu.trace_start"() <{level = 10 : i32, message = "ep_wait_in"}> : () -> ()
          %add3A_493 = arith.constant 128 : i32
          %add3A_494 = arith.addi %add3A_200, %add3A_493 : i32
          %mul3A_495 = arith.constant 2048 : i32
          %mul3A_496 = arith.muli %mul3A_495, %add3A_494 : i32
          %rem3A_497 = arith.constant 2 : i32
          %rem3A_498 = arith.remui %scan3A_194, %rem3A_497 : i32
          %mul3A_499 = arith.constant 2048 : i32
          %mul3A_500 = arith.muli %rem3A_498, %mul3A_499 : i32
          %add3A_501 = arith.constant 0 : i32
          %add3A_502 = arith.addi %mul3A_500, %add3A_501 : i32
          %dma_wait3A = tpu.memref_slice %run_scoped3A_25[%add3A_502] : memref<4096xi32, #tpu.memory_space<vmem>> -> memref<2048xi32, #tpu.memory_space<vmem>>
          %dma_wait3A_503 = tpu.memref_slice %arg3[%mul3A_496] : memref<524288xi32, #tpu.memory_space<hbm>> -> memref<2048xi32, #tpu.memory_space<hbm>>
          %dma_wait3A_504 = tpu.memref_slice %run_scoped3A_26[%rem3A_498] : memref<2x!tpu.dma_semaphore, #tpu.memory_space<semaphore_mem>> -> memref<1x!tpu.dma_semaphore, #tpu.memory_space<semaphore_mem>>
          %dma_wait3A_505 = tpu.memref_squeeze %dma_wait3A_504 : memref<1x!tpu.dma_semaphore, #tpu.memory_space<semaphore_mem>> -> memref<!tpu.dma_semaphore, #tpu.memory_space<semaphore_mem>>
          %dma_wait3A_506 = tpu.memref_slice %run_scoped3A_25[%add3A_502] : memref<4096xi32, #tpu.memory_space<vmem>> -> memref<2048xi32, #tpu.memory_space<vmem>>
          %dma_wait3A_507 = tpu.memref_slice %arg3[%mul3A_496] : memref<524288xi32, #tpu.memory_space<hbm>> -> memref<2048xi32, #tpu.memory_space<hbm>>
          tpu.wait_dma2 semaphore(%dma_wait3A_505 : memref<!tpu.dma_semaphore, #tpu.memory_space<semaphore_mem>>) src(%dma_wait3A_507 : memref<2048xi32, #tpu.memory_space<hbm>>) dst(%dma_wait3A_506 : memref<2048xi32, #tpu.memory_space<vmem>>)
          "tpu.trace_stop"() : () -> ()
        } else {
        }
        %rem3A_329 = arith.constant 2 : i32
        %rem3A_330 = arith.remui %scan3A_188, %rem3A_329 : i32
        %mul3A_331 = arith.constant 2048 : i32
        %mul3A_332 = arith.muli %rem3A_330, %mul3A_331 : i32
        %rem3A_333 = arith.constant 2 : i32
        %rem3A_334 = arith.remui %scan3A_190, %rem3A_333 : i32
        %mul3A_335 = arith.constant 2048 : i32
        %mul3A_336 = arith.muli %rem3A_334, %mul3A_335 : i32
        %rem3A_337 = arith.constant 2 : i32
        %rem3A_338 = arith.remui %scan3A_192, %rem3A_337 : i32
        %mul3A_339 = arith.constant 2048 : i32
        %mul3A_340 = arith.muli %rem3A_338, %mul3A_339 : i32
        %rem3A_341 = arith.constant 2 : i32
        %rem3A_342 = arith.remui %scan3A_194, %rem3A_341 : i32
        %mul3A_343 = arith.constant 2048 : i32
        %mul3A_344 = arith.muli %rem3A_342, %mul3A_343 : i32
        "tpu.trace_start"() <{level = 10 : i32, message = "ep_run_kernel"}> : () -> ()
        %get3A = arith.constant 0 : index
        %get3A_345 = tpu.vector_load %arg6[%get3A] {strides = array<i32>} : memref<16xi32, #tpu.memory_space<vmem>>, vector<16xi32>,
        %shift_left3A = arith.constant 11 : i32
        %shift_left3A_346 = vector.broadcast %shift_left3A : i32 to vector<16xi32>
        %shift_left3A_347 = arith.shli %get3A_345, %shift_left3A_346 : vector<16xi32>
        %scan3A_348 = arith.constant 0 : i32
        %scan3A_349 = arith.constant 64 : i32
        %scan3A_350 = arith.addi %scan3A_348, %scan3A_349 : i32
        %scan3A_351 = arith.constant 1 : i32
        scf.for %scan3A_493 = %scan3A_348 to %scan3A_350 step %scan3A_351  : i32 {
          %mul3A_494 = arith.constant 32 : i32
          %mul3A_495 = arith.muli %scan3A_493, %mul3A_494 : i32
          %add3A_496 = arith.constant 0 : i32
          %add3A_497 = arith.addi %add3A_496, %mul3A_495 : i32
          %add3A_498 = arith.constant 0 : i32
          %add3A_499 = arith.addi %add3A_497, %add3A_498 : i32
          %get3A_500 = tpu.memref_slice %run_scoped3A[%mul3A_332] : memref<4096xi32, #tpu.memory_space<vmem>> -> memref<2048xi32, #tpu.memory_space<vmem>>
          %get3A_501 = arith.index_cast %add3A_499 : i32 to index
          %get3A_502 = tpu.vector_load %get3A_500[%get3A_501] {strides = array<i32>} : memref<2048xi32, #tpu.memory_space<vmem>>, vector<16xi32>,
          %bitcast3A = vector.bitcast %get3A_502 : vector<16xi32> to vector<16xi32>
          %add3A_503 = arith.constant 16 : i32
          %add3A_504 = arith.addi %add3A_497, %add3A_503 : i32
          %get3A_505 = tpu.memref_slice %run_scoped3A[%mul3A_332] : memref<4096xi32, #tpu.memory_space<vmem>> -> memref<2048xi32, #tpu.memory_space<vmem>>
          %get3A_506 = arith.index_cast %add3A_504 : i32 to index
          %get3A_507 = tpu.vector_load %get3A_505[%get3A_506] {strides = array<i32>} : memref<2048xi32, #tpu.memory_space<vmem>>, vector<16xi32>,
          %bitcast3A_508 = vector.bitcast %get3A_507 : vector<16xi32> to vector<16xi32>
          %add3A_509 = arith.constant 0 : i32
          %add3A_510 = arith.addi %add3A_497, %add3A_509 : i32
          %get3A_511 = tpu.memref_slice %run_scoped3A_21[%mul3A_336] : memref<4096xi32, #tpu.memory_space<vmem>> -> memref<2048xi32, #tpu.memory_space<vmem>>
          %get3A_512 = arith.index_cast %add3A_510 : i32 to index
          %get3A_513 = tpu.vector_load %get3A_511[%get3A_512] {strides = array<i32>} : memref<2048xi32, #tpu.memory_space<vmem>>, vector<16xi32>,
          %bitcast3A_514 = vector.bitcast %get3A_513 : vector<16xi32> to vector<16xi32>
          %add3A_515 = arith.constant 16 : i32
          %add3A_516 = arith.addi %add3A_497, %add3A_515 : i32
          %get3A_517 = tpu.memref_slice %run_scoped3A_21[%mul3A_336] : memref<4096xi32, #tpu.memory_space<vmem>> -> memref<2048xi32, #tpu.memory_space<vmem>>
          %get3A_518 = arith.index_cast %add3A_516 : i32 to index
          %get3A_519 = tpu.vector_load %get3A_517[%get3A_518] {strides = array<i32>} : memref<2048xi32, #tpu.memory_space<vmem>>, vector<16xi32>,
          %bitcast3A_520 = vector.bitcast %get3A_519 : vector<16xi32> to vector<16xi32>
          %add3A_521 = arith.constant 0 : i32
          %add3A_522 = arith.addi %add3A_497, %add3A_521 : i32
          %get3A_523 = tpu.memref_slice %run_scoped3A_23[%mul3A_340] : memref<4096xi32, #tpu.memory_space<vmem>> -> memref<2048xi32, #tpu.memory_space<vmem>>
          %get3A_524 = arith.index_cast %add3A_522 : i32 to index
          %get3A_525 = tpu.vector_load %get3A_523[%get3A_524] {strides = array<i32>} : memref<2048xi32, #tpu.memory_space<vmem>>, vector<16xi32>,
          %bitcast3A_526 = vector.bitcast %get3A_525 : vector<16xi32> to vector<16xi32>
          %add3A_527 = arith.constant 16 : i32
          %add3A_528 = arith.addi %add3A_497, %add3A_527 : i32
          %get3A_529 = tpu.memref_slice %run_scoped3A_23[%mul3A_340] : memref<4096xi32, #tpu.memory_space<vmem>> -> memref<2048xi32, #tpu.memory_space<vmem>>
          %get3A_530 = arith.index_cast %add3A_528 : i32 to index
          %get3A_531 = tpu.vector_load %get3A_529[%get3A_530] {strides = array<i32>} : memref<2048xi32, #tpu.memory_space<vmem>>, vector<16xi32>,
          %bitcast3A_532 = vector.bitcast %get3A_531 : vector<16xi32> to vector<16xi32>
          %add3A_533 = arith.constant 0 : i32
          %add3A_534 = arith.addi %add3A_497, %add3A_533 : i32
          %get3A_535 = tpu.memref_slice %run_scoped3A_25[%mul3A_344] : memref<4096xi32, #tpu.memory_space<vmem>> -> memref<2048xi32, #tpu.memory_space<vmem>>
          %get3A_536 = arith.index_cast %add3A_534 : i32 to index
          %get3A_537 = tpu.vector_load %get3A_535[%get3A_536] {strides = array<i32>} : memref<2048xi32, #tpu.memory_space<vmem>>, vector<16xi32>,
          %bitcast3A_538 = vector.bitcast %get3A_537 : vector<16xi32> to vector<16xi32>
          %add3A_539 = arith.constant 16 : i32
          %add3A_540 = arith.addi %add3A_497, %add3A_539 : i32
          %get3A_541 = tpu.memref_slice %run_scoped3A_25[%mul3A_344] : memref<4096xi32, #tpu.memory_space<vmem>> -> memref<2048xi32, #tpu.memory_space<vmem>>
          %get3A_542 = arith.index_cast %add3A_540 : i32 to index
          %get3A_543 = tpu.vector_load %get3A_541[%get3A_542] {strides = array<i32>} : memref<2048xi32, #tpu.memory_space<vmem>>, vector<16xi32>,
          %bitcast3A_544 = vector.bitcast %get3A_543 : vector<16xi32> to vector<16xi32>
          %shift_right_logical3A = arith.constant 10 : i32
          %shift_right_logical3A_545 = vector.broadcast %shift_right_logical3A : i32 to vector<16xi32>
          %shift_right_logical3A_546 = arith.shrui %bitcast3A, %shift_right_logical3A_545 : vector<16xi32>
          %bitcast3A_547 = vector.bitcast %shift_right_logical3A_546 : vector<16xi32> to vector<16xi32>
          %sub3A_548 = arith.subi %bitcast3A_547, %shift_left3A_347 : vector<16xi32>
          %bitcast3A_549 = vector.bitcast %sub3A_548 : vector<16xi32> to vector<16xi32>
          %lt3A = arith.constant 2048 : i32
          %lt3A_550 = vector.broadcast %lt3A : i32 to vector<16xi32>
          %lt3A_551 = arith.cmpi ult, %bitcast3A_549, %lt3A_550 : vector<16xi32>
          %shift_right_logical3A_552 = arith.constant 10 : i32
          %shift_right_logical3A_553 = vector.broadcast %shift_right_logical3A_552 : i32 to vector<16xi32>
          %shift_right_logical3A_554 = arith.shrui %bitcast3A_508, %shift_right_logical3A_553 : vector<16xi32>
          %bitcast3A_555 = vector.bitcast %shift_right_logical3A_554 : vector<16xi32> to vector<16xi32>
          %sub3A_556 = arith.subi %bitcast3A_555, %shift_left3A_347 : vector<16xi32>
          %bitcast3A_557 = vector.bitcast %sub3A_556 : vector<16xi32> to vector<16xi32>
          %lt3A_558 = arith.constant 2048 : i32
          %lt3A_559 = vector.broadcast %lt3A_558 : i32 to vector<16xi32>
          %lt3A_560 = arith.cmpi ult, %bitcast3A_557, %lt3A_559 : vector<16xi32>
          %shift_right_logical3A_561 = arith.constant 10 : i32
          %shift_right_logical3A_562 = vector.broadcast %shift_right_logical3A_561 : i32 to vector<16xi32>
          %shift_right_logical3A_563 = arith.shrui %bitcast3A_514, %shift_right_logical3A_562 : vector<16xi32>
          %bitcast3A_564 = vector.bitcast %shift_right_logical3A_563 : vector<16xi32> to vector<16xi32>
          %sub3A_565 = arith.subi %bitcast3A_564, %shift_left3A_347 : vector<16xi32>
          %bitcast3A_566 = vector.bitcast %sub3A_565 : vector<16xi32> to vector<16xi32>
          %lt3A_567 = arith.constant 2048 : i32
          %lt3A_568 = vector.broadcast %lt3A_567 : i32 to vector<16xi32>
          %lt3A_569 = arith.cmpi ult, %bitcast3A_566, %lt3A_568 : vector<16xi32>
          %shift_right_logical3A_570 = arith.constant 10 : i32
          %shift_right_logical3A_571 = vector.broadcast %shift_right_logical3A_570 : i32 to vector<16xi32>
          %shift_right_logical3A_572 = arith.shrui %bitcast3A_520, %shift_right_logical3A_571 : vector<16xi32>
          %bitcast3A_573 = vector.bitcast %shift_right_logical3A_572 : vector<16xi32> to vector<16xi32>
          %sub3A_574 = arith.subi %bitcast3A_573, %shift_left3A_347 : vector<16xi32>
          %bitcast3A_575 = vector.bitcast %sub3A_574 : vector<16xi32> to vector<16xi32>
          %lt3A_576 = arith.constant 2048 : i32
          %lt3A_577 = vector.broadcast %lt3A_576 : i32 to vector<16xi32>
          %lt3A_578 = arith.cmpi ult, %bitcast3A_575, %lt3A_577 : vector<16xi32>
          %shift_right_logical3A_579 = arith.constant 10 : i32
          %shift_right_logical3A_580 = vector.broadcast %shift_right_logical3A_579 : i32 to vector<16xi32>
          %shift_right_logical3A_581 = arith.shrui %bitcast3A_526, %shift_right_logical3A_580 : vector<16xi32>
          %bitcast3A_582 = vector.bitcast %shift_right_logical3A_581 : vector<16xi32> to vector<16xi32>
          %sub3A_583 = arith.subi %bitcast3A_582, %shift_left3A_347 : vector<16xi32>
          %bitcast3A_584 = vector.bitcast %sub3A_583 : vector<16xi32> to vector<16xi32>
          %lt3A_585 = arith.constant 2048 : i32
          %lt3A_586 = vector.broadcast %lt3A_585 : i32 to vector<16xi32>
          %lt3A_587 = arith.cmpi ult, %bitcast3A_584, %lt3A_586 : vector<16xi32>
          %shift_right_logical3A_588 = arith.constant 10 : i32
          %shift_right_logical3A_589 = vector.broadcast %shift_right_logical3A_588 : i32 to vector<16xi32>
          %shift_right_logical3A_590 = arith.shrui %bitcast3A_532, %shift_right_logical3A_589 : vector<16xi32>
          %bitcast3A_591 = vector.bitcast %shift_right_logical3A_590 : vector<16xi32> to vector<16xi32>
          %sub3A_592 = arith.subi %bitcast3A_591, %shift_left3A_347 : vector<16xi32>
          %bitcast3A_593 = vector.bitcast %sub3A_592 : vector<16xi32> to vector<16xi32>
          %lt3A_594 = arith.constant 2048 : i32
          %lt3A_595 = vector.broadcast %lt3A_594 : i32 to vector<16xi32>
          %lt3A_596 = arith.cmpi ult, %bitcast3A_593, %lt3A_595 : vector<16xi32>
          %shift_right_logical3A_597 = arith.constant 10 : i32
          %shift_right_logical3A_598 = vector.broadcast %shift_right_logical3A_597 : i32 to vector<16xi32>
          %shift_right_logical3A_599 = arith.shrui %bitcast3A_538, %shift_right_logical3A_598 : vector<16xi32>
          %bitcast3A_600 = vector.bitcast %shift_right_logical3A_599 : vector<16xi32> to vector<16xi32>
          %sub3A_601 = arith.subi %bitcast3A_600, %shift_left3A_347 : vector<16xi32>
          %bitcast3A_602 = vector.bitcast %sub3A_601 : vector<16xi32> to vector<16xi32>
          %lt3A_603 = arith.constant 2048 : i32
          %lt3A_604 = vector.broadcast %lt3A_603 : i32 to vector<16xi32>
          %lt3A_605 = arith.cmpi ult, %bitcast3A_602, %lt3A_604 : vector<16xi32>
          %shift_right_logical3A_606 = arith.constant 10 : i32
          %shift_right_logical3A_607 = vector.broadcast %shift_right_logical3A_606 : i32 to vector<16xi32>
          %shift_right_logical3A_608 = arith.shrui %bitcast3A_544, %shift_right_logical3A_607 : vector<16xi32>
          %bitcast3A_609 = vector.bitcast %shift_right_logical3A_608 : vector<16xi32> to vector<16xi32>
          %sub3A_610 = arith.subi %bitcast3A_609, %shift_left3A_347 : vector<16xi32>
          %bitcast3A_611 = vector.bitcast %sub3A_610 : vector<16xi32> to vector<16xi32>
          %lt3A_612 = arith.constant 2048 : i32
          %lt3A_613 = vector.broadcast %lt3A_612 : i32 to vector<16xi32>
          %lt3A_614 = arith.cmpi ult, %bitcast3A_611, %lt3A_613 : vector<16xi32>
          tpu.vector_store_idx %arg7[%sub3A_548], %broadcast_in_dim3A_5 masked %lt3A_551 {add = true} : memref<2048xi32, #tpu.memory_space<vmem>>[vector<16xi32>], vector<16xi32>, vector<16xi1>
          tpu.vector_store_idx %arg8[%sub3A_556], %broadcast_in_dim3A_5 masked %lt3A_560 {add = true} : memref<2048xi32, #tpu.memory_space<vmem>>[vector<16xi32>], vector<16xi32>, vector<16xi1>
          tpu.vector_store_idx %arg9[%sub3A_565], %broadcast_in_dim3A_5 masked %lt3A_569 {add = true} : memref<2048xi32, #tpu.memory_space<vmem>>[vector<16xi32>], vector<16xi32>, vector<16xi1>
          tpu.vector_store_idx %arg10[%sub3A_574], %broadcast_in_dim3A_5 masked %lt3A_578 {add = true} : memref<2048xi32, #tpu.memory_space<vmem>>[vector<16xi32>], vector<16xi32>, vector<16xi1>
          tpu.vector_store_idx %arg7[%sub3A_583], %broadcast_in_dim3A_5 masked %lt3A_587 {add = true} : memref<2048xi32, #tpu.memory_space<vmem>>[vector<16xi32>], vector<16xi32>, vector<16xi1>
          tpu.vector_store_idx %arg8[%sub3A_592], %broadcast_in_dim3A_5 masked %lt3A_596 {add = true} : memref<2048xi32, #tpu.memory_space<vmem>>[vector<16xi32>], vector<16xi32>, vector<16xi1>
          tpu.vector_store_idx %arg9[%sub3A_601], %broadcast_in_dim3A_5 masked %lt3A_605 {add = true} : memref<2048xi32, #tpu.memory_space<vmem>>[vector<16xi32>], vector<16xi32>, vector<16xi1>
          tpu.vector_store_idx %arg10[%sub3A_610], %broadcast_in_dim3A_5 masked %lt3A_614 {add = true} : memref<2048xi32, #tpu.memory_space<vmem>>[vector<16xi32>], vector<16xi32>, vector<16xi1>
        }
        %scan3A_352 = arith.constant 64 : i32
        "tpu.trace_stop"() : () -> ()
        %ne3A_353 = arith.cmpi ne, %add3A_200, %add3A_218 : i32
        %or3A_354 = arith.constant false
        %or3A_355 = arith.ori %or3A_354, %ne3A_353 : i1
        %or3A_356 = arith.ori %or3A_355, %eq3A_199 : i1
        %convert_element_type3A_357 = arith.extui %or3A_356 : i1 to i32
        %cond3A_358 = arith.constant 0 : i32
        %cond3A_359 = arith.cmpi ne, %convert_element_type3A_357, %cond3A_358 : i32
        scf.if %cond3A_359 {
        } else {
        }
        %and3A_360 = arith.constant false
        %and3A_361 = arith.andi %or3A_356, %and3A_360 : i1
        %add3A_362 = arith.constant 128 : i32
        %add3A_363 = arith.addi %add3A_200, %add3A_362 : i32
        %add3A_364 = arith.constant 128 : i32
        %add3A_365 = arith.addi %add3A_218, %add3A_364 : i32
        %ne3A_366 = arith.cmpi ne, %add3A_363, %add3A_365 : i32
        %or3A_367 = arith.constant false
        %or3A_368 = arith.ori %or3A_367, %ne3A_366 : i1
        %or3A_369 = arith.ori %or3A_368, %eq3A_199 : i1
        %convert_element_type3A_370 = arith.extui %or3A_369 : i1 to i32
        %cond3A_371 = arith.constant 0 : i32
        %cond3A_372 = arith.cmpi ne, %convert_element_type3A_370, %cond3A_371 : i32
        scf.if %cond3A_372 {
        } else {
        }
        %and3A_373 = arith.constant false
        %and3A_374 = arith.andi %or3A_369, %and3A_373 : i1
        %ne3A_375 = arith.cmpi ne, %add3A_200, %add3A_218 : i32
        %or3A_376 = arith.constant false
        %or3A_377 = arith.ori %or3A_376, %ne3A_375 : i1
        %or3A_378 = arith.ori %or3A_377, %eq3A_199 : i1
        %convert_element_type3A_379 = arith.extui %or3A_378 : i1 to i32
        %cond3A_380 = arith.constant 0 : i32
        %cond3A_381 = arith.cmpi ne, %convert_element_type3A_379, %cond3A_380 : i32
        scf.if %cond3A_381 {
        } else {
        }
        %and3A_382 = arith.constant false
        %and3A_383 = arith.andi %or3A_378, %and3A_382 : i1
        %add3A_384 = arith.constant 128 : i32
        %add3A_385 = arith.addi %add3A_200, %add3A_384 : i32
        %add3A_386 = arith.constant 128 : i32
        %add3A_387 = arith.addi %add3A_218, %add3A_386 : i32
        %ne3A_388 = arith.cmpi ne, %add3A_385, %add3A_387 : i32
        %or3A_389 = arith.constant false
        %or3A_390 = arith.ori %or3A_389, %ne3A_388 : i1
        %or3A_391 = arith.ori %or3A_390, %eq3A_199 : i1
        %convert_element_type3A_392 = arith.extui %or3A_391 : i1 to i32
        %cond3A_393 = arith.constant 0 : i32
        %cond3A_394 = arith.cmpi ne, %convert_element_type3A_392, %cond3A_393 : i32
        scf.if %cond3A_394 {
        } else {
        }
        %and3A_395 = arith.constant false
        %and3A_396 = arith.andi %or3A_391, %and3A_395 : i1
        %ne3A_397 = arith.cmpi ne, %add3A_200, %add3A_209 : i32
        %or3A_398 = arith.constant false
        %or3A_399 = arith.ori %or3A_398, %ne3A_397 : i1
        %not3A_400 = arith.constant true
        %not3A_401 = arith.xori %eq3A_197, %not3A_400 : i1
        %and3A_402 = arith.andi %or3A_399, %not3A_401 : i1
        %convert_element_type3A_403 = arith.extui %and3A_402 : i1 to i32
        %cond3A_404 = arith.constant 0 : i32
        %cond3A_405 = arith.cmpi ne, %convert_element_type3A_403, %cond3A_404 : i32
        scf.if %cond3A_405 {
        } else {
        }
        %and3A_406 = arith.constant false
        %and3A_407 = arith.andi %and3A_402, %and3A_406 : i1
        %add3A_408 = arith.constant 128 : i32
        %add3A_409 = arith.addi %add3A_200, %add3A_408 : i32
        %add3A_410 = arith.constant 128 : i32
        %add3A_411 = arith.addi %add3A_209, %add3A_410 : i32
        %ne3A_412 = arith.cmpi ne, %add3A_409, %add3A_411 : i32
        %or3A_413 = arith.constant false
        %or3A_414 = arith.ori %or3A_413, %ne3A_412 : i1
        %not3A_415 = arith.constant true
        %not3A_416 = arith.xori %eq3A_197, %not3A_415 : i1
        %and3A_417 = arith.andi %or3A_414, %not3A_416 : i1
        %convert_element_type3A_418 = arith.extui %and3A_417 : i1 to i32
        %cond3A_419 = arith.constant 0 : i32
        %cond3A_420 = arith.cmpi ne, %convert_element_type3A_418, %cond3A_419 : i32
        scf.if %cond3A_420 {
        } else {
        }
        %and3A_421 = arith.constant false
        %and3A_422 = arith.andi %and3A_417, %and3A_421 : i1
        %ne3A_423 = arith.cmpi ne, %add3A_200, %add3A_209 : i32
        %or3A_424 = arith.constant false
        %or3A_425 = arith.ori %or3A_424, %ne3A_423 : i1
        %not3A_426 = arith.constant true
        %not3A_427 = arith.xori %eq3A_197, %not3A_426 : i1
        %and3A_428 = arith.andi %or3A_425, %not3A_427 : i1
        %convert_element_type3A_429 = arith.extui %and3A_428 : i1 to i32
        %cond3A_430 = arith.constant 0 : i32
        %cond3A_431 = arith.cmpi ne, %convert_element_type3A_429, %cond3A_430 : i32
        scf.if %cond3A_431 {
        } else {
        }
        %and3A_432 = arith.constant false
        %and3A_433 = arith.andi %and3A_428, %and3A_432 : i1
        %add3A_434 = arith.constant 128 : i32
        %add3A_435 = arith.addi %add3A_200, %add3A_434 : i32
        %add3A_436 = arith.constant 128 : i32
        %add3A_437 = arith.addi %add3A_209, %add3A_436 : i32
        %ne3A_438 = arith.cmpi ne, %add3A_435, %add3A_437 : i32
        %or3A_439 = arith.constant false
        %or3A_440 = arith.ori %or3A_439, %ne3A_438 : i1
        %not3A_441 = arith.constant true
        %not3A_442 = arith.xori %eq3A_197, %not3A_441 : i1
        %and3A_443 = arith.andi %or3A_440, %not3A_442 : i1
        %convert_element_type3A_444 = arith.extui %and3A_443 : i1 to i32
        %cond3A_445 = arith.constant 0 : i32
        %cond3A_446 = arith.cmpi ne, %convert_element_type3A_444, %cond3A_445 : i32
        scf.if %cond3A_446 {
        } else {
        }
        %and3A_447 = arith.constant false
        %and3A_448 = arith.andi %and3A_443, %and3A_447 : i1
        %ne3A_449 = arith.cmpi ne, %add3A_200, %add3A_218 : i32
        %or3A_450 = arith.constant false
        %or3A_451 = arith.ori %or3A_450, %ne3A_449 : i1
        %or3A_452 = arith.ori %or3A_451, %eq3A_199 : i1
        %add3A_453 = arith.constant 1 : i32
        %add3A_454 = arith.addi %scan3A_188, %add3A_453 : i32
        %select_n3A_455 = arith.select %or3A_452, %add3A_454, %scan3A_188 : i32
        %add3A_456 = arith.constant 128 : i32
        %add3A_457 = arith.addi %add3A_200, %add3A_456 : i32
        %add3A_458 = arith.constant 128 : i32
        %add3A_459 = arith.addi %add3A_218, %add3A_458 : i32
        %ne3A_460 = arith.cmpi ne, %add3A_457, %add3A_459 : i32
        %or3A_461 = arith.constant false
        %or3A_462 = arith.ori %or3A_461, %ne3A_460 : i1
        %or3A_463 = arith.ori %or3A_462, %eq3A_199 : i1
        %add3A_464 = arith.constant 1 : i32
        %add3A_465 = arith.addi %scan3A_190, %add3A_464 : i32
        %select_n3A_466 = arith.select %or3A_463, %add3A_465, %scan3A_190 : i32
        %ne3A_467 = arith.cmpi ne, %add3A_200, %add3A_218 : i32
        %or3A_468 = arith.constant false
        %or3A_469 = arith.ori %or3A_468, %ne3A_467 : i1
        %or3A_470 = arith.ori %or3A_469, %eq3A_199 : i1
        %add3A_471 = arith.constant 1 : i32
        %add3A_472 = arith.addi %scan3A_192, %add3A_471 : i32
        %select_n3A_473 = arith.select %or3A_470, %add3A_472, %scan3A_192 : i32
        %add3A_474 = arith.constant 128 : i32
        %add3A_475 = arith.addi %add3A_200, %add3A_474 : i32
        %add3A_476 = arith.constant 128 : i32
        %add3A_477 = arith.addi %add3A_218, %add3A_476 : i32
        %ne3A_478 = arith.cmpi ne, %add3A_475, %add3A_477 : i32
        %or3A_479 = arith.constant false
        %or3A_480 = arith.ori %or3A_479, %ne3A_478 : i1
        %or3A_481 = arith.ori %or3A_480, %eq3A_199 : i1
        %add3A_482 = arith.constant 1 : i32
        %add3A_483 = arith.addi %scan3A_194, %add3A_482 : i32
        %select_n3A_484 = arith.select %or3A_481, %add3A_483, %scan3A_194 : i32
        %add3A_485 = arith.constant 1 : i32
        %add3A_486 = arith.addi %scan3A_195, %add3A_485 : i32
        %select_n3A_487 = arith.constant true
        %select_n3A_488 = arith.select %select_n3A_487, %add3A_486, %scan3A_195 : i32
        %eq3A_489 = arith.constant 4 : i32
        %eq3A_490 = arith.cmpi eq, %select_n3A_488, %eq3A_489 : i32
        %select_n3A_491 = arith.constant 0 : i32
        %select_n3A_492 = arith.select %eq3A_490, %select_n3A_491, %select_n3A_488 : i32
        scf.yield %select_n3A_236, %select_n3A_455, %select_n3A_256, %select_n3A_466, %select_n3A_272, %select_n3A_473, %select_n3A_292, %select_n3A_484, %select_n3A_492 : i32, i32, i32, i32, i32, i32, i32, i32, i32
      }
      %scan3A_150 = arith.constant 4 : i32
      %sub3A = arith.constant 1 : i32
      %sub3A_151 = arith.subi %scan3A_149#8, %sub3A : i32
      %select_n3A_152 = arith.constant true
      %select_n3A_153 = arith.select %select_n3A_152, %sub3A_151, %scan3A_149#8 : i32
      %eq3A_154 = arith.constant -1 : i32
      %eq3A_155 = arith.cmpi eq, %select_n3A_153, %eq3A_154 : i32
      %select_n3A_156 = arith.constant 3 : i32
      %select_n3A_157 = arith.select %eq3A_155, %select_n3A_156, %select_n3A_153 : i32
      %add3A_158 = arith.addi %select_n3A_157, %mul3A_14 : i32
      %sub3A_159 = arith.constant 1 : i32
      %sub3A_160 = arith.subi %select_n3A_157, %sub3A_159 : i32
      %select_n3A_161 = arith.constant true
      %select_n3A_162 = arith.select %select_n3A_161, %sub3A_160, %select_n3A_157 : i32
      %eq3A_163 = arith.constant -1 : i32
      %eq3A_164 = arith.cmpi eq, %select_n3A_162, %eq3A_163 : i32
      %select_n3A_165 = arith.constant 3 : i32
      %select_n3A_166 = arith.select %eq3A_164, %select_n3A_165, %select_n3A_162 : i32
      %add3A_167 = arith.addi %select_n3A_166, %mul3A_14 : i32
      %add3A_168 = arith.constant 1 : i32
      %add3A_169 = arith.addi %select_n3A_157, %add3A_168 : i32
      %select_n3A_170 = arith.constant true
      %select_n3A_171 = arith.select %select_n3A_170, %add3A_169, %select_n3A_157 : i32
      %eq3A_172 = arith.constant 4 : i32
      %eq3A_173 = arith.cmpi eq, %select_n3A_171, %eq3A_172 : i32
      %select_n3A_174 = arith.constant 0 : i32
      %select_n3A_175 = arith.select %eq3A_173, %select_n3A_174, %select_n3A_171 : i32
      %add3A_176 = arith.addi %select_n3A_175, %mul3A_14 : i32
      %add3A_177 = arith.constant 1 : i32
      %add3A_178 = arith.addi %select_n3A_175, %add3A_177 : i32
      %select_n3A_179 = arith.constant true
      %select_n3A_180 = arith.select %select_n3A_179, %add3A_178, %select_n3A_175 : i32
      %eq3A_181 = arith.constant 4 : i32
      %eq3A_182 = arith.cmpi eq, %select_n3A_180, %eq3A_181 : i32
      %select_n3A_183 = arith.constant 0 : i32
      %select_n3A_184 = arith.select %eq3A_182, %select_n3A_183, %select_n3A_180 : i32
      %add3A_185 = arith.addi %select_n3A_184, %mul3A_14 : i32
      tpu.yield
    }) : () -> ()
    %scan3A_15 = arith.constant 0 : i32
    %scan3A_16 = arith.constant 128 : i32
    %scan3A_17 = arith.addi %scan3A_15, %scan3A_16 : i32
    %scan3A_18 = arith.constant 1 : i32
    scf.for %scan3A_20 = %scan3A_15 to %scan3A_17 step %scan3A_18  : i32 {
      %mul3A_21 = arith.constant 16 : i32
      %mul3A_22 = arith.muli %scan3A_20, %mul3A_21 : i32
      %add3A_23 = arith.constant 0 : i32
      %add3A_24 = arith.addi %add3A_23, %mul3A_22 : i32
      %get3A = arith.index_cast %add3A_24 : i32 to index
      %get3A_25 = tpu.vector_load %arg7[%get3A] {strides = array<i32>} : memref<2048xi32, #tpu.memory_space<vmem>>, vector<16xi32>,
      %get3A_26 = arith.index_cast %add3A_24 : i32 to index
      %get3A_27 = tpu.vector_load %arg8[%get3A_26] {strides = array<i32>} : memref<2048xi32, #tpu.memory_space<vmem>>, vector<16xi32>,
      %add3A_28 = arith.addi %get3A_25, %get3A_27 : vector<16xi32>
      %get3A_29 = arith.index_cast %add3A_24 : i32 to index
      %get3A_30 = tpu.vector_load %arg9[%get3A_29] {strides = array<i32>} : memref<2048xi32, #tpu.memory_space<vmem>>, vector<16xi32>,
      %get3A_31 = arith.index_cast %add3A_24 : i32 to index
      %get3A_32 = tpu.vector_load %arg10[%get3A_31] {strides = array<i32>} : memref<2048xi32, #tpu.memory_space<vmem>>, vector<16xi32>,
      %add3A_33 = arith.addi %get3A_30, %get3A_32 : vector<16xi32>
      %add3A_34 = arith.addi %add3A_28, %add3A_33 : vector<16xi32>
      %swap3A = arith.index_cast %add3A_24 : i32 to index
      %swap3A_35 = tpu.vector_load %arg7[%swap3A] {strides = array<i32>} : memref<2048xi32, #tpu.memory_space<vmem>>, vector<16xi32>,
      tpu.vector_store %arg7[%swap3A], %add3A_34 {strides = array<i32>} : memref<2048xi32, #tpu.memory_space<vmem>>, vector<16xi32>,
    }
    %scan3A_19 = arith.constant 128 : i32
    "tpu.region"() ({
      %run_scoped3A = tpu.sem_alloc : memref<!tpu.dma_semaphore, #tpu.memory_space<semaphore_mem>>
      %dma_start3A = arith.constant 0 : i32
      %dma_start3A_20 = tpu.memref_slice %arg5[%add3A, %dma_start3A] : memref<32x2048xi32, #tpu.memory_space<hbm>> -> memref<1x2048xi32, #tpu.memory_space<hbm>>
      %dma_start3A_21 = tpu.memref_squeeze %dma_start3A_20 : memref<1x2048xi32, #tpu.memory_space<hbm>> -> memref<2048xi32, #tpu.memory_space<hbm>>
      %dma_start3A_22 = arith.constant 0 : i32
      %dma_start3A_23 = tpu.memref_slice %arg5[%add3A, %dma_start3A_22] : memref<32x2048xi32, #tpu.memory_space<hbm>> -> memref<1x2048xi32, #tpu.memory_space<hbm>>
      %dma_start3A_24 = tpu.memref_squeeze %dma_start3A_23 : memref<1x2048xi32, #tpu.memory_space<hbm>> -> memref<2048xi32, #tpu.memory_space<hbm>>
      tpu.enqueue_dma source(%arg7 : memref<2048xi32, #tpu.memory_space<vmem>>) target(%dma_start3A_24 : memref<2048xi32, #tpu.memory_space<hbm>>) target_semaphore(%run_scoped3A : memref<!tpu.dma_semaphore, #tpu.memory_space<semaphore_mem>>)
      %dma_wait3A = arith.constant 0 : i32
      %dma_wait3A_25 = tpu.memref_slice %arg5[%add3A, %dma_wait3A] : memref<32x2048xi32, #tpu.memory_space<hbm>> -> memref<1x2048xi32, #tpu.memory_space<hbm>>
      %dma_wait3A_26 = tpu.memref_squeeze %dma_wait3A_25 : memref<1x2048xi32, #tpu.memory_space<hbm>> -> memref<2048xi32, #tpu.memory_space<hbm>>
      %dma_wait3A_27 = arith.constant 0 : i32
      %dma_wait3A_28 = tpu.memref_slice %arg5[%add3A, %dma_wait3A_27] : memref<32x2048xi32, #tpu.memory_space<hbm>> -> memref<1x2048xi32, #tpu.memory_space<hbm>>
      %dma_wait3A_29 = tpu.memref_squeeze %dma_wait3A_28 : memref<1x2048xi32, #tpu.memory_space<hbm>> -> memref<2048xi32, #tpu.memory_space<hbm>>
      tpu.wait_dma2 semaphore(%run_scoped3A : memref<!tpu.dma_semaphore, #tpu.memory_space<semaphore_mem>>) src(%arg7 : memref<2048xi32, #tpu.memory_space<vmem>>) dst(%dma_wait3A_29 : memref<2048xi32, #tpu.memory_space<hbm>>)
      tpu.yield
    }) : () -> ()
    return
  }
}

module attributes {stable_mosaic.version = 14 : i64} {
  func.func @_tc_sel1_body(%arg0: memref<32x2048xi32, #tpu.memory_space<vmem>>, %arg1: memref<1x16xi32, #tpu.memory_space<vmem>>, %arg2: memref<1x16xi32, #tpu.memory_space<vmem>>) attributes {dimension_semantics = [], scalar_prefetch = 0 : i64, scratch_operands = 0 : i64, tpu.core_type = #tpu.core_type<tc>} {
    %get3A = arith.constant 0 : index
    %get3A_0 = arith.constant 0 : index
    %get3A_1 = vector.load %arg0[%get3A, %get3A_0] : memref<32x2048xi32, #tpu.memory_space<vmem>>, vector<32x2048xi32>
    %convert_element_type3A = arith.sitofp %get3A_1 : vector<32x2048xi32> to vector<32x2048xf32>
    %reshape3A = vector.shape_cast %convert_element_type3A : vector<32x2048xf32> to vector<32x16x128xf32>
    %reduce_sum3A = arith.constant dense<0.000000e+00> : vector<16x128xf32>
    %reduce_sum3A_2 = vector.multi_reduction <add>, %reshape3A, %reduce_sum3A [0] : vector<32x16x128xf32> to vector<16x128xf32>
    %reduce_sum3A_3 = vector.shape_cast %reduce_sum3A_2 : vector<16x128xf32> to vector<1x16x128xf32>
    %reduce_sum3A_4 = arith.constant dense<0.000000e+00> : vector<1xf32>
    %reduce_sum3A_5 = vector.multi_reduction <add>, %reduce_sum3A_3, %reduce_sum3A_4 [1, 2] : vector<1x16x128xf32> to vector<1xf32>
    %reduce_sum3A_6 = vector.shape_cast %reduce_sum3A_5 : vector<1xf32> to vector<1x1x1xf32>
    %reduce_sum3A_7 = vector.extract %reduce_sum3A_6[0, 0, 0] : f32 from vector<1x1x1xf32>
    %mul3A = arith.constant 5.000000e-02 : f32
    %mul3A_8 = arith.mulf %reduce_sum3A_7, %mul3A : f32
    %convert_element_type3A_9 = arith.fptosi %mul3A_8 : f32 to i32
    %convert_element_type3A_10 = arith.sitofp %convert_element_type3A_9 : i32 to f32
    %add3A = arith.constant 1.000000e+00 : f32
    %add3A_11 = arith.addf %convert_element_type3A_10, %add3A : f32
    %iota3A = tpu.iota {dimensions = array<i32: 0>} : vector<128x128xi32>
    %iota3A_12 = tpu.iota {dimensions = array<i32: 1>} : vector<128x128xi32>
    %le3A = arith.cmpi sle, %iota3A, %iota3A_12 : vector<128x128xi32>
    %convert_element_type3A_13 = arith.extui %le3A : vector<128x128xi1> to vector<128x128xi32>
    %convert_element_type3A_14 = arith.sitofp %convert_element_type3A_13 : vector<128x128xi32> to vector<128x128xf32>
    %dot_general3A = arith.constant dense<0.000000e+00> : vector<16x128xf32>
    %dot_general3A_15 = tpu.matmul %reduce_sum3A_2, %convert_element_type3A_14, %dot_general3A {dimension_numbers = #tpu.dot_dimension_numbers<[1], [0], [0], [1], [0, 0, 1, 1], [], []>, transpose_lhs_hint = false} : vector<16x128xf32>, vector<128x128xf32>, vector<16x128xf32> -> vector<16x128xf32>
    %iota3A_16 = tpu.iota {dimensions = array<i32: 0>} : vector<16x16xi32>
    %iota3A_17 = tpu.iota {dimensions = array<i32: 1>} : vector<16x16xi32>
    %lt3A = arith.cmpi slt, %iota3A_17, %iota3A_16 : vector<16x16xi32>
    %convert_element_type3A_18 = arith.extui %lt3A : vector<16x16xi1> to vector<16x16xi32>
    %convert_element_type3A_19 = arith.sitofp %convert_element_type3A_18 : vector<16x16xi32> to vector<16x16xf32>
    %dot_general3A_20 = arith.constant dense<0.000000e+00> : vector<16x128xf32>
    %dot_general3A_21 = tpu.matmul %convert_element_type3A_19, %reduce_sum3A_2, %dot_general3A_20 {dimension_numbers = #tpu.dot_dimension_numbers<[1], [0], [0], [1], [0, 0, 1, 1], [], []>, transpose_lhs_hint = false} : vector<16x16xf32>, vector<16x128xf32>, vector<16x128xf32> -> vector<16x128xf32>
    %reduce_sum3A_22 = arith.constant dense<0.000000e+00> : vector<16xf32>
    %reduce_sum3A_23 = vector.multi_reduction <add>, %dot_general3A_21, %reduce_sum3A_22 [1] : vector<16x128xf32> to vector<16xf32>
    %broadcast_in_dim3A = vector.shape_cast %reduce_sum3A_23 : vector<16xf32> to vector<16x1xf32>
    %add3A_24 = vector.broadcast %broadcast_in_dim3A : vector<16x1xf32> to vector<16x128xf32>
    %add3A_25 = arith.addf %dot_general3A_15, %add3A_24 : vector<16x128xf32>
    %lt3A_26 = vector.broadcast %add3A_11 : f32 to vector<16x128xf32>
    %lt3A_27 = arith.cmpf olt, %add3A_25, %lt3A_26 : vector<16x128xf32>
    %convert_element_type3A_28 = arith.extui %lt3A_27 : vector<16x128xi1> to vector<16x128xi32>
    %reduce_sum3A_29 = vector.shape_cast %convert_element_type3A_28 : vector<16x128xi32> to vector<1x16x128xi32>
    %reduce_sum3A_30 = arith.constant dense<0> : vector<1xi32>
    %reduce_sum3A_31 = vector.multi_reduction <add>, %reduce_sum3A_29, %reduce_sum3A_30 [1, 2] : vector<1x16x128xi32> to vector<1xi32>
    %reduce_sum3A_32 = vector.shape_cast %reduce_sum3A_31 : vector<1xi32> to vector<1x1x1xi32>
    %reduce_sum3A_33 = vector.extract %reduce_sum3A_32[0, 0, 0] : i32 from vector<1x1x1xi32>
    %iota3A_34 = tpu.iota {dimensions = array<i32: 0>} : vector<16x128xi32>
    %iota3A_35 = tpu.iota {dimensions = array<i32: 1>} : vector<16x128xi32>
    %mul3A_36 = arith.constant 128 : i32
    %mul3A_37 = vector.broadcast %mul3A_36 : i32 to vector<16x128xi32>
    %mul3A_38 = arith.muli %iota3A_34, %mul3A_37 : vector<16x128xi32>
    %add3A_39 = arith.addi %mul3A_38, %iota3A_35 : vector<16x128xi32>
    %lt3A_40 = vector.broadcast %reduce_sum3A_33 : i32 to vector<16x128xi32>
    %lt3A_41 = arith.cmpi slt, %add3A_39, %lt3A_40 : vector<16x128xi32>
    %jit3A = arith.constant 0.000000e+00 : f32
    %broadcast_in_dim3A_42 = vector.broadcast %jit3A : f32 to vector<16x128xf32>
    %select_n3A = arith.select %lt3A_41, %reduce_sum3A_2, %broadcast_in_dim3A_42 : vector<16x128xi1>, vector<16x128xf32>
    %reduce_sum3A_43 = vector.shape_cast %select_n3A : vector<16x128xf32> to vector<1x16x128xf32>
    %reduce_sum3A_44 = arith.constant dense<0.000000e+00> : vector<1xf32>
    %reduce_sum3A_45 = vector.multi_reduction <add>, %reduce_sum3A_43, %reduce_sum3A_44 [1, 2] : vector<1x16x128xf32> to vector<1xf32>
    %reduce_sum3A_46 = vector.shape_cast %reduce_sum3A_45 : vector<1xf32> to vector<1x1x1xf32>
    %reduce_sum3A_47 = vector.extract %reduce_sum3A_46[0, 0, 0] : f32 from vector<1x1x1xf32>
    %convert_element_type3A_48 = arith.fptosi %reduce_sum3A_47 : f32 to i32
    %broadcast_in_dim3A_49 = vector.broadcast %reduce_sum3A_33 : i32 to vector<1x16xi32>
    %swap3A = arith.constant 0 : index
    %swap3A_50 = arith.constant 0 : index
    %swap3A_51 = vector.load %arg1[%swap3A, %swap3A_50] : memref<1x16xi32, #tpu.memory_space<vmem>>, vector<1x16xi32>
    tpu.vector_store %arg1[%swap3A, %swap3A_50], %broadcast_in_dim3A_49 {strides = array<i32>} : memref<1x16xi32, #tpu.memory_space<vmem>>, vector<1x16xi32>,
    %sub3A = arith.subi %convert_element_type3A_9, %convert_element_type3A_48 : i32
    %convert_element_type3A_52 = arith.fptosi %reduce_sum3A_7 : f32 to i32
    %iota3A_53 = tpu.iota {dimensions = array<i32: 1>} : vector<1x16xi32>
    %eq3A = arith.constant 0 : i32
    %eq3A_54 = vector.broadcast %eq3A : i32 to vector<1x16xi32>
    %eq3A_55 = arith.cmpi eq, %iota3A_53, %eq3A_54 : vector<1x16xi32>
    %eq3A_56 = arith.constant 1 : i32
    %eq3A_57 = vector.broadcast %eq3A_56 : i32 to vector<1x16xi32>
    %eq3A_58 = arith.cmpi eq, %iota3A_53, %eq3A_57 : vector<1x16xi32>
    %jit3A_59 = arith.constant 0 : i32
    %broadcast_in_dim3A_60 = vector.broadcast %convert_element_type3A_52 : i32 to vector<1x16xi32>
    %broadcast_in_dim3A_61 = vector.broadcast %jit3A_59 : i32 to vector<1x16xi32>
    %select_n3A_62 = arith.select %eq3A_58, %broadcast_in_dim3A_60, %broadcast_in_dim3A_61 : vector<1x16xi1>, vector<1x16xi32>
    %broadcast_in_dim3A_63 = vector.broadcast %sub3A : i32 to vector<1x16xi32>
    %select_n3A_64 = arith.select %eq3A_55, %broadcast_in_dim3A_63, %select_n3A_62 : vector<1x16xi1>, vector<1x16xi32>
    %swap3A_65 = arith.constant 0 : index
    %swap3A_66 = arith.constant 0 : index
    %swap3A_67 = vector.load %arg2[%swap3A_65, %swap3A_66] : memref<1x16xi32, #tpu.memory_space<vmem>>, vector<1x16xi32>
    tpu.vector_store %arg2[%swap3A_65, %swap3A_66], %select_n3A_64 {strides = array<i32>} : memref<1x16xi32, #tpu.memory_space<vmem>>, vector<1x16xi32>,
    return
  }
}

module attributes {stable_mosaic.version = 14 : i64} {
  func.func @_tc_final_body(%arg0: memref<32x1024xi32, #tpu.memory_space<vmem>>, %arg1: memref<1x16xi32, #tpu.memory_space<vmem>>, %arg2: memref<1x16xi32, #tpu.memory_space<vmem>>, %arg3: memref<1x1xf32, #tpu.memory_space<vmem>>, %arg4: memref<1x1xf32, #tpu.memory_space<vmem>>) attributes {dimension_semantics = [], scalar_prefetch = 0 : i64, scratch_operands = 0 : i64, tpu.core_type = #tpu.core_type<tc>} {
    %get3A = arith.constant 0 : index
    %get3A_0 = arith.constant 0 : index
    %get3A_1 = vector.load %arg0[%get3A, %get3A_0] : memref<32x1024xi32, #tpu.memory_space<vmem>>, vector<32x1024xi32>
    %convert_element_type3A = arith.sitofp %get3A_1 : vector<32x1024xi32> to vector<32x1024xf32>
    %reshape3A = vector.shape_cast %convert_element_type3A : vector<32x1024xf32> to vector<32x8x128xf32>
    %reduce_sum3A = arith.constant dense<0.000000e+00> : vector<8x128xf32>
    %reduce_sum3A_2 = vector.multi_reduction <add>, %reshape3A, %reduce_sum3A [0] : vector<32x8x128xf32> to vector<8x128xf32>
    %get3A_3 = arith.constant 0 : index
    %get3A_4 = arith.constant 0 : index
    %get3A_5 = vector.load %arg2[%get3A_3, %get3A_4] : memref<1x16xi32, #tpu.memory_space<vmem>>, vector<1x1xi32>
    %get3A_6 = vector.extract %get3A_5[0, 0] : i32 from vector<1x1xi32>
    %get3A_7 = arith.constant 0 : index
    %get3A_8 = arith.constant 1 : index
    %get3A_9 = vector.load %arg2[%get3A_7, %get3A_8] : memref<1x16xi32, #tpu.memory_space<vmem>>, vector<1x1xi32>
    %get3A_10 = vector.extract %get3A_9[0, 0] : i32 from vector<1x1xi32>
    %get3A_11 = arith.constant 0 : index
    %get3A_12 = arith.constant 0 : index
    %get3A_13 = vector.load %arg1[%get3A_11, %get3A_12] : memref<1x16xi32, #tpu.memory_space<vmem>>, vector<1x1xi32>
    %get3A_14 = vector.extract %get3A_13[0, 0] : i32 from vector<1x1xi32>
    %convert_element_type3A_15 = arith.sitofp %get3A_6 : i32 to f32
    %add3A = arith.constant 1.000000e+00 : f32
    %add3A_16 = arith.addf %convert_element_type3A_15, %add3A : f32
    %iota3A = tpu.iota {dimensions = array<i32: 0>} : vector<128x128xi32>
    %iota3A_17 = tpu.iota {dimensions = array<i32: 1>} : vector<128x128xi32>
    %le3A = arith.cmpi sle, %iota3A, %iota3A_17 : vector<128x128xi32>
    %convert_element_type3A_18 = arith.extui %le3A : vector<128x128xi1> to vector<128x128xi32>
    %convert_element_type3A_19 = arith.sitofp %convert_element_type3A_18 : vector<128x128xi32> to vector<128x128xf32>
    %dot_general3A = arith.constant dense<0.000000e+00> : vector<8x128xf32>
    %dot_general3A_20 = tpu.matmul %reduce_sum3A_2, %convert_element_type3A_19, %dot_general3A {dimension_numbers = #tpu.dot_dimension_numbers<[1], [0], [0], [1], [0, 0, 1, 1], [], []>, transpose_lhs_hint = false} : vector<8x128xf32>, vector<128x128xf32>, vector<8x128xf32> -> vector<8x128xf32>
    %iota3A_21 = tpu.iota {dimensions = array<i32: 0>} : vector<8x8xi32>
    %iota3A_22 = tpu.iota {dimensions = array<i32: 1>} : vector<8x8xi32>
    %lt3A = arith.cmpi slt, %iota3A_22, %iota3A_21 : vector<8x8xi32>
    %convert_element_type3A_23 = arith.extui %lt3A : vector<8x8xi1> to vector<8x8xi32>
    %convert_element_type3A_24 = arith.sitofp %convert_element_type3A_23 : vector<8x8xi32> to vector<8x8xf32>
    %dot_general3A_25 = arith.constant dense<0.000000e+00> : vector<8x128xf32>
    %dot_general3A_26 = tpu.matmul %convert_element_type3A_24, %reduce_sum3A_2, %dot_general3A_25 {dimension_numbers = #tpu.dot_dimension_numbers<[1], [0], [0], [1], [0, 0, 1, 1], [], []>, transpose_lhs_hint = false} : vector<8x8xf32>, vector<8x128xf32>, vector<8x128xf32> -> vector<8x128xf32>
    %reduce_sum3A_27 = arith.constant dense<0.000000e+00> : vector<8xf32>
    %reduce_sum3A_28 = vector.multi_reduction <add>, %dot_general3A_26, %reduce_sum3A_27 [1] : vector<8x128xf32> to vector<8xf32>
    %broadcast_in_dim3A = vector.shape_cast %reduce_sum3A_28 : vector<8xf32> to vector<8x1xf32>
    %add3A_29 = vector.broadcast %broadcast_in_dim3A : vector<8x1xf32> to vector<8x128xf32>
    %add3A_30 = arith.addf %dot_general3A_20, %add3A_29 : vector<8x128xf32>
    %lt3A_31 = vector.broadcast %add3A_16 : f32 to vector<8x128xf32>
    %lt3A_32 = arith.cmpf olt, %add3A_30, %lt3A_31 : vector<8x128xf32>
    %convert_element_type3A_33 = arith.extui %lt3A_32 : vector<8x128xi1> to vector<8x128xi32>
    %reduce_sum3A_34 = vector.shape_cast %convert_element_type3A_33 : vector<8x128xi32> to vector<1x8x128xi32>
    %reduce_sum3A_35 = arith.constant dense<0> : vector<1xi32>
    %reduce_sum3A_36 = vector.multi_reduction <add>, %reduce_sum3A_34, %reduce_sum3A_35 [1, 2] : vector<1x8x128xi32> to vector<1xi32>
    %reduce_sum3A_37 = vector.shape_cast %reduce_sum3A_36 : vector<1xi32> to vector<1x1x1xi32>
    %reduce_sum3A_38 = vector.extract %reduce_sum3A_37[0, 0, 0] : i32 from vector<1x1x1xi32>
    %shift_left3A = arith.constant 10 : i32
    %shift_left3A_39 = arith.shli %get3A_14, %shift_left3A : i32
    %or3A = arith.ori %shift_left3A_39, %reduce_sum3A_38 : i32
    %broadcast_in_dim3A_40 = vector.broadcast %or3A : i32 to vector<1x1xi32>
    %bitcast_convert_type3A = tpu.bitcast %broadcast_in_dim3A_40 : vector<1x1xi32> -> vector<1x1xi32>
    %ge3A = arith.constant -2147483648 : i32
    %ge3A_41 = vector.broadcast %ge3A : i32 to vector<1x1xi32>
    %ge3A_42 = arith.cmpi uge, %bitcast_convert_type3A, %ge3A_41 : vector<1x1xi32>
    %xor3A = arith.constant -2147483648 : i32
    %xor3A_43 = vector.broadcast %xor3A : i32 to vector<1x1xi32>
    %xor3A_44 = arith.xori %bitcast_convert_type3A, %xor3A_43 : vector<1x1xi32>
    %not3A = arith.constant dense<-1> : vector<1x1xi32>
    %not3A_45 = arith.xori %bitcast_convert_type3A, %not3A : vector<1x1xi32>
    %select_n3A = arith.select %ge3A_42, %xor3A_44, %not3A_45 : vector<1x1xi1>, vector<1x1xi32>
    %bitcast_convert_type3A_46 = tpu.bitcast %select_n3A : vector<1x1xi32> -> vector<1x1xf32>
    %div3A = arith.constant 1.000000e+01 : f32
    %div3A_47 = vector.broadcast %div3A : f32 to vector<1x1xf32>
    %div3A_48 = arith.divf %bitcast_convert_type3A_46, %div3A_47 : vector<1x1xf32>
    %broadcast_in_dim3A_49 = vector.broadcast %get3A_10 : i32 to vector<1x1xi32>
    %eq3A = arith.constant 0 : i32
    %eq3A_50 = vector.broadcast %eq3A : i32 to vector<1x1xi32>
    %eq3A_51 = arith.cmpi eq, %broadcast_in_dim3A_49, %eq3A_50 : vector<1x1xi32>
    %jit3A = arith.constant 0x7F800000 : f32
    %broadcast_in_dim3A_52 = vector.broadcast %jit3A : f32 to vector<1x1xf32>
    %select_n3A_53 = arith.select %eq3A_51, %broadcast_in_dim3A_52, %div3A_48 : vector<1x1xi1>, vector<1x1xf32>
    %swap3A = arith.constant 0 : index
    %swap3A_54 = arith.constant 0 : index
    %swap3A_55 = vector.load %arg3[%swap3A, %swap3A_54] : memref<1x1xf32, #tpu.memory_space<vmem>>, vector<1x1xf32>
    tpu.vector_store %arg3[%swap3A, %swap3A_54], %select_n3A_53 {strides = array<i32>} : memref<1x1xf32, #tpu.memory_space<vmem>>, vector<1x1xf32>,
    %sub3A = arith.constant 1.000000e-01 : f32
    %sub3A_56 = vector.broadcast %sub3A : f32 to vector<1x1xf32>
    %sub3A_57 = arith.subf %select_n3A_53, %sub3A_56 : vector<1x1xf32>
    %swap3A_58 = arith.constant 0 : index
    %swap3A_59 = arith.constant 0 : index
    %swap3A_60 = vector.load %arg4[%swap3A_58, %swap3A_59] : memref<1x1xf32, #tpu.memory_space<vmem>>, vector<1x1xf32>
    tpu.vector_store %arg4[%swap3A_58, %swap3A_59], %sub3A_57 {strides = array<i32>} : memref<1x1xf32, #tpu.memory_space<vmem>>, vector<1x1xf32>,
    return
  }
}

module attributes {stable_mosaic.version = 14 : i64} {
  func.func @_tc_sel2_body(%arg0: memref<32x2048xi32, #tpu.memory_space<vmem>>, %arg1: memref<1x16xi32, #tpu.memory_space<vmem>>, %arg2: memref<1x16xi32, #tpu.memory_space<vmem>>, %arg3: memref<1x16xi32, #tpu.memory_space<vmem>>, %arg4: memref<1x16xi32, #tpu.memory_space<vmem>>) attributes {dimension_semantics = [], scalar_prefetch = 0 : i64, scratch_operands = 0 : i64, tpu.core_type = #tpu.core_type<tc>} {
    %get3A = arith.constant 0 : index
    %get3A_0 = arith.constant 0 : index
    %get3A_1 = vector.load %arg0[%get3A, %get3A_0] : memref<32x2048xi32, #tpu.memory_space<vmem>>, vector<32x2048xi32>
    %convert_element_type3A = arith.sitofp %get3A_1 : vector<32x2048xi32> to vector<32x2048xf32>
    %reshape3A = vector.shape_cast %convert_element_type3A : vector<32x2048xf32> to vector<32x16x128xf32>
    %reduce_sum3A = arith.constant dense<0.000000e+00> : vector<16x128xf32>
    %reduce_sum3A_2 = vector.multi_reduction <add>, %reshape3A, %reduce_sum3A [0] : vector<32x16x128xf32> to vector<16x128xf32>
    %get3A_3 = arith.constant 0 : index
    %get3A_4 = arith.constant 0 : index
    %get3A_5 = vector.load %arg2[%get3A_3, %get3A_4] : memref<1x16xi32, #tpu.memory_space<vmem>>, vector<1x1xi32>
    %get3A_6 = vector.extract %get3A_5[0, 0] : i32 from vector<1x1xi32>
    %get3A_7 = arith.constant 0 : index
    %get3A_8 = arith.constant 1 : index
    %get3A_9 = vector.load %arg2[%get3A_7, %get3A_8] : memref<1x16xi32, #tpu.memory_space<vmem>>, vector<1x1xi32>
    %get3A_10 = vector.extract %get3A_9[0, 0] : i32 from vector<1x1xi32>
    %get3A_11 = arith.constant 0 : index
    %get3A_12 = arith.constant 0 : index
    %get3A_13 = vector.load %arg1[%get3A_11, %get3A_12] : memref<1x16xi32, #tpu.memory_space<vmem>>, vector<1x1xi32>
    %get3A_14 = vector.extract %get3A_13[0, 0] : i32 from vector<1x1xi32>
    %convert_element_type3A_15 = arith.sitofp %get3A_6 : i32 to f32
    %add3A = arith.constant 1.000000e+00 : f32
    %add3A_16 = arith.addf %convert_element_type3A_15, %add3A : f32
    %iota3A = tpu.iota {dimensions = array<i32: 0>} : vector<128x128xi32>
    %iota3A_17 = tpu.iota {dimensions = array<i32: 1>} : vector<128x128xi32>
    %le3A = arith.cmpi sle, %iota3A, %iota3A_17 : vector<128x128xi32>
    %convert_element_type3A_18 = arith.extui %le3A : vector<128x128xi1> to vector<128x128xi32>
    %convert_element_type3A_19 = arith.sitofp %convert_element_type3A_18 : vector<128x128xi32> to vector<128x128xf32>
    %dot_general3A = arith.constant dense<0.000000e+00> : vector<16x128xf32>
    %dot_general3A_20 = tpu.matmul %reduce_sum3A_2, %convert_element_type3A_19, %dot_general3A {dimension_numbers = #tpu.dot_dimension_numbers<[1], [0], [0], [1], [0, 0, 1, 1], [], []>, transpose_lhs_hint = false} : vector<16x128xf32>, vector<128x128xf32>, vector<16x128xf32> -> vector<16x128xf32>
    %iota3A_21 = tpu.iota {dimensions = array<i32: 0>} : vector<16x16xi32>
    %iota3A_22 = tpu.iota {dimensions = array<i32: 1>} : vector<16x16xi32>
    %lt3A = arith.cmpi slt, %iota3A_22, %iota3A_21 : vector<16x16xi32>
    %convert_element_type3A_23 = arith.extui %lt3A : vector<16x16xi1> to vector<16x16xi32>
    %convert_element_type3A_24 = arith.sitofp %convert_element_type3A_23 : vector<16x16xi32> to vector<16x16xf32>
    %dot_general3A_25 = arith.constant dense<0.000000e+00> : vector<16x128xf32>
    %dot_general3A_26 = tpu.matmul %convert_element_type3A_24, %reduce_sum3A_2, %dot_general3A_25 {dimension_numbers = #tpu.dot_dimension_numbers<[1], [0], [0], [1], [0, 0, 1, 1], [], []>, transpose_lhs_hint = false} : vector<16x16xf32>, vector<16x128xf32>, vector<16x128xf32> -> vector<16x128xf32>
    %reduce_sum3A_27 = arith.constant dense<0.000000e+00> : vector<16xf32>
    %reduce_sum3A_28 = vector.multi_reduction <add>, %dot_general3A_26, %reduce_sum3A_27 [1] : vector<16x128xf32> to vector<16xf32>
    %broadcast_in_dim3A = vector.shape_cast %reduce_sum3A_28 : vector<16xf32> to vector<16x1xf32>
    %add3A_29 = vector.broadcast %broadcast_in_dim3A : vector<16x1xf32> to vector<16x128xf32>
    %add3A_30 = arith.addf %dot_general3A_20, %add3A_29 : vector<16x128xf32>
    %lt3A_31 = vector.broadcast %add3A_16 : f32 to vector<16x128xf32>
    %lt3A_32 = arith.cmpf olt, %add3A_30, %lt3A_31 : vector<16x128xf32>
    %convert_element_type3A_33 = arith.extui %lt3A_32 : vector<16x128xi1> to vector<16x128xi32>
    %reduce_sum3A_34 = vector.shape_cast %convert_element_type3A_33 : vector<16x128xi32> to vector<1x16x128xi32>
    %reduce_sum3A_35 = arith.constant dense<0> : vector<1xi32>
    %reduce_sum3A_36 = vector.multi_reduction <add>, %reduce_sum3A_34, %reduce_sum3A_35 [1, 2] : vector<1x16x128xi32> to vector<1xi32>
    %reduce_sum3A_37 = vector.shape_cast %reduce_sum3A_36 : vector<1xi32> to vector<1x1x1xi32>
    %reduce_sum3A_38 = vector.extract %reduce_sum3A_37[0, 0, 0] : i32 from vector<1x1x1xi32>
    %iota3A_39 = tpu.iota {dimensions = array<i32: 0>} : vector<16x128xi32>
    %iota3A_40 = tpu.iota {dimensions = array<i32: 1>} : vector<16x128xi32>
    %mul3A = arith.constant 128 : i32
    %mul3A_41 = vector.broadcast %mul3A : i32 to vector<16x128xi32>
    %mul3A_42 = arith.muli %iota3A_39, %mul3A_41 : vector<16x128xi32>
    %add3A_43 = arith.addi %mul3A_42, %iota3A_40 : vector<16x128xi32>
    %lt3A_44 = vector.broadcast %reduce_sum3A_38 : i32 to vector<16x128xi32>
    %lt3A_45 = arith.cmpi slt, %add3A_43, %lt3A_44 : vector<16x128xi32>
    %jit3A = arith.constant 0.000000e+00 : f32
    %broadcast_in_dim3A_46 = vector.broadcast %jit3A : f32 to vector<16x128xf32>
    %select_n3A = arith.select %lt3A_45, %reduce_sum3A_2, %broadcast_in_dim3A_46 : vector<16x128xi1>, vector<16x128xf32>
    %reduce_sum3A_47 = vector.shape_cast %select_n3A : vector<16x128xf32> to vector<1x16x128xf32>
    %reduce_sum3A_48 = arith.constant dense<0.000000e+00> : vector<1xf32>
    %reduce_sum3A_49 = vector.multi_reduction <add>, %reduce_sum3A_47, %reduce_sum3A_48 [1, 2] : vector<1x16x128xf32> to vector<1xf32>
    %reduce_sum3A_50 = vector.shape_cast %reduce_sum3A_49 : vector<1xf32> to vector<1x1x1xf32>
    %reduce_sum3A_51 = vector.extract %reduce_sum3A_50[0, 0, 0] : f32 from vector<1x1x1xf32>
    %convert_element_type3A_52 = arith.fptosi %reduce_sum3A_51 : f32 to i32
    %shift_left3A = arith.constant 11 : i32
    %shift_left3A_53 = arith.shli %get3A_14, %shift_left3A : i32
    %or3A = arith.ori %shift_left3A_53, %reduce_sum3A_38 : i32
    %broadcast_in_dim3A_54 = vector.broadcast %or3A : i32 to vector<1x16xi32>
    %swap3A = arith.constant 0 : index
    %swap3A_55 = arith.constant 0 : index
    %swap3A_56 = vector.load %arg3[%swap3A, %swap3A_55] : memref<1x16xi32, #tpu.memory_space<vmem>>, vector<1x16xi32>
    tpu.vector_store %arg3[%swap3A, %swap3A_55], %broadcast_in_dim3A_54 {strides = array<i32>} : memref<1x16xi32, #tpu.memory_space<vmem>>, vector<1x16xi32>,
    %sub3A = arith.subi %get3A_6, %convert_element_type3A_52 : i32
    %iota3A_57 = tpu.iota {dimensions = array<i32: 1>} : vector<1x16xi32>
    %eq3A = arith.constant 0 : i32
    %eq3A_58 = vector.broadcast %eq3A : i32 to vector<1x16xi32>
    %eq3A_59 = arith.cmpi eq, %iota3A_57, %eq3A_58 : vector<1x16xi32>
    %eq3A_60 = arith.constant 1 : i32
    %eq3A_61 = vector.broadcast %eq3A_60 : i32 to vector<1x16xi32>
    %eq3A_62 = arith.cmpi eq, %iota3A_57, %eq3A_61 : vector<1x16xi32>
    %jit3A_63 = arith.constant 0 : i32
    %broadcast_in_dim3A_64 = vector.broadcast %get3A_10 : i32 to vector<1x16xi32>
    %broadcast_in_dim3A_65 = vector.broadcast %jit3A_63 : i32 to vector<1x16xi32>
    %select_n3A_66 = arith.select %eq3A_62, %broadcast_in_dim3A_64, %broadcast_in_dim3A_65 : vector<1x16xi1>, vector<1x16xi32>
    %broadcast_in_dim3A_67 = vector.broadcast %sub3A : i32 to vector<1x16xi32>
    %select_n3A_68 = arith.select %eq3A_59, %broadcast_in_dim3A_67, %select_n3A_66 : vector<1x16xi1>, vector<1x16xi32>
    %swap3A_69 = arith.constant 0 : index
    %swap3A_70 = arith.constant 0 : index
    %swap3A_71 = vector.load %arg4[%swap3A_69, %swap3A_70] : memref<1x16xi32, #tpu.memory_space<vmem>>, vector<1x16xi32>
    tpu.vector_store %arg4[%swap3A_69, %swap3A_70], %select_n3A_68 {strides = array<i32>} : memref<1x16xi32, #tpu.memory_space<vmem>>, vector<1x16xi32>,
    return
  }
}

</mosaic_0001>

<sc_bundles>
// kernel: kernel.11.cloned.1.call-start
scs
__scs_entry_jumppad:
0x0: {  	(pc) =	sbr.rel $0x88, $3  }
0x1: {  	(tag) =	ssettag $0x0;
	lr =	simm.s32 $0x1  }
0x2: {  	[smem:$0x3F9F] =	sst lr;
	_ =	strace $0xD0000000  }
0x3: {  	_ = 	snop  }
0x4: {  	_ = 	snop  }
0x5: {  	_ = 	snop  }
0x6: {  	_ = 	snop  }
0x7: {  	_ = 	snop  }
__scs_overlays_trampoline_lowered:
0x8: {  	[smem:$0x3FAE] =	sst s0  }
0x9: {  	[smem:$0x3FAF] =	sst s1  }
0xa: {  	[smem:$0x3FB0] =	sst s2  }
0xb: {  	[smem:$0x3FB1] =	sst s3  }
0xc: {  	[smem:$0x3FB2] =	sst s4  }
0xd: {  	[smem:$0x3FB3] =	sst s5  }
0xe: {  	[smem:$0x3FB4] =	sst s6  }
0xf: {  	[smem:$0x3FB5] =	sst s7  }
0x10: {  	[smem:$0x3FB6] =	sst s8  }
0x11: {  	[smem:$0x3FB7] =	sst s9;
	s0 =	simm.s32 @!p0 $0x0  }
0x12: {  	s1 =	sld [smem:$0x3F9D];
	s0 =	simm.s32 @p0 $0x1  }
0x13: {  	[smem:$0x3FB8] =	sst s0;
	s0 =	simm.s32 @!p1 $0x0  }
0x14: {  	s2 =	sld [smem:$0x3F9C];
	s0 =	simm.s32 @p1 $0x1  }
0x15: {  	[smem:$0x3FB9] =	sst s0;
	s0 =	simm.s32 @!p2 $0x0  }
0x16: {  	s3 =	sld [smem:$0x3FDB];
	s0 =	simm.s32 @p2 $0x1  }
0x17: {  	s4 =	simm.s32 $0x1BF5;
	[smem:$0x3FBB] =	sst s0  }
0x18: {  	s0 =	sld [smem:$0x3F9E];
	_ =	swait.ge [sflag:s4], $0x0  }
0x19: {  	s7 =	sld [smem:$0x3F9F]  }
0x1a: {  	s8 =	sadd.s32 $0xFFFFE003, lr  }
0x1b: {  	s9 =	sadd.s32 $0xFFFFFEF7, lr;
	s5 =	simm.s32 $0xFFFFFFFF;
	p2 =	slt.u32 s8, $0xFFFFF086  }
0x1c: {  	p1 =	slt.u32 s9, $0xF7A;
	s5 =	simm.s32 @!p2 $0x0  }
0x1d: {  	s5 =	simm.s32 @p1 $0x1;
	p0 =	seq.s32 s7, s2  }
0x1e: {  	s7 =	smul.u32 @!p0 $0xF7A, s2;
	p2 =	seq.s32 @!p0 s5, $0x0  }
0x1f: {  	s9 =	smul.u32 $0xF7A, s1;
	s8 =	simm.s32 @!p0 $0x1BF5;
	p2 =	por !p2, p0  }
0x20: {  	[sflag:s8] =	ssyncset.s32 @!p0 $0xFFFFF086;
	s6 =	sadd.s32 @!p0 s3, s7;
	s7 =	simm.s32 @!p0 $0x108  }
0x21: {  	s3 =	sadd.s32 s3, s9;
	s6 =	sadd.s32 @!p0 $0x88, s6;
	s7 =	simm.s32 @p2 $0x1082  }
0x22: {  	[simem:s7], [sflag:s8] =	dma.local @!p0 [hbm:s6], $0xF7A  }
0x23: {  	s9 =	sor.u32 $0xD0000000, s2;
	s6 =	simm.s32 $0x108;
	_ =	swait.ge @!p0 [sflag:s8], $0x0  }
0x24: {  	s3 =	sadd.s32 $0x88, s3;
	s6 =	simm.s32 @!p1 $0x1082;
	[sflag:s4] =	ssyncset.s32 $0xFFFFF086  }
0x25: {  	[simem:s6], [sflag:s4] =	dma.local [hbm:s3], $0xF7A  }
0x26: {  	[smem:$0x3F9F] =	sst s1;
	(tag) =	ssettag s2;
	_ =	strace s9  }
0x27: {  	s1 =	sld [smem:$0x3FAF]  }
0x28: {  	s2 =	sld [smem:$0x3FB0]  }
0x29: {  	s4 =	sld [smem:$0x3FB2]  }
0x2a: {  	p0 =	seq.s32 s5, $0x0;
	s5 =	sld [smem:$0x3FB3]  }
0x2b: {  	s6 =	sld [smem:$0x3FB4]  }
0x2c: {  	s7 =	sld [smem:$0x3FB5]  }
0x2d: {  	s3 =	simm.s32 $0x108;
	s8 =	sld [smem:$0x3FB6]  }
0x2e: {  	s3 =	simm.s32 @!p0 $0x1082;
	s9 =	sld [smem:$0x3FB7]  }
0x2f: {  	lr =	sadd.s32 s0, s3;
	s0 =	sld [smem:$0x3FAE]  }
0x30: {  	s3 =	sld [smem:$0x3FB1]  }
0x31: {  	[smem:$0x3FBA] =	sst s10  }
0x32: {  	s10 =	sld [smem:$0x3FB8];
	_ =	sdelay $0x3  }
0x33: {  	p0 =	seq.s32 s10, $0x1;
	s10 =	sld [smem:$0x3FBA];
	_ =	sdelay $0x3  }
0x34: {  	[smem:$0x3FBA] =	sst s10  }
0x35: {  	s10 =	sld [smem:$0x3FB9];
	_ =	sdelay $0x3  }
0x36: {  	p1 =	seq.s32 s10, $0x1;
	s10 =	sld [smem:$0x3FBA];
	_ =	sdelay $0x3  }
0x37: {  	[smem:$0x3FBA] =	sst s10  }
0x38: {  	s10 =	sld [smem:$0x3FBB]  }
0x39: {  	_ = 	snop;
	(pc) =	sbr.ind lr, $3  }
0x3a: {  	_ = 	snop  }
0x3b: {  	_ = 	snop  }
0x3c: {  	p2 =	seq.s32 s10, $0x1;
	s10 =	sld [smem:$0x3FBA]  }
0x3d: {  	_ =	shalt  }
0x3e: {  	_ =	shalt  }
0x3f: {  	_ =	shalt  }
0x40: {  	_ =	shalt  }
0x41: {  	_ =	shalt  }
0x42: {  	_ =	shalt  }
0x43: {  	_ =	shalt  }
0x44: {  	_ =	shalt  }
0x45: {  	_ =	shalt  }
0x46: {  	_ =	shalt  }
0x47: {  	_ =	shalt  }
0x48: {  	_ =	shalt  }
0x49: {  	_ =	shalt  }
0x4a: {  	_ =	shalt  }
0x4b: {  	_ =	shalt  }
0x4c: {  	_ =	shalt  }
0x4d: {  	_ =	shalt  }
0x4e: {  	_ =	shalt  }
0x4f: {  	_ =	shalt  }
0x50: {  	_ =	shalt  }
0x51: {  	_ =	shalt  }
0x52: {  	_ =	shalt  }
0x53: {  	_ =	shalt  }
0x54: {  	_ =	shalt  }
0x55: {  	_ =	shalt  }
0x56: {  	_ =	shalt  }
0x57: {  	_ =	shalt  }
0x58: {  	_ =	shalt  }
0x59: {  	_ =	shalt  }
0x5a: {  	_ =	shalt  }
0x5b: {  	_ =	shalt  }
0x5c: {  	_ =	shalt  }
0x5d: {  	_ =	shalt  }
0x5e: {  	_ =	shalt  }
0x5f: {  	_ =	shalt  }
0x60: {  	_ =	shalt  }
0x61: {  	_ =	shalt  }
0x62: {  	_ =	shalt  }
0x63: {  	_ =	shalt  }
0x64: {  	_ =	shalt  }
0x65: {  	_ =	shalt  }
0x66: {  	_ =	shalt  }
0x67: {  	_ =	shalt  }
0x68: {  	_ =	shalt  }
0x69: {  	_ =	shalt  }
0x6a: {  	_ =	shalt  }
0x6b: {  	_ =	shalt  }
0x6c: {  	_ =	shalt  }
0x6d: {  	_ =	shalt  }
0x6e: {  	_ =	shalt  }
0x6f: {  	_ =	shalt  }
0x70: {  	_ =	shalt  }
0x71: {  	_ =	shalt  }
0x72: {  	_ =	shalt  }
0x73: {  	_ =	shalt  }
0x74: {  	_ =	shalt  }
0x75: {  	_ =	shalt  }
0x76: {  	_ =	shalt  }
0x77: {  	_ =	shalt  }
0x78: {  	_ =	shalt  }
0x79: {  	_ =	shalt  }
0x7a: {  	_ =	shalt  }
0x7b: {  	_ =	shalt  }
0x7c: {  	_ =	shalt  }
0x7d: {  	_ =	shalt  }
0x7e: {  	_ =	shalt  }
0x7f: {  	_ =	shalt  }
0x80: {  	_ =	shalt  }
0x81: {  	_ =	shalt  }
0x82: {  	_ =	shalt  }
0x83: {  	_ =	shalt  }
0x84: {  	_ =	shalt  }
0x85: {  	_ =	shalt  }
0x86: {  	_ =	shalt  }
0x87: {  	_ =	shalt  }
.Lfunc_end0:
.L_simem_size_0:
called_computation.1_lowered:
.L_overlay_start_0:
0x88: {  	s2 =	sld [smem:$0x3FD9]  }
0x89: {  	s3 =	sld [smem:$0x3FFE];
	_ =	sdelay $0x1  }
0x8a: {  	s1 =	srdreg.scid  }
0x8b: {  	s0 =	sand.u32 $0x1, s1  }
0x8c: {  	s14 =	sshll.u32 s0, $0xA;
	s2 =	sadd.s32 s3, s2  }
0x8d: {  	s2 =	sadd.s32 s2, s14  }
0x8e: {  	[smem:$0x3FC6] =	sst s2  }
0x8f: {  	_ = 	snop  }
0x90: {  	s2 =	sld [smem:$0x3FD0];
	_ =	sdelay $0x2  }
0x91: {  	s15 =	simm.s32 $0xA;
	s4 =	simm.s32 $0x10  }
0x92: {  	[smem:s4], [sflag:s15] =	dma.local [hbm:s2], $0x1  }
0x93: {  	_ =	swait.eq [sflag:s15], $0x1  }
0x94: {  	[sflag:s15] =	ssyncset.done $0x0  }
0x95: {  	[sflag:s15] =	ssyncadd.s32 $0xFFFFFFFF  }
0x96: {  	s16 =	sld [smem:$0x11];
	(tm) =	ssettm $0x1  }
0x97: {  	s17 =	sld [smem:$0x3FFB];
	_ =	sdelay $0x3  }
0x98: {  	_ =	strace s17  }
0x99: {  	s3 =	sld [smem:$0x3FFC];
	_ =	sdelay $0x3  }
0x9a: {  	_ =	strace s3  }
0x9b: {  	s3 =	sld [smem:$0x3FFD];
	_ =	sdelay $0x3  }
0x9c: {  	_ =	strace s3  }
0x9d: {  	_ =	strace $0x8FFFFFFF  }
0x9e: {  	s18 =	sld [smem:$0x3FDB];
	_ =	sdelay $0x1  }
0x9f: {  	s19 =	simm.s32 $_scs_section_size  }
0xa0: {  	s5 =	simm.s32 $_size__tile_overlayer_lowered;
	s6 =	simm.s32 $_tile_overlayer_lowered  }
0xa1: {  	s22 =	simm.s32 $0x1BFF;
	s21 =	sshll.u32 s6, $0x1;
	s3 =	sadd.s32 s19, s18  }
0xa2: {  	s7 =	simm.s32 $0x0;
	s20 =	sshll.u32 s5, $0x1;
	s5 =	sadd.s32 s21, s3  }
0xa3: {  	[timem:s7], [sflag:s22] =	dma.local [hbm:s5], s20  }
0xa4: {  	_ =	swait.ge [sflag:s22], s20  }
0xa5: {  	s4 =	ssub.s32 $0x0, s20;
	[sflag:s22] =	ssyncset.done $0x0  }
0xa6: {  	[sflag:s22] =	ssyncadd.s32 s4;
	_ =	sdelay $0x1  }
0xa7: {  	s23 =	simm.s32 $0x1B8B  }
0xa8: {  	_ =	swait.ge [sflag:s23], $0x1  }
0xa9: {  	[sflag:s23] =	ssyncset.done $0x0  }
0xaa: {  	s25 =	simm.s32 $0x1B8E;
	s24 =	sld [smem:$0x3FFE];
	[sflag:s23] =	ssyncadd.s32 $0xFFFFFFFF  }
0xab: {  	s26 =	simm.s32 $execute0_lowered;
	[smem:$0x3FD2] =	sst s25  }
0xac: {  	s5 =	sshll.u32 s26, $0x1;
	_ =	strace $0x80000058;
	[dreg:$0x1] =	wrdreg $0xFFFFFFFF  }
0xad: {  	s28 =	simm.s32 $_size_execute0_lowered;
	s3 =	sadd.s32 s3, s5;
	[dreg:$0x0] =	wrdreg $0x0  }
0xae: {  	s5 =	sshll.u32 s28, $0x1;
	[dreg:$0x2] =	wrdreg s3  }
0xaf: {  	[dreg:$0x3] =	wrdreg s5  }
0xb0: {  	[dreg:$0x4] =	wrdreg $0xC0  }
0xb1: {  	_ =	task [dreg:s7], $0x5FFFF  }
0xb2: {  	[dreg:$0x1] =	wrdreg $0xFFFFFFFF  }
0xb3: {  	[dreg:$0x0] =	wrdreg $0x60  }
0xb4: {  	[dreg:$0x2] =	wrdreg s24  }
0xb5: {  	[dreg:$0x3] =	wrdreg s16  }
0xb6: {  	[dreg:$0x4] =	wrdreg $0x9  }
0xb7: {  	_ =	task.clear_ibuf [dreg:s7], $0x5FFFF;
	_ =	strace $0x90000058  }
0xb8: {  	s29 =	simm.s32 $0x9;
	_ =	strace $0x80000064  }
0xb9: {  	_ =	swait.ge [sflag:s29], $0x1  }
0xba: {  	[sflag:s29] =	ssyncadd.s32 $0xFFFFFFFF  }
0xbb: {  	_ =	strace $0x90000064  }
0xbc: {  	_ =	sfence  }
0xbd: {  	s30 =	sld [smem:$0x0];
	_ =	sdelay $0x2  }
0xbe: {  	s31 =	sshll.u32 s1, $0xD;
	s1 =	sshrl.u32 s1, $0x2  }
0xbf: {  	s3 =	sand.u32 $0x4000, s31;
	s1 =	sadd.s32 s1, s30  }
0xc0: {  	s0 =	sor.u32 s3, s0;
	s1 =	sshll.u32 s1, $0x11  }
0xc1: {  	s0 =	sor.u32 s1, s0  }
0xc2: {  	s0 =	sadd.s32 $0x8F2B, s0  }
0xc3: {  	[sflag:s0] =	ssyncadd.remote.s32 $0x1  }
0xc4: {  	_ =	sfence.sel $0xFFFF  }
0xc5: {  	[dreg:$0x0] =	wrdreg $0xFFFFFFFF;
	(pc) =	sbr.abs _section_cstart, $3  }
0xc6: {  	[dreg:$0x1] =	wrdreg $0xFFFFFFFF  }
0xc7: {  	_ =	task.clear_ibuf [dreg:s7], $0x2FFFF;
	_ =	strace $0x9FFFFFFF  }
0xc8: {  	(tm) =	ssettm $0x7FFFFFFF  }
0xc9: {  	_ =	shalt  }
tec
execute0_lowered:
.L_overlay_start_1:
0x0: {  	(tag) =	ssettag $0x1  }
0x1: {  	s0 =	rddreg [dreg:$0x0];
	s1 =	simm.s32 $0x0;
	s24 =	srdreg.scid  }
0x2: {  	s7 =	stileid.u32;
	s13 =	simm.s32 $0x1;
	s18 =	simm.s32 $0x80  }
0x3: {  	s19 =	simm.s32 $0x880;
	s20 =	simm.s32 $0x1080;
	s21 =	simm.s32 $0x1880  }
0x4: {  	s23 =	simm.s32 $0x0;
	[smem:$0x7FF] =	sst s1;
	s3 =	sadd.s32 $0x44600, s0  }
0x5: {  	s1 =	sand.u32 $0x1, s24;
	s5 =	sadd.s32 $0x54600, s0;
	s25 =	sshll.u32 s7, $0x5  }
0x6: {  	_ =	strace $0x80000059;
	s2 =	sshll.u32 s1, $0x4;
	s1 =	ssub.s32 $0x2, s1  }
0x7: {  	s0 =	sadd.s32 s2, s0;
	s4 =	sshrl.u32 s1, $0x1;
	s6 =	sor.u32 s7, s2  }
0x8: {  	s7 =	sshll.u32 s7, $0x9;
	s2 =	sand.u32 $0x60, s25;
	s26 =	sshll.u32 s6, $0xA  }
0x9: {  	s1 =	ssub.s32 s1, s4;
	s9 =	sand.u32 $0x1800, s7;
	s28 =	sadd.s32 s3, s26  }
0xa: {  	s10 =	sor.u32 $0x8000, s26;
	s30 =	sadd.s32 s5, s26;
	[dreg:$0x3] =	wrdreg s28  }
0xb: {  	s0 =	sadd.s32 s2, s0;
	s29 =	sadd.s32 s3, s10;
	[dreg:$0x5] =	wrdreg s30  }
0xc: {  	s0 =	sadd.s32 s9, s0;
	s31 =	sadd.s32 s5, s10;
	[dreg:$0x4] =	wrdreg s29  }
0xd: {  	v0 =	vimm.s32 $0x0;
	v1 =	vimm.s32 $0x1;
	s12 =	smax.u32 s1, $0x1;
	s11 =	sadd.s32 $0x2600, s0;
	[dreg:$0x6] =	wrdreg s31  }
.LBB2_1:
0xe: {  	s0 =	rddreg [dreg:$0x1];
	s1 =	simm.s32 $0x0  }
0xf: {  	[tilespmem:s1], [sflag:$0x1] =	stream.linear.gather [hbm4b:s0+s1], $0x80, $0x38;
	[tilespmem:$0x6080] =	vst v63  }
0x10: {  	_ =	swait.ge [sflag:s13], $0x80  }
0x11: {  	[sflag:s13] =	ssyncset.done $0x0  }
0x12: {  	s1 =	simm.s32 $0x40;
	s0 =	simm.s32 $0x0;
	[sflag:s13] =	ssyncadd.s32 $0xFFFFFF80  }
.LBB2_2:
0x13: {  	p0 =	sne.s32 s1, $0x1FC0;
	[tilespmem:s0+$0x1880] =	vst v0;
	s2 =	smov.u32 s1;
	s1 =	sadd.s32 $0x40, s1  }
.Ltmp0:
0x14: {  	[tilespmem:s0+$0x1080] =	vst v0;
	(pc) =	sbr.rel @p0 .LBB2_2-.Ltmp0, $3  }
0x15: {  	[tilespmem:s0+$0x80] =	vst v0  }
0x16: {  	[tilespmem:s0+$0x880] =	vst v0;
	_ =	sdelay $0x1  }
0x17: {  	s0 =	sshra.s32 s2, $0x2  }
0x18: {  	[tilespmem:s0+$0x1880] =	vst v0  }
0x19: {  	[tilespmem:s0+$0x1080] =	vst v0  }
0x1a: {  	[tilespmem:s0+$0x80] =	vst v0  }
0x1b: {  	[tilespmem:s0+$0x880] =	vst v0  }
0x1c: {  	s2 =	simm.s32 $0x0;
	_ =	strace $0x8000005A  }
0x1d: {  	s1 =	simm.s32 $0x2080;
	s22 =	simm.s32 $0x3080;
	s16 =	rddreg [dreg:$0x3]  }
0x1e: {  	s25 =	simm.s32 $0x4080;
	s30 =	simm.s32 $0x5080;
	s17 =	rddreg [dreg:$0x4]  }
0x1f: {  	[tilespmem:s1], [sflag:$0x1] =	stream.linear.gather [hbm4b:s16+s2], $0x800, $0x200038;
	[tilespmem:$0x6080] =	vst v63  }
0x20: {  	s28 =	simm.s32 $0x0;
	s29 =	simm.s32 $0x0;
	s24 =	rddreg [dreg:$0x5]  }
0x21: {  	[tilespmem:s22], [sflag:$0x3] =	stream.linear.gather [hbm4b:s17+s2], $0x800, $0x200038;
	[tilespmem:$0x6080] =	vst v63  }
0x22: {  	s31 =	simm.s32 $0x0;
	s15 =	simm.s32 $0x1;
	s26 =	rddreg [dreg:$0x6]  }
0x23: {  	[tilespmem:s25], [sflag:$0x5] =	stream.linear.gather [hbm4b:s24+s2], $0x800, $0x200038;
	[tilespmem:$0x6080] =	vst v63  }
0x24: {  	s16 =	simm.s32 $0x1;
	s1 =	simm.s32 $0x0;
	s17 =	simm.s32 $0x1  }
0x25: {  	[tilespmem:s30], [sflag:$0x7] =	stream.linear.gather [hbm4b:s26+s2], $0x800, $0x200038;
	[tilespmem:$0x6080] =	vst v63  }
0x26: {  	s25 =	simm.s32 $0x0;
	s26 =	simm.s32 $0x1;
	_ =	strace $0x9000005A  }
.LBB2_4:
0x27: {  	s4 =	sadd.s32 $0x1, s2  }
0x28: {  	p0 =	seq.s32 s4, $0x4  }
0x29: {  	s4 =	simm.s32 @p0 $0x0;
	p0 =	seq.s32 s1, $0x3  }
0x2a: {  	p1 =	seq.s32 @!p0 s2, s4  }
0x2b: {  	p2 =	por p1, p0  }
0x2c: {  	s24 =	sshll.u32 @!p2 s6, $0xA;
	s30 =	sshll.u32 @!p2 s4, $0x8  }
0x2d: {  	s14 =	sand.u32 @!p2 $0x1, s15;
	_ =	strace @!p2 $0x8000005B;
	s24 =	sadd.s32 @!p2 s30, s24  }
0x2e: {  	s8 =	simm.s32 @!p2 $0x0;
	s22 =	sshll.u32 @!p2 s14, $0xB;
	s7 =	sand.u32 @!p2 $0x1FFFFF00, s24  }
0x2f: {  	s14 =	sadd.s32 @!p2 $0x1, s14;
	s22 =	sor.u32 @!p2 $0x2080, s22;
	s30 =	sadd.s32 @!p2 s3, s7  }
0x30: {  	[tilespmem:s22], [sflag:s14] =	stream.linear.gather @!p2 [hbm4b:s30+s8], $0x800, $0x200038;
	[tilespmem:$0x6080] =	vst v63  }
0x31: {  	s14 =	sand.u32 @!p2 $0x1, s16;
	s22 =	sadd.s32 @!p2 $0x8000, s24;
	_ =	strace @!p2 $0x9000005B  }
0x32: {  	s24 =	sshll.u32 @!p2 s14, $0xB;
	s22 =	sand.u32 @!p2 $0x1FFFFF00, s22;
	s14 =	sadd.s32 @!p2 $0x3, s14  }
0x33: {  	_ =	strace @!p2 $0x8000005C;
	s9 =	sor.u32 @!p2 $0x3080, s24;
	s10 =	sadd.s32 @!p2 s3, s22  }
0x34: {  	[tilespmem:s9], [sflag:s14] =	stream.linear.gather @!p2 [hbm4b:s10+s8], $0x800, $0x200038;
	[tilespmem:$0x6080] =	vst v63  }
0x35: {  	s9 =	sand.u32 @!p2 $0x1, s17  }
0x36: {  	s7 =	sadd.s32 @!p2 s5, s7;
	_ =	strace @!p2 $0x9000005C;
	s10 =	sshll.u32 @!p2 s9, $0xB  }
0x37: {  	s9 =	sadd.s32 @!p2 $0x5, s9;
	_ =	strace @!p2 $0x8000005D;
	s10 =	sor.u32 @!p2 $0x4080, s10  }
0x38: {  	[tilespmem:s10], [sflag:s9] =	stream.linear.gather @!p2 [hbm4b:s7+s8], $0x800, $0x200038;
	[tilespmem:$0x6080] =	vst v63  }
0x39: {  	s7 =	sand.u32 @!p2 $0x1, s26  }
0x3a: {  	s10 =	sadd.s32 @!p2 s5, s22;
	_ =	strace @!p2 $0x9000005D;
	s9 =	sshll.u32 @!p2 s7, $0xB  }
0x3b: {  	s7 =	sadd.s32 @!p2 $0x7, s7;
	_ =	strace @!p2 $0x8000005E;
	s9 =	sor.u32 @!p2 $0x5080, s9  }
0x3c: {  	[tilespmem:s9], [sflag:s7] =	stream.linear.gather @!p2 [hbm4b:s10+s8], $0x800, $0x200038;
	[tilespmem:$0x6080] =	vst v63  }
0x3d: {  	s10 =	sand.u32 $0x1, s31;
	_ =	strace @!p2 $0x9000005E  }
0x3e: {  	s7 =	sadd.s32 $0x1, s10;
	_ =	strace $0x8000005F  }
0x3f: {  	_ =	swait.ge [sflag:s7], $0x800  }
0x40: {  	[sflag:s7] =	ssyncset.done $0x0  }
0x41: {  	[sflag:s7] =	ssyncadd.s32 $0xFFFFF800  }
0x42: {  	s14 =	sand.u32 $0x1, s29;
	_ =	strace $0x9000005F  }
0x43: {  	s7 =	sadd.s32 $0x3, s14;
	_ =	strace $0x80000060  }
0x44: {  	_ =	swait.ge [sflag:s7], $0x800  }
0x45: {  	[sflag:s7] =	ssyncset.done $0x0  }
0x46: {  	[sflag:s7] =	ssyncadd.s32 $0xFFFFF800  }
0x47: {  	s22 =	sand.u32 $0x1, s28;
	_ =	strace $0x90000060  }
0x48: {  	s7 =	sadd.s32 $0x5, s22;
	_ =	strace $0x80000061  }
0x49: {  	_ =	swait.ge [sflag:s7], $0x800  }
0x4a: {  	[sflag:s7] =	ssyncset.done $0x0  }
0x4b: {  	s8 =	sand.u32 $0x1, s25;
	[sflag:s7] =	ssyncadd.s32 $0xFFFFF800  }
0x4c: {  	s9 =	sshll.u32 s29, $0xB;
	s10 =	sshll.u32 s31, $0xB;
	_ =	strace $0x90000061  }
0x4d: {  	s7 =	sadd.s32 $0x7, s8;
	s8 =	sand.u32 $0x800, s9;
	_ =	strace $0x80000062  }
0x4e: {  	s9 =	sand.u32 $0x800, s10;
	s8 =	sor.u32 $0x3080, s8;
	_ =	swait.ge [sflag:s7], $0x800  }
0x4f: {  	s9 =	sor.u32 $0x2080, s9;
	v2 =	vmov s8;
	[sflag:s7] =	ssyncset.done $0x0  }
0x50: {  	v3 =	vmov s9;
	[sflag:s7] =	ssyncadd.s32 $0xFFFFF800  }
0x51: {  	_ =	strace $0x90000062  }
0x52: {  	_ =	strace $0x80000063  }
0x53: {  	s8 =	simm.s32 $0x0;
	v5 =	vld [tilespmem:$0x0]  }
0x54: {  	s14 =	sshll.u32 s28, $0xB;
	v7 =	vld.idx.msk [tilespmem:v2+s8+$0x0 ss:$0x1], $0xffff  }
0x55: {  	s7 =	sand.u32 $0x800, s14;
	v8 =	vld.idx.msk [tilespmem:v3+s8+$0x10 ss:$0x1], $0xffff  }
0x56: {  	s7 =	sor.u32 $0x4080, s7;
	v9 =	vld.idx.msk [tilespmem:v3+s8+$0x0 ss:$0x1], $0xffff  }
0x57: {  	s22 =	sshll.u32 s25, $0xB;
	v4 =	vmov s7;
	v10 =	vld.idx.msk [tilespmem:v2+s8+$0x10 ss:$0x1], $0xffff  }
0x58: {  	s7 =	sand.u32 $0x800, s22  }
0x59: {  	s7 =	sor.u32 $0x5080, s7  }
0x5a: {  	v6 =	vmov s7  }
0x5b: {  	v5 =	vshll.u32 v5, $0xB;
	v8 =	vshrl.u32 v8, $0xA;
	v7 =	vshrl.u32 v7, $0xA  }
0x5c: {  	v11 =	vld.idx.msk [tilespmem:v4+s8+$0x0 ss:$0x1], $0xffff;
	v9 =	vshrl.u32 v9, $0xA;
	v10 =	vshrl.u32 v10, $0xA;
	v12 =	vsub.s32 v8, v5  }
0x5d: {  	v14 =	vld.idx.msk [tilespmem:v4+s8+$0x10 ss:$0x1], $0xffff;
	v13 =	vsub.s32 v7, v5;
	v15 =	vsub.s32 v9, v5;
	v9 =	vand.u32 $0x7F, v9  }
0x5e: {  	v8 =	vand.u32 $0x7F, v8;
	v16 =	vand.u32 $0x7F, v7;
	v7 =	vsub.s32 v10, v5  }
0x5f: {  	v18 =	vand.u32 $0x7F, v10;
	vm5 =	vlt.u32 v15, $0x800;
	vm0 =	vlt.u32 v13, $0x800  }
0x60: {  	v15 =	vand.u32 $0xFFFFFF80, v15;
	vm1 =	vlt.u32 v12, $0x800;
	vm2 =	vlt.u32 v7, $0x800  }
0x61: {  	v17 =	vld.idx.msk [tilespmem:v6+s8+$0x0 ss:$0x1], $0xffff;
	v12 =	vand.u32 $0xFFFFFF80, v12;
	v19 =	vand.u32 $0xFFFFFF80, v7;
	v9 =	vor.u32 v9, v15  }
0x62: {  	p1 =	por !p1, p0;
	s10 =	sadd.s32 @!p2 $0x1, s17;
	v7 =	vor.u32 v8, v12;
	v11 =	vshrl.u32 v11, $0xA;
	v10 =	vshrl.u32 v14, $0xA  }
0x63: {  	s0 =	smov.u32 s15;
	s24 =	smov.u32 s17;
	s17 =	smov.u32 @p1 s10;
	v8 =	vld.idx.msk [tilespmem:v6+s8+$0x10 ss:$0x1], $0xffff;
	v12 =	vand.u32 $0xFFFFFF80, v13;
	v15 =	vsub.s32 v11, v5;
	v14 =	vsub.s32 v10, v5  }
0x64: {  	s30 =	smov.u32 s16;
	s9 =	sadd.s32 @!p2 $0x1, s16;
	s17 =	smov.u32 @p0 s24;
	v11 =	vand.u32 $0x7F, v11;
	vm3 =	vlt.u32 v15, $0x800;
	vm4 =	vlt.u32 v14, $0x800  }
0x65: {  	s16 =	smov.u32 @p1 s9;
	s14 =	simm.s32 $0x0;
	s7 =	sadd.s32 @!p2 $0x1, s15;
	v20 =	vand.u32 $0xFFFFFF80, v14;
	v14 =	vand.u32 $0xFFFFFF80, v15;
	v15 =	vand.u32 $0x7F, v10  }
0x66: {  	s16 =	smov.u32 @p0 s30;
	s14 =	simm.s32 @p1 $0x1;
	s15 =	smov.u32 @p1 s7;
	v13 =	vshrl.u32 v17, $0xA;
	v10 =	vor.u32 v16, v12;
	v12 =	vor.u32 v18, v19;
	[tilespmem:v9+s18+$0x0] =	vst.idx.add.s32.msk vm5, v1  }
0x67: {  	s14 =	simm.s32 @p0 $0x0;
	s15 =	smov.u32 @p0 s0;
	s0 =	simm.s32 $0x80;
	v9 =	vor.u32 v11, v14;
	v14 =	vsub.s32 v13, v5;
	v11 =	vor.u32 v15, v20  }
.LBB2_5:
0x68: {  	p1 =	sne.s32 s0, $0x1F80;
	v8 =	vshrl.u32 v8, $0xA;
	v15 =	vand.u32 $0xFFFFFF80, v14;
	v13 =	vand.u32 $0x7F, v13;
	s7 =	smov.u32 s0;
	s0 =	sadd.s32 $0x80, s0  }
0x69: {  	vm5 =	vlt.u32 v14, $0x800;
	v14 =	vsub.s32 v8, v5;
	v8 =	vand.u32 $0x7F, v8  }
0x6a: {  	vm6 =	vlt.u32 v14, $0x800;
	[tilespmem:v7+s19+$0x0] =	vst.idx.add.s32.msk vm1, v1;
	v7 =	vor.u32 v13, v15;
	v13 =	vand.u32 $0xFFFFFF80, v14  }
0x6b: {  	[tilespmem:v10+s20+$0x0] =	vst.idx.add.s32.msk vm0, v1;
	v8 =	vor.u32 v8, v13  }
0x6c: {  	[tilespmem:v12+s21+$0x0] =	vst.idx.add.s32.msk vm2, v1  }
0x6d: {  	[tilespmem:v9+s18+$0x0] =	vst.idx.add.s32.msk vm3, v1  }
0x6e: {  	[tilespmem:v11+s19+$0x0] =	vst.idx.add.s32.msk vm4, v1  }
0x6f: {  	s7 =	sshra.s32 s7, $0x2;
	[tilespmem:v7+s20+$0x0] =	vst.idx.add.s32.msk vm5, v1  }
0x70: {  	[tilespmem:v8+s21+$0x0] =	vst.idx.add.s32.msk vm6, v1  }
0x71: {  	v7 =	vld.idx.msk [tilespmem:v2+s7+$0x0 ss:$0x1], $0xffff  }
0x72: {  	v8 =	vld.idx.msk [tilespmem:v3+s7+$0x10 ss:$0x1], $0xffff  }
0x73: {  	v9 =	vld.idx.msk [tilespmem:v3+s7+$0x0 ss:$0x1], $0xffff  }
0x74: {  	v10 =	vld.idx.msk [tilespmem:v2+s7+$0x10 ss:$0x1], $0xffff;
	_ =	sdelay $0x1  }
0x75: {  	v11 =	vld.idx.msk [tilespmem:v4+s7+$0x0 ss:$0x1], $0xffff;
	_ =	sdelay $0x1  }
0x76: {  	v7 =	vshrl.u32 v7, $0xA;
	v8 =	vshrl.u32 v8, $0xA  }
0x77: {  	v14 =	vsub.s32 v7, v5;
	v9 =	vshrl.u32 v9, $0xA;
	v13 =	vsub.s32 v8, v5;
	v12 =	vld.idx.msk [tilespmem:v4+s7+$0x10 ss:$0x1], $0xffff  }
0x78: {  	v15 =	vsub.s32 v9, v5;
	v10 =	vshrl.u32 v10, $0xA;
	v9 =	vand.u32 $0x7F, v9  }
0x79: {  	vm0 =	vlt.u32 v14, $0x800;
	vm5 =	vlt.u32 v15, $0x800;
	v15 =	vand.u32 $0xFFFFFF80, v15  }
0x7a: {  	vm1 =	vlt.u32 v13, $0x800;
	v11 =	vshrl.u32 v11, $0xA;
	v9 =	vor.u32 v9, v15  }
0x7b: {  	v18 =	vand.u32 $0x7F, v7;
	v17 =	vand.u32 $0x7F, v8;
	v16 =	vsub.s32 v11, v5;
	v15 =	vld.idx.msk [tilespmem:v6+s7+$0x0 ss:$0x1], $0xffff  }
0x7c: {  	v7 =	vsub.s32 v10, v5;
	v19 =	vand.u32 $0x7F, v10;
	v11 =	vand.u32 $0x7F, v11;
	v8 =	vld.idx.msk [tilespmem:v6+s7+$0x10 ss:$0x1], $0xffff  }
0x7d: {  	vm2 =	vlt.u32 v7, $0x800;
	v10 =	vshrl.u32 v12, $0xA;
	v12 =	vand.u32 $0xFFFFFF80, v13  }
.Ltmp1:
0x7e: {  	v20 =	vand.u32 $0xFFFFFF80, v7;
	vm3 =	vlt.u32 v16, $0x800;
	v13 =	vsub.s32 v10, v5;
	(pc) =	sbr.rel @p1 .LBB2_5-.Ltmp1, $4  }
0x7f: {  	v7 =	vor.u32 v17, v12;
	vm4 =	vlt.u32 v13, $0x800;
	v17 =	vand.u32 $0xFFFFFF80, v13;
	[tilespmem:v9+s18+$0x0] =	vst.idx.add.s32.msk vm5, v1  }
0x80: {  	v12 =	vand.u32 $0xFFFFFF80, v16;
	v16 =	vand.u32 $0x7F, v10;
	v9 =	vand.u32 $0xFFFFFF80, v14  }
0x81: {  	v13 =	vshrl.u32 v15, $0xA;
	v10 =	vor.u32 v18, v9;
	v9 =	vor.u32 v11, v12  }
0x82: {  	v12 =	vor.u32 v19, v20;
	v11 =	vor.u32 v16, v17;
	v14 =	vsub.s32 v13, v5  }
0x83: {  	_ =	sdelay $0x2  }
0x84: {  	v2 =	vshrl.u32 v8, $0xA;
	v3 =	vand.u32 $0xFFFFFF80, v14;
	v4 =	vand.u32 $0x7F, v13  }
0x85: {  	vm5 =	vlt.u32 v14, $0x800;
	v5 =	vsub.s32 v2, v5;
	v2 =	vand.u32 $0x7F, v2  }
0x86: {  	[tilespmem:v7+s19+$0x0] =	vst.idx.add.s32.msk vm1, v1;
	p1 =	sne.s32 s2, s4;
	v3 =	vor.u32 v4, v3;
	vm6 =	vlt.u32 v5, $0x800;
	v63 =	vand.u32 $0xFFFFFF80, v5  }
0x87: {  	s0 =	simm.s32 $0x1;
	s1 =	sadd.s32 $0x1, s1;
	[tilespmem:v10+s20+$0x0] =	vst.idx.add.s32.msk vm0, v1;
	p0 =	por p0, p1;
	v2 =	vor.u32 v2, v63  }
0x88: {  	[tilespmem:v12+s21+$0x0] =	vst.idx.add.s32.msk vm2, v1;
	s0 =	simm.s32 @!p0 $0x0;
	p0 =	sne.s32 s1, $0x4  }
.Ltmp2:
0x89: {  	[tilespmem:v9+s18+$0x0] =	vst.idx.add.s32.msk vm3, v1;
	(pc) =	sbr.rel @p0 .LBB2_4-.Ltmp2, $4  }
0x8a: {  	[tilespmem:v11+s19+$0x0] =	vst.idx.add.s32.msk vm4, v1  }
0x8b: {  	s26 =	sadd.s32 s26, s14;
	[tilespmem:v3+s20+$0x0] =	vst.idx.add.s32.msk vm5, v1  }
0x8c: {  	s2 =	smov.u32 s4;
	s31 =	sadd.s32 s0, s31;
	s29 =	sadd.s32 s0, s29;
	[tilespmem:v2+s21+$0x0] =	vst.idx.add.s32.msk vm6, v1  }
0x8d: {  	s28 =	sadd.s32 s0, s28;
	s25 =	sadd.s32 s0, s25;
	_ =	strace $0x90000063  }
0x8e: {  	s0 =	simm.s32 $0x0  }
0x8f: {  	s1 =	simm.s32 $0x40;
	v2 =	vld [tilespmem:s0+$0x880]  }
.LBB2_8:
0x90: {  	p0 =	sne.s32 s1, $0x1FC0;
	v3 =	vld [tilespmem:s0+$0x80]  }
0x91: {  	v4 =	vld [tilespmem:s0+$0x1080]  }
0x92: {  	v5 =	vld [tilespmem:s0+$0x1880];
	_ =	sdelay $0x1  }
.Ltmp3:
0x93: {  	(pc) =	sbr.rel @p0 .LBB2_8-.Ltmp3, $4  }
0x94: {  	v2 =	vadd.s32 v3, v2  }
0x95: {  	v2 =	vadd.s32 v4, v2  }
0x96: {  	s2 =	sshra.s32 s1, $0x2;
	v3 =	vadd.s32 v5, v2  }
0x97: {  	s1 =	sadd.s32 $0x40, s1;
	v2 =	vld [tilespmem:s2+$0x880];
	[tilespmem:s0+$0x80] =	vst v3;
	s0 =	smov.u32 s2  }
0x98: {  	v3 =	vld [tilespmem:s0+$0x80]  }
0x99: {  	v4 =	vld [tilespmem:s0+$0x1080]  }
0x9a: {  	v5 =	vld [tilespmem:s0+$0x1880];
	_ =	sdelay $0x2  }
0x9b: {  	v2 =	vadd.s32 v3, v2  }
0x9c: {  	s23 =	sadd.s32 $0x1, s23;
	v2 =	vadd.s32 v4, v2  }
0x9d: {  	p0 =	sne.s32 s23, s12;
	v2 =	vadd.s32 v5, v2  }
.Ltmp4:
0x9e: {  	s31 =	simm.s32 $0x400;
	[tilespmem:s0+$0x80] =	vst v2;
	(pc) =	sbr.rel @p0 .LBB2_1-.Ltmp4, $4  }
0x9f: {  	[hbm4b:s11+s18] =	stream.strided.scatter [tilespmem:s18], [sflag:$0x1], $0x800, s31, s18, $0x38;
	[tilespmem:$0x6080] =	vst v63  }
0xa0: {  	_ =	swait.ge [sflag:s13], $0x800  }
0xa1: {  	[sflag:s13] =	ssyncset.done $0x0  }
0xa2: {  	[sflag:s13] =	ssyncadd.s32 $0xFFFFF800  }
0xa3: {  	_ =	sfence.sel $0x180000  }
0xa4: {  	[bflag:$0x0] =	sbarrier.arrive $0xFFFF  }
0xa5: {  	_ =	strace $0x90000059  }
0xa6: {  	s0 =	stileid.u32;
	[bflag:$0x2] =	sbarrier.arrive $0xFFFF  }
0xa7: {  	p0 =	sne.s32 s0, $0x0;
	s0 =	rddreg [dreg:$0x2]  }
0xa8: {  	s0 =	sadd.s32 @!p0 $0x100000, s0  }
0xa9: {  	[sflag:s0] =	ssyncadd.tile.s32 @!p0 $0x1;
	_ =	shalt  }
.Lfunc_end2:
_tile_overlayer_lowered:
.L_overlay_start_2:
0xaa: {  	(tag) =	ssettag $0x2  }
0xab: {  	s0 =	rddreg [dreg:$0x0];
	s2 =	stileid.u32  }
0xac: {  	s1 =	rddreg [dreg:$0x1];
	p0 =	sne.s32 s2, $0x0  }
0xad: {  	s3 =	rddreg [dreg:$0x2];
	[bflag:$0x3] =	sbarrier.arrive $0xFFFF;
	s2 =	simm.s32 @!p0 $0x1C01  }
0xae: {  	[timem:s3], [sflag:s2] =	dma.local @!p0 [hbm:s0], s1  }
0xaf: {  	s0 =	simm.s32 @!p0 $0x1  }
0xb0: {  	_ =	swait.ge @!p0 [sflag:s0], s1  }
0xb1: {  	s1 =	ssub.s32 @!p0 $0x0, s1;
	[sflag:s0] =	ssyncset.done @!p0 $0x0  }
0xb2: {  	[sflag:s0] =	ssyncadd.s32 @!p0 s1  }
0xb3: {  	[bflag:$0x3] =	sbarrier.arrive $0xFFFF  }
0xb4: {  	_ =	shalt  }

// kernel: kernel.14.cloned.1.call-start
scs
__scs_entry_jumppad:
0x0: {  	(pc) =	sbr.rel $0x88, $3  }
0x1: {  	(tag) =	ssettag $0x0;
	lr =	simm.s32 $0x1  }
0x2: {  	[smem:$0x3F9F] =	sst lr;
	_ =	strace $0xD0000000  }
0x3: {  	_ = 	snop  }
0x4: {  	_ = 	snop  }
0x5: {  	_ = 	snop  }
0x6: {  	_ = 	snop  }
0x7: {  	_ = 	snop  }
__scs_overlays_trampoline_lowered:
0x8: {  	[smem:$0x3FAE] =	sst s0  }
0x9: {  	[smem:$0x3FAF] =	sst s1  }
0xa: {  	[smem:$0x3FB0] =	sst s2  }
0xb: {  	[smem:$0x3FB1] =	sst s3  }
0xc: {  	[smem:$0x3FB2] =	sst s4  }
0xd: {  	[smem:$0x3FB3] =	sst s5  }
0xe: {  	[smem:$0x3FB4] =	sst s6  }
0xf: {  	[smem:$0x3FB5] =	sst s7  }
0x10: {  	[smem:$0x3FB6] =	sst s8  }
0x11: {  	[smem:$0x3FB7] =	sst s9;
	s0 =	simm.s32 @!p0 $0x0  }
0x12: {  	s1 =	sld [smem:$0x3F9D];
	s0 =	simm.s32 @p0 $0x1  }
0x13: {  	[smem:$0x3FB8] =	sst s0;
	s0 =	simm.s32 @!p1 $0x0  }
0x14: {  	s2 =	sld [smem:$0x3F9C];
	s0 =	simm.s32 @p1 $0x1  }
0x15: {  	[smem:$0x3FB9] =	sst s0;
	s0 =	simm.s32 @!p2 $0x0  }
0x16: {  	s3 =	sld [smem:$0x3FDB];
	s0 =	simm.s32 @p2 $0x1  }
0x17: {  	s4 =	simm.s32 $0x1BF5;
	[smem:$0x3FBB] =	sst s0  }
0x18: {  	s0 =	sld [smem:$0x3F9E];
	_ =	swait.ge [sflag:s4], $0x0  }
0x19: {  	s7 =	sld [smem:$0x3F9F]  }
0x1a: {  	s8 =	sadd.s32 $0xFFFFE003, lr  }
0x1b: {  	s9 =	sadd.s32 $0xFFFFFEF7, lr;
	s5 =	simm.s32 $0xFFFFFFFF;
	p2 =	slt.u32 s8, $0xFFFFF086  }
0x1c: {  	p1 =	slt.u32 s9, $0xF7A;
	s5 =	simm.s32 @!p2 $0x0  }
0x1d: {  	s5 =	simm.s32 @p1 $0x1;
	p0 =	seq.s32 s7, s2  }
0x1e: {  	s7 =	smul.u32 @!p0 $0xF7A, s2;
	p2 =	seq.s32 @!p0 s5, $0x0  }
0x1f: {  	s9 =	smul.u32 $0xF7A, s1;
	s8 =	simm.s32 @!p0 $0x1BF5;
	p2 =	por !p2, p0  }
0x20: {  	[sflag:s8] =	ssyncset.s32 @!p0 $0xFFFFF086;
	s6 =	sadd.s32 @!p0 s3, s7;
	s7 =	simm.s32 @!p0 $0x108  }
0x21: {  	s3 =	sadd.s32 s3, s9;
	s6 =	sadd.s32 @!p0 $0x88, s6;
	s7 =	simm.s32 @p2 $0x1082  }
0x22: {  	[simem:s7], [sflag:s8] =	dma.local @!p0 [hbm:s6], $0xF7A  }
0x23: {  	s9 =	sor.u32 $0xD0000000, s2;
	s6 =	simm.s32 $0x108;
	_ =	swait.ge @!p0 [sflag:s8], $0x0  }
0x24: {  	s3 =	sadd.s32 $0x88, s3;
	s6 =	simm.s32 @!p1 $0x1082;
	[sflag:s4] =	ssyncset.s32 $0xFFFFF086  }
0x25: {  	[simem:s6], [sflag:s4] =	dma.local [hbm:s3], $0xF7A  }
0x26: {  	[smem:$0x3F9F] =	sst s1;
	(tag) =	ssettag s2;
	_ =	strace s9  }
0x27: {  	s1 =	sld [smem:$0x3FAF]  }
0x28: {  	s2 =	sld [smem:$0x3FB0]  }
0x29: {  	s4 =	sld [smem:$0x3FB2]  }
0x2a: {  	p0 =	seq.s32 s5, $0x0;
	s5 =	sld [smem:$0x3FB3]  }
0x2b: {  	s6 =	sld [smem:$0x3FB4]  }
0x2c: {  	s7 =	sld [smem:$0x3FB5]  }
0x2d: {  	s3 =	simm.s32 $0x108;
	s8 =	sld [smem:$0x3FB6]  }
0x2e: {  	s3 =	simm.s32 @!p0 $0x1082;
	s9 =	sld [smem:$0x3FB7]  }
0x2f: {  	lr =	sadd.s32 s0, s3;
	s0 =	sld [smem:$0x3FAE]  }
0x30: {  	s3 =	sld [smem:$0x3FB1]  }
0x31: {  	[smem:$0x3FBA] =	sst s10  }
0x32: {  	s10 =	sld [smem:$0x3FB8];
	_ =	sdelay $0x3  }
0x33: {  	p0 =	seq.s32 s10, $0x1;
	s10 =	sld [smem:$0x3FBA];
	_ =	sdelay $0x3  }
0x34: {  	[smem:$0x3FBA] =	sst s10  }
0x35: {  	s10 =	sld [smem:$0x3FB9];
	_ =	sdelay $0x3  }
0x36: {  	p1 =	seq.s32 s10, $0x1;
	s10 =	sld [smem:$0x3FBA];
	_ =	sdelay $0x3  }
0x37: {  	[smem:$0x3FBA] =	sst s10  }
0x38: {  	s10 =	sld [smem:$0x3FBB]  }
0x39: {  	_ = 	snop;
	(pc) =	sbr.ind lr, $3  }
0x3a: {  	_ = 	snop  }
0x3b: {  	_ = 	snop  }
0x3c: {  	p2 =	seq.s32 s10, $0x1;
	s10 =	sld [smem:$0x3FBA]  }
0x3d: {  	_ =	shalt  }
0x3e: {  	_ =	shalt  }
0x3f: {  	_ =	shalt  }
0x40: {  	_ =	shalt  }
0x41: {  	_ =	shalt  }
0x42: {  	_ =	shalt  }
0x43: {  	_ =	shalt  }
0x44: {  	_ =	shalt  }
0x45: {  	_ =	shalt  }
0x46: {  	_ =	shalt  }
0x47: {  	_ =	shalt  }
0x48: {  	_ =	shalt  }
0x49: {  	_ =	shalt  }
0x4a: {  	_ =	shalt  }
0x4b: {  	_ =	shalt  }
0x4c: {  	_ =	shalt  }
0x4d: {  	_ =	shalt  }
0x4e: {  	_ =	shalt  }
0x4f: {  	_ =	shalt  }
0x50: {  	_ =	shalt  }
0x51: {  	_ =	shalt  }
0x52: {  	_ =	shalt  }
0x53: {  	_ =	shalt  }
0x54: {  	_ =	shalt  }
0x55: {  	_ =	shalt  }
0x56: {  	_ =	shalt  }
0x57: {  	_ =	shalt  }
0x58: {  	_ =	shalt  }
0x59: {  	_ =	shalt  }
0x5a: {  	_ =	shalt  }
0x5b: {  	_ =	shalt  }
0x5c: {  	_ =	shalt  }
0x5d: {  	_ =	shalt  }
0x5e: {  	_ =	shalt  }
0x5f: {  	_ =	shalt  }
0x60: {  	_ =	shalt  }
0x61: {  	_ =	shalt  }
0x62: {  	_ =	shalt  }
0x63: {  	_ =	shalt  }
0x64: {  	_ =	shalt  }
0x65: {  	_ =	shalt  }
0x66: {  	_ =	shalt  }
0x67: {  	_ =	shalt  }
0x68: {  	_ =	shalt  }
0x69: {  	_ =	shalt  }
0x6a: {  	_ =	shalt  }
0x6b: {  	_ =	shalt  }
0x6c: {  	_ =	shalt  }
0x6d: {  	_ =	shalt  }
0x6e: {  	_ =	shalt  }
0x6f: {  	_ =	shalt  }
0x70: {  	_ =	shalt  }
0x71: {  	_ =	shalt  }
0x72: {  	_ =	shalt  }
0x73: {  	_ =	shalt  }
0x74: {  	_ =	shalt  }
0x75: {  	_ =	shalt  }
0x76: {  	_ =	shalt  }
0x77: {  	_ =	shalt  }
0x78: {  	_ =	shalt  }
0x79: {  	_ =	shalt  }
0x7a: {  	_ =	shalt  }
0x7b: {  	_ =	shalt  }
0x7c: {  	_ =	shalt  }
0x7d: {  	_ =	shalt  }
0x7e: {  	_ =	shalt  }
0x7f: {  	_ =	shalt  }
0x80: {  	_ =	shalt  }
0x81: {  	_ =	shalt  }
0x82: {  	_ =	shalt  }
0x83: {  	_ =	shalt  }
0x84: {  	_ =	shalt  }
0x85: {  	_ =	shalt  }
0x86: {  	_ =	shalt  }
0x87: {  	_ =	shalt  }
.Lfunc_end0:
.L_simem_size_0:
called_computation.2_lowered:
.L_overlay_start_0:
0x88: {  	s2 =	sld [smem:$0x3FD9]  }
0x89: {  	s3 =	sld [smem:$0x3FFE];
	_ =	sdelay $0x1  }
0x8a: {  	s1 =	srdreg.scid  }
0x8b: {  	s0 =	sand.u32 $0x1, s1  }
0x8c: {  	s14 =	sshll.u32 s0, $0xA;
	s2 =	sadd.s32 s3, s2  }
0x8d: {  	s2 =	sadd.s32 s2, s14  }
0x8e: {  	[smem:$0x3FC6] =	sst s2  }
0x8f: {  	_ = 	snop  }
0x90: {  	s2 =	sld [smem:$0x3FD0];
	_ =	sdelay $0x2  }
0x91: {  	s15 =	simm.s32 $0xA;
	s4 =	simm.s32 $0x10  }
0x92: {  	[smem:s4], [sflag:s15] =	dma.local [hbm:s2], $0x1  }
0x93: {  	_ =	swait.eq [sflag:s15], $0x1  }
0x94: {  	[sflag:s15] =	ssyncset.done $0x0  }
0x95: {  	[sflag:s15] =	ssyncadd.s32 $0xFFFFFFFF  }
0x96: {  	s16 =	sld [smem:$0x11];
	(tm) =	ssettm $0x1  }
0x97: {  	s17 =	sld [smem:$0x3FFB];
	_ =	sdelay $0x3  }
0x98: {  	_ =	strace s17  }
0x99: {  	s3 =	sld [smem:$0x3FFC];
	_ =	sdelay $0x3  }
0x9a: {  	_ =	strace s3  }
0x9b: {  	s3 =	sld [smem:$0x3FFD];
	_ =	sdelay $0x3  }
0x9c: {  	_ =	strace s3  }
0x9d: {  	_ =	strace $0x8FFFFFFF  }
0x9e: {  	s18 =	sld [smem:$0x3FDB];
	_ =	sdelay $0x1  }
0x9f: {  	s19 =	simm.s32 $_scs_section_size  }
0xa0: {  	s5 =	simm.s32 $_size__tile_overlayer_lowered;
	s6 =	simm.s32 $_tile_overlayer_lowered  }
0xa1: {  	s22 =	simm.s32 $0x1BFF;
	s21 =	sshll.u32 s6, $0x1;
	s3 =	sadd.s32 s19, s18  }
0xa2: {  	s7 =	simm.s32 $0x0;
	s20 =	sshll.u32 s5, $0x1;
	s5 =	sadd.s32 s21, s3  }
0xa3: {  	[timem:s7], [sflag:s22] =	dma.local [hbm:s5], s20  }
0xa4: {  	_ =	swait.ge [sflag:s22], s20  }
0xa5: {  	s4 =	ssub.s32 $0x0, s20;
	[sflag:s22] =	ssyncset.done $0x0  }
0xa6: {  	[sflag:s22] =	ssyncadd.s32 s4;
	_ =	sdelay $0x1  }
0xa7: {  	s23 =	simm.s32 $0x1B8B  }
0xa8: {  	_ =	swait.ge [sflag:s23], $0x1  }
0xa9: {  	[sflag:s23] =	ssyncset.done $0x0  }
0xaa: {  	s25 =	simm.s32 $0x1B8E;
	s24 =	sld [smem:$0x3FFE];
	[sflag:s23] =	ssyncadd.s32 $0xFFFFFFFF  }
0xab: {  	s26 =	simm.s32 $execute0_lowered;
	[smem:$0x3FD2] =	sst s25  }
0xac: {  	s5 =	sshll.u32 s26, $0x1;
	_ =	strace $0x80000065;
	[dreg:$0x1] =	wrdreg $0xFFFFFFFF  }
0xad: {  	s28 =	simm.s32 $_size_execute0_lowered;
	s3 =	sadd.s32 s3, s5;
	[dreg:$0x0] =	wrdreg $0x0  }
0xae: {  	s5 =	sshll.u32 s28, $0x1;
	[dreg:$0x2] =	wrdreg s3  }
0xaf: {  	[dreg:$0x3] =	wrdreg s5  }
0xb0: {  	[dreg:$0x4] =	wrdreg $0xC0  }
0xb1: {  	_ =	task [dreg:s7], $0x5FFFF  }
0xb2: {  	[dreg:$0x1] =	wrdreg $0xFFFFFFFF  }
0xb3: {  	[dreg:$0x0] =	wrdreg $0x60  }
0xb4: {  	[dreg:$0x2] =	wrdreg s24  }
0xb5: {  	[dreg:$0x3] =	wrdreg s16  }
0xb6: {  	[dreg:$0x4] =	wrdreg $0x9  }
0xb7: {  	_ =	task.clear_ibuf [dreg:s7], $0x5FFFF;
	_ =	strace $0x90000065  }
0xb8: {  	s29 =	simm.s32 $0x9;
	_ =	strace $0x80000071  }
0xb9: {  	_ =	swait.ge [sflag:s29], $0x1  }
0xba: {  	[sflag:s29] =	ssyncadd.s32 $0xFFFFFFFF  }
0xbb: {  	_ =	strace $0x90000071  }
0xbc: {  	_ =	sfence  }
0xbd: {  	s30 =	sld [smem:$0x0];
	_ =	sdelay $0x2  }
0xbe: {  	s31 =	sshll.u32 s1, $0xD;
	s1 =	sshrl.u32 s1, $0x2  }
0xbf: {  	s3 =	sand.u32 $0x4000, s31;
	s1 =	sadd.s32 s1, s30  }
0xc0: {  	s0 =	sor.u32 s3, s0;
	s1 =	sshll.u32 s1, $0x11  }
0xc1: {  	s0 =	sor.u32 s1, s0  }
0xc2: {  	s0 =	sadd.s32 $0x8F2B, s0  }
0xc3: {  	[sflag:s0] =	ssyncadd.remote.s32 $0x1  }
0xc4: {  	_ =	sfence.sel $0xFFFF  }
0xc5: {  	[dreg:$0x0] =	wrdreg $0xFFFFFFFF;
	(pc) =	sbr.abs _section_cstart, $3  }
0xc6: {  	[dreg:$0x1] =	wrdreg $0xFFFFFFFF  }
0xc7: {  	_ =	task.clear_ibuf [dreg:s7], $0x2FFFF;
	_ =	strace $0x9FFFFFFF  }
0xc8: {  	(tm) =	ssettm $0x7FFFFFFF  }
0xc9: {  	_ =	shalt  }
tec
execute0_lowered:
.L_overlay_start_1:
0x0: {  	(tag) =	ssettag $0x1  }
0x1: {  	s0 =	rddreg [dreg:$0x0];
	s1 =	simm.s32 $0x0;
	s24 =	srdreg.scid  }
0x2: {  	s7 =	stileid.u32;
	s13 =	simm.s32 $0x1;
	s18 =	simm.s32 $0x80  }
0x3: {  	s19 =	simm.s32 $0x480;
	s20 =	simm.s32 $0x880;
	s21 =	simm.s32 $0xC80  }
0x4: {  	s23 =	simm.s32 $0x0;
	[smem:$0x7FF] =	sst s1;
	s3 =	sadd.s32 $0x44600, s0  }
0x5: {  	s1 =	sand.u32 $0x1, s24;
	s5 =	sadd.s32 $0x54600, s0;
	s25 =	sshll.u32 s7, $0x5  }
0x6: {  	_ =	strace $0x80000066;
	s2 =	sshll.u32 s1, $0x4;
	s1 =	ssub.s32 $0x2, s1  }
0x7: {  	s0 =	sadd.s32 s2, s0;
	s4 =	sshrl.u32 s1, $0x1;
	s6 =	sor.u32 s7, s2  }
0x8: {  	s7 =	sshll.u32 s7, $0x8;
	s2 =	sand.u32 $0x60, s25;
	s26 =	sshll.u32 s6, $0xA  }
0x9: {  	s1 =	ssub.s32 s1, s4;
	s9 =	sand.u32 $0xC00, s7;
	s28 =	sadd.s32 s3, s26  }
0xa: {  	s10 =	sor.u32 $0x8000, s26;
	s30 =	sadd.s32 s5, s26;
	[dreg:$0x3] =	wrdreg s28  }
0xb: {  	s0 =	sadd.s32 s2, s0;
	s29 =	sadd.s32 s3, s10;
	[dreg:$0x5] =	wrdreg s30  }
0xc: {  	s0 =	sadd.s32 s9, s0;
	s31 =	sadd.s32 s5, s10;
	[dreg:$0x4] =	wrdreg s29  }
0xd: {  	v0 =	vimm.s32 $0x0;
	v1 =	vimm.s32 $0x1;
	s12 =	smax.u32 s1, $0x1;
	s11 =	sadd.s32 $0x2600, s0;
	[dreg:$0x6] =	wrdreg s31  }
.LBB2_1:
0xe: {  	s0 =	rddreg [dreg:$0x1];
	s1 =	simm.s32 $0x0  }
0xf: {  	[tilespmem:s1], [sflag:$0x1] =	stream.linear.gather [hbm4b:s0+s1], $0x80, $0x38;
	[tilespmem:$0x5080] =	vst v63  }
0x10: {  	_ =	swait.ge [sflag:s13], $0x80  }
0x11: {  	[sflag:s13] =	ssyncset.done $0x0  }
0x12: {  	s1 =	simm.s32 $0x40;
	s0 =	simm.s32 $0x0;
	[sflag:s13] =	ssyncadd.s32 $0xFFFFFF80  }
.LBB2_2:
0x13: {  	p0 =	sne.s32 s1, $0xFC0;
	[tilespmem:s0+$0xC80] =	vst v0;
	s2 =	smov.u32 s1;
	s1 =	sadd.s32 $0x40, s1  }
.Ltmp0:
0x14: {  	[tilespmem:s0+$0x880] =	vst v0;
	(pc) =	sbr.rel @p0 .LBB2_2-.Ltmp0, $3  }
0x15: {  	[tilespmem:s0+$0x80] =	vst v0  }
0x16: {  	[tilespmem:s0+$0x480] =	vst v0;
	_ =	sdelay $0x1  }
0x17: {  	s0 =	sshra.s32 s2, $0x2  }
0x18: {  	[tilespmem:s0+$0xC80] =	vst v0  }
0x19: {  	[tilespmem:s0+$0x880] =	vst v0  }
0x1a: {  	[tilespmem:s0+$0x80] =	vst v0  }
0x1b: {  	[tilespmem:s0+$0x480] =	vst v0;
	s2 =	simm.s32 $0x0;
	s1 =	simm.s32 $0x1080  }
0x1c: {  	s22 =	simm.s32 $0x2080;
	s25 =	simm.s32 $0x3080;
	_ =	strace $0x80000067  }
0x1d: {  	s30 =	simm.s32 $0x4080;
	s28 =	simm.s32 $0x0;
	s16 =	rddreg [dreg:$0x3]  }
0x1e: {  	[tilespmem:s1], [sflag:$0x1] =	stream.linear.gather [hbm4b:s16+s2], $0x800, $0x200038;
	[tilespmem:$0x5080] =	vst v63  }
0x1f: {  	s29 =	simm.s32 $0x0;
	s15 =	simm.s32 $0x1;
	s17 =	rddreg [dreg:$0x4]  }
0x20: {  	[tilespmem:s22], [sflag:$0x3] =	stream.linear.gather [hbm4b:s17+s2], $0x800, $0x200038;
	[tilespmem:$0x5080] =	vst v63  }
0x21: {  	s31 =	simm.s32 $0x0;
	s14 =	simm.s32 $0x1;
	s24 =	rddreg [dreg:$0x5]  }
0x22: {  	[tilespmem:s25], [sflag:$0x5] =	stream.linear.gather [hbm4b:s24+s2], $0x800, $0x200038;
	[tilespmem:$0x5080] =	vst v63  }
0x23: {  	s26 =	rddreg [dreg:$0x6];
	s1 =	simm.s32 $0x0;
	s17 =	simm.s32 $0x1  }
0x24: {  	[tilespmem:s30], [sflag:$0x7] =	stream.linear.gather [hbm4b:s26+s2], $0x800, $0x200038;
	[tilespmem:$0x5080] =	vst v63  }
0x25: {  	s25 =	simm.s32 $0x0;
	s26 =	simm.s32 $0x1;
	_ =	strace $0x90000067  }
.LBB2_4:
0x26: {  	s4 =	sadd.s32 $0x1, s2  }
0x27: {  	p0 =	seq.s32 s4, $0x4  }
0x28: {  	s4 =	simm.s32 @p0 $0x0;
	p0 =	seq.s32 s1, $0x3  }
0x29: {  	p1 =	seq.s32 @!p0 s2, s4  }
0x2a: {  	p2 =	por p1, p0  }
0x2b: {  	s24 =	sshll.u32 @!p2 s6, $0xA;
	s30 =	sshll.u32 @!p2 s4, $0x8  }
0x2c: {  	s16 =	sand.u32 @!p2 $0x1, s14;
	_ =	strace @!p2 $0x80000068;
	s24 =	sadd.s32 @!p2 s30, s24  }
0x2d: {  	s8 =	simm.s32 @!p2 $0x0;
	s22 =	sshll.u32 @!p2 s16, $0xB;
	s7 =	sand.u32 @!p2 $0x1FFFFF00, s24  }
0x2e: {  	s16 =	sadd.s32 @!p2 $0x1, s16;
	s22 =	sor.u32 @!p2 $0x1080, s22;
	s30 =	sadd.s32 @!p2 s3, s7  }
0x2f: {  	[tilespmem:s22], [sflag:s16] =	stream.linear.gather @!p2 [hbm4b:s30+s8], $0x800, $0x200038;
	[tilespmem:$0x5080] =	vst v63  }
0x30: {  	s16 =	sand.u32 @!p2 $0x1, s15;
	s22 =	sadd.s32 @!p2 $0x8000, s24;
	_ =	strace @!p2 $0x90000068  }
0x31: {  	s24 =	sshll.u32 @!p2 s16, $0xB;
	s22 =	sand.u32 @!p2 $0x1FFFFF00, s22;
	s16 =	sadd.s32 @!p2 $0x3, s16  }
0x32: {  	_ =	strace @!p2 $0x80000069;
	s9 =	sor.u32 @!p2 $0x2080, s24;
	s10 =	sadd.s32 @!p2 s3, s22  }
0x33: {  	[tilespmem:s9], [sflag:s16] =	stream.linear.gather @!p2 [hbm4b:s10+s8], $0x800, $0x200038;
	[tilespmem:$0x5080] =	vst v63  }
0x34: {  	s9 =	sand.u32 @!p2 $0x1, s17  }
0x35: {  	s7 =	sadd.s32 @!p2 s5, s7;
	_ =	strace @!p2 $0x90000069;
	s10 =	sshll.u32 @!p2 s9, $0xB  }
0x36: {  	s9 =	sadd.s32 @!p2 $0x5, s9;
	_ =	strace @!p2 $0x8000006A;
	s10 =	sor.u32 @!p2 $0x3080, s10  }
0x37: {  	[tilespmem:s10], [sflag:s9] =	stream.linear.gather @!p2 [hbm4b:s7+s8], $0x800, $0x200038;
	[tilespmem:$0x5080] =	vst v63  }
0x38: {  	s7 =	sand.u32 @!p2 $0x1, s26  }
0x39: {  	s10 =	sadd.s32 @!p2 s5, s22;
	_ =	strace @!p2 $0x9000006A;
	s9 =	sshll.u32 @!p2 s7, $0xB  }
0x3a: {  	s7 =	sadd.s32 @!p2 $0x7, s7;
	_ =	strace @!p2 $0x8000006B;
	s9 =	sor.u32 @!p2 $0x4080, s9  }
0x3b: {  	[tilespmem:s9], [sflag:s7] =	stream.linear.gather @!p2 [hbm4b:s10+s8], $0x800, $0x200038;
	[tilespmem:$0x5080] =	vst v63  }
0x3c: {  	s22 =	sand.u32 $0x1, s31;
	_ =	strace @!p2 $0x9000006B  }
0x3d: {  	s7 =	sadd.s32 $0x1, s22;
	_ =	strace $0x8000006C  }
0x3e: {  	_ =	swait.ge [sflag:s7], $0x800  }
0x3f: {  	[sflag:s7] =	ssyncset.done $0x0  }
0x40: {  	[sflag:s7] =	ssyncadd.s32 $0xFFFFF800  }
0x41: {  	s8 =	sand.u32 $0x1, s29;
	_ =	strace $0x9000006C  }
0x42: {  	s7 =	sadd.s32 $0x3, s8;
	_ =	strace $0x8000006D  }
0x43: {  	_ =	swait.ge [sflag:s7], $0x800  }
0x44: {  	[sflag:s7] =	ssyncset.done $0x0  }
0x45: {  	[sflag:s7] =	ssyncadd.s32 $0xFFFFF800  }
0x46: {  	s9 =	sand.u32 $0x1, s28;
	_ =	strace $0x9000006D  }
0x47: {  	s7 =	sadd.s32 $0x5, s9;
	_ =	strace $0x8000006E  }
0x48: {  	_ =	swait.ge [sflag:s7], $0x800  }
0x49: {  	[sflag:s7] =	ssyncset.done $0x0  }
0x4a: {  	s16 =	sshll.u32 s31, $0xB;
	[sflag:s7] =	ssyncadd.s32 $0xFFFFF800  }
0x4b: {  	s10 =	sand.u32 $0x1, s25;
	s22 =	sshll.u32 s29, $0xB;
	_ =	strace $0x9000006E  }
0x4c: {  	s8 =	sand.u32 $0x800, s16;
	s7 =	sadd.s32 $0x7, s10;
	_ =	strace $0x8000006F  }
0x4d: {  	s8 =	sor.u32 $0x1080, s8;
	s9 =	sand.u32 $0x800, s22;
	_ =	swait.ge [sflag:s7], $0x800  }
0x4e: {  	v2 =	vmov s8;
	s9 =	sor.u32 $0x2080, s9;
	[sflag:s7] =	ssyncset.done $0x0  }
0x4f: {  	v3 =	vmov s9;
	[sflag:s7] =	ssyncadd.s32 $0xFFFFF800  }
0x50: {  	_ =	strace $0x9000006F  }
0x51: {  	s10 =	sshll.u32 s28, $0xB;
	_ =	strace $0x80000070  }
0x52: {  	s16 =	simm.s32 $0x0;
	s7 =	sand.u32 $0x800, s10;
	v5 =	vld [tilespmem:$0x0]  }
0x53: {  	s7 =	sor.u32 $0x3080, s7;
	v7 =	vld.idx.msk [tilespmem:v2+s16+$0x0 ss:$0x1], $0xffff  }
0x54: {  	v4 =	vmov s7;
	v8 =	vld.idx.msk [tilespmem:v3+s16+$0x0 ss:$0x1], $0xffff  }
0x55: {  	s22 =	sshll.u32 s25, $0xB;
	v9 =	vld.idx.msk [tilespmem:v2+s16+$0x10 ss:$0x1], $0xffff  }
0x56: {  	s7 =	sand.u32 $0x800, s22  }
0x57: {  	s7 =	sor.u32 $0x4080, s7  }
0x58: {  	v10 =	vld.idx.msk [tilespmem:v3+s16+$0x10 ss:$0x1], $0xffff;
	v6 =	vmov s7;
	v5 =	vshll.u32 v5, $0xA  }
0x59: {  	v12 =	vld.idx.msk [tilespmem:v4+s16+$0x0 ss:$0x1], $0xffff;
	v11 =	vsub.s32 v7, v5;
	v7 =	vand.u32 $0x7F, v7;
	v14 =	vsub.s32 v8, v5  }
0x5a: {  	v15 =	vsub.s32 v9, v5;
	v8 =	vand.u32 $0x7F, v8;
	v9 =	vand.u32 $0x7F, v9  }
0x5b: {  	v13 =	vand.u32 $0xFFFFFF80, v11;
	vm5 =	vlt.u32 v15, $0x400;
	v15 =	vand.u32 $0xFFFFFF80, v15  }
0x5c: {  	v16 =	vld.idx.msk [tilespmem:v4+s16+$0x10 ss:$0x1], $0xffff;
	vm4 =	vlt.u32 v11, $0x400;
	vm0 =	vlt.u32 v14, $0x400;
	v13 =	vor.u32 v7, v13  }
0x5d: {  	v11 =	vld.idx.msk [tilespmem:v6+s16+$0x0 ss:$0x1], $0xffff;
	v7 =	vand.u32 $0xFFFFFF80, v14;
	v14 =	vsub.s32 v10, v5;
	v15 =	vor.u32 v9, v15  }
0x5e: {  	v7 =	vor.u32 v8, v7;
	v8 =	vand.u32 $0x7F, v10;
	v10 =	vsub.s32 v12, v5  }
0x5f: {  	v17 =	vand.u32 $0xFFFFFF80, v14;
	vm1 =	vlt.u32 v14, $0x400;
	v14 =	vld.idx.msk [tilespmem:v6+s16+$0x10 ss:$0x1], $0xffff;
	v12 =	vand.u32 $0x7F, v12  }
0x60: {  	p1 =	por !p1, p0;
	s8 =	sadd.s32 @!p2 $0x1, s15;
	v8 =	vor.u32 v8, v17;
	v60 =	vand.u32 $0xFFFFFF80, v10;
	vm2 =	vlt.u32 v10, $0x400  }
0x61: {  	s0 =	smov.u32 s14;
	s30 =	smov.u32 s15;
	s15 =	smov.u32 @p1 s8;
	v10 =	vsub.s32 v16, v5;
	v9 =	vor.u32 v12, v60;
	v12 =	vand.u32 $0x7F, v16  }
0x62: {  	s24 =	smov.u32 s17;
	s15 =	smov.u32 @p0 s30;
	s9 =	sadd.s32 @!p2 $0x1, s17;
	vm3 =	vlt.u32 v10, $0x400;
	v10 =	vand.u32 $0xFFFFFF80, v10;
	v61 =	vsub.s32 v11, v5  }
0x63: {  	s17 =	smov.u32 @p1 s9;
	s7 =	sadd.s32 @!p2 $0x1, s14;
	s16 =	simm.s32 $0x0;
	v62 =	vand.u32 $0x7F, v11;
	v11 =	vor.u32 v12, v10;
	[tilespmem:v13+s18+$0x0] =	vst.idx.add.s32.msk vm4, v1;
	v13 =	vand.u32 $0xFFFFFF80, v61  }
0x64: {  	s17 =	smov.u32 @p0 s24;
	s14 =	smov.u32 @p1 s7;
	s16 =	simm.s32 @p1 $0x1;
	vm4 =	vlt.u32 v61, $0x400;
	v63 =	vsub.s32 v14, v5;
	v10 =	vor.u32 v62, v13  }
0x65: {  	s14 =	smov.u32 @p0 s0;
	s0 =	simm.s32 $0x80;
	s16 =	simm.s32 @p0 $0x0;
	[tilespmem:v15+s19+$0x0] =	vst.idx.add.s32.msk vm5, v1;
	v13 =	vand.u32 $0x7F, v14;
	vm6 =	vlt.u32 v63, $0x400;
	v12 =	vand.u32 $0xFFFFFF80, v63  }
.LBB2_5:
0x66: {  	p1 =	sne.s32 s0, $0x1F80;
	[tilespmem:v7+s20+$0x0] =	vst.idx.add.s32.msk vm0, v1;
	v7 =	vor.u32 v13, v12;
	s7 =	smov.u32 s0;
	s0 =	sadd.s32 $0x80, s0  }
0x67: {  	[tilespmem:v8+s21+$0x0] =	vst.idx.add.s32.msk vm1, v1  }
0x68: {  	[tilespmem:v9+s18+$0x0] =	vst.idx.add.s32.msk vm2, v1  }
0x69: {  	[tilespmem:v11+s19+$0x0] =	vst.idx.add.s32.msk vm3, v1  }
0x6a: {  	[tilespmem:v10+s20+$0x0] =	vst.idx.add.s32.msk vm4, v1  }
0x6b: {  	s7 =	sshra.s32 s7, $0x2;
	[tilespmem:v7+s21+$0x0] =	vst.idx.add.s32.msk vm6, v1  }
0x6c: {  	v7 =	vld.idx.msk [tilespmem:v2+s7+$0x0 ss:$0x1], $0xffff  }
0x6d: {  	v8 =	vld.idx.msk [tilespmem:v3+s7+$0x0 ss:$0x1], $0xffff  }
0x6e: {  	v9 =	vld.idx.msk [tilespmem:v2+s7+$0x10 ss:$0x1], $0xffff;
	_ =	sdelay $0x2  }
0x6f: {  	v10 =	vld.idx.msk [tilespmem:v3+s7+$0x10 ss:$0x1], $0xffff  }
0x70: {  	v12 =	vsub.s32 v7, v5;
	v11 =	vld.idx.msk [tilespmem:v4+s7+$0x0 ss:$0x1], $0xffff  }
0x71: {  	v7 =	vand.u32 $0x7F, v7;
	v14 =	vsub.s32 v8, v5;
	v15 =	vand.u32 $0xFFFFFF80, v12;
	v13 =	vld.idx.msk [tilespmem:v4+s7+$0x10 ss:$0x1], $0xffff  }
0x72: {  	v16 =	vsub.s32 v9, v5;
	v15 =	vor.u32 v7, v15;
	v7 =	vand.u32 $0xFFFFFF80, v14  }
0x73: {  	v8 =	vand.u32 $0x7F, v8;
	vm5 =	vlt.u32 v16, $0x400;
	v16 =	vand.u32 $0xFFFFFF80, v16  }
0x74: {  	vm4 =	vlt.u32 v12, $0x400;
	vm0 =	vlt.u32 v14, $0x400;
	v9 =	vand.u32 $0x7F, v9;
	v17 =	vld.idx.msk [tilespmem:v6+s7+$0x0 ss:$0x1], $0xffff  }
0x75: {  	v7 =	vor.u32 v8, v7;
	v12 =	vsub.s32 v10, v5;
	v8 =	vand.u32 $0x7F, v10  }
0x76: {  	vm1 =	vlt.u32 v12, $0x400;
	v10 =	vsub.s32 v11, v5;
	v12 =	vand.u32 $0xFFFFFF80, v12;
	v14 =	vld.idx.msk [tilespmem:v6+s7+$0x10 ss:$0x1], $0xffff  }
0x77: {  	v11 =	vand.u32 $0x7F, v11;
	v8 =	vor.u32 v8, v12;
	v12 =	vand.u32 $0xFFFFFF80, v10  }
0x78: {  	v16 =	vor.u32 v9, v16;
	vm2 =	vlt.u32 v10, $0x400;
	v9 =	vor.u32 v11, v12  }
.Ltmp1:
0x79: {  	v10 =	vsub.s32 v13, v5;
	v11 =	vand.u32 $0x7F, v13;
	(pc) =	sbr.rel @p1 .LBB2_5-.Ltmp1, $4  }
0x7a: {  	vm3 =	vlt.u32 v10, $0x400;
	v10 =	vand.u32 $0xFFFFFF80, v10;
	v12 =	vsub.s32 v17, v5;
	[tilespmem:v15+s18+$0x0] =	vst.idx.add.s32.msk vm4, v1  }
0x7b: {  	v13 =	vand.u32 $0x7F, v17;
	vm4 =	vlt.u32 v12, $0x400;
	v12 =	vand.u32 $0xFFFFFF80, v12  }
0x7c: {  	v11 =	vor.u32 v11, v10;
	v15 =	vsub.s32 v14, v5;
	v10 =	vor.u32 v13, v12  }
0x7d: {  	v13 =	vand.u32 $0x7F, v14;
	vm6 =	vlt.u32 v15, $0x400;
	v12 =	vand.u32 $0xFFFFFF80, v15;
	[tilespmem:v16+s19+$0x0] =	vst.idx.add.s32.msk vm5, v1  }
0x7e: {  	_ =	sdelay $0x3  }
0x7f: {  	p1 =	sne.s32 s2, s4  }
0x80: {  	[tilespmem:v7+s20+$0x0] =	vst.idx.add.s32.msk vm0, v1;
	v2 =	vor.u32 v13, v12;
	s0 =	simm.s32 $0x1;
	s1 =	sadd.s32 $0x1, s1;
	p0 =	por p0, p1  }
0x81: {  	[tilespmem:v8+s21+$0x0] =	vst.idx.add.s32.msk vm1, v1;
	s0 =	simm.s32 @!p0 $0x0;
	p0 =	sne.s32 s1, $0x4  }
.Ltmp2:
0x82: {  	[tilespmem:v9+s18+$0x0] =	vst.idx.add.s32.msk vm2, v1;
	(pc) =	sbr.rel @p0 .LBB2_4-.Ltmp2, $4  }
0x83: {  	[tilespmem:v11+s19+$0x0] =	vst.idx.add.s32.msk vm3, v1  }
0x84: {  	s26 =	sadd.s32 s26, s16;
	[tilespmem:v10+s20+$0x0] =	vst.idx.add.s32.msk vm4, v1  }
0x85: {  	s2 =	smov.u32 s4;
	s31 =	sadd.s32 s0, s31;
	s29 =	sadd.s32 s0, s29;
	[tilespmem:v2+s21+$0x0] =	vst.idx.add.s32.msk vm6, v1  }
0x86: {  	s28 =	sadd.s32 s0, s28;
	s25 =	sadd.s32 s0, s25;
	_ =	strace $0x90000070  }
0x87: {  	s0 =	simm.s32 $0x0  }
0x88: {  	s1 =	simm.s32 $0x40;
	v2 =	vld [tilespmem:s0+$0x480]  }
.LBB2_8:
0x89: {  	p0 =	sne.s32 s1, $0xFC0;
	v3 =	vld [tilespmem:s0+$0x80]  }
0x8a: {  	v4 =	vld [tilespmem:s0+$0x880]  }
0x8b: {  	v5 =	vld [tilespmem:s0+$0xC80];
	_ =	sdelay $0x1  }
.Ltmp3:
0x8c: {  	(pc) =	sbr.rel @p0 .LBB2_8-.Ltmp3, $4  }
0x8d: {  	v2 =	vadd.s32 v3, v2  }
0x8e: {  	v2 =	vadd.s32 v4, v2  }
0x8f: {  	s2 =	sshra.s32 s1, $0x2;
	v3 =	vadd.s32 v5, v2  }
0x90: {  	s1 =	sadd.s32 $0x40, s1;
	v2 =	vld [tilespmem:s2+$0x480];
	[tilespmem:s0+$0x80] =	vst v3;
	s0 =	smov.u32 s2  }
0x91: {  	v3 =	vld [tilespmem:s0+$0x80]  }
0x92: {  	v4 =	vld [tilespmem:s0+$0x880]  }
0x93: {  	v5 =	vld [tilespmem:s0+$0xC80];
	_ =	sdelay $0x2  }
0x94: {  	v2 =	vadd.s32 v3, v2  }
0x95: {  	s23 =	sadd.s32 $0x1, s23;
	v2 =	vadd.s32 v4, v2  }
0x96: {  	p0 =	sne.s32 s23, s12;
	v2 =	vadd.s32 v5, v2  }
.Ltmp4:
0x97: {  	s31 =	simm.s32 $0x400;
	[tilespmem:s0+$0x80] =	vst v2;
	(pc) =	sbr.rel @p0 .LBB2_1-.Ltmp4, $4  }
0x98: {  	[hbm4b:s11+s18] =	stream.strided.scatter [tilespmem:s18], [sflag:$0x1], $0x400, s31, s18, $0x38;
	[tilespmem:$0x5080] =	vst v63  }
0x99: {  	_ =	swait.ge [sflag:s13], $0x400  }
0x9a: {  	[sflag:s13] =	ssyncset.done $0x0  }
0x9b: {  	[sflag:s13] =	ssyncadd.s32 $0xFFFFFC00  }
0x9c: {  	_ =	sfence.sel $0x180000  }
0x9d: {  	[bflag:$0x0] =	sbarrier.arrive $0xFFFF  }
0x9e: {  	_ =	strace $0x90000066  }
0x9f: {  	s0 =	stileid.u32;
	[bflag:$0x2] =	sbarrier.arrive $0xFFFF  }
0xa0: {  	p0 =	sne.s32 s0, $0x0;
	s0 =	rddreg [dreg:$0x2]  }
0xa1: {  	s0 =	sadd.s32 @!p0 $0x100000, s0  }
0xa2: {  	[sflag:s0] =	ssyncadd.tile.s32 @!p0 $0x1;
	_ =	shalt  }
.Lfunc_end2:
_tile_overlayer_lowered:
.L_overlay_start_2:
0xa3: {  	(tag) =	ssettag $0x2  }
0xa4: {  	s0 =	rddreg [dreg:$0x0];
	s2 =	stileid.u32  }
0xa5: {  	s1 =	rddreg [dreg:$0x1];
	p0 =	sne.s32 s2, $0x0  }
0xa6: {  	s3 =	rddreg [dreg:$0x2];
	[bflag:$0x3] =	sbarrier.arrive $0xFFFF;
	s2 =	simm.s32 @!p0 $0x1C01  }
0xa7: {  	[timem:s3], [sflag:s2] =	dma.local @!p0 [hbm:s0], s1  }
0xa8: {  	s0 =	simm.s32 @!p0 $0x1  }
0xa9: {  	_ =	swait.ge @!p0 [sflag:s0], s1  }
0xaa: {  	s1 =	ssub.s32 @!p0 $0x0, s1;
	[sflag:s0] =	ssyncset.done @!p0 $0x0  }
0xab: {  	[sflag:s0] =	ssyncadd.s32 @!p0 s1  }
0xac: {  	[bflag:$0x3] =	sbarrier.arrive $0xFFFF  }
0xad: {  	_ =	shalt  }

// kernel: kernel.8.cloned.1.call-start
scs
__scs_entry_jumppad:
0x0: {  	(pc) =	sbr.rel $0x88, $3  }
0x1: {  	(tag) =	ssettag $0x0;
	lr =	simm.s32 $0x1  }
0x2: {  	[smem:$0x3F9F] =	sst lr;
	_ =	strace $0xD0000000  }
0x3: {  	_ = 	snop  }
0x4: {  	_ = 	snop  }
0x5: {  	_ = 	snop  }
0x6: {  	_ = 	snop  }
0x7: {  	_ = 	snop  }
__scs_overlays_trampoline_lowered:
0x8: {  	[smem:$0x3FAE] =	sst s0  }
0x9: {  	[smem:$0x3FAF] =	sst s1  }
0xa: {  	[smem:$0x3FB0] =	sst s2  }
0xb: {  	[smem:$0x3FB1] =	sst s3  }
0xc: {  	[smem:$0x3FB2] =	sst s4  }
0xd: {  	[smem:$0x3FB3] =	sst s5  }
0xe: {  	[smem:$0x3FB4] =	sst s6  }
0xf: {  	[smem:$0x3FB5] =	sst s7  }
0x10: {  	[smem:$0x3FB6] =	sst s8  }
0x11: {  	[smem:$0x3FB7] =	sst s9;
	s0 =	simm.s32 @!p0 $0x0  }
0x12: {  	s1 =	sld [smem:$0x3F9D];
	s0 =	simm.s32 @p0 $0x1  }
0x13: {  	[smem:$0x3FB8] =	sst s0;
	s0 =	simm.s32 @!p1 $0x0  }
0x14: {  	s2 =	sld [smem:$0x3F9C];
	s0 =	simm.s32 @p1 $0x1  }
0x15: {  	[smem:$0x3FB9] =	sst s0;
	s0 =	simm.s32 @!p2 $0x0  }
0x16: {  	s3 =	sld [smem:$0x3FDB];
	s0 =	simm.s32 @p2 $0x1  }
0x17: {  	s4 =	simm.s32 $0x1BF5;
	[smem:$0x3FBB] =	sst s0  }
0x18: {  	s0 =	sld [smem:$0x3F9E];
	_ =	swait.ge [sflag:s4], $0x0  }
0x19: {  	s7 =	sld [smem:$0x3F9F]  }
0x1a: {  	s8 =	sadd.s32 $0xFFFFE003, lr  }
0x1b: {  	s9 =	sadd.s32 $0xFFFFFEF7, lr;
	s5 =	simm.s32 $0xFFFFFFFF;
	p2 =	slt.u32 s8, $0xFFFFF086  }
0x1c: {  	p1 =	slt.u32 s9, $0xF7A;
	s5 =	simm.s32 @!p2 $0x0  }
0x1d: {  	s5 =	simm.s32 @p1 $0x1;
	p0 =	seq.s32 s7, s2  }
0x1e: {  	s7 =	smul.u32 @!p0 $0xF7A, s2;
	p2 =	seq.s32 @!p0 s5, $0x0  }
0x1f: {  	s9 =	smul.u32 $0xF7A, s1;
	s8 =	simm.s32 @!p0 $0x1BF5;
	p2 =	por !p2, p0  }
0x20: {  	[sflag:s8] =	ssyncset.s32 @!p0 $0xFFFFF086;
	s6 =	sadd.s32 @!p0 s3, s7;
	s7 =	simm.s32 @!p0 $0x108  }
0x21: {  	s3 =	sadd.s32 s3, s9;
	s6 =	sadd.s32 @!p0 $0x88, s6;
	s7 =	simm.s32 @p2 $0x1082  }
0x22: {  	[simem:s7], [sflag:s8] =	dma.local @!p0 [hbm:s6], $0xF7A  }
0x23: {  	s9 =	sor.u32 $0xD0000000, s2;
	s6 =	simm.s32 $0x108;
	_ =	swait.ge @!p0 [sflag:s8], $0x0  }
0x24: {  	s3 =	sadd.s32 $0x88, s3;
	s6 =	simm.s32 @!p1 $0x1082;
	[sflag:s4] =	ssyncset.s32 $0xFFFFF086  }
0x25: {  	[simem:s6], [sflag:s4] =	dma.local [hbm:s3], $0xF7A  }
0x26: {  	[smem:$0x3F9F] =	sst s1;
	(tag) =	ssettag s2;
	_ =	strace s9  }
0x27: {  	s1 =	sld [smem:$0x3FAF]  }
0x28: {  	s2 =	sld [smem:$0x3FB0]  }
0x29: {  	s4 =	sld [smem:$0x3FB2]  }
0x2a: {  	p0 =	seq.s32 s5, $0x0;
	s5 =	sld [smem:$0x3FB3]  }
0x2b: {  	s6 =	sld [smem:$0x3FB4]  }
0x2c: {  	s7 =	sld [smem:$0x3FB5]  }
0x2d: {  	s3 =	simm.s32 $0x108;
	s8 =	sld [smem:$0x3FB6]  }
0x2e: {  	s3 =	simm.s32 @!p0 $0x1082;
	s9 =	sld [smem:$0x3FB7]  }
0x2f: {  	lr =	sadd.s32 s0, s3;
	s0 =	sld [smem:$0x3FAE]  }
0x30: {  	s3 =	sld [smem:$0x3FB1]  }
0x31: {  	[smem:$0x3FBA] =	sst s10  }
0x32: {  	s10 =	sld [smem:$0x3FB8];
	_ =	sdelay $0x3  }
0x33: {  	p0 =	seq.s32 s10, $0x1;
	s10 =	sld [smem:$0x3FBA];
	_ =	sdelay $0x3  }
0x34: {  	[smem:$0x3FBA] =	sst s10  }
0x35: {  	s10 =	sld [smem:$0x3FB9];
	_ =	sdelay $0x3  }
0x36: {  	p1 =	seq.s32 s10, $0x1;
	s10 =	sld [smem:$0x3FBA];
	_ =	sdelay $0x3  }
0x37: {  	[smem:$0x3FBA] =	sst s10  }
0x38: {  	s10 =	sld [smem:$0x3FBB]  }
0x39: {  	_ = 	snop;
	(pc) =	sbr.ind lr, $3  }
0x3a: {  	_ = 	snop  }
0x3b: {  	_ = 	snop  }
0x3c: {  	p2 =	seq.s32 s10, $0x1;
	s10 =	sld [smem:$0x3FBA]  }
0x3d: {  	_ =	shalt  }
0x3e: {  	_ =	shalt  }
0x3f: {  	_ =	shalt  }
0x40: {  	_ =	shalt  }
0x41: {  	_ =	shalt  }
0x42: {  	_ =	shalt  }
0x43: {  	_ =	shalt  }
0x44: {  	_ =	shalt  }
0x45: {  	_ =	shalt  }
0x46: {  	_ =	shalt  }
0x47: {  	_ =	shalt  }
0x48: {  	_ =	shalt  }
0x49: {  	_ =	shalt  }
0x4a: {  	_ =	shalt  }
0x4b: {  	_ =	shalt  }
0x4c: {  	_ =	shalt  }
0x4d: {  	_ =	shalt  }
0x4e: {  	_ =	shalt  }
0x4f: {  	_ =	shalt  }
0x50: {  	_ =	shalt  }
0x51: {  	_ =	shalt  }
0x52: {  	_ =	shalt  }
0x53: {  	_ =	shalt  }
0x54: {  	_ =	shalt  }
0x55: {  	_ =	shalt  }
0x56: {  	_ =	shalt  }
0x57: {  	_ =	shalt  }
0x58: {  	_ =	shalt  }
0x59: {  	_ =	shalt  }
0x5a: {  	_ =	shalt  }
0x5b: {  	_ =	shalt  }
0x5c: {  	_ =	shalt  }
0x5d: {  	_ =	shalt  }
0x5e: {  	_ =	shalt  }
0x5f: {  	_ =	shalt  }
0x60: {  	_ =	shalt  }
0x61: {  	_ =	shalt  }
0x62: {  	_ =	shalt  }
0x63: {  	_ =	shalt  }
0x64: {  	_ =	shalt  }
0x65: {  	_ =	shalt  }
0x66: {  	_ =	shalt  }
0x67: {  	_ =	shalt  }
0x68: {  	_ =	shalt  }
0x69: {  	_ =	shalt  }
0x6a: {  	_ =	shalt  }
0x6b: {  	_ =	shalt  }
0x6c: {  	_ =	shalt  }
0x6d: {  	_ =	shalt  }
0x6e: {  	_ =	shalt  }
0x6f: {  	_ =	shalt  }
0x70: {  	_ =	shalt  }
0x71: {  	_ =	shalt  }
0x72: {  	_ =	shalt  }
0x73: {  	_ =	shalt  }
0x74: {  	_ =	shalt  }
0x75: {  	_ =	shalt  }
0x76: {  	_ =	shalt  }
0x77: {  	_ =	shalt  }
0x78: {  	_ =	shalt  }
0x79: {  	_ =	shalt  }
0x7a: {  	_ =	shalt  }
0x7b: {  	_ =	shalt  }
0x7c: {  	_ =	shalt  }
0x7d: {  	_ =	shalt  }
0x7e: {  	_ =	shalt  }
0x7f: {  	_ =	shalt  }
0x80: {  	_ =	shalt  }
0x81: {  	_ =	shalt  }
0x82: {  	_ =	shalt  }
0x83: {  	_ =	shalt  }
0x84: {  	_ =	shalt  }
0x85: {  	_ =	shalt  }
0x86: {  	_ =	shalt  }
0x87: {  	_ =	shalt  }
.Lfunc_end0:
.L_simem_size_0:
called_computation_lowered:
.L_overlay_start_0:
0x88: {  	s2 =	sld [smem:$0x3FD9]  }
0x89: {  	s3 =	sld [smem:$0x3FFE];
	_ =	sdelay $0x1  }
0x8a: {  	s1 =	srdreg.scid  }
0x8b: {  	s0 =	sand.u32 $0x1, s1  }
0x8c: {  	s16 =	sshll.u32 s0, $0xA;
	s2 =	sadd.s32 s3, s2  }
0x8d: {  	s2 =	sadd.s32 s2, s16  }
0x8e: {  	[smem:$0x3FC6] =	sst s2  }
0x8f: {  	_ = 	snop  }
0x90: {  	(tm) =	ssettm $0x1  }
0x91: {  	s17 =	sld [smem:$0x3FFB];
	_ =	sdelay $0x3  }
0x92: {  	_ =	strace s17  }
0x93: {  	s2 =	sld [smem:$0x3FFC];
	_ =	sdelay $0x3  }
0x94: {  	_ =	strace s2  }
0x95: {  	s2 =	sld [smem:$0x3FFD];
	_ =	sdelay $0x3  }
0x96: {  	_ =	strace s2  }
0x97: {  	_ =	strace $0x8FFFFFFF  }
0x98: {  	s18 =	sld [smem:$0x3FDB];
	_ =	sdelay $0x1  }
0x99: {  	s19 =	simm.s32 $_scs_section_size  }
0x9a: {  	s4 =	simm.s32 $_size__tile_overlayer_lowered;
	s5 =	simm.s32 $_tile_overlayer_lowered  }
0x9b: {  	s22 =	simm.s32 $0x1BFF;
	s21 =	sshll.u32 s5, $0x1;
	s2 =	sadd.s32 s19, s18  }
0x9c: {  	s6 =	simm.s32 $0x0;
	s20 =	sshll.u32 s4, $0x1;
	s4 =	sadd.s32 s21, s2  }
0x9d: {  	[timem:s6], [sflag:s22] =	dma.local [hbm:s4], s20  }
0x9e: {  	_ =	swait.ge [sflag:s22], s20  }
0x9f: {  	s3 =	ssub.s32 $0x0, s20;
	[sflag:s22] =	ssyncset.done $0x0  }
0xa0: {  	[sflag:s22] =	ssyncadd.s32 s3;
	_ =	sdelay $0x1  }
0xa1: {  	s23 =	simm.s32 $0x1B8B  }
0xa2: {  	_ =	swait.ge [sflag:s23], $0x1  }
0xa3: {  	[sflag:s23] =	ssyncset.done $0x0  }
0xa4: {  	s25 =	simm.s32 $0x1B8E;
	s24 =	sld [smem:$0x3FFE];
	[sflag:s23] =	ssyncadd.s32 $0xFFFFFFFF  }
0xa5: {  	s26 =	simm.s32 $execute0_lowered;
	[smem:$0x3FD2] =	sst s25  }
0xa6: {  	s4 =	sshll.u32 s26, $0x1;
	_ =	strace $0x80000046;
	[dreg:$0x1] =	wrdreg $0xFFFFFFFF  }
0xa7: {  	s28 =	simm.s32 $_size_execute0_lowered;
	s2 =	sadd.s32 s2, s4;
	[dreg:$0x0] =	wrdreg $0x0  }
0xa8: {  	s4 =	sshll.u32 s28, $0x1;
	[dreg:$0x2] =	wrdreg s2  }
0xa9: {  	[dreg:$0x3] =	wrdreg s4  }
0xaa: {  	[dreg:$0x4] =	wrdreg $0xC0  }
0xab: {  	_ =	task [dreg:s6], $0x5FFFF  }
0xac: {  	[dreg:$0x1] =	wrdreg $0xFFFFFFFF  }
0xad: {  	[dreg:$0x0] =	wrdreg $0x60  }
0xae: {  	[dreg:$0x2] =	wrdreg s24  }
0xaf: {  	[dreg:$0x3] =	wrdreg $0x9  }
0xb0: {  	_ =	task.clear_ibuf [dreg:s6], $0x4FFFF;
	_ =	strace $0x90000046  }
0xb1: {  	s29 =	simm.s32 $0x9;
	_ =	strace $0x80000057  }
0xb2: {  	_ =	swait.ge [sflag:s29], $0x1  }
0xb3: {  	[sflag:s29] =	ssyncadd.s32 $0xFFFFFFFF  }
0xb4: {  	_ =	strace $0x90000057  }
0xb5: {  	_ =	sfence  }
0xb6: {  	s30 =	sld [smem:$0x0];
	_ =	sdelay $0x2  }
0xb7: {  	s31 =	sshll.u32 s1, $0xD;
	s1 =	sshrl.u32 s1, $0x2  }
0xb8: {  	s3 =	sand.u32 $0x4000, s31;
	s1 =	sadd.s32 s1, s30  }
0xb9: {  	s0 =	sor.u32 s3, s0;
	s1 =	sshll.u32 s1, $0x11  }
0xba: {  	s0 =	sor.u32 s1, s0  }
0xbb: {  	s0 =	sadd.s32 $0x8F2B, s0  }
0xbc: {  	[sflag:s0] =	ssyncadd.remote.s32 $0x1  }
0xbd: {  	_ =	sfence.sel $0xFFFF  }
0xbe: {  	[dreg:$0x0] =	wrdreg $0xFFFFFFFF;
	(pc) =	sbr.abs _section_cstart, $3  }
0xbf: {  	[dreg:$0x1] =	wrdreg $0xFFFFFFFF  }
0xc0: {  	_ =	task.clear_ibuf [dreg:s6], $0x2FFFF;
	_ =	strace $0x9FFFFFFF  }
0xc1: {  	(tm) =	ssettm $0x7FFFFFFF  }
tec
execute0_lowered:
.L_overlay_start_1:
0x0: {  	(tag) =	ssettag $0x1  }
0x1: {  	s0 =	rddreg [dreg:$0x0];
	s1 =	simm.s32 $0x0;
	s2 =	srdreg.scid  }
0x2: {  	s24 =	stileid.u32;
	s18 =	simm.s32 $0x800;
	[smem:$0x7FF] =	sst s1  }
0x3: {  	s2 =	sand.u32 $0x1, s2;
	s6 =	sadd.s32 $0x2600, s0;
	s4 =	sadd.s32 $0x22600, s0  }
0x4: {  	s3 =	sadd.s32 $0x44600, s0;
	s26 =	sshll.u32 s24, $0x5;
	s9 =	sshll.u32 s24, $0x9  }
0x5: {  	_ =	strace $0x80000047;
	s5 =	sshll.u32 s2, $0x4;
	[dreg:$0x3] =	wrdreg s3  }
0x6: {  	s2 =	ssub.s32 $0x2, s2;
	s9 =	sand.u32 $0x1800, s9;
	[dreg:$0x2] =	wrdreg s6  }
0x7: {  	s8 =	sadd.s32 s5, s0;
	s0 =	sadd.s32 $0x54600, s0;
	s5 =	sor.u32 s24, s5  }
0x8: {  	s25 =	sshrl.u32 s2, $0x1;
	s7 =	sshll.u32 s5, $0x2;
	s5 =	sshll.u32 s5, $0xB  }
0x9: {  	[dreg:$0x4] =	wrdreg s0;
	s0 =	ssub.s32 s2, s25;
	s28 =	sadd.s32 s6, s5  }
0xa: {  	s2 =	sand.u32 $0x60, s26;
	s30 =	sadd.s32 s4, s5;
	[dreg:$0x5] =	wrdreg s28  }
0xb: {  	s10 =	sor.u32 $0x10000, s5;
	s0 =	smax.u32 s0, $0x1;
	[dreg:$0x7] =	wrdreg s30  }
0xc: {  	s2 =	sadd.s32 s2, s8;
	s29 =	sadd.s32 s6, s10;
	[dreg:$0xa] =	wrdreg s0  }
0xd: {  	s2 =	sadd.s32 s9, s2;
	s31 =	sadd.s32 s4, s10;
	[dreg:$0x6] =	wrdreg s29  }
0xe: {  	s19 =	simm.s32 $0x1000;
	[dreg:$0x8] =	wrdreg s31;
	s2 =	sadd.s32 $0x42600, s2  }
0xf: {  	s20 =	simm.s32 $0x1800;
	v0 =	vimm.s32 $0x0;
	v1 =	vimm.s32 $0x1;
	s3 =	simm.s32 $0x0;
	[dreg:$0x9] =	wrdreg s2  }
.LBB2_1:
0x10: {  	[dreg:$0xb] =	wrdreg s3;
	s2 =	simm.s32 $0x40;
	s0 =	simm.s32 $0x0  }
.LBB2_2:
0x11: {  	p0 =	sne.s32 s2, $0x1FC0;
	[tilespmem:s0+$0x1800] =	vst v0;
	s5 =	smov.u32 s2;
	s2 =	sadd.s32 $0x40, s2  }
.Ltmp0:
0x12: {  	[tilespmem:s0+$0x1000] =	vst v0;
	(pc) =	sbr.rel @p0 .LBB2_2-.Ltmp0, $3  }
0x13: {  	[tilespmem:s0+$0x0] =	vst v0  }
0x14: {  	[tilespmem:s0+$0x800] =	vst v0;
	_ =	sdelay $0x1  }
0x15: {  	s0 =	sshra.s32 s5, $0x2  }
0x16: {  	[tilespmem:s0+$0x1800] =	vst v0  }
0x17: {  	[tilespmem:s0+$0x1000] =	vst v0  }
0x18: {  	[tilespmem:s0+$0x0] =	vst v0;
	s26 =	simm.s32 $0x0;
	s2 =	simm.s32 $0x2000;
	s22 =	simm.s32 $0x4000  }
0x19: {  	[tilespmem:s0+$0x800] =	vst v0;
	s24 =	simm.s32 $0x6000;
	s28 =	simm.s32 $0x8000;
	s6 =	simm.s32 $0x1  }
0x1a: {  	s29 =	simm.s32 $0x0;
	s13 =	simm.s32 $0x0;
	_ =	strace $0x80000048  }
0x1b: {  	s30 =	simm.s32 $0x0;
	s31 =	simm.s32 $0x0;
	s17 =	rddreg [dreg:$0x5]  }
0x1c: {  	[tilespmem:s2], [sflag:$0x1] =	stream.linear.gather [hbm4b:s17+s26], $0x1000, $0x200038;
	[tilespmem:$0xE000] =	vst v63  }
0x1d: {  	s0 =	simm.s32 $0x1;
	s14 =	simm.s32 $0x0;
	s21 =	rddreg [dreg:$0x6]  }
0x1e: {  	[tilespmem:s22], [sflag:$0x3] =	stream.linear.gather [hbm4b:s21+s26], $0x1000, $0x200038;
	[tilespmem:$0xE000] =	vst v63  }
0x1f: {  	s15 =	simm.s32 $0x1;
	s16 =	simm.s32 $0x0;
	s23 =	rddreg [dreg:$0x7]  }
0x20: {  	[tilespmem:s24], [sflag:$0x5] =	stream.linear.gather [hbm4b:s23+s26], $0x1000, $0x200038;
	[tilespmem:$0xE000] =	vst v63  }
0x21: {  	s25 =	rddreg [dreg:$0x8];
	s2 =	simm.s32 $0x0;
	s17 =	simm.s32 $0x1  }
0x22: {  	[tilespmem:s28], [sflag:$0x7] =	stream.linear.gather [hbm4b:s25+s26], $0x1000, $0x200038;
	[tilespmem:$0xE000] =	vst v63  }
0x23: {  	s21 =	simm.s32 $0x0;
	s25 =	simm.s32 $0x0;
	_ =	strace $0x90000048  }
.LBB2_4:
0x24: {  	s8 =	smov.u32 s26;
	s26 =	sadd.s32 $0x1, s26  }
0x25: {  	p0 =	seq.s32 s26, $0x4  }
0x26: {  	s26 =	simm.s32 @p0 $0x0;
	p0 =	seq.s32 s21, $0x3  }
0x27: {  	p1 =	seq.s32 @!p0 s8, s26  }
0x28: {  	p2 =	por p1, p0  }
0x29: {  	s9 =	sadd.s32 @!p2 s7, s26;
	s10 =	sand.u32 @!p2 $0x1, s17;
	_ =	strace @!p2 $0x80000049  }
0x2a: {  	s23 =	simm.s32 @!p2 $0x0;
	s11 =	sshll.u32 @!p2 s10, $0xC;
	s9 =	sshll.u32 @!p2 s9, $0x9  }
0x2b: {  	s10 =	sadd.s32 @!p2 $0x1, s10;
	s3 =	rddreg [dreg:$0x2];
	s12 =	sand.u32 @!p2 $0x1FFFFE00, s9  }
0x2c: {  	s11 =	sor.u32 @!p2 $0x2000, s11;
	s9 =	sadd.s32 @!p2 $0x10000, s9;
	s22 =	sadd.s32 @!p2 s3, s12  }
0x2d: {  	[tilespmem:s11], [sflag:s10] =	stream.linear.gather @!p2 [hbm4b:s22+s23], $0x1000, $0x200038;
	[tilespmem:$0xE000] =	vst v63  }
0x2e: {  	s9 =	sand.u32 @!p2 $0x1FFFFE00, s9;
	s11 =	sand.u32 @!p2 $0x1, s15  }
0x2f: {  	s24 =	sadd.s32 @!p2 s3, s9;
	_ =	strace @!p2 $0x90000049;
	s22 =	sshll.u32 @!p2 s11, $0xC  }
0x30: {  	s11 =	sadd.s32 @!p2 $0x3, s11;
	_ =	strace @!p2 $0x8000004A;
	s22 =	sor.u32 @!p2 $0x4000, s22  }
0x31: {  	[tilespmem:s22], [sflag:s11] =	stream.linear.gather @!p2 [hbm4b:s24+s23], $0x1000, $0x200038;
	[tilespmem:$0xE000] =	vst v63  }
0x32: {  	s11 =	sand.u32 @!p2 $0x1, s6  }
0x33: {  	s12 =	sadd.s32 @!p2 s4, s12;
	_ =	strace @!p2 $0x9000004A;
	s22 =	sshll.u32 @!p2 s11, $0xC  }
0x34: {  	s11 =	sadd.s32 @!p2 $0x5, s11;
	_ =	strace @!p2 $0x8000004B;
	s22 =	sor.u32 @!p2 $0x6000, s22  }
0x35: {  	[tilespmem:s22], [sflag:s11] =	stream.linear.gather @!p2 [hbm4b:s12+s23], $0x1000, $0x200038;
	[tilespmem:$0xE000] =	vst v63  }
0x36: {  	s11 =	sand.u32 @!p2 $0x1, s0  }
0x37: {  	s9 =	sadd.s32 @!p2 s4, s9;
	_ =	strace @!p2 $0x9000004B;
	s12 =	sshll.u32 @!p2 s11, $0xC  }
0x38: {  	s11 =	sadd.s32 @!p2 $0x7, s11;
	_ =	strace @!p2 $0x8000004C;
	s12 =	sor.u32 @!p2 $0x8000, s12  }
0x39: {  	[tilespmem:s12], [sflag:s11] =	stream.linear.gather @!p2 [hbm4b:s9+s23], $0x1000, $0x200038;
	[tilespmem:$0xE000] =	vst v63  }
0x3a: {  	s9 =	sand.u32 $0x1, s16;
	_ =	strace @!p2 $0x9000004C  }
0x3b: {  	s23 =	sadd.s32 $0x1, s9;
	_ =	strace $0x8000004D  }
0x3c: {  	_ =	swait.ge [sflag:s23], $0x1000  }
0x3d: {  	[sflag:s23] =	ssyncset.done $0x0  }
0x3e: {  	[sflag:s23] =	ssyncadd.s32 $0xFFFFF000  }
0x3f: {  	s23 =	sand.u32 $0x1, s14;
	_ =	strace $0x9000004D  }
0x40: {  	s24 =	sadd.s32 $0x3, s23;
	_ =	strace $0x8000004E  }
0x41: {  	_ =	swait.ge [sflag:s24], $0x1000  }
0x42: {  	[sflag:s24] =	ssyncset.done $0x0  }
0x43: {  	s5 =	smov.u32 s17;
	[sflag:s24] =	ssyncadd.s32 $0xFFFFF000  }
0x44: {  	p3 =	por !p1, p0;
	s11 =	sand.u32 $0x1, s2;
	_ =	strace $0x9000004E  }
0x45: {  	s22 =	sadd.s32 @!p2 $0x1, s17;
	s3 =	sadd.s32 $0x5, s11;
	_ =	strace $0x8000004F  }
0x46: {  	s28 =	smov.u32 s6;
	s17 =	smov.u32 @p3 s22;
	_ =	swait.ge [sflag:s3], $0x1000  }
0x47: {  	s10 =	smov.u32 s15;
	s17 =	smov.u32 @p0 s5;
	[sflag:s3] =	ssyncset.done $0x0  }
0x48: {  	s9 =	sshll.u32 s9, $0xC;
	s24 =	sadd.s32 @!p2 $0x1, s6;
	[sflag:s3] =	ssyncadd.s32 $0xFFFFF000  }
0x49: {  	s6 =	smov.u32 @p3 s24;
	s24 =	sand.u32 $0x1, s31;
	_ =	strace $0x9000004F  }
0x4a: {  	s22 =	sor.u32 $0x2030, s9;
	s12 =	sadd.s32 $0x7, s24;
	_ =	strace $0x80000050  }
0x4b: {  	s11 =	sshll.u32 s11, $0xC;
	s9 =	sadd.s32 s7, s8;
	v4 =	vmov s22;
	_ =	swait.ge [sflag:s12], $0x1000  }
0x4c: {  	s8 =	sor.u32 $0x6030, s11;
	s11 =	sand.u32 $0x1, s30;
	[sflag:s12] =	ssyncset.done $0x0  }
0x4d: {  	s22 =	simm.s32 $0x0;
	v6 =	vmov s8;
	s8 =	sshll.u32 s24, $0xC;
	[sflag:s12] =	ssyncadd.s32 $0xFFFFF000  }
0x4e: {  	s22 =	simm.s32 @p3 $0x1;
	s8 =	sor.u32 $0x8030, s8;
	_ =	strace $0x90000050  }
0x4f: {  	s3 =	sadd.s32 @!p2 $0x1, s15;
	s12 =	simm.s32 $0x0;
	_ =	strace $0x80000051  }
0x50: {  	s22 =	simm.s32 @p0 $0x0;
	s23 =	sshll.u32 s23, $0xC;
	v7 =	vmov s8;
	s15 =	smov.u32 @p3 s3;
	v8 =	vld.idx.msk [tilespmem:v4+s12+$0xFFFFFFF0 ss:$0x1], $0xffff  }
0x51: {  	s5 =	sor.u32 $0x4030, s23;
	s15 =	smov.u32 @p0 s10;
	s10 =	sand.u32 $0x1, s29;
	v9 =	vld.idx.msk [tilespmem:v4+s12+$0xFFFFFFE0 ss:$0x1], $0xffff  }
0x52: {  	s6 =	smov.u32 @p0 s28;
	s3 =	sshll.u32 s11, $0xC;
	s28 =	sshll.u32 s10, $0xC;
	v11 =	vld.idx.msk [tilespmem:v4+s12+$0xFFFFFFD0 ss:$0x1], $0xffff  }
0x53: {  	s8 =	smov.u32 s13;
	s23 =	sor.u32 $0xA030, s3;
	s24 =	sor.u32 $0xC020, s28;
	v10 =	vld.idx.msk [tilespmem:v6+s12+$0xFFFFFFE0 ss:$0x1], $0xffff  }
0x54: {  	v5 =	vmov s5;
	v3 =	vmov s23;
	s23 =	sor.u32 $0xA000, s3;
	s13 =	sor.u32 $0xC000, s28;
	v2 =	vmov s24;
	s24 =	simm.s32 $0x100;
	v12 =	vld.idx.msk [tilespmem:v6+s12+$0xFFFFFFD0 ss:$0x1], $0xffff  }
.LBB2_5:
0x55: {  	p2 =	sne.s32 s24, $0x3F00;
	v13 =	vld.idx.msk [tilespmem:v7+s12+$0x0 ss:$0x1], $0xffff;
	s3 =	smov.u32 s24;
	s24 =	sadd.s32 $0x100, s24  }
0x56: {  	v15 =	vshra.s32 v8, $0x1F;
	v14 =	vld.idx.msk [tilespmem:v7+s12+$0xFFFFFFF0 ss:$0x1], $0xffff  }
0x57: {  	s5 =	sshra.s32 s3, $0x2;
	v17 =	vshra.s32 v9, $0x1F;
	v15 =	vor.u32 $0x80000000, v15;
	v16 =	vld.idx.msk [tilespmem:v6+s12+$0xFFFFFFF0 ss:$0x1], $0xffff  }
0x58: {  	v19 =	vshra.s32 v11, $0x1F;
	v17 =	vor.u32 $0x80000000, v17;
	v8 =	vxor.u32 v8, v15;
	v18 =	vld.idx.msk [tilespmem:v4+s12+$0x0 ss:$0x1], $0xffff  }
0x59: {  	v19 =	vor.u32 $0x80000000, v19;
	v9 =	vxor.u32 v9, v17;
	v15 =	vld.idx.msk [tilespmem:v6+s12+$0x0 ss:$0x1], $0xffff  }
0x5a: {  	v11 =	vxor.u32 v11, v19;
	vm0 =	veq.s32 v12, $0x0;
	v17 =	vld.idx.msk [tilespmem:v5+s12+$0xFFFFFFD0 ss:$0x1], $0xffff  }
0x5b: {  	v19 =	vshrl.u32 v11, $0x15;
	v11 =	vnsel vm0, $0xFFFFFFFF, v11;
	v12 =	vld.idx.msk [tilespmem:v7+s12+$0xFFFFFFD0 ss:$0x1], $0xffff  }
0x5c: {  	vm1 =	veq.s32 v10, $0x0;
	v20 =	vld.idx.msk [tilespmem:v5+s12+$0xFFFFFFE0 ss:$0x1], $0xffff  }
0x5d: {  	v21 =	vshrl.u32 v9, $0x15;
	v9 =	vnsel vm1, $0xFFFFFFFF, v9;
	v10 =	vld.idx.msk [tilespmem:v7+s12+$0xFFFFFFE0 ss:$0x1], $0xffff  }
0x5e: {  	vm2 =	veq.s32 v16, $0x0;
	v16 =	vshra.s32 v18, $0x1F;
	v22 =	vld.idx.msk [tilespmem:v5+s12+$0xFFFFFFF0 ss:$0x1], $0xffff  }
0x5f: {  	v24 =	vshrl.u32 v8, $0x15;
	v8 =	vnsel vm2, $0xFFFFFFFF, v8;
	v16 =	vor.u32 $0x80000000, v16;
	v23 =	vld.idx.msk [tilespmem:v5+s12+$0x0 ss:$0x1], $0xffff  }
0x60: {  	vm3 =	veq.s32 v15, $0x0;
	v16 =	vxor.u32 v18, v16;
	v15 =	vshra.s32 v17, $0x1F;
	[tilespmem:v19+s1+$0x0] =	vst.idx.add.s32.msk vm0, v1  }
0x61: {  	v18 =	vshrl.u32 v16, $0x15;
	v16 =	vnsel vm3, $0xFFFFFFFF, v16;
	v15 =	vor.u32 $0x80000000, v15;
	[tilespmem:v3+s12+$0xFFFFFFD0 ss:$0x1] =	vst.idx.msk $0xffff, v11  }
0x62: {  	vm0 =	veq.s32 v12, $0x0;
	v11 =	vxor.u32 v17, v15;
	v12 =	vshra.s32 v20, $0x1F;
	[tilespmem:v21+s18+$0x0] =	vst.idx.add.s32.msk vm1, v1  }
0x63: {  	v15 =	vshrl.u32 v11, $0x15;
	v11 =	vnsel vm0, $0xFFFFFFFF, v11;
	v12 =	vor.u32 $0x80000000, v12;
	[tilespmem:v3+s12+$0xFFFFFFE0 ss:$0x1] =	vst.idx.msk $0xffff, v9  }
0x64: {  	vm1 =	veq.s32 v10, $0x0;
	v9 =	vxor.u32 v20, v12;
	v10 =	vshra.s32 v22, $0x1F;
	[tilespmem:v24+s19+$0x0] =	vst.idx.add.s32.msk vm2, v1  }
0x65: {  	v12 =	vshrl.u32 v9, $0x15;
	v10 =	vor.u32 $0x80000000, v10;
	v17 =	vshra.s32 v23, $0x1F;
	[tilespmem:v3+s12+$0xFFFFFFF0 ss:$0x1] =	vst.idx.msk $0xffff, v8  }
0x66: {  	vm2 =	veq.s32 v14, $0x0;
	v8 =	vxor.u32 v22, v10;
	v10 =	vor.u32 $0x80000000, v17;
	[tilespmem:v18+s20+$0x0] =	vst.idx.add.s32.msk vm3, v1  }
0x67: {  	v14 =	vshrl.u32 v8, $0x15;
	v8 =	vnsel vm2, $0xFFFFFFFF, v8;
	v10 =	vxor.u32 v23, v10;
	[tilespmem:v3+s12+$0x0 ss:$0x1] =	vst.idx.msk $0xffff, v16  }
0x68: {  	vm3 =	veq.s32 v13, $0x0;
	[tilespmem:v15+s1+$0x0] =	vst.idx.add.s32.msk vm0, v1  }
0x69: {  	v13 =	vshrl.u32 v10, $0x15;
	[tilespmem:v2+s12+$0xFFFFFFE0 ss:$0x1] =	vst.idx.msk $0xffff, v11  }
0x6a: {  	v9 =	vnsel vm1, $0xFFFFFFFF, v9;
	[tilespmem:v12+s18+$0x0] =	vst.idx.add.s32.msk vm1, v1  }
0x6b: {  	[tilespmem:v2+s12+$0xFFFFFFF0 ss:$0x1] =	vst.idx.msk $0xffff, v9  }
0x6c: {  	[tilespmem:v14+s19+$0x0] =	vst.idx.add.s32.msk vm2, v1  }
0x6d: {  	[tilespmem:v2+s12+$0x0 ss:$0x1] =	vst.idx.msk $0xffff, v8  }
0x6e: {  	v8 =	vnsel vm3, $0xFFFFFFFF, v10;
	[tilespmem:v13+s20+$0x0] =	vst.idx.add.s32.msk vm3, v1  }
0x6f: {  	[tilespmem:v2+s12+$0x10 ss:$0x1] =	vst.idx.msk $0xffff, v8;
	s12 =	smov.u32 s5  }
.Ltmp1:
0x70: {  	v8 =	vld.idx.msk [tilespmem:v4+s12+$0xFFFFFFF0 ss:$0x1], $0xffff;
	(pc) =	sbr.rel @p2 .LBB2_5-.Ltmp1, $4  }
0x71: {  	v9 =	vld.idx.msk [tilespmem:v4+s12+$0xFFFFFFE0 ss:$0x1], $0xffff  }
0x72: {  	v11 =	vld.idx.msk [tilespmem:v4+s12+$0xFFFFFFD0 ss:$0x1], $0xffff  }
0x73: {  	v10 =	vld.idx.msk [tilespmem:v6+s12+$0xFFFFFFE0 ss:$0x1], $0xffff  }
0x74: {  	v12 =	vld.idx.msk [tilespmem:v6+s12+$0xFFFFFFD0 ss:$0x1], $0xffff  }
0x75: {  	_ =	sdelay $0x3  }
0x76: {  	v13 =	vld.idx.msk [tilespmem:v7+s12+$0x0 ss:$0x1], $0xffff  }
0x77: {  	v14 =	vld.idx.msk [tilespmem:v7+s12+$0xFFFFFFF0 ss:$0x1], $0xffff  }
0x78: {  	v15 =	vld.idx.msk [tilespmem:v6+s12+$0xFFFFFFF0 ss:$0x1], $0xffff  }
0x79: {  	v4 =	vld.idx.msk [tilespmem:v4+s12+$0x0 ss:$0x1], $0xffff;
	v16 =	vshra.s32 v11, $0x1F  }
0x7a: {  	v43 =	vld.idx.msk [tilespmem:v6+s12+$0x0 ss:$0x1], $0xffff;
	v16 =	vor.u32 $0x80000000, v16  }
0x7b: {  	v18 =	vld.idx.msk [tilespmem:v5+s12+$0xFFFFFFD0 ss:$0x1], $0xffff;
	v17 =	vshra.s32 v9, $0x1F;
	v44 =	vxor.u32 v11, v16;
	vm0 =	veq.s32 v12, $0x0  }
0x7c: {  	v46 =	vld.idx.msk [tilespmem:v7+s12+$0xFFFFFFD0 ss:$0x1], $0xffff;
	v45 =	vor.u32 $0x80000000, v17;
	v47 =	vshrl.u32 v44, $0x15  }
0x7d: {  	v19 =	vshra.s32 v8, $0x1F;
	v49 =	vld.idx.msk [tilespmem:v5+s12+$0xFFFFFFE0 ss:$0x1], $0xffff;
	v48 =	vxor.u32 v9, v45;
	vm1 =	veq.s32 v10, $0x0  }
0x7e: {  	v51 =	vld.idx.msk [tilespmem:v7+s12+$0xFFFFFFE0 ss:$0x1], $0xffff;
	v50 =	vor.u32 $0x80000000, v19;
	v52 =	vshrl.u32 v48, $0x15  }
0x7f: {  	v54 =	vld.idx.msk [tilespmem:v5+s12+$0xFFFFFFF0 ss:$0x1], $0xffff;
	v53 =	vxor.u32 v8, v50;
	vm2 =	veq.s32 v15, $0x0;
	v55 =	vshra.s32 v4, $0x1F  }
0x80: {  	v56 =	vld.idx.msk [tilespmem:v5+s12+$0x0 ss:$0x1], $0xffff;
	v20 =	vshrl.u32 v53, $0x15;
	v11 =	vnsel vm0, $0xFFFFFFFF, v44;
	v15 =	vor.u32 $0x80000000, v55  }
0x81: {  	vm3 =	veq.s32 v43, $0x0;
	v57 =	vshra.s32 v18, $0x1F;
	v4 =	vxor.u32 v4, v15;
	[tilespmem:v47+s1+$0x0] =	vst.idx.add.s32.msk vm0, v1  }
0x82: {  	v9 =	vnsel vm1, $0xFFFFFFFF, v48;
	v6 =	vor.u32 $0x80000000, v57;
	v15 =	vshrl.u32 v4, $0x15;
	[tilespmem:v3+s12+$0xFFFFFFD0 ss:$0x1] =	vst.idx.msk $0xffff, v11  }
0x83: {  	vm12 =	veq.s32 v46, $0x0;
	v58 =	vshra.s32 v49, $0x1F;
	v6 =	vxor.u32 v18, v6;
	[tilespmem:v52+s18+$0x0] =	vst.idx.add.s32.msk vm1, v1  }
0x84: {  	vm13 =	veq.s32 v51, $0x0;
	v59 =	vshrl.u32 v6, $0x15;
	v11 =	vor.u32 $0x80000000, v58;
	[tilespmem:v3+s12+$0xFFFFFFE0 ss:$0x1] =	vst.idx.msk $0xffff, v9  }
0x85: {  	v61 =	vshra.s32 v54, $0x1F;
	v8 =	vnsel vm2, $0xFFFFFFFF, v53;
	v60 =	vxor.u32 v49, v11;
	[tilespmem:v20+s19+$0x0] =	vst.idx.add.s32.msk vm2, v1  }
0x86: {  	v62 =	vshra.s32 v56, $0x1F;
	v7 =	vor.u32 $0x80000000, v61;
	v11 =	vshrl.u32 v60, $0x15;
	[tilespmem:v3+s12+$0xFFFFFFF0 ss:$0x1] =	vst.idx.msk $0xffff, v8  }
0x87: {  	vm14 =	veq.s32 v14, $0x0;
	v7 =	vxor.u32 v54, v7;
	v4 =	vnsel vm3, $0xFFFFFFFF, v4;
	[tilespmem:v15+s20+$0x0] =	vst.idx.add.s32.msk vm3, v1  }
0x88: {  	v10 =	vshrl.u32 v7, $0x15;
	v8 =	vor.u32 $0x80000000, v62;
	[tilespmem:v3+s12+$0x0 ss:$0x1] =	vst.idx.msk $0xffff, v4  }
0x89: {  	vm15 =	veq.s32 v13, $0x0;
	v63 =	vxor.u32 v56, v8;
	v3 =	vnsel vm12, $0xFFFFFFFF, v6;
	[tilespmem:v59+s1+$0x0] =	vst.idx.add.s32.msk vm12, v1  }
0x8a: {  	v5 =	vshrl.u32 v63, $0x15;
	[tilespmem:v2+s12+$0xFFFFFFE0 ss:$0x1] =	vst.idx.msk $0xffff, v3  }
0x8b: {  	v3 =	vnsel vm13, $0xFFFFFFFF, v60;
	[tilespmem:v11+s18+$0x0] =	vst.idx.add.s32.msk vm13, v1  }
0x8c: {  	[tilespmem:v2+s12+$0xFFFFFFF0 ss:$0x1] =	vst.idx.msk $0xffff, v3  }
0x8d: {  	v3 =	vnsel vm14, $0xFFFFFFFF, v7;
	[tilespmem:v10+s19+$0x0] =	vst.idx.add.s32.msk vm14, v1  }
0x8e: {  	[tilespmem:v2+s12+$0x0 ss:$0x1] =	vst.idx.msk $0xffff, v3  }
0x8f: {  	v3 =	vnsel vm15, $0xFFFFFFFF, v63;
	[tilespmem:v5+s20+$0x0] =	vst.idx.add.s32.msk vm15, v1  }
0x90: {  	[tilespmem:v2+s12+$0x10 ss:$0x1] =	vst.idx.msk $0xffff, v3  }
0x91: {  	p0 =	por p0, !p1;
	_ =	strace $0x90000051  }
0x92: {  	s3 =	sshll.u32 @p0 s9, $0x9;
	_ =	strace @p0 $0x80000052  }
0x93: {  	s5 =	simm.s32 $0x0;
	s3 =	sand.u32 @p0 $0x1FFFFE00, s3;
	s9 =	rddreg @p0 [dreg:$0x3]  }
0x94: {  	s5 =	sadd.s32 @p0 $0x9, s11;
	s9 =	sadd.s32 @p0 s9, s3  }
0x95: {  	[hbm4b:s9+s1] =	stream.linear.scatter @p0 [tilespmem:s23], [sflag:s5], $0x1000, $0x200038;
	[tilespmem:$0xE000] =	vst v63  }
0x96: {  	_ =	strace @p0 $0x90000052  }
0x97: {  	_ =	strace @p0 $0x80000053  }
0x98: {  	s9 =	rddreg @p0 [dreg:$0x4]  }
0x99: {  	s30 =	sadd.s32 @p0 $0x1, s30;
	s5 =	sadd.s32 @p0 $0xB, s10;
	s3 =	sadd.s32 @p0 s9, s3  }
0x9a: {  	[hbm4b:s3+s1] =	stream.linear.scatter @p0 [tilespmem:s13], [sflag:s5], $0x1000, $0x200038;
	[tilespmem:$0xE000] =	vst v63  }
0x9b: {  	s5 =	simm.s32 @p0 $0x1;
	_ =	strace @p0 $0x90000053;
	p0 =	seq.s32 s21, $0x0  }
0x9c: {  	s3 =	sand.u32 @!p0 $0x1, s8  }
0x9d: {  	_ =	strace @!p0 $0x80000054;
	s3 =	sadd.s32 @!p0 $0x9, s3  }
0x9e: {  	_ =	swait.ge @!p0 [sflag:s3], $0x1000  }
0x9f: {  	[sflag:s3] =	ssyncset.done @!p0 $0x0  }
0xa0: {  	[sflag:s3] =	ssyncadd.s32 @!p0 $0xFFFFF000  }
0xa1: {  	s3 =	sand.u32 @!p0 $0x1, s25;
	_ =	strace @!p0 $0x90000054  }
0xa2: {  	s3 =	sadd.s32 @!p0 $0xB, s3;
	_ =	strace @!p0 $0x80000055  }
0xa3: {  	_ =	swait.ge @!p0 [sflag:s3], $0x1000  }
0xa4: {  	s21 =	sadd.s32 $0x1, s21;
	s13 =	sadd.s32 @!p0 $0x1, s8;
	[sflag:s3] =	ssyncset.done @!p0 $0x0  }
0xa5: {  	s13 =	smov.u32 @p0 s8;
	[sflag:s3] =	ssyncadd.s32 @!p0 $0xFFFFF000;
	s3 =	simm.s32 @!p0 $0x1  }
0xa6: {  	_ =	strace @!p0 $0x90000055;
	s3 =	simm.s32 @p0 $0x0;
	p0 =	sne.s32 s21, $0x4  }
.Ltmp2:
0xa7: {  	_ = 	snop;
	(pc) =	sbr.rel @p0 .LBB2_4-.Ltmp2, $4  }
0xa8: {  	_ = 	snop  }
0xa9: {  	s0 =	sadd.s32 s0, s22  }
0xaa: {  	s29 =	sadd.s32 s29, s5;
	s16 =	sadd.s32 s16, s5;
	s14 =	sadd.s32 s14, s5  }
0xab: {  	s2 =	sadd.s32 s2, s5;
	s31 =	sadd.s32 s31, s5;
	s25 =	sadd.s32 s25, s3  }
0xac: {  	s0 =	sand.u32 $0x1, s13  }
0xad: {  	_ =	strace $0x80000056;
	s0 =	sadd.s32 $0x9, s0  }
0xae: {  	_ =	swait.ge [sflag:s0], $0x1000  }
0xaf: {  	s2 =	sand.u32 $0x1, s25;
	[sflag:s0] =	ssyncset.done $0x0  }
0xb0: {  	s31 =	sadd.s32 $0xB, s2;
	[sflag:s0] =	ssyncadd.s32 $0xFFFFF000  }
0xb1: {  	_ =	swait.ge [sflag:s31], $0x1000  }
0xb2: {  	[sflag:s31] =	ssyncset.done $0x0  }
0xb3: {  	[sflag:s31] =	ssyncadd.s32 $0xFFFFF000  }
0xb4: {  	s0 =	simm.s32 $0x0;
	_ =	strace $0x90000056  }
0xb5: {  	s2 =	simm.s32 $0x40;
	v2 =	vld [tilespmem:s0+$0x800]  }
.LBB2_8:
0xb6: {  	p0 =	sne.s32 s2, $0x1FC0;
	v3 =	vld [tilespmem:s0+$0x0]  }
0xb7: {  	v4 =	vld [tilespmem:s0+$0x1000]  }
0xb8: {  	v5 =	vld [tilespmem:s0+$0x1800];
	_ =	sdelay $0x1  }
.Ltmp3:
0xb9: {  	(pc) =	sbr.rel @p0 .LBB2_8-.Ltmp3, $4  }
0xba: {  	v2 =	vadd.s32 v3, v2  }
0xbb: {  	v2 =	vadd.s32 v4, v2  }
0xbc: {  	s3 =	sshra.s32 s2, $0x2;
	v3 =	vadd.s32 v5, v2  }
0xbd: {  	s2 =	sadd.s32 $0x40, s2;
	v2 =	vld [tilespmem:s3+$0x800];
	[tilespmem:s0+$0x0] =	vst v3;
	s0 =	smov.u32 s3  }
0xbe: {  	v3 =	vld [tilespmem:s0+$0x0]  }
0xbf: {  	v4 =	vld [tilespmem:s0+$0x1000]  }
0xc0: {  	v5 =	vld [tilespmem:s0+$0x1800];
	_ =	sdelay $0x2  }
0xc1: {  	v2 =	vadd.s32 v3, v2  }
0xc2: {  	v2 =	vadd.s32 v4, v2  }
0xc3: {  	s28 =	rddreg [dreg:$0x9];
	v2 =	vadd.s32 v5, v2  }
0xc4: {  	s2 =	simm.s32 $0x80;
	s3 =	simm.s32 $0x400;
	s29 =	simm.s32 $0x1;
	[tilespmem:s0+$0x0] =	vst v2  }
0xc5: {  	[hbm4b:s28+s2] =	stream.strided.scatter [tilespmem:s1], [sflag:$0x1], $0x800, s3, s2, $0x38;
	[tilespmem:$0xE000] =	vst v63  }
0xc6: {  	_ =	swait.ge [sflag:s29], $0x800  }
0xc7: {  	s30 =	rddreg [dreg:$0xb]  }
0xc8: {  	s31 =	rddreg [dreg:$0xa];
	s3 =	sadd.s32 $0x1, s30  }
0xc9: {  	p0 =	sne.s32 s3, s31  }
.Ltmp4:
0xca: {  	_ = 	snop;
	(pc) =	sbr.rel @p0 .LBB2_1-.Ltmp4, $3  }
0xcb: {  	_ =	sdelay $0x1  }
0xcc: {  	[sflag:s29] =	ssyncset.done $0x0  }
0xcd: {  	[sflag:s29] =	ssyncadd.s32 $0xFFFFF800  }
0xce: {  	_ =	sfence.sel $0x180000  }
0xcf: {  	[bflag:$0x0] =	sbarrier.arrive $0xFFFF  }
0xd0: {  	_ =	strace $0x90000047  }
0xd1: {  	s0 =	stileid.u32;
	[bflag:$0x2] =	sbarrier.arrive $0xFFFF  }
0xd2: {  	p0 =	sne.s32 s0, $0x0;
	s0 =	rddreg [dreg:$0x1]  }
0xd3: {  	s0 =	sadd.s32 @!p0 $0x100000, s0  }
0xd4: {  	[sflag:s0] =	ssyncadd.tile.s32 @!p0 $0x1;
	_ =	shalt  }
.Lfunc_end2:
_tile_overlayer_lowered:
.L_overlay_start_2:
0xd5: {  	(tag) =	ssettag $0x2  }
0xd6: {  	s0 =	rddreg [dreg:$0x0];
	s2 =	stileid.u32  }
0xd7: {  	s1 =	rddreg [dreg:$0x1];
	p0 =	sne.s32 s2, $0x0  }
0xd8: {  	s3 =	rddreg [dreg:$0x2];
	[bflag:$0x3] =	sbarrier.arrive $0xFFFF;
	s2 =	simm.s32 @!p0 $0x1C01  }
0xd9: {  	[timem:s3], [sflag:s2] =	dma.local @!p0 [hbm:s0], s1  }
0xda: {  	s0 =	simm.s32 @!p0 $0x1  }
0xdb: {  	_ =	swait.ge @!p0 [sflag:s0], s1  }
0xdc: {  	s1 =	ssub.s32 @!p0 $0x0, s1;
	[sflag:s0] =	ssyncset.done @!p0 $0x0  }
0xdd: {  	[sflag:s0] =	ssyncadd.s32 @!p0 s1  }
0xde: {  	[bflag:$0x3] =	sbarrier.arrive $0xFFFF  }
0xdf: {  	_ =	shalt  }

</sc_bundles>
